<compile_context>
chip_gen: v7x
topology: tpu7x:2x2x1
jax: 0.10.2.dev20260603
libtpu: 0.0.44.dev20260713+nightly
codegen_flags: <defaults>
</compile_context>

<pallas_src>
import jax
import jax.numpy as jnp
from jax import lax
from jax.experimental import pallas as pl
from jax.experimental.pallas import tpu as pltpu
from jax.experimental.pallas import tpu_sc as plsc

NUM_EMBEDDINGS = 8192
EMBEDDING_DIM = 64
BATCH = 32
TOKENS = 1024

_NC = 2
_NS = 16
_VH = NUM_EMBEDDINGS // 128


def _gather_body(table_hbm, idx_hbm, out_hbm, idx_v, row0, row1, o0, o1,
                 tsem, isem, ssem0, ssem1):
    wid = lax.axis_index("s") * _NC + lax.axis_index("c")
    f0 = wid * 2
    f1 = f0 + 1
    fh0 = f0 // 8
    fl0 = f0 % 8
    fh1 = f1 // 8
    fl1 = f1 % 8

    t0 = pltpu.async_copy(table_hbm.at[fh0, :, fl0], row0, tsem)
    t1 = pltpu.async_copy(table_hbm.at[fh1, :, fl1], row1, tsem)
    idx_cp = [
        pltpu.async_copy(idx_hbm.at[q], idx_v.at[q], isem) for q in range(4)
    ]
    t0.wait()
    t1.wait()

    stores = []
    for q in range(4):
        idx_cp[q].wait()

        @plsc.parallel_loop(0, 64, step=1, unroll=2)
        def _slab(g):
            rl = g // 8
            ch = g % 8
            b = q * 8 + rl
            for cl0 in range(8):
                v = idx_v[q, ch, rl, pl.ds(cl0 * 16, 16)]
                vh = v >> 7
                vl = v & 127
                o0[b, ch, pl.ds(cl0 * 16, 16)] = plsc.load_gather(row0, [vh, vl])
                o1[b, ch, pl.ds(cl0 * 16, 16)] = plsc.load_gather(row1, [vh, vl])

        stores.append(
            pltpu.async_copy(
                o0.at[pl.ds(q * 8, 8)],
                out_hbm.at[pl.ds(q * 8, 8), fh0, :, fl0, :],
                ssem0,
            )
        )
        stores.append(
            pltpu.async_copy(
                o1.at[pl.ds(q * 8, 8)],
                out_hbm.at[pl.ds(q * 8, 8), fh1, :, fl1, :],
                ssem1,
            )
        )
    for s in stores:
        s.wait()


_gather_call = pl.kernel(
    _gather_body,
    out_type=jax.ShapeDtypeStruct((BATCH, 8, 8, 8, 128), jnp.float32),
    mesh=plsc.VectorSubcoreMesh(core_axis_name="c", subcore_axis_name="s"),
    scratch_types=[
        pltpu.VMEM((4, 8, 8, 128), jnp.int32),
        pltpu.VMEM((_VH, 128), jnp.float32),
        pltpu.VMEM((_VH, 128), jnp.float32),
        pltpu.VMEM((BATCH, 8, 128), jnp.float32),
        pltpu.VMEM((BATCH, 8, 128), jnp.float32),
        pltpu.SemaphoreType.DMA,
        pltpu.SemaphoreType.DMA,
        pltpu.SemaphoreType.DMA,
        pltpu.SemaphoreType.DMA,
    ],
    compiler_params=pltpu.CompilerParams(
        use_tc_tiling_on_sc=False,
        needs_layout_passes=False,
        skip_device_barrier=True,
    ),
)


@jax.jit
def kernel(indices, embeddings):
    idx_t = (
        jnp.asarray(indices, jnp.int32)
        .reshape(4, 8, 8, 128)
        .transpose(0, 2, 1, 3)
    )
    table4 = embeddings.T.reshape(8, 8, _VH, 128).transpose(0, 2, 1, 3)
    out5 = _gather_call(table4, idx_t)
    return out5.transpose(0, 2, 4, 1, 3).reshape(BATCH, TOKENS, EMBEDDING_DIM)

# --- scband reference (transcript-rebuilt; emitter-appended) ---
"""Pipeline reference for scband-codebook-34961033790147 (READ-ONLY COPY).

The authoritative reference and input builder live on the scoring server;
editing this copy changes nothing except your own understanding.
"""

import jax, jax.numpy as jnp
import numpy as np

NUM_EMBEDDINGS = 8192
EMBEDDING_DIM = 64
BATCH = 32
TOKENS = 1024

def setup_inputs(seed: int = 0) -> dict:
    key = jax.random.key(seed)
    k_idx, k_emb = jax.random.split(key)
    indices = jax.random.randint(k_idx, (BATCH, TOKENS), 0, NUM_EMBEDDINGS, dtype=jnp.int64 if jax.config.jax_enable_x64 else jnp.int32)
    embeddings = jax.random.normal(k_emb, (NUM_EMBEDDINGS, EMBEDDING_DIM), dtype=jnp.float32)
    return {"indices": indices, "embeddings": embeddings}

def reference(indices, embeddings):
    # Faithful translation of Codebook.__call__: gather rows of the codebook.
    return jnp.take(embeddings, indices, axis=0)

if __name__ == "__main__":
    import jax
    _d = setup_inputs()
    print(jax.jit(kernel)(*tuple(_d.values())))

</pallas_src>

<mosaic_0001>
#map = affine_map<(d0, d1) -> (0, 0, 0, 0)>
#map1 = affine_map<(d0, d1) -> (0, 0, 0, 0, 0)>
module attributes {stable_mosaic.version = 14 : i64} {
  func.func @_gather_body(%arg0: i32, %arg1: i32, %arg2: memref<8x64x8x128xf32, #tpu.memory_space<hbm>>, %arg3: memref<4x8x8x128xi32, #tpu.memory_space<hbm>>, %arg4: memref<32x8x8x8x128xf32, #tpu.memory_space<hbm>>, %arg5: memref<4x8x8x128xi32, #tpu.memory_space<vmem>>, %arg6: memref<64x128xf32, #tpu.memory_space<vmem>>, %arg7: memref<64x128xf32, #tpu.memory_space<vmem>>, %arg8: memref<32x8x128xf32, #tpu.memory_space<vmem>>, %arg9: memref<32x8x128xf32, #tpu.memory_space<vmem>>, %arg10: memref<!tpu.dma_semaphore, #tpu.memory_space<semaphore_mem>>, %arg11: memref<!tpu.dma_semaphore, #tpu.memory_space<semaphore_mem>>, %arg12: memref<!tpu.dma_semaphore, #tpu.memory_space<semaphore_mem>>, %arg13: memref<!tpu.dma_semaphore, #tpu.memory_space<semaphore_mem>>) attributes {dimension_semantics = [#tpu.dimension_semantics<core_parallel>, #tpu.dimension_semantics<subcore_parallel>], iteration_bounds = array<i64: 2, 16>, scalar_prefetch = 0 : i64, scratch_operands = 9 : i64, tpu.core_type = #tpu.core_type<sc_vector_subcore>, window_params = [{transform_indices = #map}, {transform_indices = #map}, {transform_indices = #map1}]} {
    %mul3A = arith.constant 2 : i32
    %mul3A_0 = arith.muli %arg1, %mul3A : i32
    %add3A = arith.addi %mul3A_0, %arg0 : i32
    %mul3A_1 = arith.constant 2 : i32
    %mul3A_2 = arith.muli %add3A, %mul3A_1 : i32
    %add3A_3 = arith.constant 1 : i32
    %add3A_4 = arith.addi %mul3A_2, %add3A_3 : i32
    %jit3A = arith.constant 8 : i32
    %div3A = arith.divsi %mul3A_2, %jit3A : i32
    %sign3A = arith.constant 0 : i32
    %sign3A_5 = arith.cmpi sgt, %mul3A_2, %sign3A : i32
    %sign3A_6 = arith.extui %sign3A_5 : i1 to i32
    %sign3A_7 = arith.constant 0 : i32
    %sign3A_8 = arith.cmpi slt, %mul3A_2, %sign3A_7 : i32
    %sign3A_9 = arith.extui %sign3A_8 : i1 to i32
    %sign3A_10 = arith.subi %sign3A_6, %sign3A_9 : i32
    %sign3A_11 = arith.constant 0 : i32
    %sign3A_12 = arith.cmpi sgt, %jit3A, %sign3A_11 : i32
    %sign3A_13 = arith.extui %sign3A_12 : i1 to i32
    %sign3A_14 = arith.constant 0 : i32
    %sign3A_15 = arith.cmpi slt, %jit3A, %sign3A_14 : i32
    %sign3A_16 = arith.extui %sign3A_15 : i1 to i32
    %sign3A_17 = arith.subi %sign3A_13, %sign3A_16 : i32
    %ne3A = arith.cmpi ne, %sign3A_10, %sign3A_17 : i32
    %rem3A = arith.remsi %mul3A_2, %jit3A : i32
    %ne3A_18 = arith.constant 0 : i32
    %ne3A_19 = arith.cmpi ne, %rem3A, %ne3A_18 : i32
    %and3A = arith.andi %ne3A, %ne3A_19 : i1
    %sub3A = arith.constant 1 : i32
    %sub3A_20 = arith.subi %div3A, %sub3A : i32
    %select_n3A = arith.select %and3A, %sub3A_20, %div3A : i32
    %jit3A_21 = arith.constant 8 : i32
    %eq3A = arith.constant 0 : i32
    %eq3A_22 = arith.cmpi eq, %jit3A_21, %eq3A : i32
    %jit3A_23 = arith.constant 1 : i32
    %select_n3A_24 = arith.select %eq3A_22, %jit3A_23, %jit3A_21 : i32
    %rem3A_25 = arith.remsi %mul3A_2, %select_n3A_24 : i32
    %ne3A_26 = arith.constant 0 : i32
    %ne3A_27 = arith.cmpi ne, %rem3A_25, %ne3A_26 : i32
    %lt3A = arith.constant 0 : i32
    %lt3A_28 = arith.cmpi slt, %rem3A_25, %lt3A : i32
    %lt3A_29 = arith.constant 0 : i32
    %lt3A_30 = arith.cmpi slt, %select_n3A_24, %lt3A_29 : i32
    %ne3A_31 = arith.xori %lt3A_28, %lt3A_30 : i1
    %and3A_32 = arith.andi %ne3A_31, %ne3A_27 : i1
    %add3A_33 = arith.addi %rem3A_25, %select_n3A_24 : i32
    %select_n3A_34 = arith.select %and3A_32, %add3A_33, %rem3A_25 : i32
    %jit3A_35 = arith.constant 8 : i32
    %div3A_36 = arith.divsi %add3A_4, %jit3A_35 : i32
    %sign3A_37 = arith.constant 0 : i32
    %sign3A_38 = arith.cmpi sgt, %add3A_4, %sign3A_37 : i32
    %sign3A_39 = arith.extui %sign3A_38 : i1 to i32
    %sign3A_40 = arith.constant 0 : i32
    %sign3A_41 = arith.cmpi slt, %add3A_4, %sign3A_40 : i32
    %sign3A_42 = arith.extui %sign3A_41 : i1 to i32
    %sign3A_43 = arith.subi %sign3A_39, %sign3A_42 : i32
    %sign3A_44 = arith.constant 0 : i32
    %sign3A_45 = arith.cmpi sgt, %jit3A_35, %sign3A_44 : i32
    %sign3A_46 = arith.extui %sign3A_45 : i1 to i32
    %sign3A_47 = arith.constant 0 : i32
    %sign3A_48 = arith.cmpi slt, %jit3A_35, %sign3A_47 : i32
    %sign3A_49 = arith.extui %sign3A_48 : i1 to i32
    %sign3A_50 = arith.subi %sign3A_46, %sign3A_49 : i32
    %ne3A_51 = arith.cmpi ne, %sign3A_43, %sign3A_50 : i32
    %rem3A_52 = arith.remsi %add3A_4, %jit3A_35 : i32
    %ne3A_53 = arith.constant 0 : i32
    %ne3A_54 = arith.cmpi ne, %rem3A_52, %ne3A_53 : i32
    %and3A_55 = arith.andi %ne3A_51, %ne3A_54 : i1
    %sub3A_56 = arith.constant 1 : i32
    %sub3A_57 = arith.subi %div3A_36, %sub3A_56 : i32
    %select_n3A_58 = arith.select %and3A_55, %sub3A_57, %div3A_36 : i32
    %jit3A_59 = arith.constant 8 : i32
    %eq3A_60 = arith.constant 0 : i32
    %eq3A_61 = arith.cmpi eq, %jit3A_59, %eq3A_60 : i32
    %jit3A_62 = arith.constant 1 : i32
    %select_n3A_63 = arith.select %eq3A_61, %jit3A_62, %jit3A_59 : i32
    %rem3A_64 = arith.remsi %add3A_4, %select_n3A_63 : i32
    %ne3A_65 = arith.constant 0 : i32
    %ne3A_66 = arith.cmpi ne, %rem3A_64, %ne3A_65 : i32
    %lt3A_67 = arith.constant 0 : i32
    %lt3A_68 = arith.cmpi slt, %rem3A_64, %lt3A_67 : i32
    %lt3A_69 = arith.constant 0 : i32
    %lt3A_70 = arith.cmpi slt, %select_n3A_63, %lt3A_69 : i32
    %ne3A_71 = arith.xori %lt3A_68, %lt3A_70 : i1
    %and3A_72 = arith.andi %ne3A_71, %ne3A_66 : i1
    %add3A_73 = arith.addi %rem3A_64, %select_n3A_63 : i32
    %select_n3A_74 = arith.select %and3A_72, %add3A_73, %rem3A_64 : i32
    %dma_start3A = arith.constant 0 : i32
    %dma_start3A_75 = arith.constant 0 : i32
    %dma_start3A_76 = tpu.memref_slice %arg2[%select_n3A, %dma_start3A, %select_n3A_34, %dma_start3A_75] : memref<8x64x8x128xf32, #tpu.memory_space<hbm>> -> memref<1x64x1x128xf32, #tpu.memory_space<hbm>>
    %dma_start3A_77 = tpu.memref_squeeze %dma_start3A_76 : memref<1x64x1x128xf32, #tpu.memory_space<hbm>> -> memref<64x128xf32, #tpu.memory_space<hbm>>
    %dma_start3A_78 = arith.constant 0 : i32
    %dma_start3A_79 = arith.constant 0 : i32
    %dma_start3A_80 = tpu.memref_slice %arg2[%select_n3A, %dma_start3A_78, %select_n3A_34, %dma_start3A_79] : memref<8x64x8x128xf32, #tpu.memory_space<hbm>> -> memref<1x64x1x128xf32, #tpu.memory_space<hbm>>
    %dma_start3A_81 = tpu.memref_squeeze %dma_start3A_80 : memref<1x64x1x128xf32, #tpu.memory_space<hbm>> -> memref<64x128xf32, #tpu.memory_space<hbm>>
    tpu.enqueue_dma source(%dma_start3A_81 : memref<64x128xf32, #tpu.memory_space<hbm>>) target(%arg6 : memref<64x128xf32, #tpu.memory_space<vmem>>) target_semaphore(%arg10 : memref<!tpu.dma_semaphore, #tpu.memory_space<semaphore_mem>>)
    %dma_start3A_82 = arith.constant 0 : i32
    %dma_start3A_83 = arith.constant 0 : i32
    %dma_start3A_84 = tpu.memref_slice %arg2[%select_n3A_58, %dma_start3A_82, %select_n3A_74, %dma_start3A_83] : memref<8x64x8x128xf32, #tpu.memory_space<hbm>> -> memref<1x64x1x128xf32, #tpu.memory_space<hbm>>
    %dma_start3A_85 = tpu.memref_squeeze %dma_start3A_84 : memref<1x64x1x128xf32, #tpu.memory_space<hbm>> -> memref<64x128xf32, #tpu.memory_space<hbm>>
    %dma_start3A_86 = arith.constant 0 : i32
    %dma_start3A_87 = arith.constant 0 : i32
    %dma_start3A_88 = tpu.memref_slice %arg2[%select_n3A_58, %dma_start3A_86, %select_n3A_74, %dma_start3A_87] : memref<8x64x8x128xf32, #tpu.memory_space<hbm>> -> memref<1x64x1x128xf32, #tpu.memory_space<hbm>>
    %dma_start3A_89 = tpu.memref_squeeze %dma_start3A_88 : memref<1x64x1x128xf32, #tpu.memory_space<hbm>> -> memref<64x128xf32, #tpu.memory_space<hbm>>
    tpu.enqueue_dma source(%dma_start3A_89 : memref<64x128xf32, #tpu.memory_space<hbm>>) target(%arg7 : memref<64x128xf32, #tpu.memory_space<vmem>>) target_semaphore(%arg10 : memref<!tpu.dma_semaphore, #tpu.memory_space<semaphore_mem>>)
    %dma_start3A_90 = arith.constant 0 : i32
    %dma_start3A_91 = arith.constant 0 : i32
    %dma_start3A_92 = arith.constant 0 : i32
    %dma_start3A_93 = arith.constant 0 : i32
    %dma_start3A_94 = arith.constant 0 : i32
    %dma_start3A_95 = tpu.memref_slice %arg5[%dma_start3A_91, %dma_start3A_92, %dma_start3A_93, %dma_start3A_94] : memref<4x8x8x128xi32, #tpu.memory_space<vmem>> -> memref<1x8x8x128xi32, #tpu.memory_space<vmem>>
    %dma_start3A_96 = tpu.memref_squeeze %dma_start3A_95 : memref<1x8x8x128xi32, #tpu.memory_space<vmem>> -> memref<8x8x128xi32, #tpu.memory_space<vmem>>
    %dma_start3A_97 = arith.constant 0 : i32
    %dma_start3A_98 = arith.constant 0 : i32
    %dma_start3A_99 = arith.constant 0 : i32
    %dma_start3A_100 = tpu.memref_slice %arg3[%dma_start3A_90, %dma_start3A_97, %dma_start3A_98, %dma_start3A_99] : memref<4x8x8x128xi32, #tpu.memory_space<hbm>> -> memref<1x8x8x128xi32, #tpu.memory_space<hbm>>
    %dma_start3A_101 = tpu.memref_squeeze %dma_start3A_100 : memref<1x8x8x128xi32, #tpu.memory_space<hbm>> -> memref<8x8x128xi32, #tpu.memory_space<hbm>>
    %dma_start3A_102 = arith.constant 0 : i32
    %dma_start3A_103 = arith.constant 0 : i32
    %dma_start3A_104 = arith.constant 0 : i32
    %dma_start3A_105 = tpu.memref_slice %arg5[%dma_start3A_91, %dma_start3A_102, %dma_start3A_103, %dma_start3A_104] : memref<4x8x8x128xi32, #tpu.memory_space<vmem>> -> memref<1x8x8x128xi32, #tpu.memory_space<vmem>>
    %dma_start3A_106 = tpu.memref_squeeze %dma_start3A_105 : memref<1x8x8x128xi32, #tpu.memory_space<vmem>> -> memref<8x8x128xi32, #tpu.memory_space<vmem>>
    %dma_start3A_107 = arith.constant 0 : i32
    %dma_start3A_108 = arith.constant 0 : i32
    %dma_start3A_109 = arith.constant 0 : i32
    %dma_start3A_110 = tpu.memref_slice %arg3[%dma_start3A_90, %dma_start3A_107, %dma_start3A_108, %dma_start3A_109] : memref<4x8x8x128xi32, #tpu.memory_space<hbm>> -> memref<1x8x8x128xi32, #tpu.memory_space<hbm>>
    %dma_start3A_111 = tpu.memref_squeeze %dma_start3A_110 : memref<1x8x8x128xi32, #tpu.memory_space<hbm>> -> memref<8x8x128xi32, #tpu.memory_space<hbm>>
    tpu.enqueue_dma source(%dma_start3A_111 : memref<8x8x128xi32, #tpu.memory_space<hbm>>) target(%dma_start3A_106 : memref<8x8x128xi32, #tpu.memory_space<vmem>>) target_semaphore(%arg11 : memref<!tpu.dma_semaphore, #tpu.memory_space<semaphore_mem>>)
    %dma_start3A_112 = arith.constant 1 : i32
    %dma_start3A_113 = arith.constant 1 : i32
    %dma_start3A_114 = arith.constant 0 : i32
    %dma_start3A_115 = arith.constant 0 : i32
    %dma_start3A_116 = arith.constant 0 : i32
    %dma_start3A_117 = tpu.memref_slice %arg5[%dma_start3A_113, %dma_start3A_114, %dma_start3A_115, %dma_start3A_116] : memref<4x8x8x128xi32, #tpu.memory_space<vmem>> -> memref<1x8x8x128xi32, #tpu.memory_space<vmem>>
    %dma_start3A_118 = tpu.memref_squeeze %dma_start3A_117 : memref<1x8x8x128xi32, #tpu.memory_space<vmem>> -> memref<8x8x128xi32, #tpu.memory_space<vmem>>
    %dma_start3A_119 = arith.constant 0 : i32
    %dma_start3A_120 = arith.constant 0 : i32
    %dma_start3A_121 = arith.constant 0 : i32
    %dma_start3A_122 = tpu.memref_slice %arg3[%dma_start3A_112, %dma_start3A_119, %dma_start3A_120, %dma_start3A_121] : memref<4x8x8x128xi32, #tpu.memory_space<hbm>> -> memref<1x8x8x128xi32, #tpu.memory_space<hbm>>
    %dma_start3A_123 = tpu.memref_squeeze %dma_start3A_122 : memref<1x8x8x128xi32, #tpu.memory_space<hbm>> -> memref<8x8x128xi32, #tpu.memory_space<hbm>>
    %dma_start3A_124 = arith.constant 0 : i32
    %dma_start3A_125 = arith.constant 0 : i32
    %dma_start3A_126 = arith.constant 0 : i32
    %dma_start3A_127 = tpu.memref_slice %arg5[%dma_start3A_113, %dma_start3A_124, %dma_start3A_125, %dma_start3A_126] : memref<4x8x8x128xi32, #tpu.memory_space<vmem>> -> memref<1x8x8x128xi32, #tpu.memory_space<vmem>>
    %dma_start3A_128 = tpu.memref_squeeze %dma_start3A_127 : memref<1x8x8x128xi32, #tpu.memory_space<vmem>> -> memref<8x8x128xi32, #tpu.memory_space<vmem>>
    %dma_start3A_129 = arith.constant 0 : i32
    %dma_start3A_130 = arith.constant 0 : i32
    %dma_start3A_131 = arith.constant 0 : i32
    %dma_start3A_132 = tpu.memref_slice %arg3[%dma_start3A_112, %dma_start3A_129, %dma_start3A_130, %dma_start3A_131] : memref<4x8x8x128xi32, #tpu.memory_space<hbm>> -> memref<1x8x8x128xi32, #tpu.memory_space<hbm>>
    %dma_start3A_133 = tpu.memref_squeeze %dma_start3A_132 : memref<1x8x8x128xi32, #tpu.memory_space<hbm>> -> memref<8x8x128xi32, #tpu.memory_space<hbm>>
    tpu.enqueue_dma source(%dma_start3A_133 : memref<8x8x128xi32, #tpu.memory_space<hbm>>) target(%dma_start3A_128 : memref<8x8x128xi32, #tpu.memory_space<vmem>>) target_semaphore(%arg11 : memref<!tpu.dma_semaphore, #tpu.memory_space<semaphore_mem>>)
    %dma_start3A_134 = arith.constant 2 : i32
    %dma_start3A_135 = arith.constant 2 : i32
    %dma_start3A_136 = arith.constant 0 : i32
    %dma_start3A_137 = arith.constant 0 : i32
    %dma_start3A_138 = arith.constant 0 : i32
    %dma_start3A_139 = tpu.memref_slice %arg5[%dma_start3A_135, %dma_start3A_136, %dma_start3A_137, %dma_start3A_138] : memref<4x8x8x128xi32, #tpu.memory_space<vmem>> -> memref<1x8x8x128xi32, #tpu.memory_space<vmem>>
    %dma_start3A_140 = tpu.memref_squeeze %dma_start3A_139 : memref<1x8x8x128xi32, #tpu.memory_space<vmem>> -> memref<8x8x128xi32, #tpu.memory_space<vmem>>
    %dma_start3A_141 = arith.constant 0 : i32
    %dma_start3A_142 = arith.constant 0 : i32
    %dma_start3A_143 = arith.constant 0 : i32
    %dma_start3A_144 = tpu.memref_slice %arg3[%dma_start3A_134, %dma_start3A_141, %dma_start3A_142, %dma_start3A_143] : memref<4x8x8x128xi32, #tpu.memory_space<hbm>> -> memref<1x8x8x128xi32, #tpu.memory_space<hbm>>
    %dma_start3A_145 = tpu.memref_squeeze %dma_start3A_144 : memref<1x8x8x128xi32, #tpu.memory_space<hbm>> -> memref<8x8x128xi32, #tpu.memory_space<hbm>>
    %dma_start3A_146 = arith.constant 0 : i32
    %dma_start3A_147 = arith.constant 0 : i32
    %dma_start3A_148 = arith.constant 0 : i32
    %dma_start3A_149 = tpu.memref_slice %arg5[%dma_start3A_135, %dma_start3A_146, %dma_start3A_147, %dma_start3A_148] : memref<4x8x8x128xi32, #tpu.memory_space<vmem>> -> memref<1x8x8x128xi32, #tpu.memory_space<vmem>>
    %dma_start3A_150 = tpu.memref_squeeze %dma_start3A_149 : memref<1x8x8x128xi32, #tpu.memory_space<vmem>> -> memref<8x8x128xi32, #tpu.memory_space<vmem>>
    %dma_start3A_151 = arith.constant 0 : i32
    %dma_start3A_152 = arith.constant 0 : i32
    %dma_start3A_153 = arith.constant 0 : i32
    %dma_start3A_154 = tpu.memref_slice %arg3[%dma_start3A_134, %dma_start3A_151, %dma_start3A_152, %dma_start3A_153] : memref<4x8x8x128xi32, #tpu.memory_space<hbm>> -> memref<1x8x8x128xi32, #tpu.memory_space<hbm>>
    %dma_start3A_155 = tpu.memref_squeeze %dma_start3A_154 : memref<1x8x8x128xi32, #tpu.memory_space<hbm>> -> memref<8x8x128xi32, #tpu.memory_space<hbm>>
    tpu.enqueue_dma source(%dma_start3A_155 : memref<8x8x128xi32, #tpu.memory_space<hbm>>) target(%dma_start3A_150 : memref<8x8x128xi32, #tpu.memory_space<vmem>>) target_semaphore(%arg11 : memref<!tpu.dma_semaphore, #tpu.memory_space<semaphore_mem>>)
    %dma_start3A_156 = arith.constant 3 : i32
    %dma_start3A_157 = arith.constant 3 : i32
    %dma_start3A_158 = arith.constant 0 : i32
    %dma_start3A_159 = arith.constant 0 : i32
    %dma_start3A_160 = arith.constant 0 : i32
    %dma_start3A_161 = tpu.memref_slice %arg5[%dma_start3A_157, %dma_start3A_158, %dma_start3A_159, %dma_start3A_160] : memref<4x8x8x128xi32, #tpu.memory_space<vmem>> -> memref<1x8x8x128xi32, #tpu.memory_space<vmem>>
    %dma_start3A_162 = tpu.memref_squeeze %dma_start3A_161 : memref<1x8x8x128xi32, #tpu.memory_space<vmem>> -> memref<8x8x128xi32, #tpu.memory_space<vmem>>
    %dma_start3A_163 = arith.constant 0 : i32
    %dma_start3A_164 = arith.constant 0 : i32
    %dma_start3A_165 = arith.constant 0 : i32
    %dma_start3A_166 = tpu.memref_slice %arg3[%dma_start3A_156, %dma_start3A_163, %dma_start3A_164, %dma_start3A_165] : memref<4x8x8x128xi32, #tpu.memory_space<hbm>> -> memref<1x8x8x128xi32, #tpu.memory_space<hbm>>
    %dma_start3A_167 = tpu.memref_squeeze %dma_start3A_166 : memref<1x8x8x128xi32, #tpu.memory_space<hbm>> -> memref<8x8x128xi32, #tpu.memory_space<hbm>>
    %dma_start3A_168 = arith.constant 0 : i32
    %dma_start3A_169 = arith.constant 0 : i32
    %dma_start3A_170 = arith.constant 0 : i32
    %dma_start3A_171 = tpu.memref_slice %arg5[%dma_start3A_157, %dma_start3A_168, %dma_start3A_169, %dma_start3A_170] : memref<4x8x8x128xi32, #tpu.memory_space<vmem>> -> memref<1x8x8x128xi32, #tpu.memory_space<vmem>>
    %dma_start3A_172 = tpu.memref_squeeze %dma_start3A_171 : memref<1x8x8x128xi32, #tpu.memory_space<vmem>> -> memref<8x8x128xi32, #tpu.memory_space<vmem>>
    %dma_start3A_173 = arith.constant 0 : i32
    %dma_start3A_174 = arith.constant 0 : i32
    %dma_start3A_175 = arith.constant 0 : i32
    %dma_start3A_176 = tpu.memref_slice %arg3[%dma_start3A_156, %dma_start3A_173, %dma_start3A_174, %dma_start3A_175] : memref<4x8x8x128xi32, #tpu.memory_space<hbm>> -> memref<1x8x8x128xi32, #tpu.memory_space<hbm>>
    %dma_start3A_177 = tpu.memref_squeeze %dma_start3A_176 : memref<1x8x8x128xi32, #tpu.memory_space<hbm>> -> memref<8x8x128xi32, #tpu.memory_space<hbm>>
    tpu.enqueue_dma source(%dma_start3A_177 : memref<8x8x128xi32, #tpu.memory_space<hbm>>) target(%dma_start3A_172 : memref<8x8x128xi32, #tpu.memory_space<vmem>>) target_semaphore(%arg11 : memref<!tpu.dma_semaphore, #tpu.memory_space<semaphore_mem>>)
    %dma_wait3A = arith.constant 0 : i32
    %dma_wait3A_178 = arith.constant 0 : i32
    %dma_wait3A_179 = tpu.memref_slice %arg2[%select_n3A, %dma_wait3A, %select_n3A_34, %dma_wait3A_178] : memref<8x64x8x128xf32, #tpu.memory_space<hbm>> -> memref<1x64x1x128xf32, #tpu.memory_space<hbm>>
    %dma_wait3A_180 = tpu.memref_squeeze %dma_wait3A_179 : memref<1x64x1x128xf32, #tpu.memory_space<hbm>> -> memref<64x128xf32, #tpu.memory_space<hbm>>
    %dma_wait3A_181 = arith.constant 0 : i32
    %dma_wait3A_182 = arith.constant 0 : i32
    %dma_wait3A_183 = tpu.memref_slice %arg2[%select_n3A, %dma_wait3A_181, %select_n3A_34, %dma_wait3A_182] : memref<8x64x8x128xf32, #tpu.memory_space<hbm>> -> memref<1x64x1x128xf32, #tpu.memory_space<hbm>>
    %dma_wait3A_184 = tpu.memref_squeeze %dma_wait3A_183 : memref<1x64x1x128xf32, #tpu.memory_space<hbm>> -> memref<64x128xf32, #tpu.memory_space<hbm>>
    tpu.wait_dma2 semaphore(%arg10 : memref<!tpu.dma_semaphore, #tpu.memory_space<semaphore_mem>>) src(%dma_wait3A_184 : memref<64x128xf32, #tpu.memory_space<hbm>>) dst(%arg6 : memref<64x128xf32, #tpu.memory_space<vmem>>)
    %dma_wait3A_185 = arith.constant 0 : i32
    %dma_wait3A_186 = arith.constant 0 : i32
    %dma_wait3A_187 = tpu.memref_slice %arg2[%select_n3A_58, %dma_wait3A_185, %select_n3A_74, %dma_wait3A_186] : memref<8x64x8x128xf32, #tpu.memory_space<hbm>> -> memref<1x64x1x128xf32, #tpu.memory_space<hbm>>
    %dma_wait3A_188 = tpu.memref_squeeze %dma_wait3A_187 : memref<1x64x1x128xf32, #tpu.memory_space<hbm>> -> memref<64x128xf32, #tpu.memory_space<hbm>>
    %dma_wait3A_189 = arith.constant 0 : i32
    %dma_wait3A_190 = arith.constant 0 : i32
    %dma_wait3A_191 = tpu.memref_slice %arg2[%select_n3A_58, %dma_wait3A_189, %select_n3A_74, %dma_wait3A_190] : memref<8x64x8x128xf32, #tpu.memory_space<hbm>> -> memref<1x64x1x128xf32, #tpu.memory_space<hbm>>
    %dma_wait3A_192 = tpu.memref_squeeze %dma_wait3A_191 : memref<1x64x1x128xf32, #tpu.memory_space<hbm>> -> memref<64x128xf32, #tpu.memory_space<hbm>>
    tpu.wait_dma2 semaphore(%arg10 : memref<!tpu.dma_semaphore, #tpu.memory_space<semaphore_mem>>) src(%dma_wait3A_192 : memref<64x128xf32, #tpu.memory_space<hbm>>) dst(%arg7 : memref<64x128xf32, #tpu.memory_space<vmem>>)
    %dma_wait3A_193 = arith.constant 0 : i32
    %dma_wait3A_194 = arith.constant 0 : i32
    %dma_wait3A_195 = arith.constant 0 : i32
    %dma_wait3A_196 = arith.constant 0 : i32
    %dma_wait3A_197 = arith.constant 0 : i32
    %dma_wait3A_198 = tpu.memref_slice %arg5[%dma_wait3A_194, %dma_wait3A_195, %dma_wait3A_196, %dma_wait3A_197] : memref<4x8x8x128xi32, #tpu.memory_space<vmem>> -> memref<1x8x8x128xi32, #tpu.memory_space<vmem>>
    %dma_wait3A_199 = tpu.memref_squeeze %dma_wait3A_198 : memref<1x8x8x128xi32, #tpu.memory_space<vmem>> -> memref<8x8x128xi32, #tpu.memory_space<vmem>>
    %dma_wait3A_200 = arith.constant 0 : i32
    %dma_wait3A_201 = arith.constant 0 : i32
    %dma_wait3A_202 = arith.constant 0 : i32
    %dma_wait3A_203 = tpu.memref_slice %arg3[%dma_wait3A_193, %dma_wait3A_200, %dma_wait3A_201, %dma_wait3A_202] : memref<4x8x8x128xi32, #tpu.memory_space<hbm>> -> memref<1x8x8x128xi32, #tpu.memory_space<hbm>>
    %dma_wait3A_204 = tpu.memref_squeeze %dma_wait3A_203 : memref<1x8x8x128xi32, #tpu.memory_space<hbm>> -> memref<8x8x128xi32, #tpu.memory_space<hbm>>
    %dma_wait3A_205 = arith.constant 0 : i32
    %dma_wait3A_206 = arith.constant 0 : i32
    %dma_wait3A_207 = arith.constant 0 : i32
    %dma_wait3A_208 = tpu.memref_slice %arg5[%dma_wait3A_194, %dma_wait3A_205, %dma_wait3A_206, %dma_wait3A_207] : memref<4x8x8x128xi32, #tpu.memory_space<vmem>> -> memref<1x8x8x128xi32, #tpu.memory_space<vmem>>
    %dma_wait3A_209 = tpu.memref_squeeze %dma_wait3A_208 : memref<1x8x8x128xi32, #tpu.memory_space<vmem>> -> memref<8x8x128xi32, #tpu.memory_space<vmem>>
    %dma_wait3A_210 = arith.constant 0 : i32
    %dma_wait3A_211 = arith.constant 0 : i32
    %dma_wait3A_212 = arith.constant 0 : i32
    %dma_wait3A_213 = tpu.memref_slice %arg3[%dma_wait3A_193, %dma_wait3A_210, %dma_wait3A_211, %dma_wait3A_212] : memref<4x8x8x128xi32, #tpu.memory_space<hbm>> -> memref<1x8x8x128xi32, #tpu.memory_space<hbm>>
    %dma_wait3A_214 = tpu.memref_squeeze %dma_wait3A_213 : memref<1x8x8x128xi32, #tpu.memory_space<hbm>> -> memref<8x8x128xi32, #tpu.memory_space<hbm>>
    tpu.wait_dma2 semaphore(%arg11 : memref<!tpu.dma_semaphore, #tpu.memory_space<semaphore_mem>>) src(%dma_wait3A_214 : memref<8x8x128xi32, #tpu.memory_space<hbm>>) dst(%dma_wait3A_209 : memref<8x8x128xi32, #tpu.memory_space<vmem>>)
    %parallel_loop3A = arith.constant 0 : i32
    %parallel_loop3A_215 = arith.constant 64 : i32
    %parallel_loop3A_216 = arith.constant 1 : i32
    scf.for %parallel_loop3A_580 = %parallel_loop3A to %parallel_loop3A_215 step %parallel_loop3A_216  : i32 {
      %parallel_loop3A_581 = arith.constant 8 : i32
      %parallel_loop3A_582 = arith.divsi %parallel_loop3A_580, %parallel_loop3A_581 : i32
      %parallel_loop3A_583 = arith.constant 0 : i32
      %parallel_loop3A_584 = arith.cmpi sgt, %parallel_loop3A_580, %parallel_loop3A_583 : i32
      %parallel_loop3A_585 = arith.extui %parallel_loop3A_584 : i1 to i32
      %parallel_loop3A_586 = arith.constant 0 : i32
      %parallel_loop3A_587 = arith.cmpi slt, %parallel_loop3A_580, %parallel_loop3A_586 : i32
      %parallel_loop3A_588 = arith.extui %parallel_loop3A_587 : i1 to i32
      %parallel_loop3A_589 = arith.subi %parallel_loop3A_585, %parallel_loop3A_588 : i32
      %parallel_loop3A_590 = arith.constant 0 : i32
      %parallel_loop3A_591 = arith.cmpi sgt, %parallel_loop3A_581, %parallel_loop3A_590 : i32
      %parallel_loop3A_592 = arith.extui %parallel_loop3A_591 : i1 to i32
      %parallel_loop3A_593 = arith.constant 0 : i32
      %parallel_loop3A_594 = arith.cmpi slt, %parallel_loop3A_581, %parallel_loop3A_593 : i32
      %parallel_loop3A_595 = arith.extui %parallel_loop3A_594 : i1 to i32
      %parallel_loop3A_596 = arith.subi %parallel_loop3A_592, %parallel_loop3A_595 : i32
      %parallel_loop3A_597 = arith.cmpi ne, %parallel_loop3A_589, %parallel_loop3A_596 : i32
      %parallel_loop3A_598 = arith.remsi %parallel_loop3A_580, %parallel_loop3A_581 : i32
      %parallel_loop3A_599 = arith.constant 0 : i32
      %parallel_loop3A_600 = arith.cmpi ne, %parallel_loop3A_598, %parallel_loop3A_599 : i32
      %parallel_loop3A_601 = arith.andi %parallel_loop3A_597, %parallel_loop3A_600 : i1
      %parallel_loop3A_602 = arith.constant 1 : i32
      %parallel_loop3A_603 = arith.subi %parallel_loop3A_582, %parallel_loop3A_602 : i32
      %parallel_loop3A_604 = arith.select %parallel_loop3A_601, %parallel_loop3A_603, %parallel_loop3A_582 : i32
      %parallel_loop3A_605 = arith.constant 8 : i32
      %parallel_loop3A_606 = arith.constant 0 : i32
      %parallel_loop3A_607 = arith.cmpi eq, %parallel_loop3A_605, %parallel_loop3A_606 : i32
      %parallel_loop3A_608 = arith.constant 1 : i32
      %parallel_loop3A_609 = arith.select %parallel_loop3A_607, %parallel_loop3A_608, %parallel_loop3A_605 : i32
      %parallel_loop3A_610 = arith.remsi %parallel_loop3A_580, %parallel_loop3A_609 : i32
      %parallel_loop3A_611 = arith.constant 0 : i32
      %parallel_loop3A_612 = arith.cmpi ne, %parallel_loop3A_610, %parallel_loop3A_611 : i32
      %parallel_loop3A_613 = arith.constant 0 : i32
      %parallel_loop3A_614 = arith.cmpi slt, %parallel_loop3A_610, %parallel_loop3A_613 : i32
      %parallel_loop3A_615 = arith.constant 0 : i32
      %parallel_loop3A_616 = arith.cmpi slt, %parallel_loop3A_609, %parallel_loop3A_615 : i32
      %parallel_loop3A_617 = arith.xori %parallel_loop3A_614, %parallel_loop3A_616 : i1
      %parallel_loop3A_618 = arith.andi %parallel_loop3A_617, %parallel_loop3A_612 : i1
      %parallel_loop3A_619 = arith.addi %parallel_loop3A_610, %parallel_loop3A_609 : i32
      %parallel_loop3A_620 = arith.select %parallel_loop3A_618, %parallel_loop3A_619, %parallel_loop3A_610 : i32
      %parallel_loop3A_621 = arith.constant 0 : i32
      %parallel_loop3A_622 = arith.addi %parallel_loop3A_621, %parallel_loop3A_604 : i32
      %parallel_loop3A_623 = arith.constant 0 : i32
      %parallel_loop3A_624 = arith.index_cast %parallel_loop3A_623 : i32 to index
      %parallel_loop3A_625 = arith.index_cast %parallel_loop3A_620 : i32 to index
      %parallel_loop3A_626 = arith.index_cast %parallel_loop3A_604 : i32 to index
      %parallel_loop3A_627 = arith.constant 0 : index
      %parallel_loop3A_628 = tpu.vector_load %arg5[%parallel_loop3A_624, %parallel_loop3A_625, %parallel_loop3A_626, %parallel_loop3A_627] {strides = array<i32>} : memref<4x8x8x128xi32, #tpu.memory_space<vmem>>, vector<16xi32>,
      %parallel_loop3A_629 = arith.constant 7 : i32
      %parallel_loop3A_630 = vector.broadcast %parallel_loop3A_629 : i32 to vector<16xi32>
      %parallel_loop3A_631 = arith.shrsi %parallel_loop3A_628, %parallel_loop3A_630 : vector<16xi32>
      %parallel_loop3A_632 = arith.constant 127 : i32
      %parallel_loop3A_633 = vector.broadcast %parallel_loop3A_632 : i32 to vector<16xi32>
      %parallel_loop3A_634 = arith.andi %parallel_loop3A_628, %parallel_loop3A_633 : vector<16xi32>
      %parallel_loop3A_635 = tpu.vector_load_idx %arg6[%parallel_loop3A_631, %parallel_loop3A_634] : memref<64x128xf32, #tpu.memory_space<vmem>>[vector<16xi32>, vector<16xi32>], vector<16xf32>,
      %parallel_loop3A_636 = arith.index_cast %parallel_loop3A_622 : i32 to index
      %parallel_loop3A_637 = arith.index_cast %parallel_loop3A_620 : i32 to index
      %parallel_loop3A_638 = arith.constant 0 : index
      %parallel_loop3A_639 = tpu.vector_load %arg8[%parallel_loop3A_636, %parallel_loop3A_637, %parallel_loop3A_638] {strides = array<i32>} : memref<32x8x128xf32, #tpu.memory_space<vmem>>, vector<16xf32>,
      tpu.vector_store %arg8[%parallel_loop3A_636, %parallel_loop3A_637, %parallel_loop3A_638], %parallel_loop3A_635 {strides = array<i32>} : memref<32x8x128xf32, #tpu.memory_space<vmem>>, vector<16xf32>,
      %parallel_loop3A_640 = tpu.vector_load_idx %arg7[%parallel_loop3A_631, %parallel_loop3A_634] : memref<64x128xf32, #tpu.memory_space<vmem>>[vector<16xi32>, vector<16xi32>], vector<16xf32>,
      %parallel_loop3A_641 = arith.index_cast %parallel_loop3A_622 : i32 to index
      %parallel_loop3A_642 = arith.index_cast %parallel_loop3A_620 : i32 to index
      %parallel_loop3A_643 = arith.constant 0 : index
      %parallel_loop3A_644 = tpu.vector_load %arg9[%parallel_loop3A_641, %parallel_loop3A_642, %parallel_loop3A_643] {strides = array<i32>} : memref<32x8x128xf32, #tpu.memory_space<vmem>>, vector<16xf32>,
      tpu.vector_store %arg9[%parallel_loop3A_641, %parallel_loop3A_642, %parallel_loop3A_643], %parallel_loop3A_640 {strides = array<i32>} : memref<32x8x128xf32, #tpu.memory_space<vmem>>, vector<16xf32>,
      %parallel_loop3A_645 = arith.constant 0 : i32
      %parallel_loop3A_646 = arith.index_cast %parallel_loop3A_645 : i32 to index
      %parallel_loop3A_647 = arith.index_cast %parallel_loop3A_620 : i32 to index
      %parallel_loop3A_648 = arith.index_cast %parallel_loop3A_604 : i32 to index
      %parallel_loop3A_649 = arith.constant 16 : index
      %parallel_loop3A_650 = tpu.vector_load %arg5[%parallel_loop3A_646, %parallel_loop3A_647, %parallel_loop3A_648, %parallel_loop3A_649] {strides = array<i32>} : memref<4x8x8x128xi32, #tpu.memory_space<vmem>>, vector<16xi32>,
      %parallel_loop3A_651 = arith.constant 7 : i32
      %parallel_loop3A_652 = vector.broadcast %parallel_loop3A_651 : i32 to vector<16xi32>
      %parallel_loop3A_653 = arith.shrsi %parallel_loop3A_650, %parallel_loop3A_652 : vector<16xi32>
      %parallel_loop3A_654 = arith.constant 127 : i32
      %parallel_loop3A_655 = vector.broadcast %parallel_loop3A_654 : i32 to vector<16xi32>
      %parallel_loop3A_656 = arith.andi %parallel_loop3A_650, %parallel_loop3A_655 : vector<16xi32>
      %parallel_loop3A_657 = tpu.vector_load_idx %arg6[%parallel_loop3A_653, %parallel_loop3A_656] : memref<64x128xf32, #tpu.memory_space<vmem>>[vector<16xi32>, vector<16xi32>], vector<16xf32>,
      %parallel_loop3A_658 = arith.index_cast %parallel_loop3A_622 : i32 to index
      %parallel_loop3A_659 = arith.index_cast %parallel_loop3A_620 : i32 to index
      %parallel_loop3A_660 = arith.constant 16 : index
      %parallel_loop3A_661 = tpu.vector_load %arg8[%parallel_loop3A_658, %parallel_loop3A_659, %parallel_loop3A_660] {strides = array<i32>} : memref<32x8x128xf32, #tpu.memory_space<vmem>>, vector<16xf32>,
      tpu.vector_store %arg8[%parallel_loop3A_658, %parallel_loop3A_659, %parallel_loop3A_660], %parallel_loop3A_657 {strides = array<i32>} : memref<32x8x128xf32, #tpu.memory_space<vmem>>, vector<16xf32>,
      %parallel_loop3A_662 = tpu.vector_load_idx %arg7[%parallel_loop3A_653, %parallel_loop3A_656] : memref<64x128xf32, #tpu.memory_space<vmem>>[vector<16xi32>, vector<16xi32>], vector<16xf32>,
      %parallel_loop3A_663 = arith.index_cast %parallel_loop3A_622 : i32 to index
      %parallel_loop3A_664 = arith.index_cast %parallel_loop3A_620 : i32 to index
      %parallel_loop3A_665 = arith.constant 16 : index
      %parallel_loop3A_666 = tpu.vector_load %arg9[%parallel_loop3A_663, %parallel_loop3A_664, %parallel_loop3A_665] {strides = array<i32>} : memref<32x8x128xf32, #tpu.memory_space<vmem>>, vector<16xf32>,
      tpu.vector_store %arg9[%parallel_loop3A_663, %parallel_loop3A_664, %parallel_loop3A_665], %parallel_loop3A_662 {strides = array<i32>} : memref<32x8x128xf32, #tpu.memory_space<vmem>>, vector<16xf32>,
      %parallel_loop3A_667 = arith.constant 0 : i32
      %parallel_loop3A_668 = arith.index_cast %parallel_loop3A_667 : i32 to index
      %parallel_loop3A_669 = arith.index_cast %parallel_loop3A_620 : i32 to index
      %parallel_loop3A_670 = arith.index_cast %parallel_loop3A_604 : i32 to index
      %parallel_loop3A_671 = arith.constant 32 : index
      %parallel_loop3A_672 = tpu.vector_load %arg5[%parallel_loop3A_668, %parallel_loop3A_669, %parallel_loop3A_670, %parallel_loop3A_671] {strides = array<i32>} : memref<4x8x8x128xi32, #tpu.memory_space<vmem>>, vector<16xi32>,
      %parallel_loop3A_673 = arith.constant 7 : i32
      %parallel_loop3A_674 = vector.broadcast %parallel_loop3A_673 : i32 to vector<16xi32>
      %parallel_loop3A_675 = arith.shrsi %parallel_loop3A_672, %parallel_loop3A_674 : vector<16xi32>
      %parallel_loop3A_676 = arith.constant 127 : i32
      %parallel_loop3A_677 = vector.broadcast %parallel_loop3A_676 : i32 to vector<16xi32>
      %parallel_loop3A_678 = arith.andi %parallel_loop3A_672, %parallel_loop3A_677 : vector<16xi32>
      %parallel_loop3A_679 = tpu.vector_load_idx %arg6[%parallel_loop3A_675, %parallel_loop3A_678] : memref<64x128xf32, #tpu.memory_space<vmem>>[vector<16xi32>, vector<16xi32>], vector<16xf32>,
      %parallel_loop3A_680 = arith.index_cast %parallel_loop3A_622 : i32 to index
      %parallel_loop3A_681 = arith.index_cast %parallel_loop3A_620 : i32 to index
      %parallel_loop3A_682 = arith.constant 32 : index
      %parallel_loop3A_683 = tpu.vector_load %arg8[%parallel_loop3A_680, %parallel_loop3A_681, %parallel_loop3A_682] {strides = array<i32>} : memref<32x8x128xf32, #tpu.memory_space<vmem>>, vector<16xf32>,
      tpu.vector_store %arg8[%parallel_loop3A_680, %parallel_loop3A_681, %parallel_loop3A_682], %parallel_loop3A_679 {strides = array<i32>} : memref<32x8x128xf32, #tpu.memory_space<vmem>>, vector<16xf32>,
      %parallel_loop3A_684 = tpu.vector_load_idx %arg7[%parallel_loop3A_675, %parallel_loop3A_678] : memref<64x128xf32, #tpu.memory_space<vmem>>[vector<16xi32>, vector<16xi32>], vector<16xf32>,
      %parallel_loop3A_685 = arith.index_cast %parallel_loop3A_622 : i32 to index
      %parallel_loop3A_686 = arith.index_cast %parallel_loop3A_620 : i32 to index
      %parallel_loop3A_687 = arith.constant 32 : index
      %parallel_loop3A_688 = tpu.vector_load %arg9[%parallel_loop3A_685, %parallel_loop3A_686, %parallel_loop3A_687] {strides = array<i32>} : memref<32x8x128xf32, #tpu.memory_space<vmem>>, vector<16xf32>,
      tpu.vector_store %arg9[%parallel_loop3A_685, %parallel_loop3A_686, %parallel_loop3A_687], %parallel_loop3A_684 {strides = array<i32>} : memref<32x8x128xf32, #tpu.memory_space<vmem>>, vector<16xf32>,
      %parallel_loop3A_689 = arith.constant 0 : i32
      %parallel_loop3A_690 = arith.index_cast %parallel_loop3A_689 : i32 to index
      %parallel_loop3A_691 = arith.index_cast %parallel_loop3A_620 : i32 to index
      %parallel_loop3A_692 = arith.index_cast %parallel_loop3A_604 : i32 to index
      %parallel_loop3A_693 = arith.constant 48 : index
      %parallel_loop3A_694 = tpu.vector_load %arg5[%parallel_loop3A_690, %parallel_loop3A_691, %parallel_loop3A_692, %parallel_loop3A_693] {strides = array<i32>} : memref<4x8x8x128xi32, #tpu.memory_space<vmem>>, vector<16xi32>,
      %parallel_loop3A_695 = arith.constant 7 : i32
      %parallel_loop3A_696 = vector.broadcast %parallel_loop3A_695 : i32 to vector<16xi32>
      %parallel_loop3A_697 = arith.shrsi %parallel_loop3A_694, %parallel_loop3A_696 : vector<16xi32>
      %parallel_loop3A_698 = arith.constant 127 : i32
      %parallel_loop3A_699 = vector.broadcast %parallel_loop3A_698 : i32 to vector<16xi32>
      %parallel_loop3A_700 = arith.andi %parallel_loop3A_694, %parallel_loop3A_699 : vector<16xi32>
      %parallel_loop3A_701 = tpu.vector_load_idx %arg6[%parallel_loop3A_697, %parallel_loop3A_700] : memref<64x128xf32, #tpu.memory_space<vmem>>[vector<16xi32>, vector<16xi32>], vector<16xf32>,
      %parallel_loop3A_702 = arith.index_cast %parallel_loop3A_622 : i32 to index
      %parallel_loop3A_703 = arith.index_cast %parallel_loop3A_620 : i32 to index
      %parallel_loop3A_704 = arith.constant 48 : index
      %parallel_loop3A_705 = tpu.vector_load %arg8[%parallel_loop3A_702, %parallel_loop3A_703, %parallel_loop3A_704] {strides = array<i32>} : memref<32x8x128xf32, #tpu.memory_space<vmem>>, vector<16xf32>,
      tpu.vector_store %arg8[%parallel_loop3A_702, %parallel_loop3A_703, %parallel_loop3A_704], %parallel_loop3A_701 {strides = array<i32>} : memref<32x8x128xf32, #tpu.memory_space<vmem>>, vector<16xf32>,
      %parallel_loop3A_706 = tpu.vector_load_idx %arg7[%parallel_loop3A_697, %parallel_loop3A_700] : memref<64x128xf32, #tpu.memory_space<vmem>>[vector<16xi32>, vector<16xi32>], vector<16xf32>,
      %parallel_loop3A_707 = arith.index_cast %parallel_loop3A_622 : i32 to index
      %parallel_loop3A_708 = arith.index_cast %parallel_loop3A_620 : i32 to index
      %parallel_loop3A_709 = arith.constant 48 : index
      %parallel_loop3A_710 = tpu.vector_load %arg9[%parallel_loop3A_707, %parallel_loop3A_708, %parallel_loop3A_709] {strides = array<i32>} : memref<32x8x128xf32, #tpu.memory_space<vmem>>, vector<16xf32>,
      tpu.vector_store %arg9[%parallel_loop3A_707, %parallel_loop3A_708, %parallel_loop3A_709], %parallel_loop3A_706 {strides = array<i32>} : memref<32x8x128xf32, #tpu.memory_space<vmem>>, vector<16xf32>,
      %parallel_loop3A_711 = arith.constant 0 : i32
      %parallel_loop3A_712 = arith.index_cast %parallel_loop3A_711 : i32 to index
      %parallel_loop3A_713 = arith.index_cast %parallel_loop3A_620 : i32 to index
      %parallel_loop3A_714 = arith.index_cast %parallel_loop3A_604 : i32 to index
      %parallel_loop3A_715 = arith.constant 64 : index
      %parallel_loop3A_716 = tpu.vector_load %arg5[%parallel_loop3A_712, %parallel_loop3A_713, %parallel_loop3A_714, %parallel_loop3A_715] {strides = array<i32>} : memref<4x8x8x128xi32, #tpu.memory_space<vmem>>, vector<16xi32>,
      %parallel_loop3A_717 = arith.constant 7 : i32
      %parallel_loop3A_718 = vector.broadcast %parallel_loop3A_717 : i32 to vector<16xi32>
      %parallel_loop3A_719 = arith.shrsi %parallel_loop3A_716, %parallel_loop3A_718 : vector<16xi32>
      %parallel_loop3A_720 = arith.constant 127 : i32
      %parallel_loop3A_721 = vector.broadcast %parallel_loop3A_720 : i32 to vector<16xi32>
      %parallel_loop3A_722 = arith.andi %parallel_loop3A_716, %parallel_loop3A_721 : vector<16xi32>
      %parallel_loop3A_723 = tpu.vector_load_idx %arg6[%parallel_loop3A_719, %parallel_loop3A_722] : memref<64x128xf32, #tpu.memory_space<vmem>>[vector<16xi32>, vector<16xi32>], vector<16xf32>,
      %parallel_loop3A_724 = arith.index_cast %parallel_loop3A_622 : i32 to index
      %parallel_loop3A_725 = arith.index_cast %parallel_loop3A_620 : i32 to index
      %parallel_loop3A_726 = arith.constant 64 : index
      %parallel_loop3A_727 = tpu.vector_load %arg8[%parallel_loop3A_724, %parallel_loop3A_725, %parallel_loop3A_726] {strides = array<i32>} : memref<32x8x128xf32, #tpu.memory_space<vmem>>, vector<16xf32>,
      tpu.vector_store %arg8[%parallel_loop3A_724, %parallel_loop3A_725, %parallel_loop3A_726], %parallel_loop3A_723 {strides = array<i32>} : memref<32x8x128xf32, #tpu.memory_space<vmem>>, vector<16xf32>,
      %parallel_loop3A_728 = tpu.vector_load_idx %arg7[%parallel_loop3A_719, %parallel_loop3A_722] : memref<64x128xf32, #tpu.memory_space<vmem>>[vector<16xi32>, vector<16xi32>], vector<16xf32>,
      %parallel_loop3A_729 = arith.index_cast %parallel_loop3A_622 : i32 to index
      %parallel_loop3A_730 = arith.index_cast %parallel_loop3A_620 : i32 to index
      %parallel_loop3A_731 = arith.constant 64 : index
      %parallel_loop3A_732 = tpu.vector_load %arg9[%parallel_loop3A_729, %parallel_loop3A_730, %parallel_loop3A_731] {strides = array<i32>} : memref<32x8x128xf32, #tpu.memory_space<vmem>>, vector<16xf32>,
      tpu.vector_store %arg9[%parallel_loop3A_729, %parallel_loop3A_730, %parallel_loop3A_731], %parallel_loop3A_728 {strides = array<i32>} : memref<32x8x128xf32, #tpu.memory_space<vmem>>, vector<16xf32>,
      %parallel_loop3A_733 = arith.constant 0 : i32
      %parallel_loop3A_734 = arith.index_cast %parallel_loop3A_733 : i32 to index
      %parallel_loop3A_735 = arith.index_cast %parallel_loop3A_620 : i32 to index
      %parallel_loop3A_736 = arith.index_cast %parallel_loop3A_604 : i32 to index
      %parallel_loop3A_737 = arith.constant 80 : index
      %parallel_loop3A_738 = tpu.vector_load %arg5[%parallel_loop3A_734, %parallel_loop3A_735, %parallel_loop3A_736, %parallel_loop3A_737] {strides = array<i32>} : memref<4x8x8x128xi32, #tpu.memory_space<vmem>>, vector<16xi32>,
      %parallel_loop3A_739 = arith.constant 7 : i32
      %parallel_loop3A_740 = vector.broadcast %parallel_loop3A_739 : i32 to vector<16xi32>
      %parallel_loop3A_741 = arith.shrsi %parallel_loop3A_738, %parallel_loop3A_740 : vector<16xi32>
      %parallel_loop3A_742 = arith.constant 127 : i32
      %parallel_loop3A_743 = vector.broadcast %parallel_loop3A_742 : i32 to vector<16xi32>
      %parallel_loop3A_744 = arith.andi %parallel_loop3A_738, %parallel_loop3A_743 : vector<16xi32>
      %parallel_loop3A_745 = tpu.vector_load_idx %arg6[%parallel_loop3A_741, %parallel_loop3A_744] : memref<64x128xf32, #tpu.memory_space<vmem>>[vector<16xi32>, vector<16xi32>], vector<16xf32>,
      %parallel_loop3A_746 = arith.index_cast %parallel_loop3A_622 : i32 to index
      %parallel_loop3A_747 = arith.index_cast %parallel_loop3A_620 : i32 to index
      %parallel_loop3A_748 = arith.constant 80 : index
      %parallel_loop3A_749 = tpu.vector_load %arg8[%parallel_loop3A_746, %parallel_loop3A_747, %parallel_loop3A_748] {strides = array<i32>} : memref<32x8x128xf32, #tpu.memory_space<vmem>>, vector<16xf32>,
      tpu.vector_store %arg8[%parallel_loop3A_746, %parallel_loop3A_747, %parallel_loop3A_748], %parallel_loop3A_745 {strides = array<i32>} : memref<32x8x128xf32, #tpu.memory_space<vmem>>, vector<16xf32>,
      %parallel_loop3A_750 = tpu.vector_load_idx %arg7[%parallel_loop3A_741, %parallel_loop3A_744] : memref<64x128xf32, #tpu.memory_space<vmem>>[vector<16xi32>, vector<16xi32>], vector<16xf32>,
      %parallel_loop3A_751 = arith.index_cast %parallel_loop3A_622 : i32 to index
      %parallel_loop3A_752 = arith.index_cast %parallel_loop3A_620 : i32 to index
      %parallel_loop3A_753 = arith.constant 80 : index
      %parallel_loop3A_754 = tpu.vector_load %arg9[%parallel_loop3A_751, %parallel_loop3A_752, %parallel_loop3A_753] {strides = array<i32>} : memref<32x8x128xf32, #tpu.memory_space<vmem>>, vector<16xf32>,
      tpu.vector_store %arg9[%parallel_loop3A_751, %parallel_loop3A_752, %parallel_loop3A_753], %parallel_loop3A_750 {strides = array<i32>} : memref<32x8x128xf32, #tpu.memory_space<vmem>>, vector<16xf32>,
      %parallel_loop3A_755 = arith.constant 0 : i32
      %parallel_loop3A_756 = arith.index_cast %parallel_loop3A_755 : i32 to index
      %parallel_loop3A_757 = arith.index_cast %parallel_loop3A_620 : i32 to index
      %parallel_loop3A_758 = arith.index_cast %parallel_loop3A_604 : i32 to index
      %parallel_loop3A_759 = arith.constant 96 : index
      %parallel_loop3A_760 = tpu.vector_load %arg5[%parallel_loop3A_756, %parallel_loop3A_757, %parallel_loop3A_758, %parallel_loop3A_759] {strides = array<i32>} : memref<4x8x8x128xi32, #tpu.memory_space<vmem>>, vector<16xi32>,
      %parallel_loop3A_761 = arith.constant 7 : i32
      %parallel_loop3A_762 = vector.broadcast %parallel_loop3A_761 : i32 to vector<16xi32>
      %parallel_loop3A_763 = arith.shrsi %parallel_loop3A_760, %parallel_loop3A_762 : vector<16xi32>
      %parallel_loop3A_764 = arith.constant 127 : i32
      %parallel_loop3A_765 = vector.broadcast %parallel_loop3A_764 : i32 to vector<16xi32>
      %parallel_loop3A_766 = arith.andi %parallel_loop3A_760, %parallel_loop3A_765 : vector<16xi32>
      %parallel_loop3A_767 = tpu.vector_load_idx %arg6[%parallel_loop3A_763, %parallel_loop3A_766] : memref<64x128xf32, #tpu.memory_space<vmem>>[vector<16xi32>, vector<16xi32>], vector<16xf32>,
      %parallel_loop3A_768 = arith.index_cast %parallel_loop3A_622 : i32 to index
      %parallel_loop3A_769 = arith.index_cast %parallel_loop3A_620 : i32 to index
      %parallel_loop3A_770 = arith.constant 96 : index
      %parallel_loop3A_771 = tpu.vector_load %arg8[%parallel_loop3A_768, %parallel_loop3A_769, %parallel_loop3A_770] {strides = array<i32>} : memref<32x8x128xf32, #tpu.memory_space<vmem>>, vector<16xf32>,
      tpu.vector_store %arg8[%parallel_loop3A_768, %parallel_loop3A_769, %parallel_loop3A_770], %parallel_loop3A_767 {strides = array<i32>} : memref<32x8x128xf32, #tpu.memory_space<vmem>>, vector<16xf32>,
      %parallel_loop3A_772 = tpu.vector_load_idx %arg7[%parallel_loop3A_763, %parallel_loop3A_766] : memref<64x128xf32, #tpu.memory_space<vmem>>[vector<16xi32>, vector<16xi32>], vector<16xf32>,
      %parallel_loop3A_773 = arith.index_cast %parallel_loop3A_622 : i32 to index
      %parallel_loop3A_774 = arith.index_cast %parallel_loop3A_620 : i32 to index
      %parallel_loop3A_775 = arith.constant 96 : index
      %parallel_loop3A_776 = tpu.vector_load %arg9[%parallel_loop3A_773, %parallel_loop3A_774, %parallel_loop3A_775] {strides = array<i32>} : memref<32x8x128xf32, #tpu.memory_space<vmem>>, vector<16xf32>,
      tpu.vector_store %arg9[%parallel_loop3A_773, %parallel_loop3A_774, %parallel_loop3A_775], %parallel_loop3A_772 {strides = array<i32>} : memref<32x8x128xf32, #tpu.memory_space<vmem>>, vector<16xf32>,
      %parallel_loop3A_777 = arith.constant 0 : i32
      %parallel_loop3A_778 = arith.index_cast %parallel_loop3A_777 : i32 to index
      %parallel_loop3A_779 = arith.index_cast %parallel_loop3A_620 : i32 to index
      %parallel_loop3A_780 = arith.index_cast %parallel_loop3A_604 : i32 to index
      %parallel_loop3A_781 = arith.constant 112 : index
      %parallel_loop3A_782 = tpu.vector_load %arg5[%parallel_loop3A_778, %parallel_loop3A_779, %parallel_loop3A_780, %parallel_loop3A_781] {strides = array<i32>} : memref<4x8x8x128xi32, #tpu.memory_space<vmem>>, vector<16xi32>,
      %parallel_loop3A_783 = arith.constant 7 : i32
      %parallel_loop3A_784 = vector.broadcast %parallel_loop3A_783 : i32 to vector<16xi32>
      %parallel_loop3A_785 = arith.shrsi %parallel_loop3A_782, %parallel_loop3A_784 : vector<16xi32>
      %parallel_loop3A_786 = arith.constant 127 : i32
      %parallel_loop3A_787 = vector.broadcast %parallel_loop3A_786 : i32 to vector<16xi32>
      %parallel_loop3A_788 = arith.andi %parallel_loop3A_782, %parallel_loop3A_787 : vector<16xi32>
      %parallel_loop3A_789 = tpu.vector_load_idx %arg6[%parallel_loop3A_785, %parallel_loop3A_788] : memref<64x128xf32, #tpu.memory_space<vmem>>[vector<16xi32>, vector<16xi32>], vector<16xf32>,
      %parallel_loop3A_790 = arith.index_cast %parallel_loop3A_622 : i32 to index
      %parallel_loop3A_791 = arith.index_cast %parallel_loop3A_620 : i32 to index
      %parallel_loop3A_792 = arith.constant 112 : index
      %parallel_loop3A_793 = tpu.vector_load %arg8[%parallel_loop3A_790, %parallel_loop3A_791, %parallel_loop3A_792] {strides = array<i32>} : memref<32x8x128xf32, #tpu.memory_space<vmem>>, vector<16xf32>,
      tpu.vector_store %arg8[%parallel_loop3A_790, %parallel_loop3A_791, %parallel_loop3A_792], %parallel_loop3A_789 {strides = array<i32>} : memref<32x8x128xf32, #tpu.memory_space<vmem>>, vector<16xf32>,
      %parallel_loop3A_794 = tpu.vector_load_idx %arg7[%parallel_loop3A_785, %parallel_loop3A_788] : memref<64x128xf32, #tpu.memory_space<vmem>>[vector<16xi32>, vector<16xi32>], vector<16xf32>,
      %parallel_loop3A_795 = arith.index_cast %parallel_loop3A_622 : i32 to index
      %parallel_loop3A_796 = arith.index_cast %parallel_loop3A_620 : i32 to index
      %parallel_loop3A_797 = arith.constant 112 : index
      %parallel_loop3A_798 = tpu.vector_load %arg9[%parallel_loop3A_795, %parallel_loop3A_796, %parallel_loop3A_797] {strides = array<i32>} : memref<32x8x128xf32, #tpu.memory_space<vmem>>, vector<16xf32>,
      tpu.vector_store %arg9[%parallel_loop3A_795, %parallel_loop3A_796, %parallel_loop3A_797], %parallel_loop3A_794 {strides = array<i32>} : memref<32x8x128xf32, #tpu.memory_space<vmem>>, vector<16xf32>,
    } {sc.loop_unroll_factor = 2 : i64, sc.parallel_access}
    %dma_start3A_217 = arith.constant 0 : i32
    %dma_start3A_218 = arith.constant 0 : i32
    %dma_start3A_219 = arith.constant 0 : i32
    %dma_start3A_220 = tpu.memref_slice %arg8[%dma_start3A_217, %dma_start3A_218, %dma_start3A_219] : memref<32x8x128xf32, #tpu.memory_space<vmem>> -> memref<8x8x128xf32, #tpu.memory_space<vmem>>
    %dma_start3A_221 = arith.constant 0 : i32
    %dma_start3A_222 = arith.constant 0 : i32
    %dma_start3A_223 = arith.constant 0 : i32
    %dma_start3A_224 = tpu.memref_slice %arg4[%dma_start3A_221, %select_n3A, %dma_start3A_222, %select_n3A_34, %dma_start3A_223] : memref<32x8x8x8x128xf32, #tpu.memory_space<hbm>> -> memref<8x1x8x1x128xf32, #tpu.memory_space<hbm>>
    %dma_start3A_225 = tpu.memref_squeeze %dma_start3A_224 : memref<8x1x8x1x128xf32, #tpu.memory_space<hbm>> -> memref<8x8x128xf32, #tpu.memory_space<hbm>>
    %dma_start3A_226 = arith.constant 0 : i32
    %dma_start3A_227 = arith.constant 0 : i32
    %dma_start3A_228 = arith.constant 0 : i32
    %dma_start3A_229 = tpu.memref_slice %arg4[%dma_start3A_226, %select_n3A, %dma_start3A_227, %select_n3A_34, %dma_start3A_228] : memref<32x8x8x8x128xf32, #tpu.memory_space<hbm>> -> memref<8x1x8x1x128xf32, #tpu.memory_space<hbm>>
    %dma_start3A_230 = tpu.memref_squeeze %dma_start3A_229 : memref<8x1x8x1x128xf32, #tpu.memory_space<hbm>> -> memref<8x8x128xf32, #tpu.memory_space<hbm>>
    %dma_start3A_231 = arith.constant 0 : i32
    %dma_start3A_232 = arith.constant 0 : i32
    %dma_start3A_233 = arith.constant 0 : i32
    %dma_start3A_234 = tpu.memref_slice %arg8[%dma_start3A_231, %dma_start3A_232, %dma_start3A_233] : memref<32x8x128xf32, #tpu.memory_space<vmem>> -> memref<8x8x128xf32, #tpu.memory_space<vmem>>
    tpu.enqueue_dma source(%dma_start3A_234 : memref<8x8x128xf32, #tpu.memory_space<vmem>>) target(%dma_start3A_230 : memref<8x8x128xf32, #tpu.memory_space<hbm>>) target_semaphore(%arg12 : memref<!tpu.dma_semaphore, #tpu.memory_space<semaphore_mem>>)
    %dma_start3A_235 = arith.constant 0 : i32
    %dma_start3A_236 = arith.constant 0 : i32
    %dma_start3A_237 = arith.constant 0 : i32
    %dma_start3A_238 = tpu.memref_slice %arg9[%dma_start3A_235, %dma_start3A_236, %dma_start3A_237] : memref<32x8x128xf32, #tpu.memory_space<vmem>> -> memref<8x8x128xf32, #tpu.memory_space<vmem>>
    %dma_start3A_239 = arith.constant 0 : i32
    %dma_start3A_240 = arith.constant 0 : i32
    %dma_start3A_241 = arith.constant 0 : i32
    %dma_start3A_242 = tpu.memref_slice %arg4[%dma_start3A_239, %select_n3A_58, %dma_start3A_240, %select_n3A_74, %dma_start3A_241] : memref<32x8x8x8x128xf32, #tpu.memory_space<hbm>> -> memref<8x1x8x1x128xf32, #tpu.memory_space<hbm>>
    %dma_start3A_243 = tpu.memref_squeeze %dma_start3A_242 : memref<8x1x8x1x128xf32, #tpu.memory_space<hbm>> -> memref<8x8x128xf32, #tpu.memory_space<hbm>>
    %dma_start3A_244 = arith.constant 0 : i32
    %dma_start3A_245 = arith.constant 0 : i32
    %dma_start3A_246 = arith.constant 0 : i32
    %dma_start3A_247 = tpu.memref_slice %arg4[%dma_start3A_244, %select_n3A_58, %dma_start3A_245, %select_n3A_74, %dma_start3A_246] : memref<32x8x8x8x128xf32, #tpu.memory_space<hbm>> -> memref<8x1x8x1x128xf32, #tpu.memory_space<hbm>>
    %dma_start3A_248 = tpu.memref_squeeze %dma_start3A_247 : memref<8x1x8x1x128xf32, #tpu.memory_space<hbm>> -> memref<8x8x128xf32, #tpu.memory_space<hbm>>
    %dma_start3A_249 = arith.constant 0 : i32
    %dma_start3A_250 = arith.constant 0 : i32
    %dma_start3A_251 = arith.constant 0 : i32
    %dma_start3A_252 = tpu.memref_slice %arg9[%dma_start3A_249, %dma_start3A_250, %dma_start3A_251] : memref<32x8x128xf32, #tpu.memory_space<vmem>> -> memref<8x8x128xf32, #tpu.memory_space<vmem>>
    tpu.enqueue_dma source(%dma_start3A_252 : memref<8x8x128xf32, #tpu.memory_space<vmem>>) target(%dma_start3A_248 : memref<8x8x128xf32, #tpu.memory_space<hbm>>) target_semaphore(%arg13 : memref<!tpu.dma_semaphore, #tpu.memory_space<semaphore_mem>>)
    %dma_wait3A_253 = arith.constant 1 : i32
    %dma_wait3A_254 = arith.constant 1 : i32
    %dma_wait3A_255 = arith.constant 0 : i32
    %dma_wait3A_256 = arith.constant 0 : i32
    %dma_wait3A_257 = arith.constant 0 : i32
    %dma_wait3A_258 = tpu.memref_slice %arg5[%dma_wait3A_254, %dma_wait3A_255, %dma_wait3A_256, %dma_wait3A_257] : memref<4x8x8x128xi32, #tpu.memory_space<vmem>> -> memref<1x8x8x128xi32, #tpu.memory_space<vmem>>
    %dma_wait3A_259 = tpu.memref_squeeze %dma_wait3A_258 : memref<1x8x8x128xi32, #tpu.memory_space<vmem>> -> memref<8x8x128xi32, #tpu.memory_space<vmem>>
    %dma_wait3A_260 = arith.constant 0 : i32
    %dma_wait3A_261 = arith.constant 0 : i32
    %dma_wait3A_262 = arith.constant 0 : i32
    %dma_wait3A_263 = tpu.memref_slice %arg3[%dma_wait3A_253, %dma_wait3A_260, %dma_wait3A_261, %dma_wait3A_262] : memref<4x8x8x128xi32, #tpu.memory_space<hbm>> -> memref<1x8x8x128xi32, #tpu.memory_space<hbm>>
    %dma_wait3A_264 = tpu.memref_squeeze %dma_wait3A_263 : memref<1x8x8x128xi32, #tpu.memory_space<hbm>> -> memref<8x8x128xi32, #tpu.memory_space<hbm>>
    %dma_wait3A_265 = arith.constant 0 : i32
    %dma_wait3A_266 = arith.constant 0 : i32
    %dma_wait3A_267 = arith.constant 0 : i32
    %dma_wait3A_268 = tpu.memref_slice %arg5[%dma_wait3A_254, %dma_wait3A_265, %dma_wait3A_266, %dma_wait3A_267] : memref<4x8x8x128xi32, #tpu.memory_space<vmem>> -> memref<1x8x8x128xi32, #tpu.memory_space<vmem>>
    %dma_wait3A_269 = tpu.memref_squeeze %dma_wait3A_268 : memref<1x8x8x128xi32, #tpu.memory_space<vmem>> -> memref<8x8x128xi32, #tpu.memory_space<vmem>>
    %dma_wait3A_270 = arith.constant 0 : i32
    %dma_wait3A_271 = arith.constant 0 : i32
    %dma_wait3A_272 = arith.constant 0 : i32
    %dma_wait3A_273 = tpu.memref_slice %arg3[%dma_wait3A_253, %dma_wait3A_270, %dma_wait3A_271, %dma_wait3A_272] : memref<4x8x8x128xi32, #tpu.memory_space<hbm>> -> memref<1x8x8x128xi32, #tpu.memory_space<hbm>>
    %dma_wait3A_274 = tpu.memref_squeeze %dma_wait3A_273 : memref<1x8x8x128xi32, #tpu.memory_space<hbm>> -> memref<8x8x128xi32, #tpu.memory_space<hbm>>
    tpu.wait_dma2 semaphore(%arg11 : memref<!tpu.dma_semaphore, #tpu.memory_space<semaphore_mem>>) src(%dma_wait3A_274 : memref<8x8x128xi32, #tpu.memory_space<hbm>>) dst(%dma_wait3A_269 : memref<8x8x128xi32, #tpu.memory_space<vmem>>)
    %parallel_loop3A_275 = arith.constant 0 : i32
    %parallel_loop3A_276 = arith.constant 64 : i32
    %parallel_loop3A_277 = arith.constant 1 : i32
    scf.for %parallel_loop3A_580 = %parallel_loop3A_275 to %parallel_loop3A_276 step %parallel_loop3A_277  : i32 {
      %parallel_loop3A_581 = arith.constant 8 : i32
      %parallel_loop3A_582 = arith.divsi %parallel_loop3A_580, %parallel_loop3A_581 : i32
      %parallel_loop3A_583 = arith.constant 0 : i32
      %parallel_loop3A_584 = arith.cmpi sgt, %parallel_loop3A_580, %parallel_loop3A_583 : i32
      %parallel_loop3A_585 = arith.extui %parallel_loop3A_584 : i1 to i32
      %parallel_loop3A_586 = arith.constant 0 : i32
      %parallel_loop3A_587 = arith.cmpi slt, %parallel_loop3A_580, %parallel_loop3A_586 : i32
      %parallel_loop3A_588 = arith.extui %parallel_loop3A_587 : i1 to i32
      %parallel_loop3A_589 = arith.subi %parallel_loop3A_585, %parallel_loop3A_588 : i32
      %parallel_loop3A_590 = arith.constant 0 : i32
      %parallel_loop3A_591 = arith.cmpi sgt, %parallel_loop3A_581, %parallel_loop3A_590 : i32
      %parallel_loop3A_592 = arith.extui %parallel_loop3A_591 : i1 to i32
      %parallel_loop3A_593 = arith.constant 0 : i32
      %parallel_loop3A_594 = arith.cmpi slt, %parallel_loop3A_581, %parallel_loop3A_593 : i32
      %parallel_loop3A_595 = arith.extui %parallel_loop3A_594 : i1 to i32
      %parallel_loop3A_596 = arith.subi %parallel_loop3A_592, %parallel_loop3A_595 : i32
      %parallel_loop3A_597 = arith.cmpi ne, %parallel_loop3A_589, %parallel_loop3A_596 : i32
      %parallel_loop3A_598 = arith.remsi %parallel_loop3A_580, %parallel_loop3A_581 : i32
      %parallel_loop3A_599 = arith.constant 0 : i32
      %parallel_loop3A_600 = arith.cmpi ne, %parallel_loop3A_598, %parallel_loop3A_599 : i32
      %parallel_loop3A_601 = arith.andi %parallel_loop3A_597, %parallel_loop3A_600 : i1
      %parallel_loop3A_602 = arith.constant 1 : i32
      %parallel_loop3A_603 = arith.subi %parallel_loop3A_582, %parallel_loop3A_602 : i32
      %parallel_loop3A_604 = arith.select %parallel_loop3A_601, %parallel_loop3A_603, %parallel_loop3A_582 : i32
      %parallel_loop3A_605 = arith.constant 8 : i32
      %parallel_loop3A_606 = arith.constant 0 : i32
      %parallel_loop3A_607 = arith.cmpi eq, %parallel_loop3A_605, %parallel_loop3A_606 : i32
      %parallel_loop3A_608 = arith.constant 1 : i32
      %parallel_loop3A_609 = arith.select %parallel_loop3A_607, %parallel_loop3A_608, %parallel_loop3A_605 : i32
      %parallel_loop3A_610 = arith.remsi %parallel_loop3A_580, %parallel_loop3A_609 : i32
      %parallel_loop3A_611 = arith.constant 0 : i32
      %parallel_loop3A_612 = arith.cmpi ne, %parallel_loop3A_610, %parallel_loop3A_611 : i32
      %parallel_loop3A_613 = arith.constant 0 : i32
      %parallel_loop3A_614 = arith.cmpi slt, %parallel_loop3A_610, %parallel_loop3A_613 : i32
      %parallel_loop3A_615 = arith.constant 0 : i32
      %parallel_loop3A_616 = arith.cmpi slt, %parallel_loop3A_609, %parallel_loop3A_615 : i32
      %parallel_loop3A_617 = arith.xori %parallel_loop3A_614, %parallel_loop3A_616 : i1
      %parallel_loop3A_618 = arith.andi %parallel_loop3A_617, %parallel_loop3A_612 : i1
      %parallel_loop3A_619 = arith.addi %parallel_loop3A_610, %parallel_loop3A_609 : i32
      %parallel_loop3A_620 = arith.select %parallel_loop3A_618, %parallel_loop3A_619, %parallel_loop3A_610 : i32
      %parallel_loop3A_621 = arith.constant 8 : i32
      %parallel_loop3A_622 = arith.addi %parallel_loop3A_621, %parallel_loop3A_604 : i32
      %parallel_loop3A_623 = arith.constant 1 : i32
      %parallel_loop3A_624 = arith.index_cast %parallel_loop3A_623 : i32 to index
      %parallel_loop3A_625 = arith.index_cast %parallel_loop3A_620 : i32 to index
      %parallel_loop3A_626 = arith.index_cast %parallel_loop3A_604 : i32 to index
      %parallel_loop3A_627 = arith.constant 0 : index
      %parallel_loop3A_628 = tpu.vector_load %arg5[%parallel_loop3A_624, %parallel_loop3A_625, %parallel_loop3A_626, %parallel_loop3A_627] {strides = array<i32>} : memref<4x8x8x128xi32, #tpu.memory_space<vmem>>, vector<16xi32>,
      %parallel_loop3A_629 = arith.constant 7 : i32
      %parallel_loop3A_630 = vector.broadcast %parallel_loop3A_629 : i32 to vector<16xi32>
      %parallel_loop3A_631 = arith.shrsi %parallel_loop3A_628, %parallel_loop3A_630 : vector<16xi32>
      %parallel_loop3A_632 = arith.constant 127 : i32
      %parallel_loop3A_633 = vector.broadcast %parallel_loop3A_632 : i32 to vector<16xi32>
      %parallel_loop3A_634 = arith.andi %parallel_loop3A_628, %parallel_loop3A_633 : vector<16xi32>
      %parallel_loop3A_635 = tpu.vector_load_idx %arg6[%parallel_loop3A_631, %parallel_loop3A_634] : memref<64x128xf32, #tpu.memory_space<vmem>>[vector<16xi32>, vector<16xi32>], vector<16xf32>,
      %parallel_loop3A_636 = arith.index_cast %parallel_loop3A_622 : i32 to index
      %parallel_loop3A_637 = arith.index_cast %parallel_loop3A_620 : i32 to index
      %parallel_loop3A_638 = arith.constant 0 : index
      %parallel_loop3A_639 = tpu.vector_load %arg8[%parallel_loop3A_636, %parallel_loop3A_637, %parallel_loop3A_638] {strides = array<i32>} : memref<32x8x128xf32, #tpu.memory_space<vmem>>, vector<16xf32>,
      tpu.vector_store %arg8[%parallel_loop3A_636, %parallel_loop3A_637, %parallel_loop3A_638], %parallel_loop3A_635 {strides = array<i32>} : memref<32x8x128xf32, #tpu.memory_space<vmem>>, vector<16xf32>,
      %parallel_loop3A_640 = tpu.vector_load_idx %arg7[%parallel_loop3A_631, %parallel_loop3A_634] : memref<64x128xf32, #tpu.memory_space<vmem>>[vector<16xi32>, vector<16xi32>], vector<16xf32>,
      %parallel_loop3A_641 = arith.index_cast %parallel_loop3A_622 : i32 to index
      %parallel_loop3A_642 = arith.index_cast %parallel_loop3A_620 : i32 to index
      %parallel_loop3A_643 = arith.constant 0 : index
      %parallel_loop3A_644 = tpu.vector_load %arg9[%parallel_loop3A_641, %parallel_loop3A_642, %parallel_loop3A_643] {strides = array<i32>} : memref<32x8x128xf32, #tpu.memory_space<vmem>>, vector<16xf32>,
      tpu.vector_store %arg9[%parallel_loop3A_641, %parallel_loop3A_642, %parallel_loop3A_643], %parallel_loop3A_640 {strides = array<i32>} : memref<32x8x128xf32, #tpu.memory_space<vmem>>, vector<16xf32>,
      %parallel_loop3A_645 = arith.constant 1 : i32
      %parallel_loop3A_646 = arith.index_cast %parallel_loop3A_645 : i32 to index
      %parallel_loop3A_647 = arith.index_cast %parallel_loop3A_620 : i32 to index
      %parallel_loop3A_648 = arith.index_cast %parallel_loop3A_604 : i32 to index
      %parallel_loop3A_649 = arith.constant 16 : index
      %parallel_loop3A_650 = tpu.vector_load %arg5[%parallel_loop3A_646, %parallel_loop3A_647, %parallel_loop3A_648, %parallel_loop3A_649] {strides = array<i32>} : memref<4x8x8x128xi32, #tpu.memory_space<vmem>>, vector<16xi32>,
      %parallel_loop3A_651 = arith.constant 7 : i32
      %parallel_loop3A_652 = vector.broadcast %parallel_loop3A_651 : i32 to vector<16xi32>
      %parallel_loop3A_653 = arith.shrsi %parallel_loop3A_650, %parallel_loop3A_652 : vector<16xi32>
      %parallel_loop3A_654 = arith.constant 127 : i32
      %parallel_loop3A_655 = vector.broadcast %parallel_loop3A_654 : i32 to vector<16xi32>
      %parallel_loop3A_656 = arith.andi %parallel_loop3A_650, %parallel_loop3A_655 : vector<16xi32>
      %parallel_loop3A_657 = tpu.vector_load_idx %arg6[%parallel_loop3A_653, %parallel_loop3A_656] : memref<64x128xf32, #tpu.memory_space<vmem>>[vector<16xi32>, vector<16xi32>], vector<16xf32>,
      %parallel_loop3A_658 = arith.index_cast %parallel_loop3A_622 : i32 to index
      %parallel_loop3A_659 = arith.index_cast %parallel_loop3A_620 : i32 to index
      %parallel_loop3A_660 = arith.constant 16 : index
      %parallel_loop3A_661 = tpu.vector_load %arg8[%parallel_loop3A_658, %parallel_loop3A_659, %parallel_loop3A_660] {strides = array<i32>} : memref<32x8x128xf32, #tpu.memory_space<vmem>>, vector<16xf32>,
      tpu.vector_store %arg8[%parallel_loop3A_658, %parallel_loop3A_659, %parallel_loop3A_660], %parallel_loop3A_657 {strides = array<i32>} : memref<32x8x128xf32, #tpu.memory_space<vmem>>, vector<16xf32>,
      %parallel_loop3A_662 = tpu.vector_load_idx %arg7[%parallel_loop3A_653, %parallel_loop3A_656] : memref<64x128xf32, #tpu.memory_space<vmem>>[vector<16xi32>, vector<16xi32>], vector<16xf32>,
      %parallel_loop3A_663 = arith.index_cast %parallel_loop3A_622 : i32 to index
      %parallel_loop3A_664 = arith.index_cast %parallel_loop3A_620 : i32 to index
      %parallel_loop3A_665 = arith.constant 16 : index
      %parallel_loop3A_666 = tpu.vector_load %arg9[%parallel_loop3A_663, %parallel_loop3A_664, %parallel_loop3A_665] {strides = array<i32>} : memref<32x8x128xf32, #tpu.memory_space<vmem>>, vector<16xf32>,
      tpu.vector_store %arg9[%parallel_loop3A_663, %parallel_loop3A_664, %parallel_loop3A_665], %parallel_loop3A_662 {strides = array<i32>} : memref<32x8x128xf32, #tpu.memory_space<vmem>>, vector<16xf32>,
      %parallel_loop3A_667 = arith.constant 1 : i32
      %parallel_loop3A_668 = arith.index_cast %parallel_loop3A_667 : i32 to index
      %parallel_loop3A_669 = arith.index_cast %parallel_loop3A_620 : i32 to index
      %parallel_loop3A_670 = arith.index_cast %parallel_loop3A_604 : i32 to index
      %parallel_loop3A_671 = arith.constant 32 : index
      %parallel_loop3A_672 = tpu.vector_load %arg5[%parallel_loop3A_668, %parallel_loop3A_669, %parallel_loop3A_670, %parallel_loop3A_671] {strides = array<i32>} : memref<4x8x8x128xi32, #tpu.memory_space<vmem>>, vector<16xi32>,
      %parallel_loop3A_673 = arith.constant 7 : i32
      %parallel_loop3A_674 = vector.broadcast %parallel_loop3A_673 : i32 to vector<16xi32>
      %parallel_loop3A_675 = arith.shrsi %parallel_loop3A_672, %parallel_loop3A_674 : vector<16xi32>
      %parallel_loop3A_676 = arith.constant 127 : i32
      %parallel_loop3A_677 = vector.broadcast %parallel_loop3A_676 : i32 to vector<16xi32>
      %parallel_loop3A_678 = arith.andi %parallel_loop3A_672, %parallel_loop3A_677 : vector<16xi32>
      %parallel_loop3A_679 = tpu.vector_load_idx %arg6[%parallel_loop3A_675, %parallel_loop3A_678] : memref<64x128xf32, #tpu.memory_space<vmem>>[vector<16xi32>, vector<16xi32>], vector<16xf32>,
      %parallel_loop3A_680 = arith.index_cast %parallel_loop3A_622 : i32 to index
      %parallel_loop3A_681 = arith.index_cast %parallel_loop3A_620 : i32 to index
      %parallel_loop3A_682 = arith.constant 32 : index
      %parallel_loop3A_683 = tpu.vector_load %arg8[%parallel_loop3A_680, %parallel_loop3A_681, %parallel_loop3A_682] {strides = array<i32>} : memref<32x8x128xf32, #tpu.memory_space<vmem>>, vector<16xf32>,
      tpu.vector_store %arg8[%parallel_loop3A_680, %parallel_loop3A_681, %parallel_loop3A_682], %parallel_loop3A_679 {strides = array<i32>} : memref<32x8x128xf32, #tpu.memory_space<vmem>>, vector<16xf32>,
      %parallel_loop3A_684 = tpu.vector_load_idx %arg7[%parallel_loop3A_675, %parallel_loop3A_678] : memref<64x128xf32, #tpu.memory_space<vmem>>[vector<16xi32>, vector<16xi32>], vector<16xf32>,
      %parallel_loop3A_685 = arith.index_cast %parallel_loop3A_622 : i32 to index
      %parallel_loop3A_686 = arith.index_cast %parallel_loop3A_620 : i32 to index
      %parallel_loop3A_687 = arith.constant 32 : index
      %parallel_loop3A_688 = tpu.vector_load %arg9[%parallel_loop3A_685, %parallel_loop3A_686, %parallel_loop3A_687] {strides = array<i32>} : memref<32x8x128xf32, #tpu.memory_space<vmem>>, vector<16xf32>,
      tpu.vector_store %arg9[%parallel_loop3A_685, %parallel_loop3A_686, %parallel_loop3A_687], %parallel_loop3A_684 {strides = array<i32>} : memref<32x8x128xf32, #tpu.memory_space<vmem>>, vector<16xf32>,
      %parallel_loop3A_689 = arith.constant 1 : i32
      %parallel_loop3A_690 = arith.index_cast %parallel_loop3A_689 : i32 to index
      %parallel_loop3A_691 = arith.index_cast %parallel_loop3A_620 : i32 to index
      %parallel_loop3A_692 = arith.index_cast %parallel_loop3A_604 : i32 to index
      %parallel_loop3A_693 = arith.constant 48 : index
      %parallel_loop3A_694 = tpu.vector_load %arg5[%parallel_loop3A_690, %parallel_loop3A_691, %parallel_loop3A_692, %parallel_loop3A_693] {strides = array<i32>} : memref<4x8x8x128xi32, #tpu.memory_space<vmem>>, vector<16xi32>,
      %parallel_loop3A_695 = arith.constant 7 : i32
      %parallel_loop3A_696 = vector.broadcast %parallel_loop3A_695 : i32 to vector<16xi32>
      %parallel_loop3A_697 = arith.shrsi %parallel_loop3A_694, %parallel_loop3A_696 : vector<16xi32>
      %parallel_loop3A_698 = arith.constant 127 : i32
      %parallel_loop3A_699 = vector.broadcast %parallel_loop3A_698 : i32 to vector<16xi32>
      %parallel_loop3A_700 = arith.andi %parallel_loop3A_694, %parallel_loop3A_699 : vector<16xi32>
      %parallel_loop3A_701 = tpu.vector_load_idx %arg6[%parallel_loop3A_697, %parallel_loop3A_700] : memref<64x128xf32, #tpu.memory_space<vmem>>[vector<16xi32>, vector<16xi32>], vector<16xf32>,
      %parallel_loop3A_702 = arith.index_cast %parallel_loop3A_622 : i32 to index
      %parallel_loop3A_703 = arith.index_cast %parallel_loop3A_620 : i32 to index
      %parallel_loop3A_704 = arith.constant 48 : index
      %parallel_loop3A_705 = tpu.vector_load %arg8[%parallel_loop3A_702, %parallel_loop3A_703, %parallel_loop3A_704] {strides = array<i32>} : memref<32x8x128xf32, #tpu.memory_space<vmem>>, vector<16xf32>,
      tpu.vector_store %arg8[%parallel_loop3A_702, %parallel_loop3A_703, %parallel_loop3A_704], %parallel_loop3A_701 {strides = array<i32>} : memref<32x8x128xf32, #tpu.memory_space<vmem>>, vector<16xf32>,
      %parallel_loop3A_706 = tpu.vector_load_idx %arg7[%parallel_loop3A_697, %parallel_loop3A_700] : memref<64x128xf32, #tpu.memory_space<vmem>>[vector<16xi32>, vector<16xi32>], vector<16xf32>,
      %parallel_loop3A_707 = arith.index_cast %parallel_loop3A_622 : i32 to index
      %parallel_loop3A_708 = arith.index_cast %parallel_loop3A_620 : i32 to index
      %parallel_loop3A_709 = arith.constant 48 : index
      %parallel_loop3A_710 = tpu.vector_load %arg9[%parallel_loop3A_707, %parallel_loop3A_708, %parallel_loop3A_709] {strides = array<i32>} : memref<32x8x128xf32, #tpu.memory_space<vmem>>, vector<16xf32>,
      tpu.vector_store %arg9[%parallel_loop3A_707, %parallel_loop3A_708, %parallel_loop3A_709], %parallel_loop3A_706 {strides = array<i32>} : memref<32x8x128xf32, #tpu.memory_space<vmem>>, vector<16xf32>,
      %parallel_loop3A_711 = arith.constant 1 : i32
      %parallel_loop3A_712 = arith.index_cast %parallel_loop3A_711 : i32 to index
      %parallel_loop3A_713 = arith.index_cast %parallel_loop3A_620 : i32 to index
      %parallel_loop3A_714 = arith.index_cast %parallel_loop3A_604 : i32 to index
      %parallel_loop3A_715 = arith.constant 64 : index
      %parallel_loop3A_716 = tpu.vector_load %arg5[%parallel_loop3A_712, %parallel_loop3A_713, %parallel_loop3A_714, %parallel_loop3A_715] {strides = array<i32>} : memref<4x8x8x128xi32, #tpu.memory_space<vmem>>, vector<16xi32>,
      %parallel_loop3A_717 = arith.constant 7 : i32
      %parallel_loop3A_718 = vector.broadcast %parallel_loop3A_717 : i32 to vector<16xi32>
      %parallel_loop3A_719 = arith.shrsi %parallel_loop3A_716, %parallel_loop3A_718 : vector<16xi32>
      %parallel_loop3A_720 = arith.constant 127 : i32
      %parallel_loop3A_721 = vector.broadcast %parallel_loop3A_720 : i32 to vector<16xi32>
      %parallel_loop3A_722 = arith.andi %parallel_loop3A_716, %parallel_loop3A_721 : vector<16xi32>
      %parallel_loop3A_723 = tpu.vector_load_idx %arg6[%parallel_loop3A_719, %parallel_loop3A_722] : memref<64x128xf32, #tpu.memory_space<vmem>>[vector<16xi32>, vector<16xi32>], vector<16xf32>,
      %parallel_loop3A_724 = arith.index_cast %parallel_loop3A_622 : i32 to index
      %parallel_loop3A_725 = arith.index_cast %parallel_loop3A_620 : i32 to index
      %parallel_loop3A_726 = arith.constant 64 : index
      %parallel_loop3A_727 = tpu.vector_load %arg8[%parallel_loop3A_724, %parallel_loop3A_725, %parallel_loop3A_726] {strides = array<i32>} : memref<32x8x128xf32, #tpu.memory_space<vmem>>, vector<16xf32>,
      tpu.vector_store %arg8[%parallel_loop3A_724, %parallel_loop3A_725, %parallel_loop3A_726], %parallel_loop3A_723 {strides = array<i32>} : memref<32x8x128xf32, #tpu.memory_space<vmem>>, vector<16xf32>,
      %parallel_loop3A_728 = tpu.vector_load_idx %arg7[%parallel_loop3A_719, %parallel_loop3A_722] : memref<64x128xf32, #tpu.memory_space<vmem>>[vector<16xi32>, vector<16xi32>], vector<16xf32>,
      %parallel_loop3A_729 = arith.index_cast %parallel_loop3A_622 : i32 to index
      %parallel_loop3A_730 = arith.index_cast %parallel_loop3A_620 : i32 to index
      %parallel_loop3A_731 = arith.constant 64 : index
      %parallel_loop3A_732 = tpu.vector_load %arg9[%parallel_loop3A_729, %parallel_loop3A_730, %parallel_loop3A_731] {strides = array<i32>} : memref<32x8x128xf32, #tpu.memory_space<vmem>>, vector<16xf32>,
      tpu.vector_store %arg9[%parallel_loop3A_729, %parallel_loop3A_730, %parallel_loop3A_731], %parallel_loop3A_728 {strides = array<i32>} : memref<32x8x128xf32, #tpu.memory_space<vmem>>, vector<16xf32>,
      %parallel_loop3A_733 = arith.constant 1 : i32
      %parallel_loop3A_734 = arith.index_cast %parallel_loop3A_733 : i32 to index
      %parallel_loop3A_735 = arith.index_cast %parallel_loop3A_620 : i32 to index
      %parallel_loop3A_736 = arith.index_cast %parallel_loop3A_604 : i32 to index
      %parallel_loop3A_737 = arith.constant 80 : index
      %parallel_loop3A_738 = tpu.vector_load %arg5[%parallel_loop3A_734, %parallel_loop3A_735, %parallel_loop3A_736, %parallel_loop3A_737] {strides = array<i32>} : memref<4x8x8x128xi32, #tpu.memory_space<vmem>>, vector<16xi32>,
      %parallel_loop3A_739 = arith.constant 7 : i32
      %parallel_loop3A_740 = vector.broadcast %parallel_loop3A_739 : i32 to vector<16xi32>
      %parallel_loop3A_741 = arith.shrsi %parallel_loop3A_738, %parallel_loop3A_740 : vector<16xi32>
      %parallel_loop3A_742 = arith.constant 127 : i32
      %parallel_loop3A_743 = vector.broadcast %parallel_loop3A_742 : i32 to vector<16xi32>
      %parallel_loop3A_744 = arith.andi %parallel_loop3A_738, %parallel_loop3A_743 : vector<16xi32>
      %parallel_loop3A_745 = tpu.vector_load_idx %arg6[%parallel_loop3A_741, %parallel_loop3A_744] : memref<64x128xf32, #tpu.memory_space<vmem>>[vector<16xi32>, vector<16xi32>], vector<16xf32>,
      %parallel_loop3A_746 = arith.index_cast %parallel_loop3A_622 : i32 to index
      %parallel_loop3A_747 = arith.index_cast %parallel_loop3A_620 : i32 to index
      %parallel_loop3A_748 = arith.constant 80 : index
      %parallel_loop3A_749 = tpu.vector_load %arg8[%parallel_loop3A_746, %parallel_loop3A_747, %parallel_loop3A_748] {strides = array<i32>} : memref<32x8x128xf32, #tpu.memory_space<vmem>>, vector<16xf32>,
      tpu.vector_store %arg8[%parallel_loop3A_746, %parallel_loop3A_747, %parallel_loop3A_748], %parallel_loop3A_745 {strides = array<i32>} : memref<32x8x128xf32, #tpu.memory_space<vmem>>, vector<16xf32>,
      %parallel_loop3A_750 = tpu.vector_load_idx %arg7[%parallel_loop3A_741, %parallel_loop3A_744] : memref<64x128xf32, #tpu.memory_space<vmem>>[vector<16xi32>, vector<16xi32>], vector<16xf32>,
      %parallel_loop3A_751 = arith.index_cast %parallel_loop3A_622 : i32 to index
      %parallel_loop3A_752 = arith.index_cast %parallel_loop3A_620 : i32 to index
      %parallel_loop3A_753 = arith.constant 80 : index
      %parallel_loop3A_754 = tpu.vector_load %arg9[%parallel_loop3A_751, %parallel_loop3A_752, %parallel_loop3A_753] {strides = array<i32>} : memref<32x8x128xf32, #tpu.memory_space<vmem>>, vector<16xf32>,
      tpu.vector_store %arg9[%parallel_loop3A_751, %parallel_loop3A_752, %parallel_loop3A_753], %parallel_loop3A_750 {strides = array<i32>} : memref<32x8x128xf32, #tpu.memory_space<vmem>>, vector<16xf32>,
      %parallel_loop3A_755 = arith.constant 1 : i32
      %parallel_loop3A_756 = arith.index_cast %parallel_loop3A_755 : i32 to index
      %parallel_loop3A_757 = arith.index_cast %parallel_loop3A_620 : i32 to index
      %parallel_loop3A_758 = arith.index_cast %parallel_loop3A_604 : i32 to index
      %parallel_loop3A_759 = arith.constant 96 : index
      %parallel_loop3A_760 = tpu.vector_load %arg5[%parallel_loop3A_756, %parallel_loop3A_757, %parallel_loop3A_758, %parallel_loop3A_759] {strides = array<i32>} : memref<4x8x8x128xi32, #tpu.memory_space<vmem>>, vector<16xi32>,
      %parallel_loop3A_761 = arith.constant 7 : i32
      %parallel_loop3A_762 = vector.broadcast %parallel_loop3A_761 : i32 to vector<16xi32>
      %parallel_loop3A_763 = arith.shrsi %parallel_loop3A_760, %parallel_loop3A_762 : vector<16xi32>
      %parallel_loop3A_764 = arith.constant 127 : i32
      %parallel_loop3A_765 = vector.broadcast %parallel_loop3A_764 : i32 to vector<16xi32>
      %parallel_loop3A_766 = arith.andi %parallel_loop3A_760, %parallel_loop3A_765 : vector<16xi32>
      %parallel_loop3A_767 = tpu.vector_load_idx %arg6[%parallel_loop3A_763, %parallel_loop3A_766] : memref<64x128xf32, #tpu.memory_space<vmem>>[vector<16xi32>, vector<16xi32>], vector<16xf32>,
      %parallel_loop3A_768 = arith.index_cast %parallel_loop3A_622 : i32 to index
      %parallel_loop3A_769 = arith.index_cast %parallel_loop3A_620 : i32 to index
      %parallel_loop3A_770 = arith.constant 96 : index
      %parallel_loop3A_771 = tpu.vector_load %arg8[%parallel_loop3A_768, %parallel_loop3A_769, %parallel_loop3A_770] {strides = array<i32>} : memref<32x8x128xf32, #tpu.memory_space<vmem>>, vector<16xf32>,
      tpu.vector_store %arg8[%parallel_loop3A_768, %parallel_loop3A_769, %parallel_loop3A_770], %parallel_loop3A_767 {strides = array<i32>} : memref<32x8x128xf32, #tpu.memory_space<vmem>>, vector<16xf32>,
      %parallel_loop3A_772 = tpu.vector_load_idx %arg7[%parallel_loop3A_763, %parallel_loop3A_766] : memref<64x128xf32, #tpu.memory_space<vmem>>[vector<16xi32>, vector<16xi32>], vector<16xf32>,
      %parallel_loop3A_773 = arith.index_cast %parallel_loop3A_622 : i32 to index
      %parallel_loop3A_774 = arith.index_cast %parallel_loop3A_620 : i32 to index
      %parallel_loop3A_775 = arith.constant 96 : index
      %parallel_loop3A_776 = tpu.vector_load %arg9[%parallel_loop3A_773, %parallel_loop3A_774, %parallel_loop3A_775] {strides = array<i32>} : memref<32x8x128xf32, #tpu.memory_space<vmem>>, vector<16xf32>,
      tpu.vector_store %arg9[%parallel_loop3A_773, %parallel_loop3A_774, %parallel_loop3A_775], %parallel_loop3A_772 {strides = array<i32>} : memref<32x8x128xf32, #tpu.memory_space<vmem>>, vector<16xf32>,
      %parallel_loop3A_777 = arith.constant 1 : i32
      %parallel_loop3A_778 = arith.index_cast %parallel_loop3A_777 : i32 to index
      %parallel_loop3A_779 = arith.index_cast %parallel_loop3A_620 : i32 to index
      %parallel_loop3A_780 = arith.index_cast %parallel_loop3A_604 : i32 to index
      %parallel_loop3A_781 = arith.constant 112 : index
      %parallel_loop3A_782 = tpu.vector_load %arg5[%parallel_loop3A_778, %parallel_loop3A_779, %parallel_loop3A_780, %parallel_loop3A_781] {strides = array<i32>} : memref<4x8x8x128xi32, #tpu.memory_space<vmem>>, vector<16xi32>,
      %parallel_loop3A_783 = arith.constant 7 : i32
      %parallel_loop3A_784 = vector.broadcast %parallel_loop3A_783 : i32 to vector<16xi32>
      %parallel_loop3A_785 = arith.shrsi %parallel_loop3A_782, %parallel_loop3A_784 : vector<16xi32>
      %parallel_loop3A_786 = arith.constant 127 : i32
      %parallel_loop3A_787 = vector.broadcast %parallel_loop3A_786 : i32 to vector<16xi32>
      %parallel_loop3A_788 = arith.andi %parallel_loop3A_782, %parallel_loop3A_787 : vector<16xi32>
      %parallel_loop3A_789 = tpu.vector_load_idx %arg6[%parallel_loop3A_785, %parallel_loop3A_788] : memref<64x128xf32, #tpu.memory_space<vmem>>[vector<16xi32>, vector<16xi32>], vector<16xf32>,
      %parallel_loop3A_790 = arith.index_cast %parallel_loop3A_622 : i32 to index
      %parallel_loop3A_791 = arith.index_cast %parallel_loop3A_620 : i32 to index
      %parallel_loop3A_792 = arith.constant 112 : index
      %parallel_loop3A_793 = tpu.vector_load %arg8[%parallel_loop3A_790, %parallel_loop3A_791, %parallel_loop3A_792] {strides = array<i32>} : memref<32x8x128xf32, #tpu.memory_space<vmem>>, vector<16xf32>,
      tpu.vector_store %arg8[%parallel_loop3A_790, %parallel_loop3A_791, %parallel_loop3A_792], %parallel_loop3A_789 {strides = array<i32>} : memref<32x8x128xf32, #tpu.memory_space<vmem>>, vector<16xf32>,
      %parallel_loop3A_794 = tpu.vector_load_idx %arg7[%parallel_loop3A_785, %parallel_loop3A_788] : memref<64x128xf32, #tpu.memory_space<vmem>>[vector<16xi32>, vector<16xi32>], vector<16xf32>,
      %parallel_loop3A_795 = arith.index_cast %parallel_loop3A_622 : i32 to index
      %parallel_loop3A_796 = arith.index_cast %parallel_loop3A_620 : i32 to index
      %parallel_loop3A_797 = arith.constant 112 : index
      %parallel_loop3A_798 = tpu.vector_load %arg9[%parallel_loop3A_795, %parallel_loop3A_796, %parallel_loop3A_797] {strides = array<i32>} : memref<32x8x128xf32, #tpu.memory_space<vmem>>, vector<16xf32>,
      tpu.vector_store %arg9[%parallel_loop3A_795, %parallel_loop3A_796, %parallel_loop3A_797], %parallel_loop3A_794 {strides = array<i32>} : memref<32x8x128xf32, #tpu.memory_space<vmem>>, vector<16xf32>,
    } {sc.loop_unroll_factor = 2 : i64, sc.parallel_access}
    %dma_start3A_278 = arith.constant 8 : i32
    %dma_start3A_279 = arith.constant 0 : i32
    %dma_start3A_280 = arith.constant 0 : i32
    %dma_start3A_281 = tpu.memref_slice %arg8[%dma_start3A_278, %dma_start3A_279, %dma_start3A_280] : memref<32x8x128xf32, #tpu.memory_space<vmem>> -> memref<8x8x128xf32, #tpu.memory_space<vmem>>
    %dma_start3A_282 = arith.constant 8 : i32
    %dma_start3A_283 = arith.constant 0 : i32
    %dma_start3A_284 = arith.constant 0 : i32
    %dma_start3A_285 = tpu.memref_slice %arg4[%dma_start3A_282, %select_n3A, %dma_start3A_283, %select_n3A_34, %dma_start3A_284] : memref<32x8x8x8x128xf32, #tpu.memory_space<hbm>> -> memref<8x1x8x1x128xf32, #tpu.memory_space<hbm>>
    %dma_start3A_286 = tpu.memref_squeeze %dma_start3A_285 : memref<8x1x8x1x128xf32, #tpu.memory_space<hbm>> -> memref<8x8x128xf32, #tpu.memory_space<hbm>>
    %dma_start3A_287 = arith.constant 8 : i32
    %dma_start3A_288 = arith.constant 0 : i32
    %dma_start3A_289 = arith.constant 0 : i32
    %dma_start3A_290 = tpu.memref_slice %arg4[%dma_start3A_287, %select_n3A, %dma_start3A_288, %select_n3A_34, %dma_start3A_289] : memref<32x8x8x8x128xf32, #tpu.memory_space<hbm>> -> memref<8x1x8x1x128xf32, #tpu.memory_space<hbm>>
    %dma_start3A_291 = tpu.memref_squeeze %dma_start3A_290 : memref<8x1x8x1x128xf32, #tpu.memory_space<hbm>> -> memref<8x8x128xf32, #tpu.memory_space<hbm>>
    %dma_start3A_292 = arith.constant 8 : i32
    %dma_start3A_293 = arith.constant 0 : i32
    %dma_start3A_294 = arith.constant 0 : i32
    %dma_start3A_295 = tpu.memref_slice %arg8[%dma_start3A_292, %dma_start3A_293, %dma_start3A_294] : memref<32x8x128xf32, #tpu.memory_space<vmem>> -> memref<8x8x128xf32, #tpu.memory_space<vmem>>
    tpu.enqueue_dma source(%dma_start3A_295 : memref<8x8x128xf32, #tpu.memory_space<vmem>>) target(%dma_start3A_291 : memref<8x8x128xf32, #tpu.memory_space<hbm>>) target_semaphore(%arg12 : memref<!tpu.dma_semaphore, #tpu.memory_space<semaphore_mem>>)
    %dma_start3A_296 = arith.constant 8 : i32
    %dma_start3A_297 = arith.constant 0 : i32
    %dma_start3A_298 = arith.constant 0 : i32
    %dma_start3A_299 = tpu.memref_slice %arg9[%dma_start3A_296, %dma_start3A_297, %dma_start3A_298] : memref<32x8x128xf32, #tpu.memory_space<vmem>> -> memref<8x8x128xf32, #tpu.memory_space<vmem>>
    %dma_start3A_300 = arith.constant 8 : i32
    %dma_start3A_301 = arith.constant 0 : i32
    %dma_start3A_302 = arith.constant 0 : i32
    %dma_start3A_303 = tpu.memref_slice %arg4[%dma_start3A_300, %select_n3A_58, %dma_start3A_301, %select_n3A_74, %dma_start3A_302] : memref<32x8x8x8x128xf32, #tpu.memory_space<hbm>> -> memref<8x1x8x1x128xf32, #tpu.memory_space<hbm>>
    %dma_start3A_304 = tpu.memref_squeeze %dma_start3A_303 : memref<8x1x8x1x128xf32, #tpu.memory_space<hbm>> -> memref<8x8x128xf32, #tpu.memory_space<hbm>>
    %dma_start3A_305 = arith.constant 8 : i32
    %dma_start3A_306 = arith.constant 0 : i32
    %dma_start3A_307 = arith.constant 0 : i32
    %dma_start3A_308 = tpu.memref_slice %arg4[%dma_start3A_305, %select_n3A_58, %dma_start3A_306, %select_n3A_74, %dma_start3A_307] : memref<32x8x8x8x128xf32, #tpu.memory_space<hbm>> -> memref<8x1x8x1x128xf32, #tpu.memory_space<hbm>>
    %dma_start3A_309 = tpu.memref_squeeze %dma_start3A_308 : memref<8x1x8x1x128xf32, #tpu.memory_space<hbm>> -> memref<8x8x128xf32, #tpu.memory_space<hbm>>
    %dma_start3A_310 = arith.constant 8 : i32
    %dma_start3A_311 = arith.constant 0 : i32
    %dma_start3A_312 = arith.constant 0 : i32
    %dma_start3A_313 = tpu.memref_slice %arg9[%dma_start3A_310, %dma_start3A_311, %dma_start3A_312] : memref<32x8x128xf32, #tpu.memory_space<vmem>> -> memref<8x8x128xf32, #tpu.memory_space<vmem>>
    tpu.enqueue_dma source(%dma_start3A_313 : memref<8x8x128xf32, #tpu.memory_space<vmem>>) target(%dma_start3A_309 : memref<8x8x128xf32, #tpu.memory_space<hbm>>) target_semaphore(%arg13 : memref<!tpu.dma_semaphore, #tpu.memory_space<semaphore_mem>>)
    %dma_wait3A_314 = arith.constant 2 : i32
    %dma_wait3A_315 = arith.constant 2 : i32
    %dma_wait3A_316 = arith.constant 0 : i32
    %dma_wait3A_317 = arith.constant 0 : i32
    %dma_wait3A_318 = arith.constant 0 : i32
    %dma_wait3A_319 = tpu.memref_slice %arg5[%dma_wait3A_315, %dma_wait3A_316, %dma_wait3A_317, %dma_wait3A_318] : memref<4x8x8x128xi32, #tpu.memory_space<vmem>> -> memref<1x8x8x128xi32, #tpu.memory_space<vmem>>
    %dma_wait3A_320 = tpu.memref_squeeze %dma_wait3A_319 : memref<1x8x8x128xi32, #tpu.memory_space<vmem>> -> memref<8x8x128xi32, #tpu.memory_space<vmem>>
    %dma_wait3A_321 = arith.constant 0 : i32
    %dma_wait3A_322 = arith.constant 0 : i32
    %dma_wait3A_323 = arith.constant 0 : i32
    %dma_wait3A_324 = tpu.memref_slice %arg3[%dma_wait3A_314, %dma_wait3A_321, %dma_wait3A_322, %dma_wait3A_323] : memref<4x8x8x128xi32, #tpu.memory_space<hbm>> -> memref<1x8x8x128xi32, #tpu.memory_space<hbm>>
    %dma_wait3A_325 = tpu.memref_squeeze %dma_wait3A_324 : memref<1x8x8x128xi32, #tpu.memory_space<hbm>> -> memref<8x8x128xi32, #tpu.memory_space<hbm>>
    %dma_wait3A_326 = arith.constant 0 : i32
    %dma_wait3A_327 = arith.constant 0 : i32
    %dma_wait3A_328 = arith.constant 0 : i32
    %dma_wait3A_329 = tpu.memref_slice %arg5[%dma_wait3A_315, %dma_wait3A_326, %dma_wait3A_327, %dma_wait3A_328] : memref<4x8x8x128xi32, #tpu.memory_space<vmem>> -> memref<1x8x8x128xi32, #tpu.memory_space<vmem>>
    %dma_wait3A_330 = tpu.memref_squeeze %dma_wait3A_329 : memref<1x8x8x128xi32, #tpu.memory_space<vmem>> -> memref<8x8x128xi32, #tpu.memory_space<vmem>>
    %dma_wait3A_331 = arith.constant 0 : i32
    %dma_wait3A_332 = arith.constant 0 : i32
    %dma_wait3A_333 = arith.constant 0 : i32
    %dma_wait3A_334 = tpu.memref_slice %arg3[%dma_wait3A_314, %dma_wait3A_331, %dma_wait3A_332, %dma_wait3A_333] : memref<4x8x8x128xi32, #tpu.memory_space<hbm>> -> memref<1x8x8x128xi32, #tpu.memory_space<hbm>>
    %dma_wait3A_335 = tpu.memref_squeeze %dma_wait3A_334 : memref<1x8x8x128xi32, #tpu.memory_space<hbm>> -> memref<8x8x128xi32, #tpu.memory_space<hbm>>
    tpu.wait_dma2 semaphore(%arg11 : memref<!tpu.dma_semaphore, #tpu.memory_space<semaphore_mem>>) src(%dma_wait3A_335 : memref<8x8x128xi32, #tpu.memory_space<hbm>>) dst(%dma_wait3A_330 : memref<8x8x128xi32, #tpu.memory_space<vmem>>)
    %parallel_loop3A_336 = arith.constant 0 : i32
    %parallel_loop3A_337 = arith.constant 64 : i32
    %parallel_loop3A_338 = arith.constant 1 : i32
    scf.for %parallel_loop3A_580 = %parallel_loop3A_336 to %parallel_loop3A_337 step %parallel_loop3A_338  : i32 {
      %parallel_loop3A_581 = arith.constant 8 : i32
      %parallel_loop3A_582 = arith.divsi %parallel_loop3A_580, %parallel_loop3A_581 : i32
      %parallel_loop3A_583 = arith.constant 0 : i32
      %parallel_loop3A_584 = arith.cmpi sgt, %parallel_loop3A_580, %parallel_loop3A_583 : i32
      %parallel_loop3A_585 = arith.extui %parallel_loop3A_584 : i1 to i32
      %parallel_loop3A_586 = arith.constant 0 : i32
      %parallel_loop3A_587 = arith.cmpi slt, %parallel_loop3A_580, %parallel_loop3A_586 : i32
      %parallel_loop3A_588 = arith.extui %parallel_loop3A_587 : i1 to i32
      %parallel_loop3A_589 = arith.subi %parallel_loop3A_585, %parallel_loop3A_588 : i32
      %parallel_loop3A_590 = arith.constant 0 : i32
      %parallel_loop3A_591 = arith.cmpi sgt, %parallel_loop3A_581, %parallel_loop3A_590 : i32
      %parallel_loop3A_592 = arith.extui %parallel_loop3A_591 : i1 to i32
      %parallel_loop3A_593 = arith.constant 0 : i32
      %parallel_loop3A_594 = arith.cmpi slt, %parallel_loop3A_581, %parallel_loop3A_593 : i32
      %parallel_loop3A_595 = arith.extui %parallel_loop3A_594 : i1 to i32
      %parallel_loop3A_596 = arith.subi %parallel_loop3A_592, %parallel_loop3A_595 : i32
      %parallel_loop3A_597 = arith.cmpi ne, %parallel_loop3A_589, %parallel_loop3A_596 : i32
      %parallel_loop3A_598 = arith.remsi %parallel_loop3A_580, %parallel_loop3A_581 : i32
      %parallel_loop3A_599 = arith.constant 0 : i32
      %parallel_loop3A_600 = arith.cmpi ne, %parallel_loop3A_598, %parallel_loop3A_599 : i32
      %parallel_loop3A_601 = arith.andi %parallel_loop3A_597, %parallel_loop3A_600 : i1
      %parallel_loop3A_602 = arith.constant 1 : i32
      %parallel_loop3A_603 = arith.subi %parallel_loop3A_582, %parallel_loop3A_602 : i32
      %parallel_loop3A_604 = arith.select %parallel_loop3A_601, %parallel_loop3A_603, %parallel_loop3A_582 : i32
      %parallel_loop3A_605 = arith.constant 8 : i32
      %parallel_loop3A_606 = arith.constant 0 : i32
      %parallel_loop3A_607 = arith.cmpi eq, %parallel_loop3A_605, %parallel_loop3A_606 : i32
      %parallel_loop3A_608 = arith.constant 1 : i32
      %parallel_loop3A_609 = arith.select %parallel_loop3A_607, %parallel_loop3A_608, %parallel_loop3A_605 : i32
      %parallel_loop3A_610 = arith.remsi %parallel_loop3A_580, %parallel_loop3A_609 : i32
      %parallel_loop3A_611 = arith.constant 0 : i32
      %parallel_loop3A_612 = arith.cmpi ne, %parallel_loop3A_610, %parallel_loop3A_611 : i32
      %parallel_loop3A_613 = arith.constant 0 : i32
      %parallel_loop3A_614 = arith.cmpi slt, %parallel_loop3A_610, %parallel_loop3A_613 : i32
      %parallel_loop3A_615 = arith.constant 0 : i32
      %parallel_loop3A_616 = arith.cmpi slt, %parallel_loop3A_609, %parallel_loop3A_615 : i32
      %parallel_loop3A_617 = arith.xori %parallel_loop3A_614, %parallel_loop3A_616 : i1
      %parallel_loop3A_618 = arith.andi %parallel_loop3A_617, %parallel_loop3A_612 : i1
      %parallel_loop3A_619 = arith.addi %parallel_loop3A_610, %parallel_loop3A_609 : i32
      %parallel_loop3A_620 = arith.select %parallel_loop3A_618, %parallel_loop3A_619, %parallel_loop3A_610 : i32
      %parallel_loop3A_621 = arith.constant 16 : i32
      %parallel_loop3A_622 = arith.addi %parallel_loop3A_621, %parallel_loop3A_604 : i32
      %parallel_loop3A_623 = arith.constant 2 : i32
      %parallel_loop3A_624 = arith.index_cast %parallel_loop3A_623 : i32 to index
      %parallel_loop3A_625 = arith.index_cast %parallel_loop3A_620 : i32 to index
      %parallel_loop3A_626 = arith.index_cast %parallel_loop3A_604 : i32 to index
      %parallel_loop3A_627 = arith.constant 0 : index
      %parallel_loop3A_628 = tpu.vector_load %arg5[%parallel_loop3A_624, %parallel_loop3A_625, %parallel_loop3A_626, %parallel_loop3A_627] {strides = array<i32>} : memref<4x8x8x128xi32, #tpu.memory_space<vmem>>, vector<16xi32>,
      %parallel_loop3A_629 = arith.constant 7 : i32
      %parallel_loop3A_630 = vector.broadcast %parallel_loop3A_629 : i32 to vector<16xi32>
      %parallel_loop3A_631 = arith.shrsi %parallel_loop3A_628, %parallel_loop3A_630 : vector<16xi32>
      %parallel_loop3A_632 = arith.constant 127 : i32
      %parallel_loop3A_633 = vector.broadcast %parallel_loop3A_632 : i32 to vector<16xi32>
      %parallel_loop3A_634 = arith.andi %parallel_loop3A_628, %parallel_loop3A_633 : vector<16xi32>
      %parallel_loop3A_635 = tpu.vector_load_idx %arg6[%parallel_loop3A_631, %parallel_loop3A_634] : memref<64x128xf32, #tpu.memory_space<vmem>>[vector<16xi32>, vector<16xi32>], vector<16xf32>,
      %parallel_loop3A_636 = arith.index_cast %parallel_loop3A_622 : i32 to index
      %parallel_loop3A_637 = arith.index_cast %parallel_loop3A_620 : i32 to index
      %parallel_loop3A_638 = arith.constant 0 : index
      %parallel_loop3A_639 = tpu.vector_load %arg8[%parallel_loop3A_636, %parallel_loop3A_637, %parallel_loop3A_638] {strides = array<i32>} : memref<32x8x128xf32, #tpu.memory_space<vmem>>, vector<16xf32>,
      tpu.vector_store %arg8[%parallel_loop3A_636, %parallel_loop3A_637, %parallel_loop3A_638], %parallel_loop3A_635 {strides = array<i32>} : memref<32x8x128xf32, #tpu.memory_space<vmem>>, vector<16xf32>,
      %parallel_loop3A_640 = tpu.vector_load_idx %arg7[%parallel_loop3A_631, %parallel_loop3A_634] : memref<64x128xf32, #tpu.memory_space<vmem>>[vector<16xi32>, vector<16xi32>], vector<16xf32>,
      %parallel_loop3A_641 = arith.index_cast %parallel_loop3A_622 : i32 to index
      %parallel_loop3A_642 = arith.index_cast %parallel_loop3A_620 : i32 to index
      %parallel_loop3A_643 = arith.constant 0 : index
      %parallel_loop3A_644 = tpu.vector_load %arg9[%parallel_loop3A_641, %parallel_loop3A_642, %parallel_loop3A_643] {strides = array<i32>} : memref<32x8x128xf32, #tpu.memory_space<vmem>>, vector<16xf32>,
      tpu.vector_store %arg9[%parallel_loop3A_641, %parallel_loop3A_642, %parallel_loop3A_643], %parallel_loop3A_640 {strides = array<i32>} : memref<32x8x128xf32, #tpu.memory_space<vmem>>, vector<16xf32>,
      %parallel_loop3A_645 = arith.constant 2 : i32
      %parallel_loop3A_646 = arith.index_cast %parallel_loop3A_645 : i32 to index
      %parallel_loop3A_647 = arith.index_cast %parallel_loop3A_620 : i32 to index
      %parallel_loop3A_648 = arith.index_cast %parallel_loop3A_604 : i32 to index
      %parallel_loop3A_649 = arith.constant 16 : index
      %parallel_loop3A_650 = tpu.vector_load %arg5[%parallel_loop3A_646, %parallel_loop3A_647, %parallel_loop3A_648, %parallel_loop3A_649] {strides = array<i32>} : memref<4x8x8x128xi32, #tpu.memory_space<vmem>>, vector<16xi32>,
      %parallel_loop3A_651 = arith.constant 7 : i32
      %parallel_loop3A_652 = vector.broadcast %parallel_loop3A_651 : i32 to vector<16xi32>
      %parallel_loop3A_653 = arith.shrsi %parallel_loop3A_650, %parallel_loop3A_652 : vector<16xi32>
      %parallel_loop3A_654 = arith.constant 127 : i32
      %parallel_loop3A_655 = vector.broadcast %parallel_loop3A_654 : i32 to vector<16xi32>
      %parallel_loop3A_656 = arith.andi %parallel_loop3A_650, %parallel_loop3A_655 : vector<16xi32>
      %parallel_loop3A_657 = tpu.vector_load_idx %arg6[%parallel_loop3A_653, %parallel_loop3A_656] : memref<64x128xf32, #tpu.memory_space<vmem>>[vector<16xi32>, vector<16xi32>], vector<16xf32>,
      %parallel_loop3A_658 = arith.index_cast %parallel_loop3A_622 : i32 to index
      %parallel_loop3A_659 = arith.index_cast %parallel_loop3A_620 : i32 to index
      %parallel_loop3A_660 = arith.constant 16 : index
      %parallel_loop3A_661 = tpu.vector_load %arg8[%parallel_loop3A_658, %parallel_loop3A_659, %parallel_loop3A_660] {strides = array<i32>} : memref<32x8x128xf32, #tpu.memory_space<vmem>>, vector<16xf32>,
      tpu.vector_store %arg8[%parallel_loop3A_658, %parallel_loop3A_659, %parallel_loop3A_660], %parallel_loop3A_657 {strides = array<i32>} : memref<32x8x128xf32, #tpu.memory_space<vmem>>, vector<16xf32>,
      %parallel_loop3A_662 = tpu.vector_load_idx %arg7[%parallel_loop3A_653, %parallel_loop3A_656] : memref<64x128xf32, #tpu.memory_space<vmem>>[vector<16xi32>, vector<16xi32>], vector<16xf32>,
      %parallel_loop3A_663 = arith.index_cast %parallel_loop3A_622 : i32 to index
      %parallel_loop3A_664 = arith.index_cast %parallel_loop3A_620 : i32 to index
      %parallel_loop3A_665 = arith.constant 16 : index
      %parallel_loop3A_666 = tpu.vector_load %arg9[%parallel_loop3A_663, %parallel_loop3A_664, %parallel_loop3A_665] {strides = array<i32>} : memref<32x8x128xf32, #tpu.memory_space<vmem>>, vector<16xf32>,
      tpu.vector_store %arg9[%parallel_loop3A_663, %parallel_loop3A_664, %parallel_loop3A_665], %parallel_loop3A_662 {strides = array<i32>} : memref<32x8x128xf32, #tpu.memory_space<vmem>>, vector<16xf32>,
      %parallel_loop3A_667 = arith.constant 2 : i32
      %parallel_loop3A_668 = arith.index_cast %parallel_loop3A_667 : i32 to index
      %parallel_loop3A_669 = arith.index_cast %parallel_loop3A_620 : i32 to index
      %parallel_loop3A_670 = arith.index_cast %parallel_loop3A_604 : i32 to index
      %parallel_loop3A_671 = arith.constant 32 : index
      %parallel_loop3A_672 = tpu.vector_load %arg5[%parallel_loop3A_668, %parallel_loop3A_669, %parallel_loop3A_670, %parallel_loop3A_671] {strides = array<i32>} : memref<4x8x8x128xi32, #tpu.memory_space<vmem>>, vector<16xi32>,
      %parallel_loop3A_673 = arith.constant 7 : i32
      %parallel_loop3A_674 = vector.broadcast %parallel_loop3A_673 : i32 to vector<16xi32>
      %parallel_loop3A_675 = arith.shrsi %parallel_loop3A_672, %parallel_loop3A_674 : vector<16xi32>
      %parallel_loop3A_676 = arith.constant 127 : i32
      %parallel_loop3A_677 = vector.broadcast %parallel_loop3A_676 : i32 to vector<16xi32>
      %parallel_loop3A_678 = arith.andi %parallel_loop3A_672, %parallel_loop3A_677 : vector<16xi32>
      %parallel_loop3A_679 = tpu.vector_load_idx %arg6[%parallel_loop3A_675, %parallel_loop3A_678] : memref<64x128xf32, #tpu.memory_space<vmem>>[vector<16xi32>, vector<16xi32>], vector<16xf32>,
      %parallel_loop3A_680 = arith.index_cast %parallel_loop3A_622 : i32 to index
      %parallel_loop3A_681 = arith.index_cast %parallel_loop3A_620 : i32 to index
      %parallel_loop3A_682 = arith.constant 32 : index
      %parallel_loop3A_683 = tpu.vector_load %arg8[%parallel_loop3A_680, %parallel_loop3A_681, %parallel_loop3A_682] {strides = array<i32>} : memref<32x8x128xf32, #tpu.memory_space<vmem>>, vector<16xf32>,
      tpu.vector_store %arg8[%parallel_loop3A_680, %parallel_loop3A_681, %parallel_loop3A_682], %parallel_loop3A_679 {strides = array<i32>} : memref<32x8x128xf32, #tpu.memory_space<vmem>>, vector<16xf32>,
      %parallel_loop3A_684 = tpu.vector_load_idx %arg7[%parallel_loop3A_675, %parallel_loop3A_678] : memref<64x128xf32, #tpu.memory_space<vmem>>[vector<16xi32>, vector<16xi32>], vector<16xf32>,
      %parallel_loop3A_685 = arith.index_cast %parallel_loop3A_622 : i32 to index
      %parallel_loop3A_686 = arith.index_cast %parallel_loop3A_620 : i32 to index
      %parallel_loop3A_687 = arith.constant 32 : index
      %parallel_loop3A_688 = tpu.vector_load %arg9[%parallel_loop3A_685, %parallel_loop3A_686, %parallel_loop3A_687] {strides = array<i32>} : memref<32x8x128xf32, #tpu.memory_space<vmem>>, vector<16xf32>,
      tpu.vector_store %arg9[%parallel_loop3A_685, %parallel_loop3A_686, %parallel_loop3A_687], %parallel_loop3A_684 {strides = array<i32>} : memref<32x8x128xf32, #tpu.memory_space<vmem>>, vector<16xf32>,
      %parallel_loop3A_689 = arith.constant 2 : i32
      %parallel_loop3A_690 = arith.index_cast %parallel_loop3A_689 : i32 to index
      %parallel_loop3A_691 = arith.index_cast %parallel_loop3A_620 : i32 to index
      %parallel_loop3A_692 = arith.index_cast %parallel_loop3A_604 : i32 to index
      %parallel_loop3A_693 = arith.constant 48 : index
      %parallel_loop3A_694 = tpu.vector_load %arg5[%parallel_loop3A_690, %parallel_loop3A_691, %parallel_loop3A_692, %parallel_loop3A_693] {strides = array<i32>} : memref<4x8x8x128xi32, #tpu.memory_space<vmem>>, vector<16xi32>,
      %parallel_loop3A_695 = arith.constant 7 : i32
      %parallel_loop3A_696 = vector.broadcast %parallel_loop3A_695 : i32 to vector<16xi32>
      %parallel_loop3A_697 = arith.shrsi %parallel_loop3A_694, %parallel_loop3A_696 : vector<16xi32>
      %parallel_loop3A_698 = arith.constant 127 : i32
      %parallel_loop3A_699 = vector.broadcast %parallel_loop3A_698 : i32 to vector<16xi32>
      %parallel_loop3A_700 = arith.andi %parallel_loop3A_694, %parallel_loop3A_699 : vector<16xi32>
      %parallel_loop3A_701 = tpu.vector_load_idx %arg6[%parallel_loop3A_697, %parallel_loop3A_700] : memref<64x128xf32, #tpu.memory_space<vmem>>[vector<16xi32>, vector<16xi32>], vector<16xf32>,
      %parallel_loop3A_702 = arith.index_cast %parallel_loop3A_622 : i32 to index
      %parallel_loop3A_703 = arith.index_cast %parallel_loop3A_620 : i32 to index
      %parallel_loop3A_704 = arith.constant 48 : index
      %parallel_loop3A_705 = tpu.vector_load %arg8[%parallel_loop3A_702, %parallel_loop3A_703, %parallel_loop3A_704] {strides = array<i32>} : memref<32x8x128xf32, #tpu.memory_space<vmem>>, vector<16xf32>,
      tpu.vector_store %arg8[%parallel_loop3A_702, %parallel_loop3A_703, %parallel_loop3A_704], %parallel_loop3A_701 {strides = array<i32>} : memref<32x8x128xf32, #tpu.memory_space<vmem>>, vector<16xf32>,
      %parallel_loop3A_706 = tpu.vector_load_idx %arg7[%parallel_loop3A_697, %parallel_loop3A_700] : memref<64x128xf32, #tpu.memory_space<vmem>>[vector<16xi32>, vector<16xi32>], vector<16xf32>,
      %parallel_loop3A_707 = arith.index_cast %parallel_loop3A_622 : i32 to index
      %parallel_loop3A_708 = arith.index_cast %parallel_loop3A_620 : i32 to index
      %parallel_loop3A_709 = arith.constant 48 : index
      %parallel_loop3A_710 = tpu.vector_load %arg9[%parallel_loop3A_707, %parallel_loop3A_708, %parallel_loop3A_709] {strides = array<i32>} : memref<32x8x128xf32, #tpu.memory_space<vmem>>, vector<16xf32>,
      tpu.vector_store %arg9[%parallel_loop3A_707, %parallel_loop3A_708, %parallel_loop3A_709], %parallel_loop3A_706 {strides = array<i32>} : memref<32x8x128xf32, #tpu.memory_space<vmem>>, vector<16xf32>,
      %parallel_loop3A_711 = arith.constant 2 : i32
      %parallel_loop3A_712 = arith.index_cast %parallel_loop3A_711 : i32 to index
      %parallel_loop3A_713 = arith.index_cast %parallel_loop3A_620 : i32 to index
      %parallel_loop3A_714 = arith.index_cast %parallel_loop3A_604 : i32 to index
      %parallel_loop3A_715 = arith.constant 64 : index
      %parallel_loop3A_716 = tpu.vector_load %arg5[%parallel_loop3A_712, %parallel_loop3A_713, %parallel_loop3A_714, %parallel_loop3A_715] {strides = array<i32>} : memref<4x8x8x128xi32, #tpu.memory_space<vmem>>, vector<16xi32>,
      %parallel_loop3A_717 = arith.constant 7 : i32
      %parallel_loop3A_718 = vector.broadcast %parallel_loop3A_717 : i32 to vector<16xi32>
      %parallel_loop3A_719 = arith.shrsi %parallel_loop3A_716, %parallel_loop3A_718 : vector<16xi32>
      %parallel_loop3A_720 = arith.constant 127 : i32
      %parallel_loop3A_721 = vector.broadcast %parallel_loop3A_720 : i32 to vector<16xi32>
      %parallel_loop3A_722 = arith.andi %parallel_loop3A_716, %parallel_loop3A_721 : vector<16xi32>
      %parallel_loop3A_723 = tpu.vector_load_idx %arg6[%parallel_loop3A_719, %parallel_loop3A_722] : memref<64x128xf32, #tpu.memory_space<vmem>>[vector<16xi32>, vector<16xi32>], vector<16xf32>,
      %parallel_loop3A_724 = arith.index_cast %parallel_loop3A_622 : i32 to index
      %parallel_loop3A_725 = arith.index_cast %parallel_loop3A_620 : i32 to index
      %parallel_loop3A_726 = arith.constant 64 : index
      %parallel_loop3A_727 = tpu.vector_load %arg8[%parallel_loop3A_724, %parallel_loop3A_725, %parallel_loop3A_726] {strides = array<i32>} : memref<32x8x128xf32, #tpu.memory_space<vmem>>, vector<16xf32>,
      tpu.vector_store %arg8[%parallel_loop3A_724, %parallel_loop3A_725, %parallel_loop3A_726], %parallel_loop3A_723 {strides = array<i32>} : memref<32x8x128xf32, #tpu.memory_space<vmem>>, vector<16xf32>,
      %parallel_loop3A_728 = tpu.vector_load_idx %arg7[%parallel_loop3A_719, %parallel_loop3A_722] : memref<64x128xf32, #tpu.memory_space<vmem>>[vector<16xi32>, vector<16xi32>], vector<16xf32>,
      %parallel_loop3A_729 = arith.index_cast %parallel_loop3A_622 : i32 to index
      %parallel_loop3A_730 = arith.index_cast %parallel_loop3A_620 : i32 to index
      %parallel_loop3A_731 = arith.constant 64 : index
      %parallel_loop3A_732 = tpu.vector_load %arg9[%parallel_loop3A_729, %parallel_loop3A_730, %parallel_loop3A_731] {strides = array<i32>} : memref<32x8x128xf32, #tpu.memory_space<vmem>>, vector<16xf32>,
      tpu.vector_store %arg9[%parallel_loop3A_729, %parallel_loop3A_730, %parallel_loop3A_731], %parallel_loop3A_728 {strides = array<i32>} : memref<32x8x128xf32, #tpu.memory_space<vmem>>, vector<16xf32>,
      %parallel_loop3A_733 = arith.constant 2 : i32
      %parallel_loop3A_734 = arith.index_cast %parallel_loop3A_733 : i32 to index
      %parallel_loop3A_735 = arith.index_cast %parallel_loop3A_620 : i32 to index
      %parallel_loop3A_736 = arith.index_cast %parallel_loop3A_604 : i32 to index
      %parallel_loop3A_737 = arith.constant 80 : index
      %parallel_loop3A_738 = tpu.vector_load %arg5[%parallel_loop3A_734, %parallel_loop3A_735, %parallel_loop3A_736, %parallel_loop3A_737] {strides = array<i32>} : memref<4x8x8x128xi32, #tpu.memory_space<vmem>>, vector<16xi32>,
      %parallel_loop3A_739 = arith.constant 7 : i32
      %parallel_loop3A_740 = vector.broadcast %parallel_loop3A_739 : i32 to vector<16xi32>
      %parallel_loop3A_741 = arith.shrsi %parallel_loop3A_738, %parallel_loop3A_740 : vector<16xi32>
      %parallel_loop3A_742 = arith.constant 127 : i32
      %parallel_loop3A_743 = vector.broadcast %parallel_loop3A_742 : i32 to vector<16xi32>
      %parallel_loop3A_744 = arith.andi %parallel_loop3A_738, %parallel_loop3A_743 : vector<16xi32>
      %parallel_loop3A_745 = tpu.vector_load_idx %arg6[%parallel_loop3A_741, %parallel_loop3A_744] : memref<64x128xf32, #tpu.memory_space<vmem>>[vector<16xi32>, vector<16xi32>], vector<16xf32>,
      %parallel_loop3A_746 = arith.index_cast %parallel_loop3A_622 : i32 to index
      %parallel_loop3A_747 = arith.index_cast %parallel_loop3A_620 : i32 to index
      %parallel_loop3A_748 = arith.constant 80 : index
      %parallel_loop3A_749 = tpu.vector_load %arg8[%parallel_loop3A_746, %parallel_loop3A_747, %parallel_loop3A_748] {strides = array<i32>} : memref<32x8x128xf32, #tpu.memory_space<vmem>>, vector<16xf32>,
      tpu.vector_store %arg8[%parallel_loop3A_746, %parallel_loop3A_747, %parallel_loop3A_748], %parallel_loop3A_745 {strides = array<i32>} : memref<32x8x128xf32, #tpu.memory_space<vmem>>, vector<16xf32>,
      %parallel_loop3A_750 = tpu.vector_load_idx %arg7[%parallel_loop3A_741, %parallel_loop3A_744] : memref<64x128xf32, #tpu.memory_space<vmem>>[vector<16xi32>, vector<16xi32>], vector<16xf32>,
      %parallel_loop3A_751 = arith.index_cast %parallel_loop3A_622 : i32 to index
      %parallel_loop3A_752 = arith.index_cast %parallel_loop3A_620 : i32 to index
      %parallel_loop3A_753 = arith.constant 80 : index
      %parallel_loop3A_754 = tpu.vector_load %arg9[%parallel_loop3A_751, %parallel_loop3A_752, %parallel_loop3A_753] {strides = array<i32>} : memref<32x8x128xf32, #tpu.memory_space<vmem>>, vector<16xf32>,
      tpu.vector_store %arg9[%parallel_loop3A_751, %parallel_loop3A_752, %parallel_loop3A_753], %parallel_loop3A_750 {strides = array<i32>} : memref<32x8x128xf32, #tpu.memory_space<vmem>>, vector<16xf32>,
      %parallel_loop3A_755 = arith.constant 2 : i32
      %parallel_loop3A_756 = arith.index_cast %parallel_loop3A_755 : i32 to index
      %parallel_loop3A_757 = arith.index_cast %parallel_loop3A_620 : i32 to index
      %parallel_loop3A_758 = arith.index_cast %parallel_loop3A_604 : i32 to index
      %parallel_loop3A_759 = arith.constant 96 : index
      %parallel_loop3A_760 = tpu.vector_load %arg5[%parallel_loop3A_756, %parallel_loop3A_757, %parallel_loop3A_758, %parallel_loop3A_759] {strides = array<i32>} : memref<4x8x8x128xi32, #tpu.memory_space<vmem>>, vector<16xi32>,
      %parallel_loop3A_761 = arith.constant 7 : i32
      %parallel_loop3A_762 = vector.broadcast %parallel_loop3A_761 : i32 to vector<16xi32>
      %parallel_loop3A_763 = arith.shrsi %parallel_loop3A_760, %parallel_loop3A_762 : vector<16xi32>
      %parallel_loop3A_764 = arith.constant 127 : i32
      %parallel_loop3A_765 = vector.broadcast %parallel_loop3A_764 : i32 to vector<16xi32>
      %parallel_loop3A_766 = arith.andi %parallel_loop3A_760, %parallel_loop3A_765 : vector<16xi32>
      %parallel_loop3A_767 = tpu.vector_load_idx %arg6[%parallel_loop3A_763, %parallel_loop3A_766] : memref<64x128xf32, #tpu.memory_space<vmem>>[vector<16xi32>, vector<16xi32>], vector<16xf32>,
      %parallel_loop3A_768 = arith.index_cast %parallel_loop3A_622 : i32 to index
      %parallel_loop3A_769 = arith.index_cast %parallel_loop3A_620 : i32 to index
      %parallel_loop3A_770 = arith.constant 96 : index
      %parallel_loop3A_771 = tpu.vector_load %arg8[%parallel_loop3A_768, %parallel_loop3A_769, %parallel_loop3A_770] {strides = array<i32>} : memref<32x8x128xf32, #tpu.memory_space<vmem>>, vector<16xf32>,
      tpu.vector_store %arg8[%parallel_loop3A_768, %parallel_loop3A_769, %parallel_loop3A_770], %parallel_loop3A_767 {strides = array<i32>} : memref<32x8x128xf32, #tpu.memory_space<vmem>>, vector<16xf32>,
      %parallel_loop3A_772 = tpu.vector_load_idx %arg7[%parallel_loop3A_763, %parallel_loop3A_766] : memref<64x128xf32, #tpu.memory_space<vmem>>[vector<16xi32>, vector<16xi32>], vector<16xf32>,
      %parallel_loop3A_773 = arith.index_cast %parallel_loop3A_622 : i32 to index
      %parallel_loop3A_774 = arith.index_cast %parallel_loop3A_620 : i32 to index
      %parallel_loop3A_775 = arith.constant 96 : index
      %parallel_loop3A_776 = tpu.vector_load %arg9[%parallel_loop3A_773, %parallel_loop3A_774, %parallel_loop3A_775] {strides = array<i32>} : memref<32x8x128xf32, #tpu.memory_space<vmem>>, vector<16xf32>,
      tpu.vector_store %arg9[%parallel_loop3A_773, %parallel_loop3A_774, %parallel_loop3A_775], %parallel_loop3A_772 {strides = array<i32>} : memref<32x8x128xf32, #tpu.memory_space<vmem>>, vector<16xf32>,
      %parallel_loop3A_777 = arith.constant 2 : i32
      %parallel_loop3A_778 = arith.index_cast %parallel_loop3A_777 : i32 to index
      %parallel_loop3A_779 = arith.index_cast %parallel_loop3A_620 : i32 to index
      %parallel_loop3A_780 = arith.index_cast %parallel_loop3A_604 : i32 to index
      %parallel_loop3A_781 = arith.constant 112 : index
      %parallel_loop3A_782 = tpu.vector_load %arg5[%parallel_loop3A_778, %parallel_loop3A_779, %parallel_loop3A_780, %parallel_loop3A_781] {strides = array<i32>} : memref<4x8x8x128xi32, #tpu.memory_space<vmem>>, vector<16xi32>,
      %parallel_loop3A_783 = arith.constant 7 : i32
      %parallel_loop3A_784 = vector.broadcast %parallel_loop3A_783 : i32 to vector<16xi32>
      %parallel_loop3A_785 = arith.shrsi %parallel_loop3A_782, %parallel_loop3A_784 : vector<16xi32>
      %parallel_loop3A_786 = arith.constant 127 : i32
      %parallel_loop3A_787 = vector.broadcast %parallel_loop3A_786 : i32 to vector<16xi32>
      %parallel_loop3A_788 = arith.andi %parallel_loop3A_782, %parallel_loop3A_787 : vector<16xi32>
      %parallel_loop3A_789 = tpu.vector_load_idx %arg6[%parallel_loop3A_785, %parallel_loop3A_788] : memref<64x128xf32, #tpu.memory_space<vmem>>[vector<16xi32>, vector<16xi32>], vector<16xf32>,
      %parallel_loop3A_790 = arith.index_cast %parallel_loop3A_622 : i32 to index
      %parallel_loop3A_791 = arith.index_cast %parallel_loop3A_620 : i32 to index
      %parallel_loop3A_792 = arith.constant 112 : index
      %parallel_loop3A_793 = tpu.vector_load %arg8[%parallel_loop3A_790, %parallel_loop3A_791, %parallel_loop3A_792] {strides = array<i32>} : memref<32x8x128xf32, #tpu.memory_space<vmem>>, vector<16xf32>,
      tpu.vector_store %arg8[%parallel_loop3A_790, %parallel_loop3A_791, %parallel_loop3A_792], %parallel_loop3A_789 {strides = array<i32>} : memref<32x8x128xf32, #tpu.memory_space<vmem>>, vector<16xf32>,
      %parallel_loop3A_794 = tpu.vector_load_idx %arg7[%parallel_loop3A_785, %parallel_loop3A_788] : memref<64x128xf32, #tpu.memory_space<vmem>>[vector<16xi32>, vector<16xi32>], vector<16xf32>,
      %parallel_loop3A_795 = arith.index_cast %parallel_loop3A_622 : i32 to index
      %parallel_loop3A_796 = arith.index_cast %parallel_loop3A_620 : i32 to index
      %parallel_loop3A_797 = arith.constant 112 : index
      %parallel_loop3A_798 = tpu.vector_load %arg9[%parallel_loop3A_795, %parallel_loop3A_796, %parallel_loop3A_797] {strides = array<i32>} : memref<32x8x128xf32, #tpu.memory_space<vmem>>, vector<16xf32>,
      tpu.vector_store %arg9[%parallel_loop3A_795, %parallel_loop3A_796, %parallel_loop3A_797], %parallel_loop3A_794 {strides = array<i32>} : memref<32x8x128xf32, #tpu.memory_space<vmem>>, vector<16xf32>,
    } {sc.loop_unroll_factor = 2 : i64, sc.parallel_access}
    %dma_start3A_339 = arith.constant 16 : i32
    %dma_start3A_340 = arith.constant 0 : i32
    %dma_start3A_341 = arith.constant 0 : i32
    %dma_start3A_342 = tpu.memref_slice %arg8[%dma_start3A_339, %dma_start3A_340, %dma_start3A_341] : memref<32x8x128xf32, #tpu.memory_space<vmem>> -> memref<8x8x128xf32, #tpu.memory_space<vmem>>
    %dma_start3A_343 = arith.constant 16 : i32
    %dma_start3A_344 = arith.constant 0 : i32
    %dma_start3A_345 = arith.constant 0 : i32
    %dma_start3A_346 = tpu.memref_slice %arg4[%dma_start3A_343, %select_n3A, %dma_start3A_344, %select_n3A_34, %dma_start3A_345] : memref<32x8x8x8x128xf32, #tpu.memory_space<hbm>> -> memref<8x1x8x1x128xf32, #tpu.memory_space<hbm>>
    %dma_start3A_347 = tpu.memref_squeeze %dma_start3A_346 : memref<8x1x8x1x128xf32, #tpu.memory_space<hbm>> -> memref<8x8x128xf32, #tpu.memory_space<hbm>>
    %dma_start3A_348 = arith.constant 16 : i32
    %dma_start3A_349 = arith.constant 0 : i32
    %dma_start3A_350 = arith.constant 0 : i32
    %dma_start3A_351 = tpu.memref_slice %arg4[%dma_start3A_348, %select_n3A, %dma_start3A_349, %select_n3A_34, %dma_start3A_350] : memref<32x8x8x8x128xf32, #tpu.memory_space<hbm>> -> memref<8x1x8x1x128xf32, #tpu.memory_space<hbm>>
    %dma_start3A_352 = tpu.memref_squeeze %dma_start3A_351 : memref<8x1x8x1x128xf32, #tpu.memory_space<hbm>> -> memref<8x8x128xf32, #tpu.memory_space<hbm>>
    %dma_start3A_353 = arith.constant 16 : i32
    %dma_start3A_354 = arith.constant 0 : i32
    %dma_start3A_355 = arith.constant 0 : i32
    %dma_start3A_356 = tpu.memref_slice %arg8[%dma_start3A_353, %dma_start3A_354, %dma_start3A_355] : memref<32x8x128xf32, #tpu.memory_space<vmem>> -> memref<8x8x128xf32, #tpu.memory_space<vmem>>
    tpu.enqueue_dma source(%dma_start3A_356 : memref<8x8x128xf32, #tpu.memory_space<vmem>>) target(%dma_start3A_352 : memref<8x8x128xf32, #tpu.memory_space<hbm>>) target_semaphore(%arg12 : memref<!tpu.dma_semaphore, #tpu.memory_space<semaphore_mem>>)
    %dma_start3A_357 = arith.constant 16 : i32
    %dma_start3A_358 = arith.constant 0 : i32
    %dma_start3A_359 = arith.constant 0 : i32
    %dma_start3A_360 = tpu.memref_slice %arg9[%dma_start3A_357, %dma_start3A_358, %dma_start3A_359] : memref<32x8x128xf32, #tpu.memory_space<vmem>> -> memref<8x8x128xf32, #tpu.memory_space<vmem>>
    %dma_start3A_361 = arith.constant 16 : i32
    %dma_start3A_362 = arith.constant 0 : i32
    %dma_start3A_363 = arith.constant 0 : i32
    %dma_start3A_364 = tpu.memref_slice %arg4[%dma_start3A_361, %select_n3A_58, %dma_start3A_362, %select_n3A_74, %dma_start3A_363] : memref<32x8x8x8x128xf32, #tpu.memory_space<hbm>> -> memref<8x1x8x1x128xf32, #tpu.memory_space<hbm>>
    %dma_start3A_365 = tpu.memref_squeeze %dma_start3A_364 : memref<8x1x8x1x128xf32, #tpu.memory_space<hbm>> -> memref<8x8x128xf32, #tpu.memory_space<hbm>>
    %dma_start3A_366 = arith.constant 16 : i32
    %dma_start3A_367 = arith.constant 0 : i32
    %dma_start3A_368 = arith.constant 0 : i32
    %dma_start3A_369 = tpu.memref_slice %arg4[%dma_start3A_366, %select_n3A_58, %dma_start3A_367, %select_n3A_74, %dma_start3A_368] : memref<32x8x8x8x128xf32, #tpu.memory_space<hbm>> -> memref<8x1x8x1x128xf32, #tpu.memory_space<hbm>>
    %dma_start3A_370 = tpu.memref_squeeze %dma_start3A_369 : memref<8x1x8x1x128xf32, #tpu.memory_space<hbm>> -> memref<8x8x128xf32, #tpu.memory_space<hbm>>
    %dma_start3A_371 = arith.constant 16 : i32
    %dma_start3A_372 = arith.constant 0 : i32
    %dma_start3A_373 = arith.constant 0 : i32
    %dma_start3A_374 = tpu.memref_slice %arg9[%dma_start3A_371, %dma_start3A_372, %dma_start3A_373] : memref<32x8x128xf32, #tpu.memory_space<vmem>> -> memref<8x8x128xf32, #tpu.memory_space<vmem>>
    tpu.enqueue_dma source(%dma_start3A_374 : memref<8x8x128xf32, #tpu.memory_space<vmem>>) target(%dma_start3A_370 : memref<8x8x128xf32, #tpu.memory_space<hbm>>) target_semaphore(%arg13 : memref<!tpu.dma_semaphore, #tpu.memory_space<semaphore_mem>>)
    %dma_wait3A_375 = arith.constant 3 : i32
    %dma_wait3A_376 = arith.constant 3 : i32
    %dma_wait3A_377 = arith.constant 0 : i32
    %dma_wait3A_378 = arith.constant 0 : i32
    %dma_wait3A_379 = arith.constant 0 : i32
    %dma_wait3A_380 = tpu.memref_slice %arg5[%dma_wait3A_376, %dma_wait3A_377, %dma_wait3A_378, %dma_wait3A_379] : memref<4x8x8x128xi32, #tpu.memory_space<vmem>> -> memref<1x8x8x128xi32, #tpu.memory_space<vmem>>
    %dma_wait3A_381 = tpu.memref_squeeze %dma_wait3A_380 : memref<1x8x8x128xi32, #tpu.memory_space<vmem>> -> memref<8x8x128xi32, #tpu.memory_space<vmem>>
    %dma_wait3A_382 = arith.constant 0 : i32
    %dma_wait3A_383 = arith.constant 0 : i32
    %dma_wait3A_384 = arith.constant 0 : i32
    %dma_wait3A_385 = tpu.memref_slice %arg3[%dma_wait3A_375, %dma_wait3A_382, %dma_wait3A_383, %dma_wait3A_384] : memref<4x8x8x128xi32, #tpu.memory_space<hbm>> -> memref<1x8x8x128xi32, #tpu.memory_space<hbm>>
    %dma_wait3A_386 = tpu.memref_squeeze %dma_wait3A_385 : memref<1x8x8x128xi32, #tpu.memory_space<hbm>> -> memref<8x8x128xi32, #tpu.memory_space<hbm>>
    %dma_wait3A_387 = arith.constant 0 : i32
    %dma_wait3A_388 = arith.constant 0 : i32
    %dma_wait3A_389 = arith.constant 0 : i32
    %dma_wait3A_390 = tpu.memref_slice %arg5[%dma_wait3A_376, %dma_wait3A_387, %dma_wait3A_388, %dma_wait3A_389] : memref<4x8x8x128xi32, #tpu.memory_space<vmem>> -> memref<1x8x8x128xi32, #tpu.memory_space<vmem>>
    %dma_wait3A_391 = tpu.memref_squeeze %dma_wait3A_390 : memref<1x8x8x128xi32, #tpu.memory_space<vmem>> -> memref<8x8x128xi32, #tpu.memory_space<vmem>>
    %dma_wait3A_392 = arith.constant 0 : i32
    %dma_wait3A_393 = arith.constant 0 : i32
    %dma_wait3A_394 = arith.constant 0 : i32
    %dma_wait3A_395 = tpu.memref_slice %arg3[%dma_wait3A_375, %dma_wait3A_392, %dma_wait3A_393, %dma_wait3A_394] : memref<4x8x8x128xi32, #tpu.memory_space<hbm>> -> memref<1x8x8x128xi32, #tpu.memory_space<hbm>>
    %dma_wait3A_396 = tpu.memref_squeeze %dma_wait3A_395 : memref<1x8x8x128xi32, #tpu.memory_space<hbm>> -> memref<8x8x128xi32, #tpu.memory_space<hbm>>
    tpu.wait_dma2 semaphore(%arg11 : memref<!tpu.dma_semaphore, #tpu.memory_space<semaphore_mem>>) src(%dma_wait3A_396 : memref<8x8x128xi32, #tpu.memory_space<hbm>>) dst(%dma_wait3A_391 : memref<8x8x128xi32, #tpu.memory_space<vmem>>)
    %parallel_loop3A_397 = arith.constant 0 : i32
    %parallel_loop3A_398 = arith.constant 64 : i32
    %parallel_loop3A_399 = arith.constant 1 : i32
    scf.for %parallel_loop3A_580 = %parallel_loop3A_397 to %parallel_loop3A_398 step %parallel_loop3A_399  : i32 {
      %parallel_loop3A_581 = arith.constant 8 : i32
      %parallel_loop3A_582 = arith.divsi %parallel_loop3A_580, %parallel_loop3A_581 : i32
      %parallel_loop3A_583 = arith.constant 0 : i32
      %parallel_loop3A_584 = arith.cmpi sgt, %parallel_loop3A_580, %parallel_loop3A_583 : i32
      %parallel_loop3A_585 = arith.extui %parallel_loop3A_584 : i1 to i32
      %parallel_loop3A_586 = arith.constant 0 : i32
      %parallel_loop3A_587 = arith.cmpi slt, %parallel_loop3A_580, %parallel_loop3A_586 : i32
      %parallel_loop3A_588 = arith.extui %parallel_loop3A_587 : i1 to i32
      %parallel_loop3A_589 = arith.subi %parallel_loop3A_585, %parallel_loop3A_588 : i32
      %parallel_loop3A_590 = arith.constant 0 : i32
      %parallel_loop3A_591 = arith.cmpi sgt, %parallel_loop3A_581, %parallel_loop3A_590 : i32
      %parallel_loop3A_592 = arith.extui %parallel_loop3A_591 : i1 to i32
      %parallel_loop3A_593 = arith.constant 0 : i32
      %parallel_loop3A_594 = arith.cmpi slt, %parallel_loop3A_581, %parallel_loop3A_593 : i32
      %parallel_loop3A_595 = arith.extui %parallel_loop3A_594 : i1 to i32
      %parallel_loop3A_596 = arith.subi %parallel_loop3A_592, %parallel_loop3A_595 : i32
      %parallel_loop3A_597 = arith.cmpi ne, %parallel_loop3A_589, %parallel_loop3A_596 : i32
      %parallel_loop3A_598 = arith.remsi %parallel_loop3A_580, %parallel_loop3A_581 : i32
      %parallel_loop3A_599 = arith.constant 0 : i32
      %parallel_loop3A_600 = arith.cmpi ne, %parallel_loop3A_598, %parallel_loop3A_599 : i32
      %parallel_loop3A_601 = arith.andi %parallel_loop3A_597, %parallel_loop3A_600 : i1
      %parallel_loop3A_602 = arith.constant 1 : i32
      %parallel_loop3A_603 = arith.subi %parallel_loop3A_582, %parallel_loop3A_602 : i32
      %parallel_loop3A_604 = arith.select %parallel_loop3A_601, %parallel_loop3A_603, %parallel_loop3A_582 : i32
      %parallel_loop3A_605 = arith.constant 8 : i32
      %parallel_loop3A_606 = arith.constant 0 : i32
      %parallel_loop3A_607 = arith.cmpi eq, %parallel_loop3A_605, %parallel_loop3A_606 : i32
      %parallel_loop3A_608 = arith.constant 1 : i32
      %parallel_loop3A_609 = arith.select %parallel_loop3A_607, %parallel_loop3A_608, %parallel_loop3A_605 : i32
      %parallel_loop3A_610 = arith.remsi %parallel_loop3A_580, %parallel_loop3A_609 : i32
      %parallel_loop3A_611 = arith.constant 0 : i32
      %parallel_loop3A_612 = arith.cmpi ne, %parallel_loop3A_610, %parallel_loop3A_611 : i32
      %parallel_loop3A_613 = arith.constant 0 : i32
      %parallel_loop3A_614 = arith.cmpi slt, %parallel_loop3A_610, %parallel_loop3A_613 : i32
      %parallel_loop3A_615 = arith.constant 0 : i32
      %parallel_loop3A_616 = arith.cmpi slt, %parallel_loop3A_609, %parallel_loop3A_615 : i32
      %parallel_loop3A_617 = arith.xori %parallel_loop3A_614, %parallel_loop3A_616 : i1
      %parallel_loop3A_618 = arith.andi %parallel_loop3A_617, %parallel_loop3A_612 : i1
      %parallel_loop3A_619 = arith.addi %parallel_loop3A_610, %parallel_loop3A_609 : i32
      %parallel_loop3A_620 = arith.select %parallel_loop3A_618, %parallel_loop3A_619, %parallel_loop3A_610 : i32
      %parallel_loop3A_621 = arith.constant 24 : i32
      %parallel_loop3A_622 = arith.addi %parallel_loop3A_621, %parallel_loop3A_604 : i32
      %parallel_loop3A_623 = arith.constant 3 : i32
      %parallel_loop3A_624 = arith.index_cast %parallel_loop3A_623 : i32 to index
      %parallel_loop3A_625 = arith.index_cast %parallel_loop3A_620 : i32 to index
      %parallel_loop3A_626 = arith.index_cast %parallel_loop3A_604 : i32 to index
      %parallel_loop3A_627 = arith.constant 0 : index
      %parallel_loop3A_628 = tpu.vector_load %arg5[%parallel_loop3A_624, %parallel_loop3A_625, %parallel_loop3A_626, %parallel_loop3A_627] {strides = array<i32>} : memref<4x8x8x128xi32, #tpu.memory_space<vmem>>, vector<16xi32>,
      %parallel_loop3A_629 = arith.constant 7 : i32
      %parallel_loop3A_630 = vector.broadcast %parallel_loop3A_629 : i32 to vector<16xi32>
      %parallel_loop3A_631 = arith.shrsi %parallel_loop3A_628, %parallel_loop3A_630 : vector<16xi32>
      %parallel_loop3A_632 = arith.constant 127 : i32
      %parallel_loop3A_633 = vector.broadcast %parallel_loop3A_632 : i32 to vector<16xi32>
      %parallel_loop3A_634 = arith.andi %parallel_loop3A_628, %parallel_loop3A_633 : vector<16xi32>
      %parallel_loop3A_635 = tpu.vector_load_idx %arg6[%parallel_loop3A_631, %parallel_loop3A_634] : memref<64x128xf32, #tpu.memory_space<vmem>>[vector<16xi32>, vector<16xi32>], vector<16xf32>,
      %parallel_loop3A_636 = arith.index_cast %parallel_loop3A_622 : i32 to index
      %parallel_loop3A_637 = arith.index_cast %parallel_loop3A_620 : i32 to index
      %parallel_loop3A_638 = arith.constant 0 : index
      %parallel_loop3A_639 = tpu.vector_load %arg8[%parallel_loop3A_636, %parallel_loop3A_637, %parallel_loop3A_638] {strides = array<i32>} : memref<32x8x128xf32, #tpu.memory_space<vmem>>, vector<16xf32>,
      tpu.vector_store %arg8[%parallel_loop3A_636, %parallel_loop3A_637, %parallel_loop3A_638], %parallel_loop3A_635 {strides = array<i32>} : memref<32x8x128xf32, #tpu.memory_space<vmem>>, vector<16xf32>,
      %parallel_loop3A_640 = tpu.vector_load_idx %arg7[%parallel_loop3A_631, %parallel_loop3A_634] : memref<64x128xf32, #tpu.memory_space<vmem>>[vector<16xi32>, vector<16xi32>], vector<16xf32>,
      %parallel_loop3A_641 = arith.index_cast %parallel_loop3A_622 : i32 to index
      %parallel_loop3A_642 = arith.index_cast %parallel_loop3A_620 : i32 to index
      %parallel_loop3A_643 = arith.constant 0 : index
      %parallel_loop3A_644 = tpu.vector_load %arg9[%parallel_loop3A_641, %parallel_loop3A_642, %parallel_loop3A_643] {strides = array<i32>} : memref<32x8x128xf32, #tpu.memory_space<vmem>>, vector<16xf32>,
      tpu.vector_store %arg9[%parallel_loop3A_641, %parallel_loop3A_642, %parallel_loop3A_643], %parallel_loop3A_640 {strides = array<i32>} : memref<32x8x128xf32, #tpu.memory_space<vmem>>, vector<16xf32>,
      %parallel_loop3A_645 = arith.constant 3 : i32
      %parallel_loop3A_646 = arith.index_cast %parallel_loop3A_645 : i32 to index
      %parallel_loop3A_647 = arith.index_cast %parallel_loop3A_620 : i32 to index
      %parallel_loop3A_648 = arith.index_cast %parallel_loop3A_604 : i32 to index
      %parallel_loop3A_649 = arith.constant 16 : index
      %parallel_loop3A_650 = tpu.vector_load %arg5[%parallel_loop3A_646, %parallel_loop3A_647, %parallel_loop3A_648, %parallel_loop3A_649] {strides = array<i32>} : memref<4x8x8x128xi32, #tpu.memory_space<vmem>>, vector<16xi32>,
      %parallel_loop3A_651 = arith.constant 7 : i32
      %parallel_loop3A_652 = vector.broadcast %parallel_loop3A_651 : i32 to vector<16xi32>
      %parallel_loop3A_653 = arith.shrsi %parallel_loop3A_650, %parallel_loop3A_652 : vector<16xi32>
      %parallel_loop3A_654 = arith.constant 127 : i32
      %parallel_loop3A_655 = vector.broadcast %parallel_loop3A_654 : i32 to vector<16xi32>
      %parallel_loop3A_656 = arith.andi %parallel_loop3A_650, %parallel_loop3A_655 : vector<16xi32>
      %parallel_loop3A_657 = tpu.vector_load_idx %arg6[%parallel_loop3A_653, %parallel_loop3A_656] : memref<64x128xf32, #tpu.memory_space<vmem>>[vector<16xi32>, vector<16xi32>], vector<16xf32>,
      %parallel_loop3A_658 = arith.index_cast %parallel_loop3A_622 : i32 to index
      %parallel_loop3A_659 = arith.index_cast %parallel_loop3A_620 : i32 to index
      %parallel_loop3A_660 = arith.constant 16 : index
      %parallel_loop3A_661 = tpu.vector_load %arg8[%parallel_loop3A_658, %parallel_loop3A_659, %parallel_loop3A_660] {strides = array<i32>} : memref<32x8x128xf32, #tpu.memory_space<vmem>>, vector<16xf32>,
      tpu.vector_store %arg8[%parallel_loop3A_658, %parallel_loop3A_659, %parallel_loop3A_660], %parallel_loop3A_657 {strides = array<i32>} : memref<32x8x128xf32, #tpu.memory_space<vmem>>, vector<16xf32>,
      %parallel_loop3A_662 = tpu.vector_load_idx %arg7[%parallel_loop3A_653, %parallel_loop3A_656] : memref<64x128xf32, #tpu.memory_space<vmem>>[vector<16xi32>, vector<16xi32>], vector<16xf32>,
      %parallel_loop3A_663 = arith.index_cast %parallel_loop3A_622 : i32 to index
      %parallel_loop3A_664 = arith.index_cast %parallel_loop3A_620 : i32 to index
      %parallel_loop3A_665 = arith.constant 16 : index
      %parallel_loop3A_666 = tpu.vector_load %arg9[%parallel_loop3A_663, %parallel_loop3A_664, %parallel_loop3A_665] {strides = array<i32>} : memref<32x8x128xf32, #tpu.memory_space<vmem>>, vector<16xf32>,
      tpu.vector_store %arg9[%parallel_loop3A_663, %parallel_loop3A_664, %parallel_loop3A_665], %parallel_loop3A_662 {strides = array<i32>} : memref<32x8x128xf32, #tpu.memory_space<vmem>>, vector<16xf32>,
      %parallel_loop3A_667 = arith.constant 3 : i32
      %parallel_loop3A_668 = arith.index_cast %parallel_loop3A_667 : i32 to index
      %parallel_loop3A_669 = arith.index_cast %parallel_loop3A_620 : i32 to index
      %parallel_loop3A_670 = arith.index_cast %parallel_loop3A_604 : i32 to index
      %parallel_loop3A_671 = arith.constant 32 : index
      %parallel_loop3A_672 = tpu.vector_load %arg5[%parallel_loop3A_668, %parallel_loop3A_669, %parallel_loop3A_670, %parallel_loop3A_671] {strides = array<i32>} : memref<4x8x8x128xi32, #tpu.memory_space<vmem>>, vector<16xi32>,
      %parallel_loop3A_673 = arith.constant 7 : i32
      %parallel_loop3A_674 = vector.broadcast %parallel_loop3A_673 : i32 to vector<16xi32>
      %parallel_loop3A_675 = arith.shrsi %parallel_loop3A_672, %parallel_loop3A_674 : vector<16xi32>
      %parallel_loop3A_676 = arith.constant 127 : i32
      %parallel_loop3A_677 = vector.broadcast %parallel_loop3A_676 : i32 to vector<16xi32>
      %parallel_loop3A_678 = arith.andi %parallel_loop3A_672, %parallel_loop3A_677 : vector<16xi32>
      %parallel_loop3A_679 = tpu.vector_load_idx %arg6[%parallel_loop3A_675, %parallel_loop3A_678] : memref<64x128xf32, #tpu.memory_space<vmem>>[vector<16xi32>, vector<16xi32>], vector<16xf32>,
      %parallel_loop3A_680 = arith.index_cast %parallel_loop3A_622 : i32 to index
      %parallel_loop3A_681 = arith.index_cast %parallel_loop3A_620 : i32 to index
      %parallel_loop3A_682 = arith.constant 32 : index
      %parallel_loop3A_683 = tpu.vector_load %arg8[%parallel_loop3A_680, %parallel_loop3A_681, %parallel_loop3A_682] {strides = array<i32>} : memref<32x8x128xf32, #tpu.memory_space<vmem>>, vector<16xf32>,
      tpu.vector_store %arg8[%parallel_loop3A_680, %parallel_loop3A_681, %parallel_loop3A_682], %parallel_loop3A_679 {strides = array<i32>} : memref<32x8x128xf32, #tpu.memory_space<vmem>>, vector<16xf32>,
      %parallel_loop3A_684 = tpu.vector_load_idx %arg7[%parallel_loop3A_675, %parallel_loop3A_678] : memref<64x128xf32, #tpu.memory_space<vmem>>[vector<16xi32>, vector<16xi32>], vector<16xf32>,
      %parallel_loop3A_685 = arith.index_cast %parallel_loop3A_622 : i32 to index
      %parallel_loop3A_686 = arith.index_cast %parallel_loop3A_620 : i32 to index
      %parallel_loop3A_687 = arith.constant 32 : index
      %parallel_loop3A_688 = tpu.vector_load %arg9[%parallel_loop3A_685, %parallel_loop3A_686, %parallel_loop3A_687] {strides = array<i32>} : memref<32x8x128xf32, #tpu.memory_space<vmem>>, vector<16xf32>,
      tpu.vector_store %arg9[%parallel_loop3A_685, %parallel_loop3A_686, %parallel_loop3A_687], %parallel_loop3A_684 {strides = array<i32>} : memref<32x8x128xf32, #tpu.memory_space<vmem>>, vector<16xf32>,
      %parallel_loop3A_689 = arith.constant 3 : i32
      %parallel_loop3A_690 = arith.index_cast %parallel_loop3A_689 : i32 to index
      %parallel_loop3A_691 = arith.index_cast %parallel_loop3A_620 : i32 to index
      %parallel_loop3A_692 = arith.index_cast %parallel_loop3A_604 : i32 to index
      %parallel_loop3A_693 = arith.constant 48 : index
      %parallel_loop3A_694 = tpu.vector_load %arg5[%parallel_loop3A_690, %parallel_loop3A_691, %parallel_loop3A_692, %parallel_loop3A_693] {strides = array<i32>} : memref<4x8x8x128xi32, #tpu.memory_space<vmem>>, vector<16xi32>,
      %parallel_loop3A_695 = arith.constant 7 : i32
      %parallel_loop3A_696 = vector.broadcast %parallel_loop3A_695 : i32 to vector<16xi32>
      %parallel_loop3A_697 = arith.shrsi %parallel_loop3A_694, %parallel_loop3A_696 : vector<16xi32>
      %parallel_loop3A_698 = arith.constant 127 : i32
      %parallel_loop3A_699 = vector.broadcast %parallel_loop3A_698 : i32 to vector<16xi32>
      %parallel_loop3A_700 = arith.andi %parallel_loop3A_694, %parallel_loop3A_699 : vector<16xi32>
      %parallel_loop3A_701 = tpu.vector_load_idx %arg6[%parallel_loop3A_697, %parallel_loop3A_700] : memref<64x128xf32, #tpu.memory_space<vmem>>[vector<16xi32>, vector<16xi32>], vector<16xf32>,
      %parallel_loop3A_702 = arith.index_cast %parallel_loop3A_622 : i32 to index
      %parallel_loop3A_703 = arith.index_cast %parallel_loop3A_620 : i32 to index
      %parallel_loop3A_704 = arith.constant 48 : index
      %parallel_loop3A_705 = tpu.vector_load %arg8[%parallel_loop3A_702, %parallel_loop3A_703, %parallel_loop3A_704] {strides = array<i32>} : memref<32x8x128xf32, #tpu.memory_space<vmem>>, vector<16xf32>,
      tpu.vector_store %arg8[%parallel_loop3A_702, %parallel_loop3A_703, %parallel_loop3A_704], %parallel_loop3A_701 {strides = array<i32>} : memref<32x8x128xf32, #tpu.memory_space<vmem>>, vector<16xf32>,
      %parallel_loop3A_706 = tpu.vector_load_idx %arg7[%parallel_loop3A_697, %parallel_loop3A_700] : memref<64x128xf32, #tpu.memory_space<vmem>>[vector<16xi32>, vector<16xi32>], vector<16xf32>,
      %parallel_loop3A_707 = arith.index_cast %parallel_loop3A_622 : i32 to index
      %parallel_loop3A_708 = arith.index_cast %parallel_loop3A_620 : i32 to index
      %parallel_loop3A_709 = arith.constant 48 : index
      %parallel_loop3A_710 = tpu.vector_load %arg9[%parallel_loop3A_707, %parallel_loop3A_708, %parallel_loop3A_709] {strides = array<i32>} : memref<32x8x128xf32, #tpu.memory_space<vmem>>, vector<16xf32>,
      tpu.vector_store %arg9[%parallel_loop3A_707, %parallel_loop3A_708, %parallel_loop3A_709], %parallel_loop3A_706 {strides = array<i32>} : memref<32x8x128xf32, #tpu.memory_space<vmem>>, vector<16xf32>,
      %parallel_loop3A_711 = arith.constant 3 : i32
      %parallel_loop3A_712 = arith.index_cast %parallel_loop3A_711 : i32 to index
      %parallel_loop3A_713 = arith.index_cast %parallel_loop3A_620 : i32 to index
      %parallel_loop3A_714 = arith.index_cast %parallel_loop3A_604 : i32 to index
      %parallel_loop3A_715 = arith.constant 64 : index
      %parallel_loop3A_716 = tpu.vector_load %arg5[%parallel_loop3A_712, %parallel_loop3A_713, %parallel_loop3A_714, %parallel_loop3A_715] {strides = array<i32>} : memref<4x8x8x128xi32, #tpu.memory_space<vmem>>, vector<16xi32>,
      %parallel_loop3A_717 = arith.constant 7 : i32
      %parallel_loop3A_718 = vector.broadcast %parallel_loop3A_717 : i32 to vector<16xi32>
      %parallel_loop3A_719 = arith.shrsi %parallel_loop3A_716, %parallel_loop3A_718 : vector<16xi32>
      %parallel_loop3A_720 = arith.constant 127 : i32
      %parallel_loop3A_721 = vector.broadcast %parallel_loop3A_720 : i32 to vector<16xi32>
      %parallel_loop3A_722 = arith.andi %parallel_loop3A_716, %parallel_loop3A_721 : vector<16xi32>
      %parallel_loop3A_723 = tpu.vector_load_idx %arg6[%parallel_loop3A_719, %parallel_loop3A_722] : memref<64x128xf32, #tpu.memory_space<vmem>>[vector<16xi32>, vector<16xi32>], vector<16xf32>,
      %parallel_loop3A_724 = arith.index_cast %parallel_loop3A_622 : i32 to index
      %parallel_loop3A_725 = arith.index_cast %parallel_loop3A_620 : i32 to index
      %parallel_loop3A_726 = arith.constant 64 : index
      %parallel_loop3A_727 = tpu.vector_load %arg8[%parallel_loop3A_724, %parallel_loop3A_725, %parallel_loop3A_726] {strides = array<i32>} : memref<32x8x128xf32, #tpu.memory_space<vmem>>, vector<16xf32>,
      tpu.vector_store %arg8[%parallel_loop3A_724, %parallel_loop3A_725, %parallel_loop3A_726], %parallel_loop3A_723 {strides = array<i32>} : memref<32x8x128xf32, #tpu.memory_space<vmem>>, vector<16xf32>,
      %parallel_loop3A_728 = tpu.vector_load_idx %arg7[%parallel_loop3A_719, %parallel_loop3A_722] : memref<64x128xf32, #tpu.memory_space<vmem>>[vector<16xi32>, vector<16xi32>], vector<16xf32>,
      %parallel_loop3A_729 = arith.index_cast %parallel_loop3A_622 : i32 to index
      %parallel_loop3A_730 = arith.index_cast %parallel_loop3A_620 : i32 to index
      %parallel_loop3A_731 = arith.constant 64 : index
      %parallel_loop3A_732 = tpu.vector_load %arg9[%parallel_loop3A_729, %parallel_loop3A_730, %parallel_loop3A_731] {strides = array<i32>} : memref<32x8x128xf32, #tpu.memory_space<vmem>>, vector<16xf32>,
      tpu.vector_store %arg9[%parallel_loop3A_729, %parallel_loop3A_730, %parallel_loop3A_731], %parallel_loop3A_728 {strides = array<i32>} : memref<32x8x128xf32, #tpu.memory_space<vmem>>, vector<16xf32>,
      %parallel_loop3A_733 = arith.constant 3 : i32
      %parallel_loop3A_734 = arith.index_cast %parallel_loop3A_733 : i32 to index
      %parallel_loop3A_735 = arith.index_cast %parallel_loop3A_620 : i32 to index
      %parallel_loop3A_736 = arith.index_cast %parallel_loop3A_604 : i32 to index
      %parallel_loop3A_737 = arith.constant 80 : index
      %parallel_loop3A_738 = tpu.vector_load %arg5[%parallel_loop3A_734, %parallel_loop3A_735, %parallel_loop3A_736, %parallel_loop3A_737] {strides = array<i32>} : memref<4x8x8x128xi32, #tpu.memory_space<vmem>>, vector<16xi32>,
      %parallel_loop3A_739 = arith.constant 7 : i32
      %parallel_loop3A_740 = vector.broadcast %parallel_loop3A_739 : i32 to vector<16xi32>
      %parallel_loop3A_741 = arith.shrsi %parallel_loop3A_738, %parallel_loop3A_740 : vector<16xi32>
      %parallel_loop3A_742 = arith.constant 127 : i32
      %parallel_loop3A_743 = vector.broadcast %parallel_loop3A_742 : i32 to vector<16xi32>
      %parallel_loop3A_744 = arith.andi %parallel_loop3A_738, %parallel_loop3A_743 : vector<16xi32>
      %parallel_loop3A_745 = tpu.vector_load_idx %arg6[%parallel_loop3A_741, %parallel_loop3A_744] : memref<64x128xf32, #tpu.memory_space<vmem>>[vector<16xi32>, vector<16xi32>], vector<16xf32>,
      %parallel_loop3A_746 = arith.index_cast %parallel_loop3A_622 : i32 to index
      %parallel_loop3A_747 = arith.index_cast %parallel_loop3A_620 : i32 to index
      %parallel_loop3A_748 = arith.constant 80 : index
      %parallel_loop3A_749 = tpu.vector_load %arg8[%parallel_loop3A_746, %parallel_loop3A_747, %parallel_loop3A_748] {strides = array<i32>} : memref<32x8x128xf32, #tpu.memory_space<vmem>>, vector<16xf32>,
      tpu.vector_store %arg8[%parallel_loop3A_746, %parallel_loop3A_747, %parallel_loop3A_748], %parallel_loop3A_745 {strides = array<i32>} : memref<32x8x128xf32, #tpu.memory_space<vmem>>, vector<16xf32>,
      %parallel_loop3A_750 = tpu.vector_load_idx %arg7[%parallel_loop3A_741, %parallel_loop3A_744] : memref<64x128xf32, #tpu.memory_space<vmem>>[vector<16xi32>, vector<16xi32>], vector<16xf32>,
      %parallel_loop3A_751 = arith.index_cast %parallel_loop3A_622 : i32 to index
      %parallel_loop3A_752 = arith.index_cast %parallel_loop3A_620 : i32 to index
      %parallel_loop3A_753 = arith.constant 80 : index
      %parallel_loop3A_754 = tpu.vector_load %arg9[%parallel_loop3A_751, %parallel_loop3A_752, %parallel_loop3A_753] {strides = array<i32>} : memref<32x8x128xf32, #tpu.memory_space<vmem>>, vector<16xf32>,
      tpu.vector_store %arg9[%parallel_loop3A_751, %parallel_loop3A_752, %parallel_loop3A_753], %parallel_loop3A_750 {strides = array<i32>} : memref<32x8x128xf32, #tpu.memory_space<vmem>>, vector<16xf32>,
      %parallel_loop3A_755 = arith.constant 3 : i32
      %parallel_loop3A_756 = arith.index_cast %parallel_loop3A_755 : i32 to index
      %parallel_loop3A_757 = arith.index_cast %parallel_loop3A_620 : i32 to index
      %parallel_loop3A_758 = arith.index_cast %parallel_loop3A_604 : i32 to index
      %parallel_loop3A_759 = arith.constant 96 : index
      %parallel_loop3A_760 = tpu.vector_load %arg5[%parallel_loop3A_756, %parallel_loop3A_757, %parallel_loop3A_758, %parallel_loop3A_759] {strides = array<i32>} : memref<4x8x8x128xi32, #tpu.memory_space<vmem>>, vector<16xi32>,
      %parallel_loop3A_761 = arith.constant 7 : i32
      %parallel_loop3A_762 = vector.broadcast %parallel_loop3A_761 : i32 to vector<16xi32>
      %parallel_loop3A_763 = arith.shrsi %parallel_loop3A_760, %parallel_loop3A_762 : vector<16xi32>
      %parallel_loop3A_764 = arith.constant 127 : i32
      %parallel_loop3A_765 = vector.broadcast %parallel_loop3A_764 : i32 to vector<16xi32>
      %parallel_loop3A_766 = arith.andi %parallel_loop3A_760, %parallel_loop3A_765 : vector<16xi32>
      %parallel_loop3A_767 = tpu.vector_load_idx %arg6[%parallel_loop3A_763, %parallel_loop3A_766] : memref<64x128xf32, #tpu.memory_space<vmem>>[vector<16xi32>, vector<16xi32>], vector<16xf32>,
      %parallel_loop3A_768 = arith.index_cast %parallel_loop3A_622 : i32 to index
      %parallel_loop3A_769 = arith.index_cast %parallel_loop3A_620 : i32 to index
      %parallel_loop3A_770 = arith.constant 96 : index
      %parallel_loop3A_771 = tpu.vector_load %arg8[%parallel_loop3A_768, %parallel_loop3A_769, %parallel_loop3A_770] {strides = array<i32>} : memref<32x8x128xf32, #tpu.memory_space<vmem>>, vector<16xf32>,
      tpu.vector_store %arg8[%parallel_loop3A_768, %parallel_loop3A_769, %parallel_loop3A_770], %parallel_loop3A_767 {strides = array<i32>} : memref<32x8x128xf32, #tpu.memory_space<vmem>>, vector<16xf32>,
      %parallel_loop3A_772 = tpu.vector_load_idx %arg7[%parallel_loop3A_763, %parallel_loop3A_766] : memref<64x128xf32, #tpu.memory_space<vmem>>[vector<16xi32>, vector<16xi32>], vector<16xf32>,
      %parallel_loop3A_773 = arith.index_cast %parallel_loop3A_622 : i32 to index
      %parallel_loop3A_774 = arith.index_cast %parallel_loop3A_620 : i32 to index
      %parallel_loop3A_775 = arith.constant 96 : index
      %parallel_loop3A_776 = tpu.vector_load %arg9[%parallel_loop3A_773, %parallel_loop3A_774, %parallel_loop3A_775] {strides = array<i32>} : memref<32x8x128xf32, #tpu.memory_space<vmem>>, vector<16xf32>,
      tpu.vector_store %arg9[%parallel_loop3A_773, %parallel_loop3A_774, %parallel_loop3A_775], %parallel_loop3A_772 {strides = array<i32>} : memref<32x8x128xf32, #tpu.memory_space<vmem>>, vector<16xf32>,
      %parallel_loop3A_777 = arith.constant 3 : i32
      %parallel_loop3A_778 = arith.index_cast %parallel_loop3A_777 : i32 to index
      %parallel_loop3A_779 = arith.index_cast %parallel_loop3A_620 : i32 to index
      %parallel_loop3A_780 = arith.index_cast %parallel_loop3A_604 : i32 to index
      %parallel_loop3A_781 = arith.constant 112 : index
      %parallel_loop3A_782 = tpu.vector_load %arg5[%parallel_loop3A_778, %parallel_loop3A_779, %parallel_loop3A_780, %parallel_loop3A_781] {strides = array<i32>} : memref<4x8x8x128xi32, #tpu.memory_space<vmem>>, vector<16xi32>,
      %parallel_loop3A_783 = arith.constant 7 : i32
      %parallel_loop3A_784 = vector.broadcast %parallel_loop3A_783 : i32 to vector<16xi32>
      %parallel_loop3A_785 = arith.shrsi %parallel_loop3A_782, %parallel_loop3A_784 : vector<16xi32>
      %parallel_loop3A_786 = arith.constant 127 : i32
      %parallel_loop3A_787 = vector.broadcast %parallel_loop3A_786 : i32 to vector<16xi32>
      %parallel_loop3A_788 = arith.andi %parallel_loop3A_782, %parallel_loop3A_787 : vector<16xi32>
      %parallel_loop3A_789 = tpu.vector_load_idx %arg6[%parallel_loop3A_785, %parallel_loop3A_788] : memref<64x128xf32, #tpu.memory_space<vmem>>[vector<16xi32>, vector<16xi32>], vector<16xf32>,
      %parallel_loop3A_790 = arith.index_cast %parallel_loop3A_622 : i32 to index
      %parallel_loop3A_791 = arith.index_cast %parallel_loop3A_620 : i32 to index
      %parallel_loop3A_792 = arith.constant 112 : index
      %parallel_loop3A_793 = tpu.vector_load %arg8[%parallel_loop3A_790, %parallel_loop3A_791, %parallel_loop3A_792] {strides = array<i32>} : memref<32x8x128xf32, #tpu.memory_space<vmem>>, vector<16xf32>,
      tpu.vector_store %arg8[%parallel_loop3A_790, %parallel_loop3A_791, %parallel_loop3A_792], %parallel_loop3A_789 {strides = array<i32>} : memref<32x8x128xf32, #tpu.memory_space<vmem>>, vector<16xf32>,
      %parallel_loop3A_794 = tpu.vector_load_idx %arg7[%parallel_loop3A_785, %parallel_loop3A_788] : memref<64x128xf32, #tpu.memory_space<vmem>>[vector<16xi32>, vector<16xi32>], vector<16xf32>,
      %parallel_loop3A_795 = arith.index_cast %parallel_loop3A_622 : i32 to index
      %parallel_loop3A_796 = arith.index_cast %parallel_loop3A_620 : i32 to index
      %parallel_loop3A_797 = arith.constant 112 : index
      %parallel_loop3A_798 = tpu.vector_load %arg9[%parallel_loop3A_795, %parallel_loop3A_796, %parallel_loop3A_797] {strides = array<i32>} : memref<32x8x128xf32, #tpu.memory_space<vmem>>, vector<16xf32>,
      tpu.vector_store %arg9[%parallel_loop3A_795, %parallel_loop3A_796, %parallel_loop3A_797], %parallel_loop3A_794 {strides = array<i32>} : memref<32x8x128xf32, #tpu.memory_space<vmem>>, vector<16xf32>,
    } {sc.loop_unroll_factor = 2 : i64, sc.parallel_access}
    %dma_start3A_400 = arith.constant 24 : i32
    %dma_start3A_401 = arith.constant 0 : i32
    %dma_start3A_402 = arith.constant 0 : i32
    %dma_start3A_403 = tpu.memref_slice %arg8[%dma_start3A_400, %dma_start3A_401, %dma_start3A_402] : memref<32x8x128xf32, #tpu.memory_space<vmem>> -> memref<8x8x128xf32, #tpu.memory_space<vmem>>
    %dma_start3A_404 = arith.constant 24 : i32
    %dma_start3A_405 = arith.constant 0 : i32
    %dma_start3A_406 = arith.constant 0 : i32
    %dma_start3A_407 = tpu.memref_slice %arg4[%dma_start3A_404, %select_n3A, %dma_start3A_405, %select_n3A_34, %dma_start3A_406] : memref<32x8x8x8x128xf32, #tpu.memory_space<hbm>> -> memref<8x1x8x1x128xf32, #tpu.memory_space<hbm>>
    %dma_start3A_408 = tpu.memref_squeeze %dma_start3A_407 : memref<8x1x8x1x128xf32, #tpu.memory_space<hbm>> -> memref<8x8x128xf32, #tpu.memory_space<hbm>>
    %dma_start3A_409 = arith.constant 24 : i32
    %dma_start3A_410 = arith.constant 0 : i32
    %dma_start3A_411 = arith.constant 0 : i32
    %dma_start3A_412 = tpu.memref_slice %arg4[%dma_start3A_409, %select_n3A, %dma_start3A_410, %select_n3A_34, %dma_start3A_411] : memref<32x8x8x8x128xf32, #tpu.memory_space<hbm>> -> memref<8x1x8x1x128xf32, #tpu.memory_space<hbm>>
    %dma_start3A_413 = tpu.memref_squeeze %dma_start3A_412 : memref<8x1x8x1x128xf32, #tpu.memory_space<hbm>> -> memref<8x8x128xf32, #tpu.memory_space<hbm>>
    %dma_start3A_414 = arith.constant 24 : i32
    %dma_start3A_415 = arith.constant 0 : i32
    %dma_start3A_416 = arith.constant 0 : i32
    %dma_start3A_417 = tpu.memref_slice %arg8[%dma_start3A_414, %dma_start3A_415, %dma_start3A_416] : memref<32x8x128xf32, #tpu.memory_space<vmem>> -> memref<8x8x128xf32, #tpu.memory_space<vmem>>
    tpu.enqueue_dma source(%dma_start3A_417 : memref<8x8x128xf32, #tpu.memory_space<vmem>>) target(%dma_start3A_413 : memref<8x8x128xf32, #tpu.memory_space<hbm>>) target_semaphore(%arg12 : memref<!tpu.dma_semaphore, #tpu.memory_space<semaphore_mem>>)
    %dma_start3A_418 = arith.constant 24 : i32
    %dma_start3A_419 = arith.constant 0 : i32
    %dma_start3A_420 = arith.constant 0 : i32
    %dma_start3A_421 = tpu.memref_slice %arg9[%dma_start3A_418, %dma_start3A_419, %dma_start3A_420] : memref<32x8x128xf32, #tpu.memory_space<vmem>> -> memref<8x8x128xf32, #tpu.memory_space<vmem>>
    %dma_start3A_422 = arith.constant 24 : i32
    %dma_start3A_423 = arith.constant 0 : i32
    %dma_start3A_424 = arith.constant 0 : i32
    %dma_start3A_425 = tpu.memref_slice %arg4[%dma_start3A_422, %select_n3A_58, %dma_start3A_423, %select_n3A_74, %dma_start3A_424] : memref<32x8x8x8x128xf32, #tpu.memory_space<hbm>> -> memref<8x1x8x1x128xf32, #tpu.memory_space<hbm>>
    %dma_start3A_426 = tpu.memref_squeeze %dma_start3A_425 : memref<8x1x8x1x128xf32, #tpu.memory_space<hbm>> -> memref<8x8x128xf32, #tpu.memory_space<hbm>>
    %dma_start3A_427 = arith.constant 24 : i32
    %dma_start3A_428 = arith.constant 0 : i32
    %dma_start3A_429 = arith.constant 0 : i32
    %dma_start3A_430 = tpu.memref_slice %arg4[%dma_start3A_427, %select_n3A_58, %dma_start3A_428, %select_n3A_74, %dma_start3A_429] : memref<32x8x8x8x128xf32, #tpu.memory_space<hbm>> -> memref<8x1x8x1x128xf32, #tpu.memory_space<hbm>>
    %dma_start3A_431 = tpu.memref_squeeze %dma_start3A_430 : memref<8x1x8x1x128xf32, #tpu.memory_space<hbm>> -> memref<8x8x128xf32, #tpu.memory_space<hbm>>
    %dma_start3A_432 = arith.constant 24 : i32
    %dma_start3A_433 = arith.constant 0 : i32
    %dma_start3A_434 = arith.constant 0 : i32
    %dma_start3A_435 = tpu.memref_slice %arg9[%dma_start3A_432, %dma_start3A_433, %dma_start3A_434] : memref<32x8x128xf32, #tpu.memory_space<vmem>> -> memref<8x8x128xf32, #tpu.memory_space<vmem>>
    tpu.enqueue_dma source(%dma_start3A_435 : memref<8x8x128xf32, #tpu.memory_space<vmem>>) target(%dma_start3A_431 : memref<8x8x128xf32, #tpu.memory_space<hbm>>) target_semaphore(%arg13 : memref<!tpu.dma_semaphore, #tpu.memory_space<semaphore_mem>>)
    %dma_wait3A_436 = arith.constant 0 : i32
    %dma_wait3A_437 = arith.constant 0 : i32
    %dma_wait3A_438 = arith.constant 0 : i32
    %dma_wait3A_439 = tpu.memref_slice %arg8[%dma_wait3A_436, %dma_wait3A_437, %dma_wait3A_438] : memref<32x8x128xf32, #tpu.memory_space<vmem>> -> memref<8x8x128xf32, #tpu.memory_space<vmem>>
    %dma_wait3A_440 = arith.constant 0 : i32
    %dma_wait3A_441 = arith.constant 0 : i32
    %dma_wait3A_442 = arith.constant 0 : i32
    %dma_wait3A_443 = tpu.memref_slice %arg4[%dma_wait3A_440, %select_n3A, %dma_wait3A_441, %select_n3A_34, %dma_wait3A_442] : memref<32x8x8x8x128xf32, #tpu.memory_space<hbm>> -> memref<8x1x8x1x128xf32, #tpu.memory_space<hbm>>
    %dma_wait3A_444 = tpu.memref_squeeze %dma_wait3A_443 : memref<8x1x8x1x128xf32, #tpu.memory_space<hbm>> -> memref<8x8x128xf32, #tpu.memory_space<hbm>>
    %dma_wait3A_445 = arith.constant 0 : i32
    %dma_wait3A_446 = arith.constant 0 : i32
    %dma_wait3A_447 = arith.constant 0 : i32
    %dma_wait3A_448 = tpu.memref_slice %arg4[%dma_wait3A_445, %select_n3A, %dma_wait3A_446, %select_n3A_34, %dma_wait3A_447] : memref<32x8x8x8x128xf32, #tpu.memory_space<hbm>> -> memref<8x1x8x1x128xf32, #tpu.memory_space<hbm>>
    %dma_wait3A_449 = tpu.memref_squeeze %dma_wait3A_448 : memref<8x1x8x1x128xf32, #tpu.memory_space<hbm>> -> memref<8x8x128xf32, #tpu.memory_space<hbm>>
    %dma_wait3A_450 = arith.constant 0 : i32
    %dma_wait3A_451 = arith.constant 0 : i32
    %dma_wait3A_452 = arith.constant 0 : i32
    %dma_wait3A_453 = tpu.memref_slice %arg8[%dma_wait3A_450, %dma_wait3A_451, %dma_wait3A_452] : memref<32x8x128xf32, #tpu.memory_space<vmem>> -> memref<8x8x128xf32, #tpu.memory_space<vmem>>
    tpu.wait_dma2 semaphore(%arg12 : memref<!tpu.dma_semaphore, #tpu.memory_space<semaphore_mem>>) src(%dma_wait3A_453 : memref<8x8x128xf32, #tpu.memory_space<vmem>>) dst(%dma_wait3A_449 : memref<8x8x128xf32, #tpu.memory_space<hbm>>)
    %dma_wait3A_454 = arith.constant 0 : i32
    %dma_wait3A_455 = arith.constant 0 : i32
    %dma_wait3A_456 = arith.constant 0 : i32
    %dma_wait3A_457 = tpu.memref_slice %arg9[%dma_wait3A_454, %dma_wait3A_455, %dma_wait3A_456] : memref<32x8x128xf32, #tpu.memory_space<vmem>> -> memref<8x8x128xf32, #tpu.memory_space<vmem>>
    %dma_wait3A_458 = arith.constant 0 : i32
    %dma_wait3A_459 = arith.constant 0 : i32
    %dma_wait3A_460 = arith.constant 0 : i32
    %dma_wait3A_461 = tpu.memref_slice %arg4[%dma_wait3A_458, %select_n3A_58, %dma_wait3A_459, %select_n3A_74, %dma_wait3A_460] : memref<32x8x8x8x128xf32, #tpu.memory_space<hbm>> -> memref<8x1x8x1x128xf32, #tpu.memory_space<hbm>>
    %dma_wait3A_462 = tpu.memref_squeeze %dma_wait3A_461 : memref<8x1x8x1x128xf32, #tpu.memory_space<hbm>> -> memref<8x8x128xf32, #tpu.memory_space<hbm>>
    %dma_wait3A_463 = arith.constant 0 : i32
    %dma_wait3A_464 = arith.constant 0 : i32
    %dma_wait3A_465 = arith.constant 0 : i32
    %dma_wait3A_466 = tpu.memref_slice %arg4[%dma_wait3A_463, %select_n3A_58, %dma_wait3A_464, %select_n3A_74, %dma_wait3A_465] : memref<32x8x8x8x128xf32, #tpu.memory_space<hbm>> -> memref<8x1x8x1x128xf32, #tpu.memory_space<hbm>>
    %dma_wait3A_467 = tpu.memref_squeeze %dma_wait3A_466 : memref<8x1x8x1x128xf32, #tpu.memory_space<hbm>> -> memref<8x8x128xf32, #tpu.memory_space<hbm>>
    %dma_wait3A_468 = arith.constant 0 : i32
    %dma_wait3A_469 = arith.constant 0 : i32
    %dma_wait3A_470 = arith.constant 0 : i32
    %dma_wait3A_471 = tpu.memref_slice %arg9[%dma_wait3A_468, %dma_wait3A_469, %dma_wait3A_470] : memref<32x8x128xf32, #tpu.memory_space<vmem>> -> memref<8x8x128xf32, #tpu.memory_space<vmem>>
    tpu.wait_dma2 semaphore(%arg13 : memref<!tpu.dma_semaphore, #tpu.memory_space<semaphore_mem>>) src(%dma_wait3A_471 : memref<8x8x128xf32, #tpu.memory_space<vmem>>) dst(%dma_wait3A_467 : memref<8x8x128xf32, #tpu.memory_space<hbm>>)
    %dma_wait3A_472 = arith.constant 8 : i32
    %dma_wait3A_473 = arith.constant 0 : i32
    %dma_wait3A_474 = arith.constant 0 : i32
    %dma_wait3A_475 = tpu.memref_slice %arg8[%dma_wait3A_472, %dma_wait3A_473, %dma_wait3A_474] : memref<32x8x128xf32, #tpu.memory_space<vmem>> -> memref<8x8x128xf32, #tpu.memory_space<vmem>>
    %dma_wait3A_476 = arith.constant 8 : i32
    %dma_wait3A_477 = arith.constant 0 : i32
    %dma_wait3A_478 = arith.constant 0 : i32
    %dma_wait3A_479 = tpu.memref_slice %arg4[%dma_wait3A_476, %select_n3A, %dma_wait3A_477, %select_n3A_34, %dma_wait3A_478] : memref<32x8x8x8x128xf32, #tpu.memory_space<hbm>> -> memref<8x1x8x1x128xf32, #tpu.memory_space<hbm>>
    %dma_wait3A_480 = tpu.memref_squeeze %dma_wait3A_479 : memref<8x1x8x1x128xf32, #tpu.memory_space<hbm>> -> memref<8x8x128xf32, #tpu.memory_space<hbm>>
    %dma_wait3A_481 = arith.constant 8 : i32
    %dma_wait3A_482 = arith.constant 0 : i32
    %dma_wait3A_483 = arith.constant 0 : i32
    %dma_wait3A_484 = tpu.memref_slice %arg4[%dma_wait3A_481, %select_n3A, %dma_wait3A_482, %select_n3A_34, %dma_wait3A_483] : memref<32x8x8x8x128xf32, #tpu.memory_space<hbm>> -> memref<8x1x8x1x128xf32, #tpu.memory_space<hbm>>
    %dma_wait3A_485 = tpu.memref_squeeze %dma_wait3A_484 : memref<8x1x8x1x128xf32, #tpu.memory_space<hbm>> -> memref<8x8x128xf32, #tpu.memory_space<hbm>>
    %dma_wait3A_486 = arith.constant 8 : i32
    %dma_wait3A_487 = arith.constant 0 : i32
    %dma_wait3A_488 = arith.constant 0 : i32
    %dma_wait3A_489 = tpu.memref_slice %arg8[%dma_wait3A_486, %dma_wait3A_487, %dma_wait3A_488] : memref<32x8x128xf32, #tpu.memory_space<vmem>> -> memref<8x8x128xf32, #tpu.memory_space<vmem>>
    tpu.wait_dma2 semaphore(%arg12 : memref<!tpu.dma_semaphore, #tpu.memory_space<semaphore_mem>>) src(%dma_wait3A_489 : memref<8x8x128xf32, #tpu.memory_space<vmem>>) dst(%dma_wait3A_485 : memref<8x8x128xf32, #tpu.memory_space<hbm>>)
    %dma_wait3A_490 = arith.constant 8 : i32
    %dma_wait3A_491 = arith.constant 0 : i32
    %dma_wait3A_492 = arith.constant 0 : i32
    %dma_wait3A_493 = tpu.memref_slice %arg9[%dma_wait3A_490, %dma_wait3A_491, %dma_wait3A_492] : memref<32x8x128xf32, #tpu.memory_space<vmem>> -> memref<8x8x128xf32, #tpu.memory_space<vmem>>
    %dma_wait3A_494 = arith.constant 8 : i32
    %dma_wait3A_495 = arith.constant 0 : i32
    %dma_wait3A_496 = arith.constant 0 : i32
    %dma_wait3A_497 = tpu.memref_slice %arg4[%dma_wait3A_494, %select_n3A_58, %dma_wait3A_495, %select_n3A_74, %dma_wait3A_496] : memref<32x8x8x8x128xf32, #tpu.memory_space<hbm>> -> memref<8x1x8x1x128xf32, #tpu.memory_space<hbm>>
    %dma_wait3A_498 = tpu.memref_squeeze %dma_wait3A_497 : memref<8x1x8x1x128xf32, #tpu.memory_space<hbm>> -> memref<8x8x128xf32, #tpu.memory_space<hbm>>
    %dma_wait3A_499 = arith.constant 8 : i32
    %dma_wait3A_500 = arith.constant 0 : i32
    %dma_wait3A_501 = arith.constant 0 : i32
    %dma_wait3A_502 = tpu.memref_slice %arg4[%dma_wait3A_499, %select_n3A_58, %dma_wait3A_500, %select_n3A_74, %dma_wait3A_501] : memref<32x8x8x8x128xf32, #tpu.memory_space<hbm>> -> memref<8x1x8x1x128xf32, #tpu.memory_space<hbm>>
    %dma_wait3A_503 = tpu.memref_squeeze %dma_wait3A_502 : memref<8x1x8x1x128xf32, #tpu.memory_space<hbm>> -> memref<8x8x128xf32, #tpu.memory_space<hbm>>
    %dma_wait3A_504 = arith.constant 8 : i32
    %dma_wait3A_505 = arith.constant 0 : i32
    %dma_wait3A_506 = arith.constant 0 : i32
    %dma_wait3A_507 = tpu.memref_slice %arg9[%dma_wait3A_504, %dma_wait3A_505, %dma_wait3A_506] : memref<32x8x128xf32, #tpu.memory_space<vmem>> -> memref<8x8x128xf32, #tpu.memory_space<vmem>>
    tpu.wait_dma2 semaphore(%arg13 : memref<!tpu.dma_semaphore, #tpu.memory_space<semaphore_mem>>) src(%dma_wait3A_507 : memref<8x8x128xf32, #tpu.memory_space<vmem>>) dst(%dma_wait3A_503 : memref<8x8x128xf32, #tpu.memory_space<hbm>>)
    %dma_wait3A_508 = arith.constant 16 : i32
    %dma_wait3A_509 = arith.constant 0 : i32
    %dma_wait3A_510 = arith.constant 0 : i32
    %dma_wait3A_511 = tpu.memref_slice %arg8[%dma_wait3A_508, %dma_wait3A_509, %dma_wait3A_510] : memref<32x8x128xf32, #tpu.memory_space<vmem>> -> memref<8x8x128xf32, #tpu.memory_space<vmem>>
    %dma_wait3A_512 = arith.constant 16 : i32
    %dma_wait3A_513 = arith.constant 0 : i32
    %dma_wait3A_514 = arith.constant 0 : i32
    %dma_wait3A_515 = tpu.memref_slice %arg4[%dma_wait3A_512, %select_n3A, %dma_wait3A_513, %select_n3A_34, %dma_wait3A_514] : memref<32x8x8x8x128xf32, #tpu.memory_space<hbm>> -> memref<8x1x8x1x128xf32, #tpu.memory_space<hbm>>
    %dma_wait3A_516 = tpu.memref_squeeze %dma_wait3A_515 : memref<8x1x8x1x128xf32, #tpu.memory_space<hbm>> -> memref<8x8x128xf32, #tpu.memory_space<hbm>>
    %dma_wait3A_517 = arith.constant 16 : i32
    %dma_wait3A_518 = arith.constant 0 : i32
    %dma_wait3A_519 = arith.constant 0 : i32
    %dma_wait3A_520 = tpu.memref_slice %arg4[%dma_wait3A_517, %select_n3A, %dma_wait3A_518, %select_n3A_34, %dma_wait3A_519] : memref<32x8x8x8x128xf32, #tpu.memory_space<hbm>> -> memref<8x1x8x1x128xf32, #tpu.memory_space<hbm>>
    %dma_wait3A_521 = tpu.memref_squeeze %dma_wait3A_520 : memref<8x1x8x1x128xf32, #tpu.memory_space<hbm>> -> memref<8x8x128xf32, #tpu.memory_space<hbm>>
    %dma_wait3A_522 = arith.constant 16 : i32
    %dma_wait3A_523 = arith.constant 0 : i32
    %dma_wait3A_524 = arith.constant 0 : i32
    %dma_wait3A_525 = tpu.memref_slice %arg8[%dma_wait3A_522, %dma_wait3A_523, %dma_wait3A_524] : memref<32x8x128xf32, #tpu.memory_space<vmem>> -> memref<8x8x128xf32, #tpu.memory_space<vmem>>
    tpu.wait_dma2 semaphore(%arg12 : memref<!tpu.dma_semaphore, #tpu.memory_space<semaphore_mem>>) src(%dma_wait3A_525 : memref<8x8x128xf32, #tpu.memory_space<vmem>>) dst(%dma_wait3A_521 : memref<8x8x128xf32, #tpu.memory_space<hbm>>)
    %dma_wait3A_526 = arith.constant 16 : i32
    %dma_wait3A_527 = arith.constant 0 : i32
    %dma_wait3A_528 = arith.constant 0 : i32
    %dma_wait3A_529 = tpu.memref_slice %arg9[%dma_wait3A_526, %dma_wait3A_527, %dma_wait3A_528] : memref<32x8x128xf32, #tpu.memory_space<vmem>> -> memref<8x8x128xf32, #tpu.memory_space<vmem>>
    %dma_wait3A_530 = arith.constant 16 : i32
    %dma_wait3A_531 = arith.constant 0 : i32
    %dma_wait3A_532 = arith.constant 0 : i32
    %dma_wait3A_533 = tpu.memref_slice %arg4[%dma_wait3A_530, %select_n3A_58, %dma_wait3A_531, %select_n3A_74, %dma_wait3A_532] : memref<32x8x8x8x128xf32, #tpu.memory_space<hbm>> -> memref<8x1x8x1x128xf32, #tpu.memory_space<hbm>>
    %dma_wait3A_534 = tpu.memref_squeeze %dma_wait3A_533 : memref<8x1x8x1x128xf32, #tpu.memory_space<hbm>> -> memref<8x8x128xf32, #tpu.memory_space<hbm>>
    %dma_wait3A_535 = arith.constant 16 : i32
    %dma_wait3A_536 = arith.constant 0 : i32
    %dma_wait3A_537 = arith.constant 0 : i32
    %dma_wait3A_538 = tpu.memref_slice %arg4[%dma_wait3A_535, %select_n3A_58, %dma_wait3A_536, %select_n3A_74, %dma_wait3A_537] : memref<32x8x8x8x128xf32, #tpu.memory_space<hbm>> -> memref<8x1x8x1x128xf32, #tpu.memory_space<hbm>>
    %dma_wait3A_539 = tpu.memref_squeeze %dma_wait3A_538 : memref<8x1x8x1x128xf32, #tpu.memory_space<hbm>> -> memref<8x8x128xf32, #tpu.memory_space<hbm>>
    %dma_wait3A_540 = arith.constant 16 : i32
    %dma_wait3A_541 = arith.constant 0 : i32
    %dma_wait3A_542 = arith.constant 0 : i32
    %dma_wait3A_543 = tpu.memref_slice %arg9[%dma_wait3A_540, %dma_wait3A_541, %dma_wait3A_542] : memref<32x8x128xf32, #tpu.memory_space<vmem>> -> memref<8x8x128xf32, #tpu.memory_space<vmem>>
    tpu.wait_dma2 semaphore(%arg13 : memref<!tpu.dma_semaphore, #tpu.memory_space<semaphore_mem>>) src(%dma_wait3A_543 : memref<8x8x128xf32, #tpu.memory_space<vmem>>) dst(%dma_wait3A_539 : memref<8x8x128xf32, #tpu.memory_space<hbm>>)
    %dma_wait3A_544 = arith.constant 24 : i32
    %dma_wait3A_545 = arith.constant 0 : i32
    %dma_wait3A_546 = arith.constant 0 : i32
    %dma_wait3A_547 = tpu.memref_slice %arg8[%dma_wait3A_544, %dma_wait3A_545, %dma_wait3A_546] : memref<32x8x128xf32, #tpu.memory_space<vmem>> -> memref<8x8x128xf32, #tpu.memory_space<vmem>>
    %dma_wait3A_548 = arith.constant 24 : i32
    %dma_wait3A_549 = arith.constant 0 : i32
    %dma_wait3A_550 = arith.constant 0 : i32
    %dma_wait3A_551 = tpu.memref_slice %arg4[%dma_wait3A_548, %select_n3A, %dma_wait3A_549, %select_n3A_34, %dma_wait3A_550] : memref<32x8x8x8x128xf32, #tpu.memory_space<hbm>> -> memref<8x1x8x1x128xf32, #tpu.memory_space<hbm>>
    %dma_wait3A_552 = tpu.memref_squeeze %dma_wait3A_551 : memref<8x1x8x1x128xf32, #tpu.memory_space<hbm>> -> memref<8x8x128xf32, #tpu.memory_space<hbm>>
    %dma_wait3A_553 = arith.constant 24 : i32
    %dma_wait3A_554 = arith.constant 0 : i32
    %dma_wait3A_555 = arith.constant 0 : i32
    %dma_wait3A_556 = tpu.memref_slice %arg4[%dma_wait3A_553, %select_n3A, %dma_wait3A_554, %select_n3A_34, %dma_wait3A_555] : memref<32x8x8x8x128xf32, #tpu.memory_space<hbm>> -> memref<8x1x8x1x128xf32, #tpu.memory_space<hbm>>
    %dma_wait3A_557 = tpu.memref_squeeze %dma_wait3A_556 : memref<8x1x8x1x128xf32, #tpu.memory_space<hbm>> -> memref<8x8x128xf32, #tpu.memory_space<hbm>>
    %dma_wait3A_558 = arith.constant 24 : i32
    %dma_wait3A_559 = arith.constant 0 : i32
    %dma_wait3A_560 = arith.constant 0 : i32
    %dma_wait3A_561 = tpu.memref_slice %arg8[%dma_wait3A_558, %dma_wait3A_559, %dma_wait3A_560] : memref<32x8x128xf32, #tpu.memory_space<vmem>> -> memref<8x8x128xf32, #tpu.memory_space<vmem>>
    tpu.wait_dma2 semaphore(%arg12 : memref<!tpu.dma_semaphore, #tpu.memory_space<semaphore_mem>>) src(%dma_wait3A_561 : memref<8x8x128xf32, #tpu.memory_space<vmem>>) dst(%dma_wait3A_557 : memref<8x8x128xf32, #tpu.memory_space<hbm>>)
    %dma_wait3A_562 = arith.constant 24 : i32
    %dma_wait3A_563 = arith.constant 0 : i32
    %dma_wait3A_564 = arith.constant 0 : i32
    %dma_wait3A_565 = tpu.memref_slice %arg9[%dma_wait3A_562, %dma_wait3A_563, %dma_wait3A_564] : memref<32x8x128xf32, #tpu.memory_space<vmem>> -> memref<8x8x128xf32, #tpu.memory_space<vmem>>
    %dma_wait3A_566 = arith.constant 24 : i32
    %dma_wait3A_567 = arith.constant 0 : i32
    %dma_wait3A_568 = arith.constant 0 : i32
    %dma_wait3A_569 = tpu.memref_slice %arg4[%dma_wait3A_566, %select_n3A_58, %dma_wait3A_567, %select_n3A_74, %dma_wait3A_568] : memref<32x8x8x8x128xf32, #tpu.memory_space<hbm>> -> memref<8x1x8x1x128xf32, #tpu.memory_space<hbm>>
    %dma_wait3A_570 = tpu.memref_squeeze %dma_wait3A_569 : memref<8x1x8x1x128xf32, #tpu.memory_space<hbm>> -> memref<8x8x128xf32, #tpu.memory_space<hbm>>
    %dma_wait3A_571 = arith.constant 24 : i32
    %dma_wait3A_572 = arith.constant 0 : i32
    %dma_wait3A_573 = arith.constant 0 : i32
    %dma_wait3A_574 = tpu.memref_slice %arg4[%dma_wait3A_571, %select_n3A_58, %dma_wait3A_572, %select_n3A_74, %dma_wait3A_573] : memref<32x8x8x8x128xf32, #tpu.memory_space<hbm>> -> memref<8x1x8x1x128xf32, #tpu.memory_space<hbm>>
    %dma_wait3A_575 = tpu.memref_squeeze %dma_wait3A_574 : memref<8x1x8x1x128xf32, #tpu.memory_space<hbm>> -> memref<8x8x128xf32, #tpu.memory_space<hbm>>
    %dma_wait3A_576 = arith.constant 24 : i32
    %dma_wait3A_577 = arith.constant 0 : i32
    %dma_wait3A_578 = arith.constant 0 : i32
    %dma_wait3A_579 = tpu.memref_slice %arg9[%dma_wait3A_576, %dma_wait3A_577, %dma_wait3A_578] : memref<32x8x128xf32, #tpu.memory_space<vmem>> -> memref<8x8x128xf32, #tpu.memory_space<vmem>>
    tpu.wait_dma2 semaphore(%arg13 : memref<!tpu.dma_semaphore, #tpu.memory_space<semaphore_mem>>) src(%dma_wait3A_579 : memref<8x8x128xf32, #tpu.memory_space<vmem>>) dst(%dma_wait3A_575 : memref<8x8x128xf32, #tpu.memory_space<hbm>>)
    return
  }
}

</mosaic_0001>

<sc_bundles>
// kernel: kernel.3.cloned.1.call-start
scs
__scs_entry_jumppad:
0x0: {  	(pc) =	sbr.rel $0x88, $3  }
0x1: {  	(tag) =	ssettag $0x0;
	lr =	simm.s32 $0x1  }
0x2: {  	[smem:$0x3F9F] =	sst lr;
	_ =	strace $0xD0000000  }
0x3: {  	_ = 	snop  }
0x4: {  	_ = 	snop  }
0x5: {  	_ = 	snop  }
0x6: {  	_ = 	snop  }
0x7: {  	_ = 	snop  }
__scs_overlays_trampoline_lowered:
0x8: {  	[smem:$0x3FAE] =	sst s0  }
0x9: {  	[smem:$0x3FAF] =	sst s1  }
0xa: {  	[smem:$0x3FB0] =	sst s2  }
0xb: {  	[smem:$0x3FB1] =	sst s3  }
0xc: {  	[smem:$0x3FB2] =	sst s4  }
0xd: {  	[smem:$0x3FB3] =	sst s5  }
0xe: {  	[smem:$0x3FB4] =	sst s6  }
0xf: {  	[smem:$0x3FB5] =	sst s7  }
0x10: {  	[smem:$0x3FB6] =	sst s8  }
0x11: {  	[smem:$0x3FB7] =	sst s9;
	s0 =	simm.s32 @!p0 $0x0  }
0x12: {  	s1 =	sld [smem:$0x3F9D];
	s0 =	simm.s32 @p0 $0x1  }
0x13: {  	[smem:$0x3FB8] =	sst s0;
	s0 =	simm.s32 @!p1 $0x0  }
0x14: {  	s2 =	sld [smem:$0x3F9C];
	s0 =	simm.s32 @p1 $0x1  }
0x15: {  	[smem:$0x3FB9] =	sst s0;
	s0 =	simm.s32 @!p2 $0x0  }
0x16: {  	s3 =	sld [smem:$0x3FDB];
	s0 =	simm.s32 @p2 $0x1  }
0x17: {  	s4 =	simm.s32 $0x1BF5;
	[smem:$0x3FBB] =	sst s0  }
0x18: {  	s0 =	sld [smem:$0x3F9E];
	_ =	swait.ge [sflag:s4], $0x0  }
0x19: {  	s7 =	sld [smem:$0x3F9F]  }
0x1a: {  	s8 =	sadd.s32 $0xFFFFE003, lr  }
0x1b: {  	s9 =	sadd.s32 $0xFFFFFEF7, lr;
	s5 =	simm.s32 $0xFFFFFFFF;
	p2 =	slt.u32 s8, $0xFFFFF086  }
0x1c: {  	p1 =	slt.u32 s9, $0xF7A;
	s5 =	simm.s32 @!p2 $0x0  }
0x1d: {  	s5 =	simm.s32 @p1 $0x1;
	p0 =	seq.s32 s7, s2  }
0x1e: {  	s7 =	smul.u32 @!p0 $0xF7A, s2;
	p2 =	seq.s32 @!p0 s5, $0x0  }
0x1f: {  	s9 =	smul.u32 $0xF7A, s1;
	s8 =	simm.s32 @!p0 $0x1BF5;
	p2 =	por !p2, p0  }
0x20: {  	[sflag:s8] =	ssyncset.s32 @!p0 $0xFFFFF086;
	s6 =	sadd.s32 @!p0 s3, s7;
	s7 =	simm.s32 @!p0 $0x108  }
0x21: {  	s3 =	sadd.s32 s3, s9;
	s6 =	sadd.s32 @!p0 $0x88, s6;
	s7 =	simm.s32 @p2 $0x1082  }
0x22: {  	[simem:s7], [sflag:s8] =	dma.local @!p0 [hbm:s6], $0xF7A  }
0x23: {  	s9 =	sor.u32 $0xD0000000, s2;
	s6 =	simm.s32 $0x108;
	_ =	swait.ge @!p0 [sflag:s8], $0x0  }
0x24: {  	s3 =	sadd.s32 $0x88, s3;
	s6 =	simm.s32 @!p1 $0x1082;
	[sflag:s4] =	ssyncset.s32 $0xFFFFF086  }
0x25: {  	[simem:s6], [sflag:s4] =	dma.local [hbm:s3], $0xF7A  }
0x26: {  	[smem:$0x3F9F] =	sst s1;
	(tag) =	ssettag s2;
	_ =	strace s9  }
0x27: {  	s1 =	sld [smem:$0x3FAF]  }
0x28: {  	s2 =	sld [smem:$0x3FB0]  }
0x29: {  	s4 =	sld [smem:$0x3FB2]  }
0x2a: {  	p0 =	seq.s32 s5, $0x0;
	s5 =	sld [smem:$0x3FB3]  }
0x2b: {  	s6 =	sld [smem:$0x3FB4]  }
0x2c: {  	s7 =	sld [smem:$0x3FB5]  }
0x2d: {  	s3 =	simm.s32 $0x108;
	s8 =	sld [smem:$0x3FB6]  }
0x2e: {  	s3 =	simm.s32 @!p0 $0x1082;
	s9 =	sld [smem:$0x3FB7]  }
0x2f: {  	lr =	sadd.s32 s0, s3;
	s0 =	sld [smem:$0x3FAE]  }
0x30: {  	s3 =	sld [smem:$0x3FB1]  }
0x31: {  	[smem:$0x3FBA] =	sst s10  }
0x32: {  	s10 =	sld [smem:$0x3FB8];
	_ =	sdelay $0x3  }
0x33: {  	p0 =	seq.s32 s10, $0x1;
	s10 =	sld [smem:$0x3FBA];
	_ =	sdelay $0x3  }
0x34: {  	[smem:$0x3FBA] =	sst s10  }
0x35: {  	s10 =	sld [smem:$0x3FB9];
	_ =	sdelay $0x3  }
0x36: {  	p1 =	seq.s32 s10, $0x1;
	s10 =	sld [smem:$0x3FBA];
	_ =	sdelay $0x3  }
0x37: {  	[smem:$0x3FBA] =	sst s10  }
0x38: {  	s10 =	sld [smem:$0x3FBB]  }
0x39: {  	_ = 	snop;
	(pc) =	sbr.ind lr, $3  }
0x3a: {  	_ = 	snop  }
0x3b: {  	_ = 	snop  }
0x3c: {  	p2 =	seq.s32 s10, $0x1;
	s10 =	sld [smem:$0x3FBA]  }
0x3d: {  	_ =	shalt  }
0x3e: {  	_ =	shalt  }
0x3f: {  	_ =	shalt  }
0x40: {  	_ =	shalt  }
0x41: {  	_ =	shalt  }
0x42: {  	_ =	shalt  }
0x43: {  	_ =	shalt  }
0x44: {  	_ =	shalt  }
0x45: {  	_ =	shalt  }
0x46: {  	_ =	shalt  }
0x47: {  	_ =	shalt  }
0x48: {  	_ =	shalt  }
0x49: {  	_ =	shalt  }
0x4a: {  	_ =	shalt  }
0x4b: {  	_ =	shalt  }
0x4c: {  	_ =	shalt  }
0x4d: {  	_ =	shalt  }
0x4e: {  	_ =	shalt  }
0x4f: {  	_ =	shalt  }
0x50: {  	_ =	shalt  }
0x51: {  	_ =	shalt  }
0x52: {  	_ =	shalt  }
0x53: {  	_ =	shalt  }
0x54: {  	_ =	shalt  }
0x55: {  	_ =	shalt  }
0x56: {  	_ =	shalt  }
0x57: {  	_ =	shalt  }
0x58: {  	_ =	shalt  }
0x59: {  	_ =	shalt  }
0x5a: {  	_ =	shalt  }
0x5b: {  	_ =	shalt  }
0x5c: {  	_ =	shalt  }
0x5d: {  	_ =	shalt  }
0x5e: {  	_ =	shalt  }
0x5f: {  	_ =	shalt  }
0x60: {  	_ =	shalt  }
0x61: {  	_ =	shalt  }
0x62: {  	_ =	shalt  }
0x63: {  	_ =	shalt  }
0x64: {  	_ =	shalt  }
0x65: {  	_ =	shalt  }
0x66: {  	_ =	shalt  }
0x67: {  	_ =	shalt  }
0x68: {  	_ =	shalt  }
0x69: {  	_ =	shalt  }
0x6a: {  	_ =	shalt  }
0x6b: {  	_ =	shalt  }
0x6c: {  	_ =	shalt  }
0x6d: {  	_ =	shalt  }
0x6e: {  	_ =	shalt  }
0x6f: {  	_ =	shalt  }
0x70: {  	_ =	shalt  }
0x71: {  	_ =	shalt  }
0x72: {  	_ =	shalt  }
0x73: {  	_ =	shalt  }
0x74: {  	_ =	shalt  }
0x75: {  	_ =	shalt  }
0x76: {  	_ =	shalt  }
0x77: {  	_ =	shalt  }
0x78: {  	_ =	shalt  }
0x79: {  	_ =	shalt  }
0x7a: {  	_ =	shalt  }
0x7b: {  	_ =	shalt  }
0x7c: {  	_ =	shalt  }
0x7d: {  	_ =	shalt  }
0x7e: {  	_ =	shalt  }
0x7f: {  	_ =	shalt  }
0x80: {  	_ =	shalt  }
0x81: {  	_ =	shalt  }
0x82: {  	_ =	shalt  }
0x83: {  	_ =	shalt  }
0x84: {  	_ =	shalt  }
0x85: {  	_ =	shalt  }
0x86: {  	_ =	shalt  }
0x87: {  	_ =	shalt  }
.Lfunc_end0:
.L_simem_size_0:
called_computation_lowered:
.L_overlay_start_0:
0x88: {  	s2 =	sld [smem:$0x3FD9]  }
0x89: {  	s3 =	sld [smem:$0x3FFE];
	_ =	sdelay $0x1  }
0x8a: {  	s1 =	srdreg.scid  }
0x8b: {  	s0 =	sand.u32 $0x1, s1  }
0x8c: {  	s18 =	sshll.u32 s0, $0xA;
	s2 =	sadd.s32 s3, s2  }
0x8d: {  	s2 =	sadd.s32 s2, s18  }
0x8e: {  	[smem:$0x3FC6] =	sst s2  }
0x8f: {  	_ = 	snop  }
0x90: {  	s2 =	sld [smem:$0x3FC9]  }
0x91: {  	s19 =	sld [smem:$0x3FC8]  }
0x92: {  	s4 =	sld [smem:$0x3FD0];
	(tm) =	ssettm $0x1  }
0x93: {  	s5 =	sld [smem:$0x3FFB];
	_ =	sdelay $0x3  }
0x94: {  	_ =	strace s5  }
0x95: {  	s5 =	sld [smem:$0x3FFC];
	_ =	sdelay $0x3  }
0x96: {  	_ =	strace s5  }
0x97: {  	s5 =	sld [smem:$0x3FFD];
	_ =	sdelay $0x3  }
0x98: {  	_ =	strace s5  }
0x99: {  	_ =	strace $0x8FFFFFFF  }
0x9a: {  	s20 =	sld [smem:$0x3FDB];
	_ =	sdelay $0x1  }
0x9b: {  	s6 =	simm.s32 $_scs_section_size  }
0x9c: {  	s7 =	simm.s32 $_size__tile_overlayer_lowered;
	s8 =	simm.s32 $_tile_overlayer_lowered  }
0x9d: {  	s23 =	simm.s32 $0x1BFF;
	s22 =	sshll.u32 s8, $0x1;
	s5 =	sadd.s32 s6, s20  }
0x9e: {  	s9 =	simm.s32 $0x0;
	s21 =	sshll.u32 s7, $0x1;
	s7 =	sadd.s32 s22, s5  }
0x9f: {  	[timem:s9], [sflag:s23] =	dma.local [hbm:s7], s21  }
0xa0: {  	_ =	swait.ge [sflag:s23], s21  }
0xa1: {  	s6 =	ssub.s32 $0x0, s21;
	[sflag:s23] =	ssyncset.done $0x0  }
0xa2: {  	[sflag:s23] =	ssyncadd.s32 s6;
	_ =	sdelay $0x1  }
0xa3: {  	s24 =	simm.s32 $0x1B8B  }
0xa4: {  	_ =	swait.ge [sflag:s24], $0x1  }
0xa5: {  	[sflag:s24] =	ssyncset.done $0x0  }
0xa6: {  	s25 =	simm.s32 $0x1B8E;
	[sflag:s24] =	ssyncadd.s32 $0xFFFFFFFF  }
0xa7: {  	s26 =	simm.s32 $execute0_lowered;
	[smem:$0x3FD2] =	sst s25  }
0xa8: {  	s6 =	sshll.u32 s26, $0x1;
	_ =	strace $0x80000046;
	[dreg:$0x1] =	wrdreg $0xFFFFFFFF  }
0xa9: {  	s28 =	simm.s32 $_size_execute0_lowered;
	s5 =	sadd.s32 s5, s6;
	[dreg:$0x0] =	wrdreg $0x0  }
0xaa: {  	s6 =	sshll.u32 s28, $0x1;
	[dreg:$0x2] =	wrdreg s5  }
0xab: {  	[dreg:$0x3] =	wrdreg s6  }
0xac: {  	[dreg:$0x4] =	wrdreg $0xC0  }
0xad: {  	_ =	task [dreg:s9], $0x5FFFF  }
0xae: {  	[dreg:$0x1] =	wrdreg $0xFFFFFFFF  }
0xaf: {  	[dreg:$0x0] =	wrdreg $0x60  }
0xb0: {  	[dreg:$0x2] =	wrdreg s19  }
0xb1: {  	[dreg:$0x3] =	wrdreg s2  }
0xb2: {  	[dreg:$0x4] =	wrdreg s4  }
0xb3: {  	[dreg:$0x5] =	wrdreg $0x9  }
0xb4: {  	_ =	task.clear_ibuf [dreg:s9], $0x6FFFF;
	_ =	strace $0x90000046  }
0xb5: {  	s29 =	simm.s32 $0x9;
	_ =	strace $0x80000048  }
0xb6: {  	_ =	swait.ge [sflag:s29], $0x1  }
0xb7: {  	[sflag:s29] =	ssyncadd.s32 $0xFFFFFFFF  }
0xb8: {  	_ =	strace $0x90000048  }
0xb9: {  	_ =	sfence  }
0xba: {  	s30 =	sld [smem:$0x0];
	_ =	sdelay $0x2  }
0xbb: {  	s31 =	sshll.u32 s1, $0xD;
	s1 =	sshrl.u32 s1, $0x2  }
0xbc: {  	s3 =	sand.u32 $0x4000, s31;
	s1 =	sadd.s32 s1, s30  }
0xbd: {  	s0 =	sor.u32 s3, s0;
	s1 =	sshll.u32 s1, $0x11  }
0xbe: {  	s0 =	sor.u32 s1, s0  }
0xbf: {  	s0 =	sadd.s32 $0x8F2B, s0  }
0xc0: {  	[sflag:s0] =	ssyncadd.remote.s32 $0x1  }
0xc1: {  	_ =	sfence.sel $0xFFFF  }
0xc2: {  	[dreg:$0x0] =	wrdreg $0xFFFFFFFF;
	(pc) =	sbr.abs _section_cstart, $3  }
0xc3: {  	[dreg:$0x1] =	wrdreg $0xFFFFFFFF  }
0xc4: {  	_ =	task.clear_ibuf [dreg:s9], $0x2FFFF;
	_ =	strace $0x9FFFFFFF  }
0xc5: {  	(tm) =	ssettm $0x7FFFFFFF  }
tec
execute0_lowered:
.L_overlay_start_1:
0x0: {  	(tag) =	ssettag $0x1  }
0x1: {  	s0 =	rddreg [dreg:$0x0]  }
0x2: {  	s9 =	rddreg [dreg:$0x1]  }
0x3: {  	s1 =	rddreg [dreg:$0x2]  }
0x4: {  	s2 =	srdreg.scid;
	s5 =	stileid.u32  }
0x5: {  	s6 =	simm.s32 $0x0;
	s18 =	simm.s32 $0x80;
	s2 =	sand.u32 $0x1, s2  }
0x6: {  	s3 =	sshll.u32 s5, $0x9;
	[smem:$0x7FF] =	sst s6;
	s5 =	sshrl.u32 s5, $0x1  }
0x7: {  	s21 =	sadd.s32 $0x400, s9;
	s22 =	sadd.s32 $0x800, s9;
	s24 =	sadd.s32 $0xC00, s9  }
0x8: {  	s25 =	sadd.s32 $0x10000, s1;
	s30 =	sadd.s32 $0x20000, s1;
	s4 =	sshll.u32 s2, $0x8  }
0x9: {  	s3 =	sand.u32 $0x200, s3;
	_ =	strace $0x80000047;
	[dreg:$0x6] =	wrdreg s21  }
0xa: {  	s19 =	sshll.u32 s5, $0x10;
	s2 =	ssub.s32 $0x2, s2;
	[dreg:$0x7] =	wrdreg s22  }
0xb: {  	s23 =	sshll.u32 s5, $0xD;
	[dreg:$0x8] =	wrdreg s24;
	s3 =	sor.u32 s4, s3  }
0xc: {  	s21 =	simm.s32 $0xA000;
	s8 =	sshrl.u32 s2, $0x1;
	s20 =	sor.u32 $0x80, s3  }
0xd: {  	s7 =	sor.u32 s19, s3;
	s2 =	ssub.s32 s2, s8;
	s3 =	sor.u32 s23, s3  }
0xe: {  	s4 =	sor.u32 s19, s20;
	s7 =	sshrl.u32 s7, $0x3;
	s3 =	sshrl.u32 s3, $0x3  }
0xf: {  	s31 =	smax.u32 s2, $0x1;
	s19 =	simm.s32 $0x400;
	s2 =	simm.s32 $0x0  }
0x10: {  	s4 =	sshrl.u32 s4, $0x3;
	s7 =	sadd.s32 s0, s7;
	[dreg:$0xc] =	wrdreg s31  }
0x11: {  	s26 =	sadd.s32 s1, s3;
	[dreg:$0x4] =	wrdreg s7;
	s0 =	sadd.s32 s0, s4  }
0x12: {  	s29 =	sadd.s32 s3, s25;
	[dreg:$0x5] =	wrdreg s0;
	s0 =	sor.u32 s23, s20  }
0x13: {  	s13 =	sadd.s32 s3, s30;
	[dreg:$0x9] =	wrdreg s26;
	s0 =	sshrl.u32 s0, $0x3  }
0x14: {  	[dreg:$0xb] =	wrdreg s29;
	s20 =	simm.s32 $0x8000;
	s28 =	sadd.s32 s1, s0  }
0x15: {  	s12 =	sadd.s32 s0, s25;
	s1 =	sadd.s32 $0x30000, s1;
	s14 =	sadd.s32 s0, s30  }
0x16: {  	[dreg:$0xa] =	wrdreg s28;
	s15 =	sadd.s32 s3, s1;
	s16 =	sadd.s32 s0, s1  }
.LBB2_1:
0x17: {  	[dreg:$0xd] =	wrdreg s2  }
0x18: {  	s0 =	rddreg [dreg:$0x4]  }
0x19: {  	[tilespmem:s20], [sflag:$0x1] =	stream.strided.gather [hbm4b:s0+s18], $0x2000, s19, s18, $0x38;
	[tilespmem:$0x1C000] =	vst v63  }
0x1a: {  	s2 =	rddreg [dreg:$0x5]  }
0x1b: {  	[tilespmem:s21], [sflag:$0x1] =	stream.strided.gather [hbm4b:s2+s18], $0x2000, s19, s18, $0x38;
	[tilespmem:$0x1C000] =	vst v63  }
0x1c: {  	s3 =	rddreg [dreg:$0x1];
	s1 =	simm.s32 $0x0  }
0x1d: {  	[tilespmem:s1], [sflag:$0x2] =	stream.linear.gather [hbm4b:s3+s1], $0x2000, $0x38;
	[tilespmem:$0x1C000] =	vst v63  }
0x1e: {  	s4 =	rddreg [dreg:$0x6];
	s5 =	simm.s32 $0x2000  }
0x1f: {  	[tilespmem:s5], [sflag:$0x2] =	stream.linear.gather [hbm4b:s4+s1], $0x2000, $0x38;
	[tilespmem:$0x1C000] =	vst v63  }
0x20: {  	s6 =	rddreg [dreg:$0x7];
	s7 =	simm.s32 $0x4000  }
0x21: {  	[tilespmem:s7], [sflag:$0x2] =	stream.linear.gather [hbm4b:s6+s1], $0x2000, $0x38;
	[tilespmem:$0x1C000] =	vst v63  }
0x22: {  	s8 =	rddreg [dreg:$0x8];
	s9 =	simm.s32 $0x6000;
	s10 =	simm.s32 $0x1  }
0x23: {  	[tilespmem:s9], [sflag:$0x2] =	stream.linear.gather [hbm4b:s8+s1], $0x2000, $0x38;
	[tilespmem:$0x1C000] =	vst v63  }
0x24: {  	_ =	swait.ge [sflag:s10], $0x2000  }
0x25: {  	[sflag:s10] =	ssyncset.done $0x0  }
0x26: {  	[sflag:s10] =	ssyncadd.s32 $0xFFFFE000  }
0x27: {  	_ =	swait.ge [sflag:s10], $0x2000  }
0x28: {  	s11 =	simm.s32 $0x0;
	[sflag:s10] =	ssyncset.done $0x0  }
0x29: {  	s0 =	sand.u32 $0x6, s11;
	s3 =	simm.s32 $0x2;
	[sflag:s10] =	ssyncadd.s32 $0xFFFFE000  }
0x2a: {  	s17 =	sor.u32 $0x1, s0;
	_ =	swait.ge [sflag:s3], $0x2000  }
0x2b: {  	s22 =	sshll.u32 s17, $0xA;
	[sflag:s3] =	ssyncset.done $0x0  }
0x2c: {  	s2 =	sadd.s32 $0x0, s22;
	[sflag:s3] =	ssyncadd.s32 $0xFFFFE000  }
0x2d: {  	v0 =	vld [tilespmem:s2+$0x0]  }
0x2e: {  	s23 =	sshll.u32 s0, $0xA  }
0x2f: {  	s3 =	sadd.s32 $0x0, s23  }
0x30: {  	v1 =	vld [tilespmem:s3+$0x0];
	_ =	sdelay $0x4  }
0x31: {  	v2 =	vld.idx.msk [tilespmem:v0+s20+$0x0], $0xffff;
	_ =	sdelay $0x2  }
0x32: {  	s4 =	simm.s32 $0x0;
	s1 =	sshll.u32 s17, $0x7;
	v3 =	vld.idx.msk [tilespmem:v1+s20+$0x0], $0xffff  }
0x33: {  	s25 =	sor.u32 s4, s1  }
0x34: {  	[tilespmem:s25+$0xC000] =	vst v2  }
0x35: {  	s0 =	sshll.u32 s0, $0x7;
	v0 =	vld.idx.msk [tilespmem:v0+s21+$0x0], $0xffff  }
0x36: {  	s0 =	sor.u32 s0, s4  }
0x37: {  	[tilespmem:s0+$0xC000] =	vst v3  }
0x38: {  	v1 =	vld.idx.msk [tilespmem:v1+s21+$0x0], $0xffff;
	_ =	sdelay $0x1  }
0x39: {  	[tilespmem:s25+$0x14000] =	vst v0  }
0x3a: {  	v0 =	vld [tilespmem:s2+$0x10];
	_ =	sdelay $0x1  }
0x3b: {  	[tilespmem:s0+$0x14000] =	vst v1  }
0x3c: {  	v1 =	vld [tilespmem:s3+$0x10];
	_ =	sdelay $0x4  }
0x3d: {  	s24 =	simm.s32 $0x2;
	v2 =	vld.idx.msk [tilespmem:v0+s20+$0x0], $0xffff  }
0x3e: {  	s1 =	sand.u32 $0x6, s24  }
0x3f: {  	s26 =	sor.u32 $0x1, s1  }
0x40: {  	s5 =	sshll.u32 s26, $0xA;
	v3 =	vld.idx.msk [tilespmem:v1+s20+$0x0], $0xffff  }
0x41: {  	s8 =	sadd.s32 $0x0, s5  }
0x42: {  	[tilespmem:s25+$0xC010] =	vst v2;
	v2 =	vld [tilespmem:s8+$0x0]  }
0x43: {  	v0 =	vld.idx.msk [tilespmem:v0+s21+$0x0], $0xffff;
	_ =	sdelay $0x1  }
0x44: {  	s30 =	sshll.u32 s1, $0xA;
	[tilespmem:s0+$0xC010] =	vst v3  }
0x45: {  	s7 =	sadd.s32 $0x0, s30;
	v1 =	vld.idx.msk [tilespmem:v1+s21+$0x0], $0xffff  }
0x46: {  	v3 =	vld [tilespmem:s7+$0x0]  }
0x47: {  	[tilespmem:s25+$0x14010] =	vst v0  }
0x48: {  	v0 =	vld [tilespmem:s2+$0x20]  }
0x49: {  	v4 =	vld.idx.msk [tilespmem:v2+s20+$0x0], $0xffff  }
0x4a: {  	[tilespmem:s0+$0x14010] =	vst v1  }
0x4b: {  	v1 =	vld [tilespmem:s3+$0x20]  }
0x4c: {  	s31 =	simm.s32 $0x0;
	s4 =	sshll.u32 s26, $0x7  }
0x4d: {  	s26 =	sor.u32 s31, s4  }
0x4e: {  	[tilespmem:s26+$0xC000] =	vst v4;
	v4 =	vld.idx.msk [tilespmem:v3+s20+$0x0], $0xffff  }
0x4f: {  	v2 =	vld.idx.msk [tilespmem:v2+s21+$0x0], $0xffff  }
0x50: {  	v5 =	vld.idx.msk [tilespmem:v0+s20+$0x0], $0xffff  }
0x51: {  	s1 =	sshll.u32 s1, $0x7  }
0x52: {  	s1 =	sor.u32 s1, s31  }
0x53: {  	v6 =	vld.idx.msk [tilespmem:v1+s20+$0x0], $0xffff;
	[tilespmem:s1+$0xC000] =	vst v4  }
0x54: {  	[tilespmem:s26+$0x14000] =	vst v2;
	v3 =	vld.idx.msk [tilespmem:v3+s21+$0x0], $0xffff  }
0x55: {  	[tilespmem:s25+$0xC020] =	vst v5;
	v2 =	vld [tilespmem:s8+$0x10]  }
0x56: {  	v0 =	vld.idx.msk [tilespmem:v0+s21+$0x0], $0xffff;
	_ =	sdelay $0x2  }
0x57: {  	[tilespmem:s1+$0x14000] =	vst v3  }
0x58: {  	[tilespmem:s0+$0xC020] =	vst v6;
	v3 =	vld [tilespmem:s7+$0x10]  }
0x59: {  	v1 =	vld.idx.msk [tilespmem:v1+s21+$0x0], $0xffff;
	[tilespmem:s25+$0x14020] =	vst v0  }
0x5a: {  	v0 =	vld [tilespmem:s2+$0x30]  }
0x5b: {  	v4 =	vld.idx.msk [tilespmem:v2+s20+$0x0], $0xffff;
	_ =	sdelay $0x2  }
0x5c: {  	[tilespmem:s0+$0x14020] =	vst v1  }
0x5d: {  	v1 =	vld [tilespmem:s3+$0x30]  }
0x5e: {  	[tilespmem:s26+$0xC010] =	vst v4;
	v4 =	vld.idx.msk [tilespmem:v3+s20+$0x0], $0xffff  }
0x5f: {  	v2 =	vld.idx.msk [tilespmem:v2+s21+$0x0], $0xffff  }
0x60: {  	v5 =	vld.idx.msk [tilespmem:v0+s20+$0x0], $0xffff;
	_ =	sdelay $0x2  }
0x61: {  	[tilespmem:s1+$0xC010] =	vst v4  }
0x62: {  	s6 =	simm.s32 $0x4;
	[tilespmem:s26+$0x14010] =	vst v2;
	v3 =	vld.idx.msk [tilespmem:v3+s21+$0x0], $0xffff  }
0x63: {  	s4 =	sand.u32 $0x6, s6;
	[tilespmem:s25+$0xC030] =	vst v5;
	v2 =	vld [tilespmem:s8+$0x20]  }
0x64: {  	s9 =	sor.u32 $0x1, s4;
	v0 =	vld.idx.msk [tilespmem:v0+s21+$0x0], $0xffff  }
0x65: {  	s6 =	sshll.u32 s9, $0xA  }
0x66: {  	s28 =	sadd.s32 $0x0, s6;
	v6 =	vld.idx.msk [tilespmem:v1+s20+$0x0], $0xffff  }
0x67: {  	v5 =	vld [tilespmem:s28+$0x0];
	[tilespmem:s1+$0x14010] =	vst v3  }
0x68: {  	v3 =	vld [tilespmem:s7+$0x20]  }
0x69: {  	[tilespmem:s25+$0x14030] =	vst v0  }
0x6a: {  	v0 =	vld [tilespmem:s2+$0x40]  }
0x6b: {  	v4 =	vld.idx.msk [tilespmem:v2+s20+$0x0], $0xffff  }
0x6c: {  	s10 =	sshll.u32 s4, $0xA;
	[tilespmem:s0+$0xC030] =	vst v6  }
0x6d: {  	s24 =	sadd.s32 $0x0, s10;
	v1 =	vld.idx.msk [tilespmem:v1+s21+$0x0], $0xffff  }
0x6e: {  	v6 =	vld [tilespmem:s24+$0x0]  }
0x6f: {  	v9 =	vld.idx.msk [tilespmem:v5+s20+$0x0], $0xffff  }
0x70: {  	[tilespmem:s26+$0xC020] =	vst v4;
	v4 =	vld.idx.msk [tilespmem:v3+s20+$0x0], $0xffff  }
0x71: {  	v2 =	vld.idx.msk [tilespmem:v2+s21+$0x0], $0xffff  }
0x72: {  	s11 =	simm.s32 $0x0;
	s5 =	sshll.u32 s9, $0x7;
	[tilespmem:s0+$0x14030] =	vst v1;
	v7 =	vld.idx.msk [tilespmem:v0+s20+$0x0], $0xffff  }
0x73: {  	s23 =	sor.u32 s11, s5;
	v1 =	vld [tilespmem:s3+$0x40]  }
0x74: {  	[tilespmem:s23+$0xC000] =	vst v9  }
0x75: {  	[tilespmem:s1+$0xC020] =	vst v4;
	v4 =	vld.idx.msk [tilespmem:v5+s21+$0x0], $0xffff  }
0x76: {  	[tilespmem:s26+$0x14020] =	vst v2;
	v3 =	vld.idx.msk [tilespmem:v3+s21+$0x0], $0xffff  }
0x77: {  	[tilespmem:s25+$0xC040] =	vst v7;
	v7 =	vld.idx.msk [tilespmem:v6+s20+$0x0], $0xffff  }
0x78: {  	v2 =	vld [tilespmem:s8+$0x30]  }
0x79: {  	v0 =	vld.idx.msk [tilespmem:v0+s21+$0x0], $0xffff  }
0x7a: {  	s4 =	sshll.u32 s4, $0x7  }
0x7b: {  	s22 =	sor.u32 s4, s11;
	v8 =	vld.idx.msk [tilespmem:v1+s20+$0x0], $0xffff;
	[tilespmem:s1+$0x14020] =	vst v3  }
0x7c: {  	[tilespmem:s22+$0xC000] =	vst v7;
	v3 =	vld [tilespmem:s7+$0x30]  }
0x7d: {  	[tilespmem:s23+$0x14000] =	vst v4;
	v5 =	vld.idx.msk [tilespmem:v6+s21+$0x0], $0xffff  }
0x7e: {  	[tilespmem:s25+$0x14040] =	vst v0;
	v6 =	vld [tilespmem:s28+$0x10]  }
0x7f: {  	v0 =	vld [tilespmem:s2+$0x50]  }
0x80: {  	[tilespmem:s0+$0xC040] =	vst v8;
	v4 =	vld.idx.msk [tilespmem:v2+s20+$0x0], $0xffff  }
0x81: {  	v1 =	vld.idx.msk [tilespmem:v1+s21+$0x0], $0xffff;
	_ =	sdelay $0x1  }
0x82: {  	[tilespmem:s22+$0x14000] =	vst v5  }
0x83: {  	v7 =	vld [tilespmem:s24+$0x10]  }
0x84: {  	[tilespmem:s26+$0xC030] =	vst v4;
	v4 =	vld.idx.msk [tilespmem:v3+s20+$0x0], $0xffff  }
0x85: {  	[tilespmem:s0+$0x14040] =	vst v1;
	v1 =	vld.idx.msk [tilespmem:v2+s21+$0x0], $0xffff  }
0x86: {  	v8 =	vld.idx.msk [tilespmem:v6+s20+$0x0], $0xffff  }
0x87: {  	v5 =	vld.idx.msk [tilespmem:v0+s20+$0x0], $0xffff;
	_ =	sdelay $0x1  }
0x88: {  	v2 =	vld [tilespmem:s3+$0x50];
	[tilespmem:s1+$0xC030] =	vst v4  }
0x89: {  	[tilespmem:s26+$0x14030] =	vst v1;
	v3 =	vld.idx.msk [tilespmem:v3+s21+$0x0], $0xffff  }
0x8a: {  	s17 =	simm.s32 $0x6;
	[tilespmem:s23+$0xC010] =	vst v8;
	v1 =	vld [tilespmem:s8+$0x40]  }
0x8b: {  	s4 =	sand.u32 $0x6, s17;
	[tilespmem:s25+$0xC050] =	vst v5;
	v5 =	vld.idx.msk [tilespmem:v7+s20+$0x0], $0xffff  }
0x8c: {  	s29 =	sshll.u32 s4, $0xA;
	v4 =	vld.idx.msk [tilespmem:v6+s21+$0x0], $0xffff  }
0x8d: {  	s5 =	sadd.s32 $0x0, s29;
	v0 =	vld.idx.msk [tilespmem:v0+s21+$0x0], $0xffff  }
0x8e: {  	v8 =	vld [tilespmem:s5+$0x0]  }
0x8f: {  	[tilespmem:s1+$0x14030] =	vst v3  }
0x90: {  	v6 =	vld.idx.msk [tilespmem:v2+s20+$0x0], $0xffff;
	[tilespmem:s22+$0xC010] =	vst v5  }
0x91: {  	[tilespmem:s23+$0x14010] =	vst v4;
	v4 =	vld [tilespmem:s7+$0x40]  }
0x92: {  	[tilespmem:s25+$0x14050] =	vst v0;
	v5 =	vld.idx.msk [tilespmem:v7+s21+$0x0], $0xffff  }
0x93: {  	v0 =	vld [tilespmem:s2+$0x60]  }
0x94: {  	v3 =	vld.idx.msk [tilespmem:v1+s20+$0x0], $0xffff  }
0x95: {  	[tilespmem:s0+$0xC050] =	vst v6;
	v6 =	vld [tilespmem:s28+$0x20]  }
0x96: {  	s17 =	sor.u32 $0x1, s4;
	v12 =	vld.idx.msk [tilespmem:v8+s20+$0x0], $0xffff  }
0x97: {  	s30 =	sshll.u32 s17, $0xA;
	v2 =	vld.idx.msk [tilespmem:v2+s21+$0x0], $0xffff;
	[tilespmem:s22+$0x14010] =	vst v5  }
0x98: {  	s6 =	sadd.s32 $0x0, s30;
	v7 =	vld [tilespmem:s24+$0x20]  }
0x99: {  	[tilespmem:s26+$0xC040] =	vst v3;
	v3 =	vld [tilespmem:s6+$0x0]  }
0x9a: {  	s4 =	sshll.u32 s4, $0x7;
	s29 =	simm.s32 $0x0;
	v1 =	vld.idx.msk [tilespmem:v1+s21+$0x0], $0xffff  }
0x9b: {  	s4 =	sor.u32 s4, s29;
	v5 =	vld.idx.msk [tilespmem:v0+s20+$0x0], $0xffff  }
0x9c: {  	[tilespmem:s4+$0xC000] =	vst v12;
	v50 =	vld.idx.msk [tilespmem:v4+s20+$0x0], $0xffff  }
0x9d: {  	[tilespmem:s0+$0x14050] =	vst v2;
	v8 =	vld.idx.msk [tilespmem:v8+s21+$0x0], $0xffff  }
0x9e: {  	v2 =	vld [tilespmem:s3+$0x60]  }
0x9f: {  	v10 =	vld.idx.msk [tilespmem:v6+s20+$0x0], $0xffff;
	[tilespmem:s26+$0x14040] =	vst v1  }
0xa0: {  	[tilespmem:s25+$0xC060] =	vst v5;
	v1 =	vld [tilespmem:s8+$0x50]  }
0xa1: {  	[tilespmem:s1+$0xC040] =	vst v50;
	v0 =	vld.idx.msk [tilespmem:v0+s21+$0x0], $0xffff  }
0xa2: {  	v4 =	vld.idx.msk [tilespmem:v4+s21+$0x0], $0xffff  }
0xa3: {  	v5 =	vld.idx.msk [tilespmem:v7+s20+$0x0], $0xffff  }
0xa4: {  	[tilespmem:s23+$0xC020] =	vst v10;
	v11 =	vld.idx.msk [tilespmem:v3+s20+$0x0], $0xffff  }
0xa5: {  	v6 =	vld.idx.msk [tilespmem:v6+s21+$0x0], $0xffff  }
0xa6: {  	v51 =	vld.idx.msk [tilespmem:v2+s20+$0x0], $0xffff;
	[tilespmem:s25+$0x14060] =	vst v0  }
0xa7: {  	s31 =	sshll.u32 s17, $0x7;
	v0 =	vld [tilespmem:s2+$0x70]  }
0xa8: {  	[tilespmem:s22+$0xC020] =	vst v5;
	s2 =	sor.u32 s29, s31;
	v5 =	vld.idx.msk [tilespmem:v1+s20+$0x0], $0xffff  }
0xa9: {  	v7 =	vld.idx.msk [tilespmem:v7+s21+$0x0], $0xffff;
	[tilespmem:s2+$0xC000] =	vst v11  }
0xaa: {  	[tilespmem:s1+$0x14040] =	vst v4;
	v3 =	vld.idx.msk [tilespmem:v3+s21+$0x0], $0xffff  }
0xab: {  	[tilespmem:s4+$0x14000] =	vst v8;
	v4 =	vld [tilespmem:s7+$0x50]  }
0xac: {  	[tilespmem:s23+$0x14020] =	vst v6  }
0xad: {  	[tilespmem:s26+$0xC050] =	vst v5;
	v5 =	vld [tilespmem:s28+$0x30]  }
0xae: {  	[tilespmem:s22+$0x14020] =	vst v7;
	v1 =	vld.idx.msk [tilespmem:v1+s21+$0x0], $0xffff  }
0xaf: {  	[tilespmem:s2+$0x14000] =	vst v3;
	v3 =	vld [tilespmem:s24+$0x30]  }
0xb0: {  	[tilespmem:s0+$0xC060] =	vst v51;
	v7 =	vld [tilespmem:s5+$0x10]  }
0xb1: {  	v2 =	vld.idx.msk [tilespmem:v2+s21+$0x0], $0xffff  }
0xb2: {  	s29 =	simm.s32 $0x8;
	v6 =	vld [tilespmem:s6+$0x10]  }
0xb3: {  	s9 =	sand.u32 $0x6, s29;
	v52 =	vld.idx.msk [tilespmem:v4+s20+$0x0], $0xffff;
	[tilespmem:s26+$0x14050] =	vst v1  }
0xb4: {  	s11 =	sshll.u32 s9, $0xA;
	v1 =	vld [tilespmem:s8+$0x60]  }
0xb5: {  	s17 =	sadd.s32 $0x80, s11;
	v10 =	vld.idx.msk [tilespmem:v5+s20+$0x0], $0xffff  }
0xb6: {  	v56 =	vld [tilespmem:s17+$0x0]  }
0xb7: {  	v53 =	vld.idx.msk [tilespmem:v3+s20+$0x0], $0xffff  }
0xb8: {  	[tilespmem:s1+$0xC050] =	vst v52;
	v13 =	vld.idx.msk [tilespmem:v7+s20+$0x0], $0xffff  }
0xb9: {  	v4 =	vld.idx.msk [tilespmem:v4+s21+$0x0], $0xffff  }
0xba: {  	v54 =	vld.idx.msk [tilespmem:v6+s20+$0x0], $0xffff;
	[tilespmem:s23+$0xC030] =	vst v10  }
0xbb: {  	[tilespmem:s0+$0x14060] =	vst v2;
	v5 =	vld.idx.msk [tilespmem:v5+s21+$0x0], $0xffff  }
0xbc: {  	[tilespmem:s22+$0xC030] =	vst v53;
	v55 =	vld.idx.msk [tilespmem:v1+s20+$0x0], $0xffff  }
0xbd: {  	[tilespmem:s4+$0xC010] =	vst v13;
	v3 =	vld.idx.msk [tilespmem:v3+s21+$0x0], $0xffff  }
0xbe: {  	v2 =	vld [tilespmem:s3+$0x70];
	[tilespmem:s1+$0x14050] =	vst v4  }
0xbf: {  	v7 =	vld.idx.msk [tilespmem:v7+s21+$0x0], $0xffff;
	[tilespmem:s2+$0xC010] =	vst v54  }
0xc0: {  	v4 =	vld [tilespmem:s7+$0x60];
	[tilespmem:s23+$0x14030] =	vst v5  }
0xc1: {  	v6 =	vld.idx.msk [tilespmem:v6+s21+$0x0], $0xffff;
	[tilespmem:s26+$0xC060] =	vst v55  }
0xc2: {  	[tilespmem:s22+$0x14030] =	vst v3;
	v3 =	vld [tilespmem:s28+$0x40]  }
0xc3: {  	v1 =	vld.idx.msk [tilespmem:v1+s21+$0x0], $0xffff  }
0xc4: {  	v8 =	vld.idx.msk [tilespmem:v0+s20+$0x0], $0xffff;
	[tilespmem:s4+$0x14010] =	vst v7  }
0xc5: {  	v7 =	vld [tilespmem:s5+$0x20]  }
0xc6: {  	[tilespmem:s2+$0x14010] =	vst v6;
	v5 =	vld [tilespmem:s24+$0x40]  }
0xc7: {  	s30 =	sor.u32 $0x1, s9;
	v6 =	vld [tilespmem:s6+$0x20]  }
0xc8: {  	s10 =	sshll.u32 s30, $0xA;
	[tilespmem:s26+$0x14060] =	vst v1;
	v1 =	vld.idx.msk [tilespmem:v4+s20+$0x0], $0xffff  }
0xc9: {  	v9 =	vld [tilespmem:s8+$0x70];
	s8 =	sadd.s32 $0x80, s10  }
0xca: {  	[tilespmem:s25+$0xC070] =	vst v8;
	v8 =	vld [tilespmem:s8+$0x0]  }
0xcb: {  	v57 =	vld.idx.msk [tilespmem:v3+s20+$0x0], $0xffff  }
0xcc: {  	v14 =	vld.idx.msk [tilespmem:v56+s20+$0x0], $0xffff  }
0xcd: {  	v0 =	vld.idx.msk [tilespmem:v0+s21+$0x0], $0xffff  }
0xce: {  	v58 =	vld.idx.msk [tilespmem:v5+s20+$0x0], $0xffff;
	[tilespmem:s1+$0xC060] =	vst v1  }
0xcf: {  	v1 =	vld.idx.msk [tilespmem:v4+s21+$0x0], $0xffff  }
0xd0: {  	v4 =	vld.idx.msk [tilespmem:v6+s20+$0x0], $0xffff;
	[tilespmem:s23+$0xC040] =	vst v57  }
0xd1: {  	v3 =	vld.idx.msk [tilespmem:v3+s21+$0x0], $0xffff  }
0xd2: {  	v13 =	vld.idx.msk [tilespmem:v7+s20+$0x0], $0xffff  }
0xd3: {  	[tilespmem:s22+$0xC040] =	vst v58;
	v59 =	vld.idx.msk [tilespmem:v8+s20+$0x0], $0xffff  }
0xd4: {  	v5 =	vld.idx.msk [tilespmem:v5+s21+$0x0], $0xffff;
	[tilespmem:s1+$0x14060] =	vst v1  }
0xd5: {  	[tilespmem:s2+$0xC020] =	vst v4;
	v1 =	vld [tilespmem:s7+$0x70]  }
0xd6: {  	s31 =	simm.s32 $0x400;
	s30 =	sshll.u32 s30, $0x7;
	v4 =	vld.idx.msk [tilespmem:v6+s21+$0x0], $0xffff;
	[tilespmem:s23+$0x14040] =	vst v3  }
0xd7: {  	s3 =	sshll.u32 s9, $0x7;
	[tilespmem:s4+$0xC020] =	vst v13;
	s7 =	sor.u32 s31, s30;
	v3 =	vld [tilespmem:s28+$0x50]  }
0xd8: {  	s3 =	sor.u32 s3, s31;
	v6 =	vld.idx.msk [tilespmem:v7+s21+$0x0], $0xffff;
	[tilespmem:s7+$0xC000] =	vst v59  }
0xd9: {  	[tilespmem:s3+$0xC000] =	vst v14;
	v7 =	vld.idx.msk [tilespmem:v8+s21+$0x0], $0xffff  }
0xda: {  	[tilespmem:s22+$0x14040] =	vst v5;
	v8 =	vld.idx.msk [tilespmem:v56+s21+$0x0], $0xffff  }
0xdb: {  	v60 =	vld [tilespmem:s24+$0x50];
	[tilespmem:s2+$0x14020] =	vst v4  }
0xdc: {  	v4 =	vld [tilespmem:s6+$0x30]  }
0xdd: {  	[tilespmem:s4+$0x14020] =	vst v6;
	v6 =	vld.idx.msk [tilespmem:v9+s20+$0x0], $0xffff  }
0xde: {  	[tilespmem:s7+$0x14000] =	vst v7;
	v7 =	vld [tilespmem:s5+$0x30]  }
0xdf: {  	[tilespmem:s3+$0x14000] =	vst v8;
	v8 =	vld.idx.msk [tilespmem:v3+s20+$0x0], $0xffff  }
0xe0: {  	v5 =	vld [tilespmem:s8+$0x10];
	_ =	sdelay $0x1  }
0xe1: {  	v61 =	vld [tilespmem:s17+$0x10];
	[tilespmem:s26+$0xC070] =	vst v6  }
0xe2: {  	v6 =	vld.idx.msk [tilespmem:v9+s21+$0x0], $0xffff  }
0xe3: {  	v63 =	vld.idx.msk [tilespmem:v4+s20+$0x0], $0xffff;
	[tilespmem:s23+$0xC050] =	vst v8  }
0xe4: {  	[tilespmem:s25+$0x14070] =	vst v0;
	v0 =	vld.idx.msk [tilespmem:v3+s21+$0x0], $0xffff  }
0xe5: {  	v3 =	vld.idx.msk [tilespmem:v60+s20+$0x0], $0xffff  }
0xe6: {  	v13 =	vld.idx.msk [tilespmem:v7+s20+$0x0], $0xffff  }
0xe7: {  	[tilespmem:s26+$0x14070] =	vst v6;
	v8 =	vld.idx.msk [tilespmem:v5+s20+$0x0], $0xffff  }
0xe8: {  	v62 =	vld.idx.msk [tilespmem:v2+s20+$0x0], $0xffff;
	[tilespmem:s2+$0xC030] =	vst v63  }
0xe9: {  	v6 =	vld.idx.msk [tilespmem:v61+s20+$0x0], $0xffff;
	[tilespmem:s23+$0x14050] =	vst v0  }
0xea: {  	v9 =	vld.idx.msk [tilespmem:v4+s21+$0x0], $0xffff;
	[tilespmem:s22+$0xC050] =	vst v3  }
0xeb: {  	[tilespmem:s4+$0xC030] =	vst v13;
	v3 =	vld [tilespmem:s28+$0x60]  }
0xec: {  	[tilespmem:s7+$0xC010] =	vst v8;
	v8 =	vld.idx.msk [tilespmem:v7+s21+$0x0], $0xffff  }
0xed: {  	[tilespmem:s0+$0xC070] =	vst v62;
	v7 =	vld.idx.msk [tilespmem:v5+s21+$0x0], $0xffff  }
0xee: {  	v2 =	vld.idx.msk [tilespmem:v2+s21+$0x0], $0xffff  }
0xef: {  	v4 =	vld.idx.msk [tilespmem:v60+s21+$0x0], $0xffff;
	[tilespmem:s3+$0xC010] =	vst v6  }
0xf0: {  	v6 =	vld.idx.msk [tilespmem:v61+s21+$0x0], $0xffff;
	[tilespmem:s2+$0x14030] =	vst v9  }
0xf1: {  	v0 =	vmov v1;
	v5 =	vld [tilespmem:s6+$0x40];
	[tilespmem:s4+$0x14030] =	vst v8  }
.LBB2_2:
0xf2: {  	s29 =	sadd.s32 $0x2, s29;
	[tilespmem:s7+$0x14010] =	vst v7;
	v7 =	vld [tilespmem:s5+$0x40]  }
0xf3: {  	s25 =	sand.u32 $0x6, s29;
	v8 =	vld [tilespmem:s8+$0x20]  }
0xf4: {  	s26 =	sshrl.u32 s29, $0x3;
	s30 =	sshll.u32 s25, $0xA;
	s31 =	sor.u32 $0x1, s25;
	[tilespmem:s22+$0x14050] =	vst v4;
	v1 =	vld.idx.msk [tilespmem:v1+s20+$0x0], $0xffff  }
0xf5: {  	s9 =	sshll.u32 s26, $0x7;
	s10 =	sshll.u32 s25, $0x7;
	s11 =	sshll.u32 s31, $0xA;
	[tilespmem:s3+$0x14010] =	vst v6;
	v4 =	vld.idx.msk [tilespmem:v3+s20+$0x0], $0xffff  }
0xf6: {  	p0 =	slt.u32 s29, $0x3E;
	s25 =	sadd.s32 s9, s30;
	s9 =	sadd.s32 s9, s11;
	v6 =	vld [tilespmem:s17+$0x20];
	[tilespmem:s0+$0x14070] =	vst v2  }
0xf7: {  	s0 =	smov.u32 s1;
	s1 =	smov.u32 s22;
	s22 =	smov.u32 s4;
	v2 =	vld [tilespmem:s9+$0x0]  }
0xf8: {  	s4 =	smov.u32 s3;
	v9 =	vld [tilespmem:s25+$0x0]  }
0xf9: {  	v10 =	vld.idx.msk [tilespmem:v5+s20+$0x0], $0xffff  }
0xfa: {  	v11 =	vld.idx.msk [tilespmem:v7+s20+$0x0], $0xffff;
	[tilespmem:s0+$0xC070] =	vst v1  }
0xfb: {  	v1 =	vld.idx.msk [tilespmem:v8+s20+$0x0], $0xffff;
	[tilespmem:s23+$0xC060] =	vst v4  }
0xfc: {  	v3 =	vld.idx.msk [tilespmem:v3+s21+$0x0], $0xffff  }
0xfd: {  	v4 =	vld [tilespmem:s24+$0x60]  }
0xfe: {  	v12 =	vld.idx.msk [tilespmem:v6+s20+$0x0], $0xffff  }
0xff: {  	v13 =	vld.idx.msk [tilespmem:v2+s20+$0x0], $0xffff;
	[tilespmem:s2+$0xC040] =	vst v10  }
0x100: {  	[tilespmem:s22+$0xC040] =	vst v11;
	v5 =	vld.idx.msk [tilespmem:v5+s21+$0x0], $0xffff  }
0x101: {  	v10 =	vld.idx.msk [tilespmem:v9+s20+$0x0], $0xffff;
	[tilespmem:s7+$0xC020] =	vst v1  }
0x102: {  	v1 =	vld.idx.msk [tilespmem:v8+s21+$0x0], $0xffff;
	[tilespmem:s23+$0x14060] =	vst v3  }
0x103: {  	s11 =	sshll.u32 s26, $0xA;
	s26 =	sshll.u32 s31, $0x7;
	v3 =	vld [tilespmem:s28+$0x70];
	s28 =	smov.u32 s6  }
0x104: {  	s3 =	sor.u32 s10, s11;
	s10 =	sor.u32 s11, s26;
	s6 =	smov.u32 s8;
	[tilespmem:s4+$0xC020] =	vst v12;
	v7 =	vld.idx.msk [tilespmem:v7+s21+$0x0], $0xffff  }
0x105: {  	s8 =	smov.u32 s9;
	[tilespmem:s10+$0xC000] =	vst v13;
	v6 =	vld.idx.msk [tilespmem:v6+s21+$0x0], $0xffff  }
0x106: {  	v2 =	vld.idx.msk [tilespmem:v2+s21+$0x0], $0xffff;
	[tilespmem:s2+$0x14040] =	vst v5  }
0x107: {  	[tilespmem:s3+$0xC000] =	vst v10;
	v5 =	vld [tilespmem:s28+$0x50]  }
0x108: {  	v8 =	vld.idx.msk [tilespmem:v9+s21+$0x0], $0xffff  }
0x109: {  	[tilespmem:s7+$0x14020] =	vst v1;
	v1 =	vld.idx.msk [tilespmem:v4+s20+$0x0], $0xffff  }
0x10a: {  	v9 =	vld [tilespmem:s6+$0x30];
	[tilespmem:s22+$0x14040] =	vst v7  }
0x10b: {  	[tilespmem:s4+$0x14020] =	vst v6;
	v6 =	vld.idx.msk [tilespmem:v3+s20+$0x0], $0xffff  }
0x10c: {  	[tilespmem:s10+$0x14000] =	vst v2;
	v2 =	vld [tilespmem:s17+$0x30]  }
0x10d: {  	v7 =	vld [tilespmem:s8+$0x10]  }
0x10e: {  	[tilespmem:s3+$0x14000] =	vst v8;
	v8 =	vld [tilespmem:s5+$0x50]  }
0x10f: {  	v10 =	vld.idx.msk [tilespmem:v5+s20+$0x0], $0xffff;
	[tilespmem:s1+$0xC060] =	vst v1  }
0x110: {  	v11 =	vld [tilespmem:s25+$0x10]  }
0x111: {  	v1 =	vld.idx.msk [tilespmem:v4+s21+$0x0], $0xffff;
	[tilespmem:s23+$0xC070] =	vst v6  }
0x112: {  	v3 =	vld.idx.msk [tilespmem:v3+s21+$0x0], $0xffff  }
0x113: {  	v4 =	vld.idx.msk [tilespmem:v9+s20+$0x0], $0xffff  }
0x114: {  	v6 =	vld.idx.msk [tilespmem:v2+s20+$0x0], $0xffff  }
0x115: {  	v12 =	vld.idx.msk [tilespmem:v7+s20+$0x0], $0xffff;
	[tilespmem:s2+$0xC050] =	vst v10  }
0x116: {  	v5 =	vld.idx.msk [tilespmem:v5+s21+$0x0], $0xffff  }
0x117: {  	v10 =	vld.idx.msk [tilespmem:v8+s20+$0x0], $0xffff;
	[tilespmem:s1+$0x14060] =	vst v1  }
0x118: {  	v13 =	vld.idx.msk [tilespmem:v11+s20+$0x0], $0xffff;
	[tilespmem:s23+$0x14070] =	vst v3;
	s23 =	smov.u32 s2;
	s2 =	smov.u32 s7;
	s7 =	smov.u32 s10  }
0x119: {  	[tilespmem:s2+$0xC030] =	vst v4;
	v1 =	vld [tilespmem:s24+$0x70];
	s24 =	smov.u32 s5;
	s5 =	smov.u32 s17;
	s17 =	smov.u32 s25  }
0x11a: {  	[tilespmem:s4+$0xC030] =	vst v6;
	v9 =	vld.idx.msk [tilespmem:v9+s21+$0x0], $0xffff  }
0x11b: {  	[tilespmem:s7+$0xC010] =	vst v12;
	v12 =	vld.idx.msk [tilespmem:v2+s21+$0x0], $0xffff  }
0x11c: {  	v7 =	vld.idx.msk [tilespmem:v7+s21+$0x0], $0xffff;
	[tilespmem:s23+$0x14050] =	vst v5  }
.Ltmp0:
0x11d: {  	[tilespmem:s22+$0xC050] =	vst v10;
	v3 =	vld [tilespmem:s28+$0x60];
	(pc) =	sbr.rel @p0 .LBB2_2-.Ltmp0, $4  }
0x11e: {  	[tilespmem:s3+$0xC010] =	vst v13;
	v4 =	vld.idx.msk [tilespmem:v8+s21+$0x0], $0xffff  }
0x11f: {  	v6 =	vld.idx.msk [tilespmem:v11+s21+$0x0], $0xffff  }
0x120: {  	[tilespmem:s2+$0x14030] =	vst v9;
	v2 =	vld.idx.msk [tilespmem:v0+s21+$0x0], $0xffff;
	v0 =	vmov v1  }
0x121: {  	[tilespmem:s4+$0x14030] =	vst v12;
	v5 =	vld [tilespmem:s6+$0x40]  }
0x122: {  	_ = 	snop  }
0x123: {  	[tilespmem:s7+$0x14010] =	vst v7  }
0x124: {  	v7 =	vld [tilespmem:s8+$0x20];
	[tilespmem:s3+$0x14010] =	vst v6  }
0x125: {  	v6 =	vld [tilespmem:s17+$0x20];
	_ =	sdelay $0x6  }
0x126: {  	v8 =	vld.idx.msk [tilespmem:v7+s20+$0x0], $0xffff  }
0x127: {  	v9 =	vld.idx.msk [tilespmem:v6+s20+$0x0], $0xffff;
	_ =	sdelay $0x3  }
0x128: {  	[tilespmem:s7+$0xC020] =	vst v8  }
0x129: {  	v7 =	vld.idx.msk [tilespmem:v7+s21+$0x0], $0xffff;
	[tilespmem:s3+$0xC020] =	vst v9  }
0x12a: {  	v6 =	vld.idx.msk [tilespmem:v6+s21+$0x0], $0xffff;
	_ =	sdelay $0x3  }
0x12b: {  	[tilespmem:s7+$0x14020] =	vst v7  }
0x12c: {  	v7 =	vld [tilespmem:s8+$0x30];
	[tilespmem:s3+$0x14020] =	vst v6  }
0x12d: {  	v6 =	vld [tilespmem:s17+$0x30];
	_ =	sdelay $0x6  }
0x12e: {  	v8 =	vld.idx.msk [tilespmem:v7+s20+$0x0], $0xffff  }
0x12f: {  	v9 =	vld.idx.msk [tilespmem:v6+s20+$0x0], $0xffff;
	_ =	sdelay $0x3  }
0x130: {  	[tilespmem:s7+$0xC030] =	vst v8  }
0x131: {  	v7 =	vld.idx.msk [tilespmem:v7+s21+$0x0], $0xffff;
	[tilespmem:s3+$0xC030] =	vst v9  }
0x132: {  	v6 =	vld.idx.msk [tilespmem:v6+s21+$0x0], $0xffff;
	_ =	sdelay $0x3  }
0x133: {  	v8 =	vld [tilespmem:s5+$0x40];
	[tilespmem:s7+$0x14030] =	vst v7  }
0x134: {  	v7 =	vld [tilespmem:s8+$0x40];
	[tilespmem:s3+$0x14030] =	vst v6  }
0x135: {  	v6 =	vld [tilespmem:s17+$0x40];
	_ =	sdelay $0x4  }
0x136: {  	v38 =	vld.idx.msk [tilespmem:v5+s20+$0x0], $0xffff  }
0x137: {  	v11 =	vld.idx.msk [tilespmem:v8+s20+$0x0], $0xffff  }
0x138: {  	v10 =	vld.idx.msk [tilespmem:v7+s20+$0x0], $0xffff  }
0x139: {  	v12 =	vld.idx.msk [tilespmem:v6+s20+$0x0], $0xffff;
	_ =	sdelay $0x1  }
0x13a: {  	[tilespmem:s2+$0xC040] =	vst v38  }
0x13b: {  	v5 =	vld.idx.msk [tilespmem:v5+s21+$0x0], $0xffff;
	[tilespmem:s4+$0xC040] =	vst v11  }
0x13c: {  	v8 =	vld.idx.msk [tilespmem:v8+s21+$0x0], $0xffff;
	[tilespmem:s7+$0xC040] =	vst v10  }
0x13d: {  	v7 =	vld.idx.msk [tilespmem:v7+s21+$0x0], $0xffff;
	[tilespmem:s3+$0xC040] =	vst v12  }
0x13e: {  	v6 =	vld.idx.msk [tilespmem:v6+s21+$0x0], $0xffff;
	_ =	sdelay $0x1  }
0x13f: {  	[tilespmem:s2+$0x14040] =	vst v5  }
0x140: {  	v5 =	vld [tilespmem:s6+$0x50];
	[tilespmem:s4+$0x14040] =	vst v8  }
0x141: {  	v8 =	vld [tilespmem:s5+$0x50];
	[tilespmem:s7+$0x14040] =	vst v7  }
0x142: {  	v7 =	vld [tilespmem:s8+$0x50];
	[tilespmem:s3+$0x14040] =	vst v6  }
0x143: {  	v6 =	vld [tilespmem:s17+$0x50];
	_ =	sdelay $0x4  }
0x144: {  	v9 =	vld.idx.msk [tilespmem:v5+s20+$0x0], $0xffff  }
0x145: {  	v11 =	vld.idx.msk [tilespmem:v8+s20+$0x0], $0xffff  }
0x146: {  	v10 =	vld.idx.msk [tilespmem:v7+s20+$0x0], $0xffff  }
0x147: {  	v12 =	vld.idx.msk [tilespmem:v6+s20+$0x0], $0xffff  }
0x148: {  	v13 =	vld.idx.msk [tilespmem:v3+s20+$0x0], $0xffff  }
0x149: {  	[tilespmem:s2+$0xC050] =	vst v9  }
0x14a: {  	v5 =	vld.idx.msk [tilespmem:v5+s21+$0x0], $0xffff;
	[tilespmem:s4+$0xC050] =	vst v11  }
0x14b: {  	v8 =	vld.idx.msk [tilespmem:v8+s21+$0x0], $0xffff;
	[tilespmem:s7+$0xC050] =	vst v10  }
0x14c: {  	v7 =	vld.idx.msk [tilespmem:v7+s21+$0x0], $0xffff;
	[tilespmem:s3+$0xC050] =	vst v12  }
0x14d: {  	[tilespmem:s23+$0xC060] =	vst v13;
	v6 =	vld.idx.msk [tilespmem:v6+s21+$0x0], $0xffff  }
0x14e: {  	[tilespmem:s22+$0x14050] =	vst v4;
	v3 =	vld.idx.msk [tilespmem:v3+s21+$0x0], $0xffff  }
0x14f: {  	[tilespmem:s2+$0x14050] =	vst v5;
	v5 =	vld [tilespmem:s24+$0x60]  }
0x150: {  	v4 =	vld [tilespmem:s6+$0x60];
	[tilespmem:s4+$0x14050] =	vst v8  }
0x151: {  	v8 =	vld [tilespmem:s5+$0x60];
	[tilespmem:s7+$0x14050] =	vst v7  }
0x152: {  	v7 =	vld [tilespmem:s8+$0x60];
	[tilespmem:s3+$0x14050] =	vst v6  }
0x153: {  	v6 =	vld [tilespmem:s17+$0x60];
	_ =	sdelay $0x1  }
0x154: {  	[tilespmem:s23+$0x14060] =	vst v3  }
0x155: {  	v3 =	vld [tilespmem:s28+$0x70]  }
0x156: {  	v39 =	vld.idx.msk [tilespmem:v5+s20+$0x0], $0xffff  }
0x157: {  	v9 =	vld.idx.msk [tilespmem:v4+s20+$0x0], $0xffff  }
0x158: {  	v41 =	vld.idx.msk [tilespmem:v8+s20+$0x0], $0xffff  }
0x159: {  	v40 =	vld.idx.msk [tilespmem:v7+s20+$0x0], $0xffff  }
0x15a: {  	v42 =	vld.idx.msk [tilespmem:v6+s20+$0x0], $0xffff  }
0x15b: {  	[tilespmem:s22+$0xC060] =	vst v39  }
0x15c: {  	[tilespmem:s2+$0xC060] =	vst v9;
	v5 =	vld.idx.msk [tilespmem:v5+s21+$0x0], $0xffff  }
0x15d: {  	v4 =	vld.idx.msk [tilespmem:v4+s21+$0x0], $0xffff;
	[tilespmem:s4+$0xC060] =	vst v41  }
0x15e: {  	v8 =	vld.idx.msk [tilespmem:v8+s21+$0x0], $0xffff;
	[tilespmem:s7+$0xC060] =	vst v40  }
0x15f: {  	v7 =	vld.idx.msk [tilespmem:v7+s21+$0x0], $0xffff;
	[tilespmem:s3+$0xC060] =	vst v42  }
0x160: {  	v6 =	vld.idx.msk [tilespmem:v6+s21+$0x0], $0xffff  }
0x161: {  	v43 =	vld.idx.msk [tilespmem:v3+s20+$0x0], $0xffff;
	[tilespmem:s22+$0x14060] =	vst v5  }
0x162: {  	[tilespmem:s2+$0x14060] =	vst v4;
	v5 =	vld [tilespmem:s24+$0x70]  }
0x163: {  	v4 =	vld [tilespmem:s6+$0x70];
	[tilespmem:s4+$0x14060] =	vst v8  }
0x164: {  	v8 =	vld [tilespmem:s5+$0x70];
	[tilespmem:s7+$0x14060] =	vst v7  }
0x165: {  	v7 =	vld [tilespmem:s8+$0x70];
	[tilespmem:s3+$0x14060] =	vst v6  }
0x166: {  	v6 =	vld [tilespmem:s17+$0x70]  }
0x167: {  	v1 =	vld.idx.msk [tilespmem:v1+s20+$0x0], $0xffff  }
0x168: {  	[tilespmem:s23+$0xC070] =	vst v43  }
0x169: {  	v3 =	vld.idx.msk [tilespmem:v3+s21+$0x0], $0xffff  }
0x16a: {  	v10 =	vld.idx.msk [tilespmem:v5+s20+$0x0], $0xffff  }
0x16b: {  	v44 =	vld.idx.msk [tilespmem:v4+s20+$0x0], $0xffff  }
0x16c: {  	[tilespmem:s1+$0xC070] =	vst v1;
	v1 =	vld.idx.msk [tilespmem:v8+s20+$0x0], $0xffff  }
0x16d: {  	[tilespmem:s0+$0x14070] =	vst v2;
	v2 =	vld.idx.msk [tilespmem:v7+s20+$0x0], $0xffff  }
0x16e: {  	[tilespmem:s23+$0x14070] =	vst v3;
	v3 =	vld.idx.msk [tilespmem:v6+s20+$0x0], $0xffff  }
0x16f: {  	v0 =	vld.idx.msk [tilespmem:v0+s21+$0x0], $0xffff;
	[tilespmem:s22+$0xC070] =	vst v10  }
0x170: {  	[tilespmem:s2+$0xC070] =	vst v44;
	v5 =	vld.idx.msk [tilespmem:v5+s21+$0x0], $0xffff  }
0x171: {  	v4 =	vld.idx.msk [tilespmem:v4+s21+$0x0], $0xffff;
	[tilespmem:s4+$0xC070] =	vst v1  }
0x172: {  	[tilespmem:s7+$0xC070] =	vst v2;
	v2 =	vld.idx.msk [tilespmem:v8+s21+$0x0], $0xffff  }
0x173: {  	v1 =	vld.idx.msk [tilespmem:v7+s21+$0x0], $0xffff;
	[tilespmem:s3+$0xC070] =	vst v3  }
0x174: {  	[tilespmem:s1+$0x14070] =	vst v0;
	v0 =	vld.idx.msk [tilespmem:v6+s21+$0x0], $0xffff  }
0x175: {  	[tilespmem:s22+$0x14070] =	vst v5  }
0x176: {  	[tilespmem:s2+$0x14070] =	vst v4  }
0x177: {  	[tilespmem:s4+$0x14070] =	vst v2  }
0x178: {  	[tilespmem:s7+$0x14070] =	vst v1  }
0x179: {  	[tilespmem:s3+$0x14070] =	vst v0  }
0x17a: {  	s7 =	simm.s32 $0xC000;
	s1 =	rddreg [dreg:$0x9]  }
0x17b: {  	[hbm4b:s1+s18] =	stream.strided.scatter [tilespmem:s7], [sflag:$0x3], $0x400, s19, s18, $0x38;
	[tilespmem:$0x1C000] =	vst v63  }
0x17c: {  	s9 =	simm.s32 $0xC400;
	s8 =	sadd.s32 $0x2000, s1  }
0x17d: {  	[hbm4b:s8+s18] =	stream.strided.scatter [tilespmem:s9], [sflag:$0x3], $0x400, s19, s18, $0x38;
	[tilespmem:$0x1C000] =	vst v63  }
0x17e: {  	s11 =	simm.s32 $0xC800;
	s10 =	sadd.s32 $0x4000, s1  }
0x17f: {  	[hbm4b:s10+s18] =	stream.strided.scatter [tilespmem:s11], [sflag:$0x3], $0x400, s19, s18, $0x38;
	[tilespmem:$0x1C000] =	vst v63  }
0x180: {  	s22 =	simm.s32 $0xCC00;
	s17 =	sadd.s32 $0x6000, s1  }
0x181: {  	[hbm4b:s17+s18] =	stream.strided.scatter [tilespmem:s22], [sflag:$0x3], $0x400, s19, s18, $0x38;
	[tilespmem:$0x1C000] =	vst v63  }
0x182: {  	s24 =	simm.s32 $0xD000;
	s23 =	sadd.s32 $0x8000, s1  }
0x183: {  	[hbm4b:s23+s18] =	stream.strided.scatter [tilespmem:s24], [sflag:$0x3], $0x400, s19, s18, $0x38;
	[tilespmem:$0x1C000] =	vst v63  }
0x184: {  	s26 =	simm.s32 $0xD400;
	s25 =	sadd.s32 $0xA000, s1  }
0x185: {  	[hbm4b:s25+s18] =	stream.strided.scatter [tilespmem:s26], [sflag:$0x3], $0x400, s19, s18, $0x38;
	[tilespmem:$0x1C000] =	vst v63  }
0x186: {  	s31 =	simm.s32 $0xD800;
	s30 =	sadd.s32 $0xC000, s1  }
0x187: {  	[hbm4b:s30+s18] =	stream.strided.scatter [tilespmem:s31], [sflag:$0x3], $0x400, s19, s18, $0x38;
	[tilespmem:$0x1C000] =	vst v63  }
0x188: {  	s3 =	simm.s32 $0xDC00;
	s2 =	sadd.s32 $0xE000, s1  }
0x189: {  	[hbm4b:s2+s18] =	stream.strided.scatter [tilespmem:s3], [sflag:$0x3], $0x400, s19, s18, $0x38;
	[tilespmem:$0x1C000] =	vst v63  }
0x18a: {  	s5 =	simm.s32 $0x14000;
	s4 =	rddreg [dreg:$0xa]  }
0x18b: {  	[hbm4b:s4+s18] =	stream.strided.scatter [tilespmem:s5], [sflag:$0x4], $0x400, s19, s18, $0x38;
	[tilespmem:$0x1C000] =	vst v63  }
0x18c: {  	s6 =	sadd.s32 $0x2000, s4;
	s7 =	simm.s32 $0x14400  }
0x18d: {  	[hbm4b:s6+s18] =	stream.strided.scatter [tilespmem:s7], [sflag:$0x4], $0x400, s19, s18, $0x38;
	[tilespmem:$0x1C000] =	vst v63  }
0x18e: {  	s8 =	sadd.s32 $0x4000, s4;
	s9 =	simm.s32 $0x14800  }
0x18f: {  	[hbm4b:s8+s18] =	stream.strided.scatter [tilespmem:s9], [sflag:$0x4], $0x400, s19, s18, $0x38;
	[tilespmem:$0x1C000] =	vst v63  }
0x190: {  	s10 =	sadd.s32 $0x6000, s4;
	s11 =	simm.s32 $0x14C00  }
0x191: {  	[hbm4b:s10+s18] =	stream.strided.scatter [tilespmem:s11], [sflag:$0x4], $0x400, s19, s18, $0x38;
	[tilespmem:$0x1C000] =	vst v63  }
0x192: {  	s17 =	sadd.s32 $0x8000, s4;
	s22 =	simm.s32 $0x15000  }
0x193: {  	[hbm4b:s17+s18] =	stream.strided.scatter [tilespmem:s22], [sflag:$0x4], $0x400, s19, s18, $0x38;
	[tilespmem:$0x1C000] =	vst v63  }
0x194: {  	s1 =	simm.s32 $0x0;
	s23 =	sadd.s32 $0xA000, s4;
	s24 =	simm.s32 $0x15400  }
0x195: {  	[hbm4b:s23+s18] =	stream.strided.scatter [tilespmem:s24], [sflag:$0x4], $0x400, s19, s18, $0x38;
	[tilespmem:$0x1C000] =	vst v63  }
0x196: {  	s0 =	sand.u32 $0x6, s1;
	s25 =	sadd.s32 $0xC000, s4;
	s26 =	simm.s32 $0x15800  }
0x197: {  	[hbm4b:s25+s18] =	stream.strided.scatter [tilespmem:s26], [sflag:$0x4], $0x400, s19, s18, $0x38;
	[tilespmem:$0x1C000] =	vst v63  }
0x198: {  	s30 =	sadd.s32 $0xE000, s4;
	s31 =	simm.s32 $0x15C00;
	s2 =	simm.s32 $0x2  }
0x199: {  	[hbm4b:s30+s18] =	stream.strided.scatter [tilespmem:s31], [sflag:$0x4], $0x400, s19, s18, $0x38;
	[tilespmem:$0x1C000] =	vst v63  }
0x19a: {  	s4 =	sor.u32 $0x1, s0;
	_ =	swait.ge [sflag:s2], $0x2000  }
0x19b: {  	s5 =	sshll.u32 s4, $0xA;
	[sflag:s2] =	ssyncset.done $0x0  }
0x19c: {  	[sflag:s2] =	ssyncadd.s32 $0xFFFFE000;
	s2 =	sadd.s32 $0x0, s5  }
0x19d: {  	v0 =	vld [tilespmem:s2+$0x2000]  }
0x19e: {  	s6 =	sshll.u32 s0, $0xA  }
0x19f: {  	s3 =	sadd.s32 $0x0, s6  }
0x1a0: {  	v1 =	vld [tilespmem:s3+$0x2000];
	_ =	sdelay $0x4  }
0x1a1: {  	v2 =	vld.idx.msk [tilespmem:v0+s20+$0x0], $0xffff;
	_ =	sdelay $0x2  }
0x1a2: {  	s1 =	sshll.u32 s4, $0x7;
	s7 =	simm.s32 $0x0;
	v3 =	vld.idx.msk [tilespmem:v1+s20+$0x0], $0xffff  }
0x1a3: {  	s25 =	sor.u32 s7, s1  }
0x1a4: {  	[tilespmem:s25+$0xE000] =	vst v2  }
0x1a5: {  	s0 =	sshll.u32 s0, $0x7;
	v0 =	vld.idx.msk [tilespmem:v0+s21+$0x0], $0xffff  }
0x1a6: {  	s0 =	sor.u32 s0, s7  }
0x1a7: {  	[tilespmem:s0+$0xE000] =	vst v3  }
0x1a8: {  	v1 =	vld.idx.msk [tilespmem:v1+s21+$0x0], $0xffff;
	_ =	sdelay $0x1  }
0x1a9: {  	[tilespmem:s25+$0x16000] =	vst v0  }
0x1aa: {  	v0 =	vld [tilespmem:s2+$0x2010];
	_ =	sdelay $0x1  }
0x1ab: {  	[tilespmem:s0+$0x16000] =	vst v1  }
0x1ac: {  	v1 =	vld [tilespmem:s3+$0x2010];
	_ =	sdelay $0x4  }
0x1ad: {  	s8 =	simm.s32 $0x2;
	v2 =	vld.idx.msk [tilespmem:v0+s20+$0x0], $0xffff  }
0x1ae: {  	s1 =	sand.u32 $0x6, s8  }
0x1af: {  	s9 =	sor.u32 $0x1, s1  }
0x1b0: {  	s10 =	sshll.u32 s9, $0xA;
	v3 =	vld.idx.msk [tilespmem:v1+s20+$0x0], $0xffff  }
0x1b1: {  	s8 =	sadd.s32 $0x0, s10  }
0x1b2: {  	[tilespmem:s25+$0xE010] =	vst v2;
	v2 =	vld [tilespmem:s8+$0x2000]  }
0x1b3: {  	v0 =	vld.idx.msk [tilespmem:v0+s21+$0x0], $0xffff;
	_ =	sdelay $0x1  }
0x1b4: {  	s11 =	sshll.u32 s1, $0xA;
	[tilespmem:s0+$0xE010] =	vst v3  }
0x1b5: {  	s7 =	sadd.s32 $0x0, s11;
	v1 =	vld.idx.msk [tilespmem:v1+s21+$0x0], $0xffff  }
0x1b6: {  	v3 =	vld [tilespmem:s7+$0x2000]  }
0x1b7: {  	[tilespmem:s25+$0x16010] =	vst v0  }
0x1b8: {  	v0 =	vld [tilespmem:s2+$0x2020]  }
0x1b9: {  	v4 =	vld.idx.msk [tilespmem:v2+s20+$0x0], $0xffff  }
0x1ba: {  	[tilespmem:s0+$0x16010] =	vst v1  }
0x1bb: {  	v1 =	vld [tilespmem:s3+$0x2020]  }
0x1bc: {  	s17 =	simm.s32 $0x0;
	s4 =	sshll.u32 s9, $0x7  }
0x1bd: {  	s26 =	sor.u32 s17, s4  }
0x1be: {  	[tilespmem:s26+$0xE000] =	vst v4;
	v4 =	vld.idx.msk [tilespmem:v3+s20+$0x0], $0xffff  }
0x1bf: {  	v2 =	vld.idx.msk [tilespmem:v2+s21+$0x0], $0xffff  }
0x1c0: {  	v5 =	vld.idx.msk [tilespmem:v0+s20+$0x0], $0xffff  }
0x1c1: {  	s1 =	sshll.u32 s1, $0x7  }
0x1c2: {  	s1 =	sor.u32 s1, s17  }
0x1c3: {  	v6 =	vld.idx.msk [tilespmem:v1+s20+$0x0], $0xffff;
	[tilespmem:s1+$0xE000] =	vst v4  }
0x1c4: {  	[tilespmem:s26+$0x16000] =	vst v2;
	v3 =	vld.idx.msk [tilespmem:v3+s21+$0x0], $0xffff  }
0x1c5: {  	[tilespmem:s25+$0xE020] =	vst v5;
	v2 =	vld [tilespmem:s8+$0x2010]  }
0x1c6: {  	v0 =	vld.idx.msk [tilespmem:v0+s21+$0x0], $0xffff;
	_ =	sdelay $0x2  }
0x1c7: {  	[tilespmem:s1+$0x16000] =	vst v3  }
0x1c8: {  	[tilespmem:s0+$0xE020] =	vst v6;
	v3 =	vld [tilespmem:s7+$0x2010]  }
0x1c9: {  	v1 =	vld.idx.msk [tilespmem:v1+s21+$0x0], $0xffff;
	[tilespmem:s25+$0x16020] =	vst v0  }
0x1ca: {  	v0 =	vld [tilespmem:s2+$0x2030]  }
0x1cb: {  	v4 =	vld.idx.msk [tilespmem:v2+s20+$0x0], $0xffff;
	_ =	sdelay $0x2  }
0x1cc: {  	[tilespmem:s0+$0x16020] =	vst v1  }
0x1cd: {  	v1 =	vld [tilespmem:s3+$0x2030]  }
0x1ce: {  	[tilespmem:s26+$0xE010] =	vst v4;
	v4 =	vld.idx.msk [tilespmem:v3+s20+$0x0], $0xffff  }
0x1cf: {  	v2 =	vld.idx.msk [tilespmem:v2+s21+$0x0], $0xffff  }
0x1d0: {  	v5 =	vld.idx.msk [tilespmem:v0+s20+$0x0], $0xffff;
	_ =	sdelay $0x2  }
0x1d1: {  	[tilespmem:s1+$0xE010] =	vst v4  }
0x1d2: {  	s22 =	simm.s32 $0x4;
	[tilespmem:s26+$0x16010] =	vst v2;
	v3 =	vld.idx.msk [tilespmem:v3+s21+$0x0], $0xffff  }
0x1d3: {  	s4 =	sand.u32 $0x6, s22;
	[tilespmem:s25+$0xE030] =	vst v5;
	v2 =	vld [tilespmem:s8+$0x2020]  }
0x1d4: {  	s23 =	sor.u32 $0x1, s4;
	v0 =	vld.idx.msk [tilespmem:v0+s21+$0x0], $0xffff  }
0x1d5: {  	s30 =	sshll.u32 s23, $0xA  }
0x1d6: {  	s28 =	sadd.s32 $0x0, s30;
	v6 =	vld.idx.msk [tilespmem:v1+s20+$0x0], $0xffff  }
0x1d7: {  	v5 =	vld [tilespmem:s28+$0x2000];
	[tilespmem:s1+$0x16010] =	vst v3  }
0x1d8: {  	v3 =	vld [tilespmem:s7+$0x2020]  }
0x1d9: {  	[tilespmem:s25+$0x16030] =	vst v0  }
0x1da: {  	v0 =	vld [tilespmem:s2+$0x2040]  }
0x1db: {  	v4 =	vld.idx.msk [tilespmem:v2+s20+$0x0], $0xffff  }
0x1dc: {  	s31 =	sshll.u32 s4, $0xA;
	[tilespmem:s0+$0xE030] =	vst v6  }
0x1dd: {  	s24 =	sadd.s32 $0x0, s31;
	v1 =	vld.idx.msk [tilespmem:v1+s21+$0x0], $0xffff  }
0x1de: {  	v6 =	vld [tilespmem:s24+$0x2000]  }
0x1df: {  	v45 =	vld.idx.msk [tilespmem:v5+s20+$0x0], $0xffff  }
0x1e0: {  	[tilespmem:s26+$0xE020] =	vst v4;
	v4 =	vld.idx.msk [tilespmem:v3+s20+$0x0], $0xffff  }
0x1e1: {  	v2 =	vld.idx.msk [tilespmem:v2+s21+$0x0], $0xffff  }
0x1e2: {  	s9 =	simm.s32 $0x0;
	s5 =	sshll.u32 s23, $0x7;
	[tilespmem:s0+$0x16030] =	vst v1;
	v7 =	vld.idx.msk [tilespmem:v0+s20+$0x0], $0xffff  }
0x1e3: {  	s23 =	sor.u32 s9, s5;
	v1 =	vld [tilespmem:s3+$0x2040]  }
0x1e4: {  	[tilespmem:s23+$0xE000] =	vst v45  }
0x1e5: {  	[tilespmem:s1+$0xE020] =	vst v4;
	v4 =	vld.idx.msk [tilespmem:v5+s21+$0x0], $0xffff  }
0x1e6: {  	[tilespmem:s26+$0x16020] =	vst v2;
	v3 =	vld.idx.msk [tilespmem:v3+s21+$0x0], $0xffff  }
0x1e7: {  	[tilespmem:s25+$0xE040] =	vst v7;
	v7 =	vld.idx.msk [tilespmem:v6+s20+$0x0], $0xffff  }
0x1e8: {  	v2 =	vld [tilespmem:s8+$0x2030]  }
0x1e9: {  	v0 =	vld.idx.msk [tilespmem:v0+s21+$0x0], $0xffff  }
0x1ea: {  	s4 =	sshll.u32 s4, $0x7  }
0x1eb: {  	s22 =	sor.u32 s4, s9;
	v8 =	vld.idx.msk [tilespmem:v1+s20+$0x0], $0xffff;
	[tilespmem:s1+$0x16020] =	vst v3  }
0x1ec: {  	[tilespmem:s22+$0xE000] =	vst v7;
	v3 =	vld [tilespmem:s7+$0x2030]  }
0x1ed: {  	[tilespmem:s23+$0x16000] =	vst v4;
	v5 =	vld.idx.msk [tilespmem:v6+s21+$0x0], $0xffff  }
0x1ee: {  	[tilespmem:s25+$0x16040] =	vst v0;
	v6 =	vld [tilespmem:s28+$0x2010]  }
0x1ef: {  	v0 =	vld [tilespmem:s2+$0x2050]  }
0x1f0: {  	[tilespmem:s0+$0xE040] =	vst v8;
	v4 =	vld.idx.msk [tilespmem:v2+s20+$0x0], $0xffff  }
0x1f1: {  	v1 =	vld.idx.msk [tilespmem:v1+s21+$0x0], $0xffff;
	_ =	sdelay $0x1  }
0x1f2: {  	[tilespmem:s22+$0x16000] =	vst v5  }
0x1f3: {  	v7 =	vld [tilespmem:s24+$0x2010]  }
0x1f4: {  	[tilespmem:s26+$0xE030] =	vst v4;
	v4 =	vld.idx.msk [tilespmem:v3+s20+$0x0], $0xffff  }
0x1f5: {  	[tilespmem:s0+$0x16040] =	vst v1;
	v1 =	vld.idx.msk [tilespmem:v2+s21+$0x0], $0xffff  }
0x1f6: {  	v8 =	vld.idx.msk [tilespmem:v6+s20+$0x0], $0xffff  }
0x1f7: {  	v5 =	vld.idx.msk [tilespmem:v0+s20+$0x0], $0xffff;
	_ =	sdelay $0x1  }
0x1f8: {  	v2 =	vld [tilespmem:s3+$0x2050];
	[tilespmem:s1+$0xE030] =	vst v4  }
0x1f9: {  	[tilespmem:s26+$0x16030] =	vst v1;
	v3 =	vld.idx.msk [tilespmem:v3+s21+$0x0], $0xffff  }
0x1fa: {  	s10 =	simm.s32 $0x6;
	[tilespmem:s23+$0xE010] =	vst v8;
	v1 =	vld [tilespmem:s8+$0x2040]  }
0x1fb: {  	s4 =	sand.u32 $0x6, s10;
	[tilespmem:s25+$0xE050] =	vst v5;
	v5 =	vld.idx.msk [tilespmem:v7+s20+$0x0], $0xffff  }
0x1fc: {  	s10 =	sshll.u32 s4, $0xA;
	v4 =	vld.idx.msk [tilespmem:v6+s21+$0x0], $0xffff  }
0x1fd: {  	s5 =	sadd.s32 $0x0, s10;
	v0 =	vld.idx.msk [tilespmem:v0+s21+$0x0], $0xffff  }
0x1fe: {  	v8 =	vld [tilespmem:s5+$0x2000]  }
0x1ff: {  	[tilespmem:s1+$0x16030] =	vst v3  }
0x200: {  	v6 =	vld.idx.msk [tilespmem:v2+s20+$0x0], $0xffff;
	[tilespmem:s22+$0xE010] =	vst v5  }
0x201: {  	[tilespmem:s23+$0x16010] =	vst v4;
	v4 =	vld [tilespmem:s7+$0x2040]  }
0x202: {  	[tilespmem:s25+$0x16050] =	vst v0;
	v5 =	vld.idx.msk [tilespmem:v7+s21+$0x0], $0xffff  }
0x203: {  	v0 =	vld [tilespmem:s2+$0x2060]  }
0x204: {  	v3 =	vld.idx.msk [tilespmem:v1+s20+$0x0], $0xffff  }
0x205: {  	[tilespmem:s0+$0xE050] =	vst v6;
	v6 =	vld [tilespmem:s28+$0x2020]  }
0x206: {  	s9 =	sor.u32 $0x1, s4;
	v49 =	vld.idx.msk [tilespmem:v8+s20+$0x0], $0xffff  }
0x207: {  	s11 =	sshll.u32 s9, $0xA;
	v2 =	vld.idx.msk [tilespmem:v2+s21+$0x0], $0xffff;
	[tilespmem:s22+$0x16010] =	vst v5  }
0x208: {  	s6 =	sadd.s32 $0x0, s11;
	v7 =	vld [tilespmem:s24+$0x2020]  }
0x209: {  	[tilespmem:s26+$0xE040] =	vst v3;
	v3 =	vld [tilespmem:s6+$0x2000]  }
0x20a: {  	s17 =	simm.s32 $0x0;
	s4 =	sshll.u32 s4, $0x7;
	v1 =	vld.idx.msk [tilespmem:v1+s21+$0x0], $0xffff  }
0x20b: {  	s4 =	sor.u32 s4, s17;
	v5 =	vld.idx.msk [tilespmem:v0+s20+$0x0], $0xffff  }
0x20c: {  	[tilespmem:s4+$0xE000] =	vst v49;
	v46 =	vld.idx.msk [tilespmem:v4+s20+$0x0], $0xffff  }
0x20d: {  	[tilespmem:s0+$0x16050] =	vst v2;
	v8 =	vld.idx.msk [tilespmem:v8+s21+$0x0], $0xffff  }
0x20e: {  	v2 =	vld [tilespmem:s3+$0x2060]  }
0x20f: {  	v47 =	vld.idx.msk [tilespmem:v6+s20+$0x0], $0xffff;
	[tilespmem:s26+$0x16040] =	vst v1  }
0x210: {  	[tilespmem:s25+$0xE060] =	vst v5;
	v1 =	vld [tilespmem:s8+$0x2050]  }
0x211: {  	[tilespmem:s1+$0xE040] =	vst v46;
	v0 =	vld.idx.msk [tilespmem:v0+s21+$0x0], $0xffff  }
0x212: {  	v4 =	vld.idx.msk [tilespmem:v4+s21+$0x0], $0xffff  }
0x213: {  	v5 =	vld.idx.msk [tilespmem:v7+s20+$0x0], $0xffff  }
0x214: {  	[tilespmem:s23+$0xE020] =	vst v47;
	v48 =	vld.idx.msk [tilespmem:v3+s20+$0x0], $0xffff  }
0x215: {  	v6 =	vld.idx.msk [tilespmem:v6+s21+$0x0], $0xffff  }
0x216: {  	v50 =	vld.idx.msk [tilespmem:v2+s20+$0x0], $0xffff;
	[tilespmem:s25+$0x16060] =	vst v0  }
0x217: {  	s30 =	sshll.u32 s9, $0x7;
	[tilespmem:s4+$0x16000] =	vst v8;
	v0 =	vld [tilespmem:s2+$0x2070]  }
0x218: {  	[tilespmem:s22+$0xE020] =	vst v5;
	s2 =	sor.u32 s17, s30;
	v5 =	vld.idx.msk [tilespmem:v1+s20+$0x0], $0xffff  }
0x219: {  	v7 =	vld.idx.msk [tilespmem:v7+s21+$0x0], $0xffff;
	[tilespmem:s2+$0xE000] =	vst v48  }
0x21a: {  	[tilespmem:s1+$0x16040] =	vst v4;
	v3 =	vld.idx.msk [tilespmem:v3+s21+$0x0], $0xffff  }
0x21b: {  	v4 =	vld [tilespmem:s7+$0x2050];
	[tilespmem:s0+$0xE060] =	vst v50  }
0x21c: {  	[tilespmem:s23+$0x16020] =	vst v6;
	v2 =	vld.idx.msk [tilespmem:v2+s21+$0x0], $0xffff  }
0x21d: {  	[tilespmem:s26+$0xE050] =	vst v5;
	v5 =	vld [tilespmem:s28+$0x2030]  }
0x21e: {  	[tilespmem:s22+$0x16020] =	vst v7;
	v1 =	vld.idx.msk [tilespmem:v1+s21+$0x0], $0xffff  }
0x21f: {  	[tilespmem:s2+$0x16000] =	vst v3;
	v3 =	vld [tilespmem:s24+$0x2030]  }
0x220: {  	v7 =	vld [tilespmem:s5+$0x2010];
	_ =	sdelay $0x1  }
0x221: {  	v6 =	vld [tilespmem:s6+$0x2010]  }
0x222: {  	v51 =	vld.idx.msk [tilespmem:v4+s20+$0x0], $0xffff;
	[tilespmem:s26+$0x16050] =	vst v1  }
0x223: {  	v1 =	vld [tilespmem:s8+$0x2060]  }
0x224: {  	[tilespmem:s0+$0x16060] =	vst v2;
	v10 =	vld.idx.msk [tilespmem:v5+s20+$0x0], $0xffff  }
0x225: {  	v2 =	vld [tilespmem:s3+$0x2070]  }
0x226: {  	v52 =	vld.idx.msk [tilespmem:v3+s20+$0x0], $0xffff  }
0x227: {  	[tilespmem:s1+$0xE050] =	vst v51;
	v54 =	vld.idx.msk [tilespmem:v7+s20+$0x0], $0xffff  }
0x228: {  	v4 =	vld.idx.msk [tilespmem:v4+s21+$0x0], $0xffff  }
0x229: {  	v53 =	vld.idx.msk [tilespmem:v6+s20+$0x0], $0xffff;
	[tilespmem:s23+$0xE030] =	vst v10  }
0x22a: {  	v5 =	vld.idx.msk [tilespmem:v5+s21+$0x0], $0xffff  }
0x22b: {  	[tilespmem:s22+$0xE030] =	vst v52;
	v55 =	vld.idx.msk [tilespmem:v1+s20+$0x0], $0xffff  }
0x22c: {  	[tilespmem:s4+$0xE010] =	vst v54;
	v3 =	vld.idx.msk [tilespmem:v3+s21+$0x0], $0xffff  }
0x22d: {  	v8 =	vld.idx.msk [tilespmem:v0+s20+$0x0], $0xffff;
	[tilespmem:s1+$0x16050] =	vst v4  }
0x22e: {  	v7 =	vld.idx.msk [tilespmem:v7+s21+$0x0], $0xffff;
	[tilespmem:s2+$0xE010] =	vst v53  }
0x22f: {  	s29 =	simm.s32 $0x8;
	v4 =	vld [tilespmem:s7+$0x2060];
	[tilespmem:s23+$0x16030] =	vst v5  }
0x230: {  	s3 =	sand.u32 $0x6, s29;
	v6 =	vld.idx.msk [tilespmem:v6+s21+$0x0], $0xffff;
	[tilespmem:s26+$0xE060] =	vst v55  }
0x231: {  	s17 =	sshll.u32 s3, $0xA;
	[tilespmem:s22+$0x16030] =	vst v3;
	v3 =	vld [tilespmem:s28+$0x2040]  }
0x232: {  	s17 =	sadd.s32 $0x80, s17;
	v1 =	vld.idx.msk [tilespmem:v1+s21+$0x0], $0xffff  }
0x233: {  	v56 =	vld [tilespmem:s17+$0x2000];
	[tilespmem:s4+$0x16010] =	vst v7  }
0x234: {  	v7 =	vld [tilespmem:s5+$0x2020]  }
0x235: {  	[tilespmem:s2+$0x16010] =	vst v6;
	v5 =	vld [tilespmem:s24+$0x2040]  }
0x236: {  	s31 =	sor.u32 $0x1, s3;
	v6 =	vld [tilespmem:s6+$0x2020]  }
0x237: {  	s11 =	sshll.u32 s31, $0xA;
	[tilespmem:s26+$0x16060] =	vst v1;
	v1 =	vld.idx.msk [tilespmem:v4+s20+$0x0], $0xffff  }
0x238: {  	v9 =	vld [tilespmem:s8+$0x2070];
	s8 =	sadd.s32 $0x80, s11  }
0x239: {  	[tilespmem:s25+$0xE070] =	vst v8;
	v8 =	vld [tilespmem:s8+$0x2000]  }
0x23a: {  	v57 =	vld.idx.msk [tilespmem:v3+s20+$0x0], $0xffff  }
0x23b: {  	v0 =	vld.idx.msk [tilespmem:v0+s21+$0x0], $0xffff  }
0x23c: {  	v14 =	vld.idx.msk [tilespmem:v56+s20+$0x0], $0xffff  }
0x23d: {  	v58 =	vld.idx.msk [tilespmem:v5+s20+$0x0], $0xffff;
	[tilespmem:s1+$0xE060] =	vst v1  }
0x23e: {  	v1 =	vld.idx.msk [tilespmem:v4+s21+$0x0], $0xffff  }
0x23f: {  	v4 =	vld.idx.msk [tilespmem:v6+s20+$0x0], $0xffff;
	[tilespmem:s23+$0xE040] =	vst v57  }
0x240: {  	v3 =	vld.idx.msk [tilespmem:v3+s21+$0x0], $0xffff  }
0x241: {  	v13 =	vld.idx.msk [tilespmem:v7+s20+$0x0], $0xffff  }
0x242: {  	[tilespmem:s22+$0xE040] =	vst v58;
	v59 =	vld.idx.msk [tilespmem:v8+s20+$0x0], $0xffff  }
0x243: {  	v5 =	vld.idx.msk [tilespmem:v5+s21+$0x0], $0xffff;
	[tilespmem:s1+$0x16060] =	vst v1  }
0x244: {  	[tilespmem:s2+$0xE020] =	vst v4;
	v1 =	vld [tilespmem:s7+$0x2070]  }
0x245: {  	s30 =	simm.s32 $0x400;
	s31 =	sshll.u32 s31, $0x7;
	v4 =	vld.idx.msk [tilespmem:v6+s21+$0x0], $0xffff;
	[tilespmem:s23+$0x16040] =	vst v3  }
0x246: {  	s3 =	sshll.u32 s3, $0x7;
	[tilespmem:s4+$0xE020] =	vst v13;
	s7 =	sor.u32 s30, s31;
	v3 =	vld [tilespmem:s28+$0x2050]  }
0x247: {  	s3 =	sor.u32 s3, s30;
	v6 =	vld.idx.msk [tilespmem:v7+s21+$0x0], $0xffff;
	[tilespmem:s7+$0xE000] =	vst v59  }
0x248: {  	[tilespmem:s3+$0xE000] =	vst v14;
	v7 =	vld.idx.msk [tilespmem:v8+s21+$0x0], $0xffff  }
0x249: {  	[tilespmem:s22+$0x16040] =	vst v5;
	v8 =	vld.idx.msk [tilespmem:v56+s21+$0x0], $0xffff  }
0x24a: {  	v60 =	vld [tilespmem:s24+$0x2050];
	[tilespmem:s2+$0x16020] =	vst v4  }
0x24b: {  	v4 =	vld [tilespmem:s6+$0x2030]  }
0x24c: {  	[tilespmem:s4+$0x16020] =	vst v6;
	v6 =	vld.idx.msk [tilespmem:v9+s20+$0x0], $0xffff  }
0x24d: {  	[tilespmem:s7+$0x16000] =	vst v7;
	v7 =	vld [tilespmem:s5+$0x2030]  }
0x24e: {  	[tilespmem:s3+$0x16000] =	vst v8;
	v8 =	vld.idx.msk [tilespmem:v3+s20+$0x0], $0xffff  }
0x24f: {  	v5 =	vld [tilespmem:s8+$0x2010];
	_ =	sdelay $0x1  }
0x250: {  	v61 =	vld [tilespmem:s17+$0x2010];
	[tilespmem:s26+$0xE070] =	vst v6  }
0x251: {  	v6 =	vld.idx.msk [tilespmem:v9+s21+$0x0], $0xffff  }
0x252: {  	v63 =	vld.idx.msk [tilespmem:v4+s20+$0x0], $0xffff;
	[tilespmem:s23+$0xE050] =	vst v8  }
0x253: {  	[tilespmem:s25+$0x16070] =	vst v0;
	v0 =	vld.idx.msk [tilespmem:v3+s21+$0x0], $0xffff  }
0x254: {  	v3 =	vld.idx.msk [tilespmem:v60+s20+$0x0], $0xffff  }
0x255: {  	v13 =	vld.idx.msk [tilespmem:v7+s20+$0x0], $0xffff  }
0x256: {  	[tilespmem:s26+$0x16070] =	vst v6;
	v8 =	vld.idx.msk [tilespmem:v5+s20+$0x0], $0xffff  }
0x257: {  	v62 =	vld.idx.msk [tilespmem:v2+s20+$0x0], $0xffff;
	[tilespmem:s2+$0xE030] =	vst v63  }
0x258: {  	v6 =	vld.idx.msk [tilespmem:v61+s20+$0x0], $0xffff;
	[tilespmem:s23+$0x16050] =	vst v0  }
0x259: {  	v9 =	vld.idx.msk [tilespmem:v4+s21+$0x0], $0xffff;
	[tilespmem:s22+$0xE050] =	vst v3  }
0x25a: {  	[tilespmem:s4+$0xE030] =	vst v13;
	v3 =	vld [tilespmem:s28+$0x2060]  }
0x25b: {  	[tilespmem:s7+$0xE010] =	vst v8;
	v8 =	vld.idx.msk [tilespmem:v7+s21+$0x0], $0xffff  }
0x25c: {  	[tilespmem:s0+$0xE070] =	vst v62;
	v7 =	vld.idx.msk [tilespmem:v5+s21+$0x0], $0xffff  }
0x25d: {  	v2 =	vld.idx.msk [tilespmem:v2+s21+$0x0], $0xffff  }
0x25e: {  	v4 =	vld.idx.msk [tilespmem:v60+s21+$0x0], $0xffff;
	[tilespmem:s3+$0xE010] =	vst v6  }
0x25f: {  	v6 =	vld.idx.msk [tilespmem:v61+s21+$0x0], $0xffff;
	[tilespmem:s2+$0x16030] =	vst v9  }
0x260: {  	v0 =	vmov v1;
	v5 =	vld [tilespmem:s6+$0x2040];
	[tilespmem:s4+$0x16030] =	vst v8  }
.LBB2_4:
0x261: {  	s29 =	sadd.s32 $0x2, s29;
	[tilespmem:s7+$0x16010] =	vst v7;
	v7 =	vld [tilespmem:s5+$0x2040]  }
0x262: {  	s9 =	sand.u32 $0x6, s29;
	v8 =	vld [tilespmem:s8+$0x2020]  }
0x263: {  	s10 =	sshrl.u32 s29, $0x3;
	s11 =	sshll.u32 s9, $0xA;
	s26 =	sor.u32 $0x1, s9;
	[tilespmem:s22+$0x16050] =	vst v4;
	v1 =	vld.idx.msk [tilespmem:v1+s20+$0x0], $0xffff  }
0x264: {  	s30 =	sshll.u32 s10, $0x7;
	s9 =	sshll.u32 s9, $0x7;
	s31 =	sshll.u32 s26, $0xA;
	[tilespmem:s3+$0x16010] =	vst v6;
	v4 =	vld.idx.msk [tilespmem:v3+s20+$0x0], $0xffff  }
0x265: {  	p0 =	slt.u32 s29, $0x3E;
	s25 =	sadd.s32 s30, s11;
	s11 =	sadd.s32 s30, s31;
	v6 =	vld [tilespmem:s17+$0x2020];
	[tilespmem:s0+$0x16070] =	vst v2  }
0x266: {  	s0 =	smov.u32 s1;
	s1 =	smov.u32 s22;
	s22 =	smov.u32 s4;
	v2 =	vld [tilespmem:s11+$0x2000]  }
0x267: {  	s4 =	smov.u32 s3;
	v9 =	vld [tilespmem:s25+$0x2000]  }
0x268: {  	v10 =	vld.idx.msk [tilespmem:v5+s20+$0x0], $0xffff  }
0x269: {  	v11 =	vld.idx.msk [tilespmem:v7+s20+$0x0], $0xffff;
	[tilespmem:s0+$0xE070] =	vst v1  }
0x26a: {  	v1 =	vld.idx.msk [tilespmem:v8+s20+$0x0], $0xffff;
	[tilespmem:s23+$0xE060] =	vst v4  }
0x26b: {  	v3 =	vld.idx.msk [tilespmem:v3+s21+$0x0], $0xffff  }
0x26c: {  	v4 =	vld [tilespmem:s24+$0x2060]  }
0x26d: {  	v12 =	vld.idx.msk [tilespmem:v6+s20+$0x0], $0xffff  }
0x26e: {  	v13 =	vld.idx.msk [tilespmem:v2+s20+$0x0], $0xffff;
	[tilespmem:s2+$0xE040] =	vst v10  }
0x26f: {  	[tilespmem:s22+$0xE040] =	vst v11;
	v5 =	vld.idx.msk [tilespmem:v5+s21+$0x0], $0xffff  }
0x270: {  	v10 =	vld.idx.msk [tilespmem:v9+s20+$0x0], $0xffff;
	[tilespmem:s7+$0xE020] =	vst v1  }
0x271: {  	v1 =	vld.idx.msk [tilespmem:v8+s21+$0x0], $0xffff;
	[tilespmem:s23+$0x16060] =	vst v3  }
0x272: {  	s10 =	sshll.u32 s10, $0xA;
	s26 =	sshll.u32 s26, $0x7;
	v3 =	vld [tilespmem:s28+$0x2070];
	s28 =	smov.u32 s6  }
0x273: {  	s3 =	sor.u32 s9, s10;
	s9 =	sor.u32 s10, s26;
	s6 =	smov.u32 s8;
	[tilespmem:s4+$0xE020] =	vst v12;
	v7 =	vld.idx.msk [tilespmem:v7+s21+$0x0], $0xffff  }
0x274: {  	s8 =	smov.u32 s11;
	[tilespmem:s9+$0xE000] =	vst v13;
	v6 =	vld.idx.msk [tilespmem:v6+s21+$0x0], $0xffff  }
0x275: {  	v2 =	vld.idx.msk [tilespmem:v2+s21+$0x0], $0xffff;
	[tilespmem:s2+$0x16040] =	vst v5  }
0x276: {  	[tilespmem:s3+$0xE000] =	vst v10;
	v5 =	vld [tilespmem:s28+$0x2050]  }
0x277: {  	v8 =	vld.idx.msk [tilespmem:v9+s21+$0x0], $0xffff  }
0x278: {  	[tilespmem:s7+$0x16020] =	vst v1;
	v1 =	vld.idx.msk [tilespmem:v4+s20+$0x0], $0xffff  }
0x279: {  	v9 =	vld [tilespmem:s6+$0x2030];
	[tilespmem:s22+$0x16040] =	vst v7  }
0x27a: {  	[tilespmem:s4+$0x16020] =	vst v6;
	v6 =	vld.idx.msk [tilespmem:v3+s20+$0x0], $0xffff  }
0x27b: {  	[tilespmem:s9+$0x16000] =	vst v2;
	v2 =	vld [tilespmem:s17+$0x2030]  }
0x27c: {  	v7 =	vld [tilespmem:s8+$0x2010]  }
0x27d: {  	[tilespmem:s3+$0x16000] =	vst v8;
	v8 =	vld [tilespmem:s5+$0x2050]  }
0x27e: {  	v10 =	vld.idx.msk [tilespmem:v5+s20+$0x0], $0xffff;
	[tilespmem:s1+$0xE060] =	vst v1  }
0x27f: {  	v11 =	vld [tilespmem:s25+$0x2010]  }
0x280: {  	v1 =	vld.idx.msk [tilespmem:v4+s21+$0x0], $0xffff;
	[tilespmem:s23+$0xE070] =	vst v6  }
0x281: {  	v3 =	vld.idx.msk [tilespmem:v3+s21+$0x0], $0xffff  }
0x282: {  	v4 =	vld.idx.msk [tilespmem:v9+s20+$0x0], $0xffff  }
0x283: {  	v6 =	vld.idx.msk [tilespmem:v2+s20+$0x0], $0xffff  }
0x284: {  	v12 =	vld.idx.msk [tilespmem:v7+s20+$0x0], $0xffff;
	[tilespmem:s2+$0xE050] =	vst v10  }
0x285: {  	v5 =	vld.idx.msk [tilespmem:v5+s21+$0x0], $0xffff  }
0x286: {  	v10 =	vld.idx.msk [tilespmem:v8+s20+$0x0], $0xffff;
	[tilespmem:s1+$0x16060] =	vst v1  }
0x287: {  	v13 =	vld.idx.msk [tilespmem:v11+s20+$0x0], $0xffff;
	[tilespmem:s23+$0x16070] =	vst v3;
	s23 =	smov.u32 s2;
	s2 =	smov.u32 s7;
	s7 =	smov.u32 s9  }
0x288: {  	[tilespmem:s2+$0xE030] =	vst v4;
	v1 =	vld [tilespmem:s24+$0x2070];
	s24 =	smov.u32 s5;
	s5 =	smov.u32 s17;
	s17 =	smov.u32 s25  }
0x289: {  	[tilespmem:s4+$0xE030] =	vst v6;
	v9 =	vld.idx.msk [tilespmem:v9+s21+$0x0], $0xffff  }
0x28a: {  	[tilespmem:s7+$0xE010] =	vst v12;
	v12 =	vld.idx.msk [tilespmem:v2+s21+$0x0], $0xffff  }
0x28b: {  	v7 =	vld.idx.msk [tilespmem:v7+s21+$0x0], $0xffff;
	[tilespmem:s23+$0x16050] =	vst v5  }
.Ltmp1:
0x28c: {  	[tilespmem:s22+$0xE050] =	vst v10;
	v3 =	vld [tilespmem:s28+$0x2060];
	(pc) =	sbr.rel @p0 .LBB2_4-.Ltmp1, $4  }
0x28d: {  	[tilespmem:s3+$0xE010] =	vst v13;
	v4 =	vld.idx.msk [tilespmem:v8+s21+$0x0], $0xffff  }
0x28e: {  	v6 =	vld.idx.msk [tilespmem:v11+s21+$0x0], $0xffff  }
0x28f: {  	[tilespmem:s2+$0x16030] =	vst v9;
	v2 =	vld.idx.msk [tilespmem:v0+s21+$0x0], $0xffff;
	v0 =	vmov v1  }
0x290: {  	[tilespmem:s4+$0x16030] =	vst v12;
	v5 =	vld [tilespmem:s6+$0x2040]  }
0x291: {  	_ = 	snop  }
0x292: {  	[tilespmem:s7+$0x16010] =	vst v7  }
0x293: {  	v7 =	vld [tilespmem:s8+$0x2020];
	[tilespmem:s3+$0x16010] =	vst v6  }
0x294: {  	v6 =	vld [tilespmem:s17+$0x2020];
	_ =	sdelay $0x6  }
0x295: {  	v8 =	vld.idx.msk [tilespmem:v7+s20+$0x0], $0xffff  }
0x296: {  	v9 =	vld.idx.msk [tilespmem:v6+s20+$0x0], $0xffff;
	_ =	sdelay $0x3  }
0x297: {  	[tilespmem:s7+$0xE020] =	vst v8  }
0x298: {  	v7 =	vld.idx.msk [tilespmem:v7+s21+$0x0], $0xffff;
	[tilespmem:s3+$0xE020] =	vst v9  }
0x299: {  	v6 =	vld.idx.msk [tilespmem:v6+s21+$0x0], $0xffff;
	_ =	sdelay $0x3  }
0x29a: {  	[tilespmem:s7+$0x16020] =	vst v7  }
0x29b: {  	v7 =	vld [tilespmem:s8+$0x2030];
	[tilespmem:s3+$0x16020] =	vst v6  }
0x29c: {  	v6 =	vld [tilespmem:s17+$0x2030];
	_ =	sdelay $0x6  }
0x29d: {  	v8 =	vld.idx.msk [tilespmem:v7+s20+$0x0], $0xffff  }
0x29e: {  	v9 =	vld.idx.msk [tilespmem:v6+s20+$0x0], $0xffff;
	_ =	sdelay $0x3  }
0x29f: {  	[tilespmem:s7+$0xE030] =	vst v8  }
0x2a0: {  	v7 =	vld.idx.msk [tilespmem:v7+s21+$0x0], $0xffff;
	[tilespmem:s3+$0xE030] =	vst v9  }
0x2a1: {  	v6 =	vld.idx.msk [tilespmem:v6+s21+$0x0], $0xffff;
	_ =	sdelay $0x3  }
0x2a2: {  	v8 =	vld [tilespmem:s5+$0x2040];
	[tilespmem:s7+$0x16030] =	vst v7  }
0x2a3: {  	v7 =	vld [tilespmem:s8+$0x2040];
	[tilespmem:s3+$0x16030] =	vst v6  }
0x2a4: {  	v6 =	vld [tilespmem:s17+$0x2040];
	_ =	sdelay $0x4  }
0x2a5: {  	v38 =	vld.idx.msk [tilespmem:v5+s20+$0x0], $0xffff  }
0x2a6: {  	v11 =	vld.idx.msk [tilespmem:v8+s20+$0x0], $0xffff  }
0x2a7: {  	v10 =	vld.idx.msk [tilespmem:v7+s20+$0x0], $0xffff  }
0x2a8: {  	v12 =	vld.idx.msk [tilespmem:v6+s20+$0x0], $0xffff;
	_ =	sdelay $0x1  }
0x2a9: {  	[tilespmem:s2+$0xE040] =	vst v38  }
0x2aa: {  	v5 =	vld.idx.msk [tilespmem:v5+s21+$0x0], $0xffff;
	[tilespmem:s4+$0xE040] =	vst v11  }
0x2ab: {  	v8 =	vld.idx.msk [tilespmem:v8+s21+$0x0], $0xffff;
	[tilespmem:s7+$0xE040] =	vst v10  }
0x2ac: {  	v7 =	vld.idx.msk [tilespmem:v7+s21+$0x0], $0xffff;
	[tilespmem:s3+$0xE040] =	vst v12  }
0x2ad: {  	v6 =	vld.idx.msk [tilespmem:v6+s21+$0x0], $0xffff;
	_ =	sdelay $0x1  }
0x2ae: {  	[tilespmem:s2+$0x16040] =	vst v5  }
0x2af: {  	v5 =	vld [tilespmem:s6+$0x2050];
	[tilespmem:s4+$0x16040] =	vst v8  }
0x2b0: {  	v8 =	vld [tilespmem:s5+$0x2050];
	[tilespmem:s7+$0x16040] =	vst v7  }
0x2b1: {  	v7 =	vld [tilespmem:s8+$0x2050];
	[tilespmem:s3+$0x16040] =	vst v6  }
0x2b2: {  	v6 =	vld [tilespmem:s17+$0x2050];
	_ =	sdelay $0x4  }
0x2b3: {  	v9 =	vld.idx.msk [tilespmem:v5+s20+$0x0], $0xffff  }
0x2b4: {  	v11 =	vld.idx.msk [tilespmem:v8+s20+$0x0], $0xffff  }
0x2b5: {  	v10 =	vld.idx.msk [tilespmem:v7+s20+$0x0], $0xffff  }
0x2b6: {  	v12 =	vld.idx.msk [tilespmem:v6+s20+$0x0], $0xffff  }
0x2b7: {  	v13 =	vld.idx.msk [tilespmem:v3+s20+$0x0], $0xffff  }
0x2b8: {  	[tilespmem:s2+$0xE050] =	vst v9  }
0x2b9: {  	v5 =	vld.idx.msk [tilespmem:v5+s21+$0x0], $0xffff;
	[tilespmem:s4+$0xE050] =	vst v11  }
0x2ba: {  	v8 =	vld.idx.msk [tilespmem:v8+s21+$0x0], $0xffff;
	[tilespmem:s7+$0xE050] =	vst v10  }
0x2bb: {  	v7 =	vld.idx.msk [tilespmem:v7+s21+$0x0], $0xffff;
	[tilespmem:s3+$0xE050] =	vst v12  }
0x2bc: {  	[tilespmem:s23+$0xE060] =	vst v13;
	v6 =	vld.idx.msk [tilespmem:v6+s21+$0x0], $0xffff  }
0x2bd: {  	[tilespmem:s22+$0x16050] =	vst v4;
	v3 =	vld.idx.msk [tilespmem:v3+s21+$0x0], $0xffff  }
0x2be: {  	[tilespmem:s2+$0x16050] =	vst v5;
	v5 =	vld [tilespmem:s24+$0x2060]  }
0x2bf: {  	v4 =	vld [tilespmem:s6+$0x2060];
	[tilespmem:s4+$0x16050] =	vst v8  }
0x2c0: {  	v8 =	vld [tilespmem:s5+$0x2060];
	[tilespmem:s7+$0x16050] =	vst v7  }
0x2c1: {  	v7 =	vld [tilespmem:s8+$0x2060];
	[tilespmem:s3+$0x16050] =	vst v6  }
0x2c2: {  	v6 =	vld [tilespmem:s17+$0x2060];
	_ =	sdelay $0x1  }
0x2c3: {  	[tilespmem:s23+$0x16060] =	vst v3  }
0x2c4: {  	v3 =	vld [tilespmem:s28+$0x2070]  }
0x2c5: {  	v39 =	vld.idx.msk [tilespmem:v5+s20+$0x0], $0xffff  }
0x2c6: {  	v9 =	vld.idx.msk [tilespmem:v4+s20+$0x0], $0xffff  }
0x2c7: {  	v41 =	vld.idx.msk [tilespmem:v8+s20+$0x0], $0xffff  }
0x2c8: {  	v40 =	vld.idx.msk [tilespmem:v7+s20+$0x0], $0xffff  }
0x2c9: {  	v42 =	vld.idx.msk [tilespmem:v6+s20+$0x0], $0xffff  }
0x2ca: {  	[tilespmem:s22+$0xE060] =	vst v39  }
0x2cb: {  	[tilespmem:s2+$0xE060] =	vst v9;
	v5 =	vld.idx.msk [tilespmem:v5+s21+$0x0], $0xffff  }
0x2cc: {  	v4 =	vld.idx.msk [tilespmem:v4+s21+$0x0], $0xffff;
	[tilespmem:s4+$0xE060] =	vst v41  }
0x2cd: {  	v8 =	vld.idx.msk [tilespmem:v8+s21+$0x0], $0xffff;
	[tilespmem:s7+$0xE060] =	vst v40  }
0x2ce: {  	v7 =	vld.idx.msk [tilespmem:v7+s21+$0x0], $0xffff;
	[tilespmem:s3+$0xE060] =	vst v42  }
0x2cf: {  	v6 =	vld.idx.msk [tilespmem:v6+s21+$0x0], $0xffff  }
0x2d0: {  	v43 =	vld.idx.msk [tilespmem:v3+s20+$0x0], $0xffff;
	[tilespmem:s22+$0x16060] =	vst v5  }
0x2d1: {  	[tilespmem:s2+$0x16060] =	vst v4;
	v5 =	vld [tilespmem:s24+$0x2070]  }
0x2d2: {  	v4 =	vld [tilespmem:s6+$0x2070];
	[tilespmem:s4+$0x16060] =	vst v8  }
0x2d3: {  	v8 =	vld [tilespmem:s5+$0x2070];
	[tilespmem:s7+$0x16060] =	vst v7  }
0x2d4: {  	v7 =	vld [tilespmem:s8+$0x2070];
	[tilespmem:s3+$0x16060] =	vst v6  }
0x2d5: {  	v6 =	vld [tilespmem:s17+$0x2070]  }
0x2d6: {  	v1 =	vld.idx.msk [tilespmem:v1+s20+$0x0], $0xffff  }
0x2d7: {  	[tilespmem:s23+$0xE070] =	vst v43  }
0x2d8: {  	v3 =	vld.idx.msk [tilespmem:v3+s21+$0x0], $0xffff  }
0x2d9: {  	v10 =	vld.idx.msk [tilespmem:v5+s20+$0x0], $0xffff  }
0x2da: {  	v44 =	vld.idx.msk [tilespmem:v4+s20+$0x0], $0xffff  }
0x2db: {  	[tilespmem:s1+$0xE070] =	vst v1;
	v1 =	vld.idx.msk [tilespmem:v8+s20+$0x0], $0xffff  }
0x2dc: {  	[tilespmem:s0+$0x16070] =	vst v2;
	v2 =	vld.idx.msk [tilespmem:v7+s20+$0x0], $0xffff  }
0x2dd: {  	[tilespmem:s23+$0x16070] =	vst v3;
	v3 =	vld.idx.msk [tilespmem:v6+s20+$0x0], $0xffff  }
0x2de: {  	v0 =	vld.idx.msk [tilespmem:v0+s21+$0x0], $0xffff;
	[tilespmem:s22+$0xE070] =	vst v10  }
0x2df: {  	[tilespmem:s2+$0xE070] =	vst v44;
	v5 =	vld.idx.msk [tilespmem:v5+s21+$0x0], $0xffff  }
0x2e0: {  	v4 =	vld.idx.msk [tilespmem:v4+s21+$0x0], $0xffff;
	[tilespmem:s4+$0xE070] =	vst v1  }
0x2e1: {  	[tilespmem:s7+$0xE070] =	vst v2;
	v2 =	vld.idx.msk [tilespmem:v8+s21+$0x0], $0xffff  }
0x2e2: {  	v1 =	vld.idx.msk [tilespmem:v7+s21+$0x0], $0xffff;
	[tilespmem:s3+$0xE070] =	vst v3  }
0x2e3: {  	[tilespmem:s1+$0x16070] =	vst v0;
	v0 =	vld.idx.msk [tilespmem:v6+s21+$0x0], $0xffff  }
0x2e4: {  	[tilespmem:s22+$0x16070] =	vst v5  }
0x2e5: {  	[tilespmem:s2+$0x16070] =	vst v4  }
0x2e6: {  	[tilespmem:s4+$0x16070] =	vst v2  }
0x2e7: {  	[tilespmem:s7+$0x16070] =	vst v1  }
0x2e8: {  	[tilespmem:s3+$0x16070] =	vst v0  }
0x2e9: {  	s7 =	simm.s32 $0xE000;
	s1 =	rddreg [dreg:$0xb]  }
0x2ea: {  	[hbm4b:s1+s18] =	stream.strided.scatter [tilespmem:s7], [sflag:$0x3], $0x400, s19, s18, $0x38;
	[tilespmem:$0x1C000] =	vst v63  }
0x2eb: {  	s9 =	simm.s32 $0xE400;
	s8 =	sadd.s32 $0x2000, s1  }
0x2ec: {  	[hbm4b:s8+s18] =	stream.strided.scatter [tilespmem:s9], [sflag:$0x3], $0x400, s19, s18, $0x38;
	[tilespmem:$0x1C000] =	vst v63  }
0x2ed: {  	s11 =	simm.s32 $0xE800;
	s10 =	sadd.s32 $0x4000, s1  }
0x2ee: {  	[hbm4b:s10+s18] =	stream.strided.scatter [tilespmem:s11], [sflag:$0x3], $0x400, s19, s18, $0x38;
	[tilespmem:$0x1C000] =	vst v63  }
0x2ef: {  	s22 =	simm.s32 $0xEC00;
	s17 =	sadd.s32 $0x6000, s1  }
0x2f0: {  	[hbm4b:s17+s18] =	stream.strided.scatter [tilespmem:s22], [sflag:$0x3], $0x400, s19, s18, $0x38;
	[tilespmem:$0x1C000] =	vst v63  }
0x2f1: {  	s24 =	simm.s32 $0xF000;
	s23 =	sadd.s32 $0x8000, s1  }
0x2f2: {  	[hbm4b:s23+s18] =	stream.strided.scatter [tilespmem:s24], [sflag:$0x3], $0x400, s19, s18, $0x38;
	[tilespmem:$0x1C000] =	vst v63  }
0x2f3: {  	s26 =	simm.s32 $0xF400;
	s25 =	sadd.s32 $0xA000, s1  }
0x2f4: {  	[hbm4b:s25+s18] =	stream.strided.scatter [tilespmem:s26], [sflag:$0x3], $0x400, s19, s18, $0x38;
	[tilespmem:$0x1C000] =	vst v63  }
0x2f5: {  	s31 =	simm.s32 $0xF800;
	s30 =	sadd.s32 $0xC000, s1  }
0x2f6: {  	[hbm4b:s30+s18] =	stream.strided.scatter [tilespmem:s31], [sflag:$0x3], $0x400, s19, s18, $0x38;
	[tilespmem:$0x1C000] =	vst v63  }
0x2f7: {  	s4 =	simm.s32 $0xFC00;
	s3 =	sadd.s32 $0xE000, s1  }
0x2f8: {  	[hbm4b:s3+s18] =	stream.strided.scatter [tilespmem:s4], [sflag:$0x3], $0x400, s19, s18, $0x38;
	[tilespmem:$0x1C000] =	vst v63  }
0x2f9: {  	s5 =	simm.s32 $0x16000  }
0x2fa: {  	[hbm4b:s12+s18] =	stream.strided.scatter [tilespmem:s5], [sflag:$0x4], $0x400, s19, s18, $0x38;
	[tilespmem:$0x1C000] =	vst v63  }
0x2fb: {  	s6 =	sadd.s32 $0x2000, s12;
	s7 =	simm.s32 $0x16400  }
0x2fc: {  	[hbm4b:s6+s18] =	stream.strided.scatter [tilespmem:s7], [sflag:$0x4], $0x400, s19, s18, $0x38;
	[tilespmem:$0x1C000] =	vst v63  }
0x2fd: {  	s8 =	sadd.s32 $0x4000, s12;
	s9 =	simm.s32 $0x16800  }
0x2fe: {  	[hbm4b:s8+s18] =	stream.strided.scatter [tilespmem:s9], [sflag:$0x4], $0x400, s19, s18, $0x38;
	[tilespmem:$0x1C000] =	vst v63  }
0x2ff: {  	s10 =	sadd.s32 $0x6000, s12;
	s11 =	simm.s32 $0x16C00  }
0x300: {  	[hbm4b:s10+s18] =	stream.strided.scatter [tilespmem:s11], [sflag:$0x4], $0x400, s19, s18, $0x38;
	[tilespmem:$0x1C000] =	vst v63  }
0x301: {  	s17 =	sadd.s32 $0x8000, s12;
	s22 =	simm.s32 $0x17000  }
0x302: {  	[hbm4b:s17+s18] =	stream.strided.scatter [tilespmem:s22], [sflag:$0x4], $0x400, s19, s18, $0x38;
	[tilespmem:$0x1C000] =	vst v63  }
0x303: {  	s2 =	simm.s32 $0x2;
	s23 =	sadd.s32 $0xA000, s12;
	s24 =	simm.s32 $0x17400  }
0x304: {  	[hbm4b:s23+s18] =	stream.strided.scatter [tilespmem:s24], [sflag:$0x4], $0x400, s19, s18, $0x38;
	[tilespmem:$0x1C000] =	vst v63  }
0x305: {  	s1 =	simm.s32 $0x0;
	s25 =	sadd.s32 $0xC000, s12;
	s26 =	simm.s32 $0x17800  }
0x306: {  	[hbm4b:s25+s18] =	stream.strided.scatter [tilespmem:s26], [sflag:$0x4], $0x400, s19, s18, $0x38;
	[tilespmem:$0x1C000] =	vst v63  }
0x307: {  	s0 =	sand.u32 $0x6, s1;
	s30 =	sadd.s32 $0xE000, s12;
	s31 =	simm.s32 $0x17C00  }
0x308: {  	[hbm4b:s30+s18] =	stream.strided.scatter [tilespmem:s31], [sflag:$0x4], $0x400, s19, s18, $0x38;
	[tilespmem:$0x1C000] =	vst v63  }
0x309: {  	s4 =	sor.u32 $0x1, s0;
	_ =	swait.ge [sflag:s2], $0x2000  }
0x30a: {  	s5 =	sshll.u32 s4, $0xA;
	[sflag:s2] =	ssyncset.done $0x0  }
0x30b: {  	[sflag:s2] =	ssyncadd.s32 $0xFFFFE000;
	s2 =	sadd.s32 $0x0, s5  }
0x30c: {  	v0 =	vld [tilespmem:s2+$0x4000]  }
0x30d: {  	s6 =	sshll.u32 s0, $0xA  }
0x30e: {  	s3 =	sadd.s32 $0x0, s6  }
0x30f: {  	v1 =	vld [tilespmem:s3+$0x4000];
	_ =	sdelay $0x4  }
0x310: {  	v2 =	vld.idx.msk [tilespmem:v0+s20+$0x0], $0xffff;
	_ =	sdelay $0x2  }
0x311: {  	s1 =	sshll.u32 s4, $0x7;
	s7 =	simm.s32 $0x0;
	v3 =	vld.idx.msk [tilespmem:v1+s20+$0x0], $0xffff  }
0x312: {  	s25 =	sor.u32 s7, s1  }
0x313: {  	[tilespmem:s25+$0x10000] =	vst v2  }
0x314: {  	s0 =	sshll.u32 s0, $0x7;
	v0 =	vld.idx.msk [tilespmem:v0+s21+$0x0], $0xffff  }
0x315: {  	s0 =	sor.u32 s0, s7  }
0x316: {  	[tilespmem:s0+$0x10000] =	vst v3  }
0x317: {  	v1 =	vld.idx.msk [tilespmem:v1+s21+$0x0], $0xffff;
	_ =	sdelay $0x1  }
0x318: {  	[tilespmem:s25+$0x18000] =	vst v0  }
0x319: {  	v0 =	vld [tilespmem:s2+$0x4010];
	_ =	sdelay $0x1  }
0x31a: {  	[tilespmem:s0+$0x18000] =	vst v1  }
0x31b: {  	v1 =	vld [tilespmem:s3+$0x4010];
	_ =	sdelay $0x4  }
0x31c: {  	s8 =	simm.s32 $0x2;
	v2 =	vld.idx.msk [tilespmem:v0+s20+$0x0], $0xffff  }
0x31d: {  	s1 =	sand.u32 $0x6, s8  }
0x31e: {  	s9 =	sor.u32 $0x1, s1  }
0x31f: {  	s10 =	sshll.u32 s9, $0xA;
	v3 =	vld.idx.msk [tilespmem:v1+s20+$0x0], $0xffff  }
0x320: {  	s8 =	sadd.s32 $0x0, s10  }
0x321: {  	[tilespmem:s25+$0x10010] =	vst v2;
	v2 =	vld [tilespmem:s8+$0x4000]  }
0x322: {  	v0 =	vld.idx.msk [tilespmem:v0+s21+$0x0], $0xffff;
	_ =	sdelay $0x1  }
0x323: {  	s11 =	sshll.u32 s1, $0xA;
	[tilespmem:s0+$0x10010] =	vst v3  }
0x324: {  	s7 =	sadd.s32 $0x0, s11;
	v1 =	vld.idx.msk [tilespmem:v1+s21+$0x0], $0xffff  }
0x325: {  	v3 =	vld [tilespmem:s7+$0x4000]  }
0x326: {  	[tilespmem:s25+$0x18010] =	vst v0  }
0x327: {  	v0 =	vld [tilespmem:s2+$0x4020]  }
0x328: {  	v4 =	vld.idx.msk [tilespmem:v2+s20+$0x0], $0xffff  }
0x329: {  	[tilespmem:s0+$0x18010] =	vst v1  }
0x32a: {  	v1 =	vld [tilespmem:s3+$0x4020]  }
0x32b: {  	s17 =	simm.s32 $0x0;
	s4 =	sshll.u32 s9, $0x7  }
0x32c: {  	s26 =	sor.u32 s17, s4  }
0x32d: {  	[tilespmem:s26+$0x10000] =	vst v4;
	v4 =	vld.idx.msk [tilespmem:v3+s20+$0x0], $0xffff  }
0x32e: {  	v2 =	vld.idx.msk [tilespmem:v2+s21+$0x0], $0xffff  }
0x32f: {  	v5 =	vld.idx.msk [tilespmem:v0+s20+$0x0], $0xffff  }
0x330: {  	s1 =	sshll.u32 s1, $0x7  }
0x331: {  	s1 =	sor.u32 s1, s17  }
0x332: {  	v6 =	vld.idx.msk [tilespmem:v1+s20+$0x0], $0xffff;
	[tilespmem:s1+$0x10000] =	vst v4  }
0x333: {  	[tilespmem:s26+$0x18000] =	vst v2;
	v3 =	vld.idx.msk [tilespmem:v3+s21+$0x0], $0xffff  }
0x334: {  	[tilespmem:s25+$0x10020] =	vst v5;
	v2 =	vld [tilespmem:s8+$0x4010]  }
0x335: {  	v0 =	vld.idx.msk [tilespmem:v0+s21+$0x0], $0xffff;
	_ =	sdelay $0x2  }
0x336: {  	[tilespmem:s1+$0x18000] =	vst v3  }
0x337: {  	[tilespmem:s0+$0x10020] =	vst v6;
	v3 =	vld [tilespmem:s7+$0x4010]  }
0x338: {  	v1 =	vld.idx.msk [tilespmem:v1+s21+$0x0], $0xffff;
	[tilespmem:s25+$0x18020] =	vst v0  }
0x339: {  	v0 =	vld [tilespmem:s2+$0x4030]  }
0x33a: {  	v4 =	vld.idx.msk [tilespmem:v2+s20+$0x0], $0xffff;
	_ =	sdelay $0x2  }
0x33b: {  	[tilespmem:s0+$0x18020] =	vst v1  }
0x33c: {  	v1 =	vld [tilespmem:s3+$0x4030]  }
0x33d: {  	[tilespmem:s26+$0x10010] =	vst v4;
	v4 =	vld.idx.msk [tilespmem:v3+s20+$0x0], $0xffff  }
0x33e: {  	v2 =	vld.idx.msk [tilespmem:v2+s21+$0x0], $0xffff  }
0x33f: {  	v5 =	vld.idx.msk [tilespmem:v0+s20+$0x0], $0xffff;
	_ =	sdelay $0x2  }
0x340: {  	[tilespmem:s1+$0x10010] =	vst v4  }
0x341: {  	s22 =	simm.s32 $0x4;
	[tilespmem:s26+$0x18010] =	vst v2;
	v3 =	vld.idx.msk [tilespmem:v3+s21+$0x0], $0xffff  }
0x342: {  	s4 =	sand.u32 $0x6, s22;
	[tilespmem:s25+$0x10030] =	vst v5;
	v2 =	vld [tilespmem:s8+$0x4020]  }
0x343: {  	s23 =	sor.u32 $0x1, s4;
	v0 =	vld.idx.msk [tilespmem:v0+s21+$0x0], $0xffff  }
0x344: {  	s30 =	sshll.u32 s23, $0xA  }
0x345: {  	s28 =	sadd.s32 $0x0, s30;
	v6 =	vld.idx.msk [tilespmem:v1+s20+$0x0], $0xffff  }
0x346: {  	v5 =	vld [tilespmem:s28+$0x4000];
	[tilespmem:s1+$0x18010] =	vst v3  }
0x347: {  	v3 =	vld [tilespmem:s7+$0x4020]  }
0x348: {  	[tilespmem:s25+$0x18030] =	vst v0  }
0x349: {  	v0 =	vld [tilespmem:s2+$0x4040]  }
0x34a: {  	v4 =	vld.idx.msk [tilespmem:v2+s20+$0x0], $0xffff  }
0x34b: {  	s31 =	sshll.u32 s4, $0xA;
	[tilespmem:s0+$0x10030] =	vst v6  }
0x34c: {  	s24 =	sadd.s32 $0x0, s31;
	v1 =	vld.idx.msk [tilespmem:v1+s21+$0x0], $0xffff  }
0x34d: {  	v6 =	vld [tilespmem:s24+$0x4000]  }
0x34e: {  	v45 =	vld.idx.msk [tilespmem:v5+s20+$0x0], $0xffff  }
0x34f: {  	[tilespmem:s26+$0x10020] =	vst v4;
	v4 =	vld.idx.msk [tilespmem:v3+s20+$0x0], $0xffff  }
0x350: {  	v2 =	vld.idx.msk [tilespmem:v2+s21+$0x0], $0xffff  }
0x351: {  	s9 =	simm.s32 $0x0;
	s5 =	sshll.u32 s23, $0x7;
	[tilespmem:s0+$0x18030] =	vst v1;
	v7 =	vld.idx.msk [tilespmem:v0+s20+$0x0], $0xffff  }
0x352: {  	s23 =	sor.u32 s9, s5;
	v1 =	vld [tilespmem:s3+$0x4040]  }
0x353: {  	[tilespmem:s23+$0x10000] =	vst v45  }
0x354: {  	[tilespmem:s1+$0x10020] =	vst v4;
	v4 =	vld.idx.msk [tilespmem:v5+s21+$0x0], $0xffff  }
0x355: {  	[tilespmem:s26+$0x18020] =	vst v2;
	v3 =	vld.idx.msk [tilespmem:v3+s21+$0x0], $0xffff  }
0x356: {  	[tilespmem:s25+$0x10040] =	vst v7;
	v7 =	vld.idx.msk [tilespmem:v6+s20+$0x0], $0xffff  }
0x357: {  	v2 =	vld [tilespmem:s8+$0x4030]  }
0x358: {  	v0 =	vld.idx.msk [tilespmem:v0+s21+$0x0], $0xffff  }
0x359: {  	s4 =	sshll.u32 s4, $0x7  }
0x35a: {  	s22 =	sor.u32 s4, s9;
	v8 =	vld.idx.msk [tilespmem:v1+s20+$0x0], $0xffff;
	[tilespmem:s1+$0x18020] =	vst v3  }
0x35b: {  	[tilespmem:s22+$0x10000] =	vst v7;
	v3 =	vld [tilespmem:s7+$0x4030]  }
0x35c: {  	[tilespmem:s23+$0x18000] =	vst v4;
	v5 =	vld.idx.msk [tilespmem:v6+s21+$0x0], $0xffff  }
0x35d: {  	[tilespmem:s25+$0x18040] =	vst v0;
	v6 =	vld [tilespmem:s28+$0x4010]  }
0x35e: {  	v0 =	vld [tilespmem:s2+$0x4050]  }
0x35f: {  	[tilespmem:s0+$0x10040] =	vst v8;
	v4 =	vld.idx.msk [tilespmem:v2+s20+$0x0], $0xffff  }
0x360: {  	v1 =	vld.idx.msk [tilespmem:v1+s21+$0x0], $0xffff;
	_ =	sdelay $0x1  }
0x361: {  	[tilespmem:s22+$0x18000] =	vst v5  }
0x362: {  	v7 =	vld [tilespmem:s24+$0x4010]  }
0x363: {  	[tilespmem:s26+$0x10030] =	vst v4;
	v4 =	vld.idx.msk [tilespmem:v3+s20+$0x0], $0xffff  }
0x364: {  	[tilespmem:s0+$0x18040] =	vst v1;
	v1 =	vld.idx.msk [tilespmem:v2+s21+$0x0], $0xffff  }
0x365: {  	v8 =	vld.idx.msk [tilespmem:v6+s20+$0x0], $0xffff  }
0x366: {  	v5 =	vld.idx.msk [tilespmem:v0+s20+$0x0], $0xffff;
	_ =	sdelay $0x1  }
0x367: {  	v2 =	vld [tilespmem:s3+$0x4050];
	[tilespmem:s1+$0x10030] =	vst v4  }
0x368: {  	[tilespmem:s26+$0x18030] =	vst v1;
	v3 =	vld.idx.msk [tilespmem:v3+s21+$0x0], $0xffff  }
0x369: {  	s10 =	simm.s32 $0x6;
	[tilespmem:s23+$0x10010] =	vst v8;
	v1 =	vld [tilespmem:s8+$0x4040]  }
0x36a: {  	s4 =	sand.u32 $0x6, s10;
	[tilespmem:s25+$0x10050] =	vst v5;
	v5 =	vld.idx.msk [tilespmem:v7+s20+$0x0], $0xffff  }
0x36b: {  	s10 =	sshll.u32 s4, $0xA;
	v4 =	vld.idx.msk [tilespmem:v6+s21+$0x0], $0xffff  }
0x36c: {  	s5 =	sadd.s32 $0x0, s10;
	v0 =	vld.idx.msk [tilespmem:v0+s21+$0x0], $0xffff  }
0x36d: {  	v8 =	vld [tilespmem:s5+$0x4000]  }
0x36e: {  	[tilespmem:s1+$0x18030] =	vst v3  }
0x36f: {  	v6 =	vld.idx.msk [tilespmem:v2+s20+$0x0], $0xffff;
	[tilespmem:s22+$0x10010] =	vst v5  }
0x370: {  	[tilespmem:s23+$0x18010] =	vst v4;
	v4 =	vld [tilespmem:s7+$0x4040]  }
0x371: {  	[tilespmem:s25+$0x18050] =	vst v0;
	v5 =	vld.idx.msk [tilespmem:v7+s21+$0x0], $0xffff  }
0x372: {  	v0 =	vld [tilespmem:s2+$0x4060]  }
0x373: {  	v3 =	vld.idx.msk [tilespmem:v1+s20+$0x0], $0xffff  }
0x374: {  	[tilespmem:s0+$0x10050] =	vst v6;
	v6 =	vld [tilespmem:s28+$0x4020]  }
0x375: {  	s9 =	sor.u32 $0x1, s4;
	v49 =	vld.idx.msk [tilespmem:v8+s20+$0x0], $0xffff  }
0x376: {  	s11 =	sshll.u32 s9, $0xA;
	v2 =	vld.idx.msk [tilespmem:v2+s21+$0x0], $0xffff;
	[tilespmem:s22+$0x18010] =	vst v5  }
0x377: {  	s6 =	sadd.s32 $0x0, s11;
	v7 =	vld [tilespmem:s24+$0x4020]  }
0x378: {  	[tilespmem:s26+$0x10040] =	vst v3;
	v3 =	vld [tilespmem:s6+$0x4000]  }
0x379: {  	s17 =	simm.s32 $0x0;
	s4 =	sshll.u32 s4, $0x7;
	v1 =	vld.idx.msk [tilespmem:v1+s21+$0x0], $0xffff  }
0x37a: {  	s4 =	sor.u32 s4, s17;
	v5 =	vld.idx.msk [tilespmem:v0+s20+$0x0], $0xffff  }
0x37b: {  	[tilespmem:s4+$0x10000] =	vst v49;
	v46 =	vld.idx.msk [tilespmem:v4+s20+$0x0], $0xffff  }
0x37c: {  	[tilespmem:s0+$0x18050] =	vst v2;
	v8 =	vld.idx.msk [tilespmem:v8+s21+$0x0], $0xffff  }
0x37d: {  	v2 =	vld [tilespmem:s3+$0x4060]  }
0x37e: {  	v47 =	vld.idx.msk [tilespmem:v6+s20+$0x0], $0xffff;
	[tilespmem:s26+$0x18040] =	vst v1  }
0x37f: {  	[tilespmem:s25+$0x10060] =	vst v5;
	v1 =	vld [tilespmem:s8+$0x4050]  }
0x380: {  	[tilespmem:s1+$0x10040] =	vst v46;
	v0 =	vld.idx.msk [tilespmem:v0+s21+$0x0], $0xffff  }
0x381: {  	v4 =	vld.idx.msk [tilespmem:v4+s21+$0x0], $0xffff  }
0x382: {  	v5 =	vld.idx.msk [tilespmem:v7+s20+$0x0], $0xffff  }
0x383: {  	[tilespmem:s23+$0x10020] =	vst v47;
	v48 =	vld.idx.msk [tilespmem:v3+s20+$0x0], $0xffff  }
0x384: {  	v6 =	vld.idx.msk [tilespmem:v6+s21+$0x0], $0xffff  }
0x385: {  	v50 =	vld.idx.msk [tilespmem:v2+s20+$0x0], $0xffff;
	[tilespmem:s25+$0x18060] =	vst v0  }
0x386: {  	s30 =	sshll.u32 s9, $0x7;
	[tilespmem:s4+$0x18000] =	vst v8;
	v0 =	vld [tilespmem:s2+$0x4070]  }
0x387: {  	[tilespmem:s22+$0x10020] =	vst v5;
	s2 =	sor.u32 s17, s30;
	v5 =	vld.idx.msk [tilespmem:v1+s20+$0x0], $0xffff  }
0x388: {  	v7 =	vld.idx.msk [tilespmem:v7+s21+$0x0], $0xffff;
	[tilespmem:s2+$0x10000] =	vst v48  }
0x389: {  	[tilespmem:s1+$0x18040] =	vst v4;
	v3 =	vld.idx.msk [tilespmem:v3+s21+$0x0], $0xffff  }
0x38a: {  	v4 =	vld [tilespmem:s7+$0x4050];
	[tilespmem:s0+$0x10060] =	vst v50  }
0x38b: {  	[tilespmem:s23+$0x18020] =	vst v6;
	v2 =	vld.idx.msk [tilespmem:v2+s21+$0x0], $0xffff  }
0x38c: {  	[tilespmem:s26+$0x10050] =	vst v5;
	v5 =	vld [tilespmem:s28+$0x4030]  }
0x38d: {  	[tilespmem:s22+$0x18020] =	vst v7;
	v1 =	vld.idx.msk [tilespmem:v1+s21+$0x0], $0xffff  }
0x38e: {  	[tilespmem:s2+$0x18000] =	vst v3;
	v3 =	vld [tilespmem:s24+$0x4030]  }
0x38f: {  	v7 =	vld [tilespmem:s5+$0x4010];
	_ =	sdelay $0x1  }
0x390: {  	v6 =	vld [tilespmem:s6+$0x4010]  }
0x391: {  	v51 =	vld.idx.msk [tilespmem:v4+s20+$0x0], $0xffff;
	[tilespmem:s26+$0x18050] =	vst v1  }
0x392: {  	v1 =	vld [tilespmem:s8+$0x4060]  }
0x393: {  	[tilespmem:s0+$0x18060] =	vst v2;
	v10 =	vld.idx.msk [tilespmem:v5+s20+$0x0], $0xffff  }
0x394: {  	v2 =	vld [tilespmem:s3+$0x4070]  }
0x395: {  	v52 =	vld.idx.msk [tilespmem:v3+s20+$0x0], $0xffff  }
0x396: {  	[tilespmem:s1+$0x10050] =	vst v51;
	v54 =	vld.idx.msk [tilespmem:v7+s20+$0x0], $0xffff  }
0x397: {  	v4 =	vld.idx.msk [tilespmem:v4+s21+$0x0], $0xffff  }
0x398: {  	v53 =	vld.idx.msk [tilespmem:v6+s20+$0x0], $0xffff;
	[tilespmem:s23+$0x10030] =	vst v10  }
0x399: {  	v5 =	vld.idx.msk [tilespmem:v5+s21+$0x0], $0xffff  }
0x39a: {  	[tilespmem:s22+$0x10030] =	vst v52;
	v55 =	vld.idx.msk [tilespmem:v1+s20+$0x0], $0xffff  }
0x39b: {  	[tilespmem:s4+$0x10010] =	vst v54;
	v3 =	vld.idx.msk [tilespmem:v3+s21+$0x0], $0xffff  }
0x39c: {  	v8 =	vld.idx.msk [tilespmem:v0+s20+$0x0], $0xffff;
	[tilespmem:s1+$0x18050] =	vst v4  }
0x39d: {  	v7 =	vld.idx.msk [tilespmem:v7+s21+$0x0], $0xffff;
	[tilespmem:s2+$0x10010] =	vst v53  }
0x39e: {  	s29 =	simm.s32 $0x8;
	v4 =	vld [tilespmem:s7+$0x4060];
	[tilespmem:s23+$0x18030] =	vst v5  }
0x39f: {  	s3 =	sand.u32 $0x6, s29;
	v6 =	vld.idx.msk [tilespmem:v6+s21+$0x0], $0xffff;
	[tilespmem:s26+$0x10060] =	vst v55  }
0x3a0: {  	s17 =	sshll.u32 s3, $0xA;
	[tilespmem:s22+$0x18030] =	vst v3;
	v3 =	vld [tilespmem:s28+$0x4040]  }
0x3a1: {  	s17 =	sadd.s32 $0x80, s17;
	v1 =	vld.idx.msk [tilespmem:v1+s21+$0x0], $0xffff  }
0x3a2: {  	v56 =	vld [tilespmem:s17+$0x4000];
	[tilespmem:s4+$0x18010] =	vst v7  }
0x3a3: {  	v7 =	vld [tilespmem:s5+$0x4020]  }
0x3a4: {  	[tilespmem:s2+$0x18010] =	vst v6;
	v5 =	vld [tilespmem:s24+$0x4040]  }
0x3a5: {  	s31 =	sor.u32 $0x1, s3;
	v6 =	vld [tilespmem:s6+$0x4020]  }
0x3a6: {  	s11 =	sshll.u32 s31, $0xA;
	[tilespmem:s26+$0x18060] =	vst v1;
	v1 =	vld.idx.msk [tilespmem:v4+s20+$0x0], $0xffff  }
0x3a7: {  	v9 =	vld [tilespmem:s8+$0x4070];
	s8 =	sadd.s32 $0x80, s11  }
0x3a8: {  	[tilespmem:s25+$0x10070] =	vst v8;
	v8 =	vld [tilespmem:s8+$0x4000]  }
0x3a9: {  	v57 =	vld.idx.msk [tilespmem:v3+s20+$0x0], $0xffff  }
0x3aa: {  	v0 =	vld.idx.msk [tilespmem:v0+s21+$0x0], $0xffff  }
0x3ab: {  	v14 =	vld.idx.msk [tilespmem:v56+s20+$0x0], $0xffff  }
0x3ac: {  	v58 =	vld.idx.msk [tilespmem:v5+s20+$0x0], $0xffff;
	[tilespmem:s1+$0x10060] =	vst v1  }
0x3ad: {  	v1 =	vld.idx.msk [tilespmem:v4+s21+$0x0], $0xffff  }
0x3ae: {  	v4 =	vld.idx.msk [tilespmem:v6+s20+$0x0], $0xffff;
	[tilespmem:s23+$0x10040] =	vst v57  }
0x3af: {  	v3 =	vld.idx.msk [tilespmem:v3+s21+$0x0], $0xffff  }
0x3b0: {  	v13 =	vld.idx.msk [tilespmem:v7+s20+$0x0], $0xffff  }
0x3b1: {  	[tilespmem:s22+$0x10040] =	vst v58;
	v59 =	vld.idx.msk [tilespmem:v8+s20+$0x0], $0xffff  }
0x3b2: {  	v5 =	vld.idx.msk [tilespmem:v5+s21+$0x0], $0xffff;
	[tilespmem:s1+$0x18060] =	vst v1  }
0x3b3: {  	[tilespmem:s2+$0x10020] =	vst v4;
	v1 =	vld [tilespmem:s7+$0x4070]  }
0x3b4: {  	s30 =	simm.s32 $0x400;
	s31 =	sshll.u32 s31, $0x7;
	v4 =	vld.idx.msk [tilespmem:v6+s21+$0x0], $0xffff;
	[tilespmem:s23+$0x18040] =	vst v3  }
0x3b5: {  	s3 =	sshll.u32 s3, $0x7;
	[tilespmem:s4+$0x10020] =	vst v13;
	s7 =	sor.u32 s30, s31;
	v3 =	vld [tilespmem:s28+$0x4050]  }
0x3b6: {  	s3 =	sor.u32 s3, s30;
	v6 =	vld.idx.msk [tilespmem:v7+s21+$0x0], $0xffff;
	[tilespmem:s7+$0x10000] =	vst v59  }
0x3b7: {  	[tilespmem:s3+$0x10000] =	vst v14;
	v7 =	vld.idx.msk [tilespmem:v8+s21+$0x0], $0xffff  }
0x3b8: {  	[tilespmem:s22+$0x18040] =	vst v5;
	v8 =	vld.idx.msk [tilespmem:v56+s21+$0x0], $0xffff  }
0x3b9: {  	v60 =	vld [tilespmem:s24+$0x4050];
	[tilespmem:s2+$0x18020] =	vst v4  }
0x3ba: {  	v4 =	vld [tilespmem:s6+$0x4030]  }
0x3bb: {  	[tilespmem:s4+$0x18020] =	vst v6;
	v6 =	vld.idx.msk [tilespmem:v9+s20+$0x0], $0xffff  }
0x3bc: {  	[tilespmem:s7+$0x18000] =	vst v7;
	v7 =	vld [tilespmem:s5+$0x4030]  }
0x3bd: {  	[tilespmem:s3+$0x18000] =	vst v8;
	v8 =	vld.idx.msk [tilespmem:v3+s20+$0x0], $0xffff  }
0x3be: {  	v5 =	vld [tilespmem:s8+$0x4010];
	_ =	sdelay $0x1  }
0x3bf: {  	v61 =	vld [tilespmem:s17+$0x4010];
	[tilespmem:s26+$0x10070] =	vst v6  }
0x3c0: {  	v6 =	vld.idx.msk [tilespmem:v9+s21+$0x0], $0xffff  }
0x3c1: {  	v63 =	vld.idx.msk [tilespmem:v4+s20+$0x0], $0xffff;
	[tilespmem:s23+$0x10050] =	vst v8  }
0x3c2: {  	[tilespmem:s25+$0x18070] =	vst v0;
	v0 =	vld.idx.msk [tilespmem:v3+s21+$0x0], $0xffff  }
0x3c3: {  	v3 =	vld.idx.msk [tilespmem:v60+s20+$0x0], $0xffff  }
0x3c4: {  	v13 =	vld.idx.msk [tilespmem:v7+s20+$0x0], $0xffff  }
0x3c5: {  	[tilespmem:s26+$0x18070] =	vst v6;
	v8 =	vld.idx.msk [tilespmem:v5+s20+$0x0], $0xffff  }
0x3c6: {  	v62 =	vld.idx.msk [tilespmem:v2+s20+$0x0], $0xffff;
	[tilespmem:s2+$0x10030] =	vst v63  }
0x3c7: {  	v6 =	vld.idx.msk [tilespmem:v61+s20+$0x0], $0xffff;
	[tilespmem:s23+$0x18050] =	vst v0  }
0x3c8: {  	v9 =	vld.idx.msk [tilespmem:v4+s21+$0x0], $0xffff;
	[tilespmem:s22+$0x10050] =	vst v3  }
0x3c9: {  	[tilespmem:s4+$0x10030] =	vst v13;
	v3 =	vld [tilespmem:s28+$0x4060]  }
0x3ca: {  	[tilespmem:s7+$0x10010] =	vst v8;
	v8 =	vld.idx.msk [tilespmem:v7+s21+$0x0], $0xffff  }
0x3cb: {  	[tilespmem:s0+$0x10070] =	vst v62;
	v7 =	vld.idx.msk [tilespmem:v5+s21+$0x0], $0xffff  }
0x3cc: {  	v2 =	vld.idx.msk [tilespmem:v2+s21+$0x0], $0xffff  }
0x3cd: {  	v4 =	vld.idx.msk [tilespmem:v60+s21+$0x0], $0xffff;
	[tilespmem:s3+$0x10010] =	vst v6  }
0x3ce: {  	v6 =	vld.idx.msk [tilespmem:v61+s21+$0x0], $0xffff;
	[tilespmem:s2+$0x18030] =	vst v9  }
0x3cf: {  	v0 =	vmov v1;
	v5 =	vld [tilespmem:s6+$0x4040];
	[tilespmem:s4+$0x18030] =	vst v8  }
.LBB2_6:
0x3d0: {  	s29 =	sadd.s32 $0x2, s29;
	[tilespmem:s7+$0x18010] =	vst v7;
	v7 =	vld [tilespmem:s5+$0x4040]  }
0x3d1: {  	s9 =	sand.u32 $0x6, s29;
	v8 =	vld [tilespmem:s8+$0x4020]  }
0x3d2: {  	s10 =	sshrl.u32 s29, $0x3;
	s11 =	sshll.u32 s9, $0xA;
	s26 =	sor.u32 $0x1, s9;
	[tilespmem:s22+$0x18050] =	vst v4;
	v1 =	vld.idx.msk [tilespmem:v1+s20+$0x0], $0xffff  }
0x3d3: {  	s30 =	sshll.u32 s10, $0x7;
	s9 =	sshll.u32 s9, $0x7;
	s31 =	sshll.u32 s26, $0xA;
	[tilespmem:s3+$0x18010] =	vst v6;
	v4 =	vld.idx.msk [tilespmem:v3+s20+$0x0], $0xffff  }
0x3d4: {  	p0 =	slt.u32 s29, $0x3E;
	s25 =	sadd.s32 s30, s11;
	s11 =	sadd.s32 s30, s31;
	v6 =	vld [tilespmem:s17+$0x4020];
	[tilespmem:s0+$0x18070] =	vst v2  }
0x3d5: {  	s0 =	smov.u32 s1;
	s1 =	smov.u32 s22;
	s22 =	smov.u32 s4;
	v2 =	vld [tilespmem:s11+$0x4000]  }
0x3d6: {  	s4 =	smov.u32 s3;
	v9 =	vld [tilespmem:s25+$0x4000]  }
0x3d7: {  	v10 =	vld.idx.msk [tilespmem:v5+s20+$0x0], $0xffff  }
0x3d8: {  	v11 =	vld.idx.msk [tilespmem:v7+s20+$0x0], $0xffff;
	[tilespmem:s0+$0x10070] =	vst v1  }
0x3d9: {  	v1 =	vld.idx.msk [tilespmem:v8+s20+$0x0], $0xffff;
	[tilespmem:s23+$0x10060] =	vst v4  }
0x3da: {  	v3 =	vld.idx.msk [tilespmem:v3+s21+$0x0], $0xffff  }
0x3db: {  	v4 =	vld [tilespmem:s24+$0x4060]  }
0x3dc: {  	v12 =	vld.idx.msk [tilespmem:v6+s20+$0x0], $0xffff  }
0x3dd: {  	v13 =	vld.idx.msk [tilespmem:v2+s20+$0x0], $0xffff;
	[tilespmem:s2+$0x10040] =	vst v10  }
0x3de: {  	[tilespmem:s22+$0x10040] =	vst v11;
	v5 =	vld.idx.msk [tilespmem:v5+s21+$0x0], $0xffff  }
0x3df: {  	v10 =	vld.idx.msk [tilespmem:v9+s20+$0x0], $0xffff;
	[tilespmem:s7+$0x10020] =	vst v1  }
0x3e0: {  	v1 =	vld.idx.msk [tilespmem:v8+s21+$0x0], $0xffff;
	[tilespmem:s23+$0x18060] =	vst v3  }
0x3e1: {  	s10 =	sshll.u32 s10, $0xA;
	s26 =	sshll.u32 s26, $0x7;
	v3 =	vld [tilespmem:s28+$0x4070];
	s28 =	smov.u32 s6  }
0x3e2: {  	s3 =	sor.u32 s9, s10;
	s9 =	sor.u32 s10, s26;
	s6 =	smov.u32 s8;
	[tilespmem:s4+$0x10020] =	vst v12;
	v7 =	vld.idx.msk [tilespmem:v7+s21+$0x0], $0xffff  }
0x3e3: {  	s8 =	smov.u32 s11;
	[tilespmem:s9+$0x10000] =	vst v13;
	v6 =	vld.idx.msk [tilespmem:v6+s21+$0x0], $0xffff  }
0x3e4: {  	v2 =	vld.idx.msk [tilespmem:v2+s21+$0x0], $0xffff;
	[tilespmem:s2+$0x18040] =	vst v5  }
0x3e5: {  	[tilespmem:s3+$0x10000] =	vst v10;
	v5 =	vld [tilespmem:s28+$0x4050]  }
0x3e6: {  	v8 =	vld.idx.msk [tilespmem:v9+s21+$0x0], $0xffff  }
0x3e7: {  	[tilespmem:s7+$0x18020] =	vst v1;
	v1 =	vld.idx.msk [tilespmem:v4+s20+$0x0], $0xffff  }
0x3e8: {  	v9 =	vld [tilespmem:s6+$0x4030];
	[tilespmem:s22+$0x18040] =	vst v7  }
0x3e9: {  	[tilespmem:s4+$0x18020] =	vst v6;
	v6 =	vld.idx.msk [tilespmem:v3+s20+$0x0], $0xffff  }
0x3ea: {  	[tilespmem:s9+$0x18000] =	vst v2;
	v2 =	vld [tilespmem:s17+$0x4030]  }
0x3eb: {  	v7 =	vld [tilespmem:s8+$0x4010]  }
0x3ec: {  	[tilespmem:s3+$0x18000] =	vst v8;
	v8 =	vld [tilespmem:s5+$0x4050]  }
0x3ed: {  	v10 =	vld.idx.msk [tilespmem:v5+s20+$0x0], $0xffff;
	[tilespmem:s1+$0x10060] =	vst v1  }
0x3ee: {  	v11 =	vld [tilespmem:s25+$0x4010]  }
0x3ef: {  	v1 =	vld.idx.msk [tilespmem:v4+s21+$0x0], $0xffff;
	[tilespmem:s23+$0x10070] =	vst v6  }
0x3f0: {  	v3 =	vld.idx.msk [tilespmem:v3+s21+$0x0], $0xffff  }
0x3f1: {  	v4 =	vld.idx.msk [tilespmem:v9+s20+$0x0], $0xffff  }
0x3f2: {  	v6 =	vld.idx.msk [tilespmem:v2+s20+$0x0], $0xffff  }
0x3f3: {  	v12 =	vld.idx.msk [tilespmem:v7+s20+$0x0], $0xffff;
	[tilespmem:s2+$0x10050] =	vst v10  }
0x3f4: {  	v5 =	vld.idx.msk [tilespmem:v5+s21+$0x0], $0xffff  }
0x3f5: {  	v10 =	vld.idx.msk [tilespmem:v8+s20+$0x0], $0xffff;
	[tilespmem:s1+$0x18060] =	vst v1  }
0x3f6: {  	v13 =	vld.idx.msk [tilespmem:v11+s20+$0x0], $0xffff;
	[tilespmem:s23+$0x18070] =	vst v3;
	s23 =	smov.u32 s2;
	s2 =	smov.u32 s7;
	s7 =	smov.u32 s9  }
0x3f7: {  	[tilespmem:s2+$0x10030] =	vst v4;
	v1 =	vld [tilespmem:s24+$0x4070];
	s24 =	smov.u32 s5;
	s5 =	smov.u32 s17;
	s17 =	smov.u32 s25  }
0x3f8: {  	[tilespmem:s4+$0x10030] =	vst v6;
	v9 =	vld.idx.msk [tilespmem:v9+s21+$0x0], $0xffff  }
0x3f9: {  	[tilespmem:s7+$0x10010] =	vst v12;
	v12 =	vld.idx.msk [tilespmem:v2+s21+$0x0], $0xffff  }
0x3fa: {  	v7 =	vld.idx.msk [tilespmem:v7+s21+$0x0], $0xffff;
	[tilespmem:s23+$0x18050] =	vst v5  }
.Ltmp2:
0x3fb: {  	[tilespmem:s22+$0x10050] =	vst v10;
	v3 =	vld [tilespmem:s28+$0x4060];
	(pc) =	sbr.rel @p0 .LBB2_6-.Ltmp2, $4  }
0x3fc: {  	[tilespmem:s3+$0x10010] =	vst v13;
	v4 =	vld.idx.msk [tilespmem:v8+s21+$0x0], $0xffff  }
0x3fd: {  	v6 =	vld.idx.msk [tilespmem:v11+s21+$0x0], $0xffff  }
0x3fe: {  	[tilespmem:s2+$0x18030] =	vst v9;
	v2 =	vld.idx.msk [tilespmem:v0+s21+$0x0], $0xffff;
	v0 =	vmov v1  }
0x3ff: {  	[tilespmem:s4+$0x18030] =	vst v12;
	v5 =	vld [tilespmem:s6+$0x4040]  }
0x400: {  	_ = 	snop  }
0x401: {  	[tilespmem:s7+$0x18010] =	vst v7  }
0x402: {  	v7 =	vld [tilespmem:s8+$0x4020];
	[tilespmem:s3+$0x18010] =	vst v6  }
0x403: {  	v6 =	vld [tilespmem:s17+$0x4020];
	_ =	sdelay $0x6  }
0x404: {  	v8 =	vld.idx.msk [tilespmem:v7+s20+$0x0], $0xffff  }
0x405: {  	v9 =	vld.idx.msk [tilespmem:v6+s20+$0x0], $0xffff;
	_ =	sdelay $0x3  }
0x406: {  	[tilespmem:s7+$0x10020] =	vst v8  }
0x407: {  	v7 =	vld.idx.msk [tilespmem:v7+s21+$0x0], $0xffff;
	[tilespmem:s3+$0x10020] =	vst v9  }
0x408: {  	v6 =	vld.idx.msk [tilespmem:v6+s21+$0x0], $0xffff;
	_ =	sdelay $0x3  }
0x409: {  	[tilespmem:s7+$0x18020] =	vst v7  }
0x40a: {  	v7 =	vld [tilespmem:s8+$0x4030];
	[tilespmem:s3+$0x18020] =	vst v6  }
0x40b: {  	v6 =	vld [tilespmem:s17+$0x4030];
	_ =	sdelay $0x6  }
0x40c: {  	v8 =	vld.idx.msk [tilespmem:v7+s20+$0x0], $0xffff  }
0x40d: {  	v9 =	vld.idx.msk [tilespmem:v6+s20+$0x0], $0xffff;
	_ =	sdelay $0x3  }
0x40e: {  	[tilespmem:s7+$0x10030] =	vst v8  }
0x40f: {  	v7 =	vld.idx.msk [tilespmem:v7+s21+$0x0], $0xffff;
	[tilespmem:s3+$0x10030] =	vst v9  }
0x410: {  	v6 =	vld.idx.msk [tilespmem:v6+s21+$0x0], $0xffff;
	_ =	sdelay $0x3  }
0x411: {  	v8 =	vld [tilespmem:s5+$0x4040];
	[tilespmem:s7+$0x18030] =	vst v7  }
0x412: {  	v7 =	vld [tilespmem:s8+$0x4040];
	[tilespmem:s3+$0x18030] =	vst v6  }
0x413: {  	v6 =	vld [tilespmem:s17+$0x4040];
	_ =	sdelay $0x4  }
0x414: {  	v38 =	vld.idx.msk [tilespmem:v5+s20+$0x0], $0xffff  }
0x415: {  	v11 =	vld.idx.msk [tilespmem:v8+s20+$0x0], $0xffff  }
0x416: {  	v10 =	vld.idx.msk [tilespmem:v7+s20+$0x0], $0xffff  }
0x417: {  	v12 =	vld.idx.msk [tilespmem:v6+s20+$0x0], $0xffff;
	_ =	sdelay $0x1  }
0x418: {  	[tilespmem:s2+$0x10040] =	vst v38  }
0x419: {  	v5 =	vld.idx.msk [tilespmem:v5+s21+$0x0], $0xffff;
	[tilespmem:s4+$0x10040] =	vst v11  }
0x41a: {  	v8 =	vld.idx.msk [tilespmem:v8+s21+$0x0], $0xffff;
	[tilespmem:s7+$0x10040] =	vst v10  }
0x41b: {  	v7 =	vld.idx.msk [tilespmem:v7+s21+$0x0], $0xffff;
	[tilespmem:s3+$0x10040] =	vst v12  }
0x41c: {  	v6 =	vld.idx.msk [tilespmem:v6+s21+$0x0], $0xffff;
	_ =	sdelay $0x1  }
0x41d: {  	[tilespmem:s2+$0x18040] =	vst v5  }
0x41e: {  	v5 =	vld [tilespmem:s6+$0x4050];
	[tilespmem:s4+$0x18040] =	vst v8  }
0x41f: {  	v8 =	vld [tilespmem:s5+$0x4050];
	[tilespmem:s7+$0x18040] =	vst v7  }
0x420: {  	v7 =	vld [tilespmem:s8+$0x4050];
	[tilespmem:s3+$0x18040] =	vst v6  }
0x421: {  	v6 =	vld [tilespmem:s17+$0x4050];
	_ =	sdelay $0x4  }
0x422: {  	v9 =	vld.idx.msk [tilespmem:v5+s20+$0x0], $0xffff  }
0x423: {  	v11 =	vld.idx.msk [tilespmem:v8+s20+$0x0], $0xffff  }
0x424: {  	v10 =	vld.idx.msk [tilespmem:v7+s20+$0x0], $0xffff  }
0x425: {  	v12 =	vld.idx.msk [tilespmem:v6+s20+$0x0], $0xffff  }
0x426: {  	v13 =	vld.idx.msk [tilespmem:v3+s20+$0x0], $0xffff  }
0x427: {  	[tilespmem:s2+$0x10050] =	vst v9  }
0x428: {  	v5 =	vld.idx.msk [tilespmem:v5+s21+$0x0], $0xffff;
	[tilespmem:s4+$0x10050] =	vst v11  }
0x429: {  	v8 =	vld.idx.msk [tilespmem:v8+s21+$0x0], $0xffff;
	[tilespmem:s7+$0x10050] =	vst v10  }
0x42a: {  	v7 =	vld.idx.msk [tilespmem:v7+s21+$0x0], $0xffff;
	[tilespmem:s3+$0x10050] =	vst v12  }
0x42b: {  	[tilespmem:s23+$0x10060] =	vst v13;
	v6 =	vld.idx.msk [tilespmem:v6+s21+$0x0], $0xffff  }
0x42c: {  	[tilespmem:s22+$0x18050] =	vst v4;
	v3 =	vld.idx.msk [tilespmem:v3+s21+$0x0], $0xffff  }
0x42d: {  	[tilespmem:s2+$0x18050] =	vst v5;
	v5 =	vld [tilespmem:s24+$0x4060]  }
0x42e: {  	v4 =	vld [tilespmem:s6+$0x4060];
	[tilespmem:s4+$0x18050] =	vst v8  }
0x42f: {  	v8 =	vld [tilespmem:s5+$0x4060];
	[tilespmem:s7+$0x18050] =	vst v7  }
0x430: {  	v7 =	vld [tilespmem:s8+$0x4060];
	[tilespmem:s3+$0x18050] =	vst v6  }
0x431: {  	v6 =	vld [tilespmem:s17+$0x4060];
	_ =	sdelay $0x1  }
0x432: {  	[tilespmem:s23+$0x18060] =	vst v3  }
0x433: {  	v3 =	vld [tilespmem:s28+$0x4070]  }
0x434: {  	v39 =	vld.idx.msk [tilespmem:v5+s20+$0x0], $0xffff  }
0x435: {  	v9 =	vld.idx.msk [tilespmem:v4+s20+$0x0], $0xffff  }
0x436: {  	v41 =	vld.idx.msk [tilespmem:v8+s20+$0x0], $0xffff  }
0x437: {  	v40 =	vld.idx.msk [tilespmem:v7+s20+$0x0], $0xffff  }
0x438: {  	v42 =	vld.idx.msk [tilespmem:v6+s20+$0x0], $0xffff  }
0x439: {  	[tilespmem:s22+$0x10060] =	vst v39  }
0x43a: {  	[tilespmem:s2+$0x10060] =	vst v9;
	v5 =	vld.idx.msk [tilespmem:v5+s21+$0x0], $0xffff  }
0x43b: {  	v4 =	vld.idx.msk [tilespmem:v4+s21+$0x0], $0xffff;
	[tilespmem:s4+$0x10060] =	vst v41  }
0x43c: {  	v8 =	vld.idx.msk [tilespmem:v8+s21+$0x0], $0xffff;
	[tilespmem:s7+$0x10060] =	vst v40  }
0x43d: {  	v7 =	vld.idx.msk [tilespmem:v7+s21+$0x0], $0xffff;
	[tilespmem:s3+$0x10060] =	vst v42  }
0x43e: {  	v6 =	vld.idx.msk [tilespmem:v6+s21+$0x0], $0xffff  }
0x43f: {  	v43 =	vld.idx.msk [tilespmem:v3+s20+$0x0], $0xffff;
	[tilespmem:s22+$0x18060] =	vst v5  }
0x440: {  	[tilespmem:s2+$0x18060] =	vst v4;
	v5 =	vld [tilespmem:s24+$0x4070]  }
0x441: {  	v4 =	vld [tilespmem:s6+$0x4070];
	[tilespmem:s4+$0x18060] =	vst v8  }
0x442: {  	v8 =	vld [tilespmem:s5+$0x4070];
	[tilespmem:s7+$0x18060] =	vst v7  }
0x443: {  	v7 =	vld [tilespmem:s8+$0x4070];
	[tilespmem:s3+$0x18060] =	vst v6  }
0x444: {  	v6 =	vld [tilespmem:s17+$0x4070]  }
0x445: {  	v1 =	vld.idx.msk [tilespmem:v1+s20+$0x0], $0xffff  }
0x446: {  	[tilespmem:s23+$0x10070] =	vst v43  }
0x447: {  	v3 =	vld.idx.msk [tilespmem:v3+s21+$0x0], $0xffff  }
0x448: {  	v10 =	vld.idx.msk [tilespmem:v5+s20+$0x0], $0xffff  }
0x449: {  	v44 =	vld.idx.msk [tilespmem:v4+s20+$0x0], $0xffff  }
0x44a: {  	[tilespmem:s1+$0x10070] =	vst v1;
	v1 =	vld.idx.msk [tilespmem:v8+s20+$0x0], $0xffff  }
0x44b: {  	[tilespmem:s0+$0x18070] =	vst v2;
	v2 =	vld.idx.msk [tilespmem:v7+s20+$0x0], $0xffff  }
0x44c: {  	[tilespmem:s23+$0x18070] =	vst v3;
	v3 =	vld.idx.msk [tilespmem:v6+s20+$0x0], $0xffff  }
0x44d: {  	v0 =	vld.idx.msk [tilespmem:v0+s21+$0x0], $0xffff;
	[tilespmem:s22+$0x10070] =	vst v10  }
0x44e: {  	[tilespmem:s2+$0x10070] =	vst v44;
	v5 =	vld.idx.msk [tilespmem:v5+s21+$0x0], $0xffff  }
0x44f: {  	v4 =	vld.idx.msk [tilespmem:v4+s21+$0x0], $0xffff;
	[tilespmem:s4+$0x10070] =	vst v1  }
0x450: {  	[tilespmem:s7+$0x10070] =	vst v2;
	v2 =	vld.idx.msk [tilespmem:v8+s21+$0x0], $0xffff  }
0x451: {  	v1 =	vld.idx.msk [tilespmem:v7+s21+$0x0], $0xffff;
	[tilespmem:s3+$0x10070] =	vst v3  }
0x452: {  	[tilespmem:s1+$0x18070] =	vst v0;
	v0 =	vld.idx.msk [tilespmem:v6+s21+$0x0], $0xffff  }
0x453: {  	[tilespmem:s22+$0x18070] =	vst v5  }
0x454: {  	[tilespmem:s2+$0x18070] =	vst v4  }
0x455: {  	[tilespmem:s4+$0x18070] =	vst v2  }
0x456: {  	[tilespmem:s7+$0x18070] =	vst v1  }
0x457: {  	s11 =	simm.s32 $0x10000;
	[tilespmem:s3+$0x18070] =	vst v0  }
0x458: {  	[hbm4b:s13+s18] =	stream.strided.scatter [tilespmem:s11], [sflag:$0x3], $0x400, s19, s18, $0x38;
	[tilespmem:$0x1C000] =	vst v63  }
0x459: {  	s22 =	simm.s32 $0x10400;
	s17 =	sadd.s32 $0x2000, s13  }
0x45a: {  	[hbm4b:s17+s18] =	stream.strided.scatter [tilespmem:s22], [sflag:$0x3], $0x400, s19, s18, $0x38;
	[tilespmem:$0x1C000] =	vst v63  }
0x45b: {  	s23 =	sadd.s32 $0x4000, s13;
	s24 =	simm.s32 $0x10800  }
0x45c: {  	[hbm4b:s23+s18] =	stream.strided.scatter [tilespmem:s24], [sflag:$0x3], $0x400, s19, s18, $0x38;
	[tilespmem:$0x1C000] =	vst v63  }
0x45d: {  	s25 =	sadd.s32 $0x6000, s13;
	s26 =	simm.s32 $0x10C00  }
0x45e: {  	[hbm4b:s25+s18] =	stream.strided.scatter [tilespmem:s26], [sflag:$0x3], $0x400, s19, s18, $0x38;
	[tilespmem:$0x1C000] =	vst v63  }
0x45f: {  	s30 =	sadd.s32 $0x8000, s13;
	s31 =	simm.s32 $0x11000  }
0x460: {  	[hbm4b:s30+s18] =	stream.strided.scatter [tilespmem:s31], [sflag:$0x3], $0x400, s19, s18, $0x38;
	[tilespmem:$0x1C000] =	vst v63  }
0x461: {  	s1 =	sadd.s32 $0xA000, s13;
	s2 =	simm.s32 $0x11400  }
0x462: {  	[hbm4b:s1+s18] =	stream.strided.scatter [tilespmem:s2], [sflag:$0x3], $0x400, s19, s18, $0x38;
	[tilespmem:$0x1C000] =	vst v63  }
0x463: {  	s4 =	simm.s32 $0x11800;
	s3 =	sadd.s32 $0xC000, s13  }
0x464: {  	[hbm4b:s3+s18] =	stream.strided.scatter [tilespmem:s4], [sflag:$0x3], $0x400, s19, s18, $0x38;
	[tilespmem:$0x1C000] =	vst v63  }
0x465: {  	s6 =	simm.s32 $0x11C00;
	s5 =	sadd.s32 $0xE000, s13  }
0x466: {  	[hbm4b:s5+s18] =	stream.strided.scatter [tilespmem:s6], [sflag:$0x3], $0x400, s19, s18, $0x38;
	[tilespmem:$0x1C000] =	vst v63  }
0x467: {  	s7 =	simm.s32 $0x18000  }
0x468: {  	[hbm4b:s14+s18] =	stream.strided.scatter [tilespmem:s7], [sflag:$0x4], $0x400, s19, s18, $0x38;
	[tilespmem:$0x1C000] =	vst v63  }
0x469: {  	s9 =	simm.s32 $0x18400;
	s8 =	sadd.s32 $0x2000, s14  }
0x46a: {  	[hbm4b:s8+s18] =	stream.strided.scatter [tilespmem:s9], [sflag:$0x4], $0x400, s19, s18, $0x38;
	[tilespmem:$0x1C000] =	vst v63  }
0x46b: {  	s10 =	sadd.s32 $0x4000, s14;
	s11 =	simm.s32 $0x18800  }
0x46c: {  	[hbm4b:s10+s18] =	stream.strided.scatter [tilespmem:s11], [sflag:$0x4], $0x400, s19, s18, $0x38;
	[tilespmem:$0x1C000] =	vst v63  }
0x46d: {  	s17 =	sadd.s32 $0x6000, s14;
	s22 =	simm.s32 $0x18C00  }
0x46e: {  	[hbm4b:s17+s18] =	stream.strided.scatter [tilespmem:s22], [sflag:$0x4], $0x400, s19, s18, $0x38;
	[tilespmem:$0x1C000] =	vst v63  }
0x46f: {  	s23 =	sadd.s32 $0x8000, s14;
	s24 =	simm.s32 $0x19000  }
0x470: {  	[hbm4b:s23+s18] =	stream.strided.scatter [tilespmem:s24], [sflag:$0x4], $0x400, s19, s18, $0x38;
	[tilespmem:$0x1C000] =	vst v63  }
0x471: {  	s25 =	sadd.s32 $0xA000, s14;
	s26 =	simm.s32 $0x19400;
	s30 =	sadd.s32 $0xC000, s14  }
0x472: {  	[hbm4b:s25+s18] =	stream.strided.scatter [tilespmem:s26], [sflag:$0x4], $0x400, s19, s18, $0x38;
	[tilespmem:$0x1C000] =	vst v63  }
0x473: {  	s31 =	simm.s32 $0x19800;
	s1 =	sadd.s32 $0xE000, s14;
	s3 =	simm.s32 $0x0  }
0x474: {  	[hbm4b:s30+s18] =	stream.strided.scatter [tilespmem:s31], [sflag:$0x4], $0x400, s19, s18, $0x38;
	[tilespmem:$0x1C000] =	vst v63  }
0x475: {  	s2 =	simm.s32 $0x19C00;
	s4 =	simm.s32 $0x2;
	s0 =	sand.u32 $0x6, s3  }
0x476: {  	[hbm4b:s1+s18] =	stream.strided.scatter [tilespmem:s2], [sflag:$0x4], $0x400, s19, s18, $0x38;
	[tilespmem:$0x1C000] =	vst v63  }
0x477: {  	s5 =	sor.u32 $0x1, s0;
	_ =	swait.ge [sflag:s4], $0x2000  }
0x478: {  	s6 =	sshll.u32 s5, $0xA;
	[sflag:s4] =	ssyncset.done $0x0  }
0x479: {  	s2 =	sadd.s32 $0x0, s6;
	[sflag:s4] =	ssyncadd.s32 $0xFFFFE000  }
0x47a: {  	v0 =	vld [tilespmem:s2+$0x6000]  }
0x47b: {  	s7 =	sshll.u32 s0, $0xA  }
0x47c: {  	s3 =	sadd.s32 $0x0, s7  }
0x47d: {  	v1 =	vld [tilespmem:s3+$0x6000];
	_ =	sdelay $0x4  }
0x47e: {  	v2 =	vld.idx.msk [tilespmem:v0+s20+$0x0], $0xffff;
	_ =	sdelay $0x2  }
0x47f: {  	s8 =	simm.s32 $0x0;
	s1 =	sshll.u32 s5, $0x7;
	v3 =	vld.idx.msk [tilespmem:v1+s20+$0x0], $0xffff  }
0x480: {  	s25 =	sor.u32 s8, s1  }
0x481: {  	[tilespmem:s25+$0x12000] =	vst v2  }
0x482: {  	s0 =	sshll.u32 s0, $0x7;
	v0 =	vld.idx.msk [tilespmem:v0+s21+$0x0], $0xffff  }
0x483: {  	s0 =	sor.u32 s0, s8  }
0x484: {  	[tilespmem:s0+$0x12000] =	vst v3  }
0x485: {  	v1 =	vld.idx.msk [tilespmem:v1+s21+$0x0], $0xffff;
	_ =	sdelay $0x1  }
0x486: {  	[tilespmem:s25+$0x1A000] =	vst v0  }
0x487: {  	v0 =	vld [tilespmem:s2+$0x6010];
	_ =	sdelay $0x1  }
0x488: {  	[tilespmem:s0+$0x1A000] =	vst v1  }
0x489: {  	v1 =	vld [tilespmem:s3+$0x6010];
	_ =	sdelay $0x4  }
0x48a: {  	s9 =	simm.s32 $0x2;
	v2 =	vld.idx.msk [tilespmem:v0+s20+$0x0], $0xffff  }
0x48b: {  	s1 =	sand.u32 $0x6, s9  }
0x48c: {  	s10 =	sor.u32 $0x1, s1  }
0x48d: {  	s11 =	sshll.u32 s10, $0xA;
	v3 =	vld.idx.msk [tilespmem:v1+s20+$0x0], $0xffff  }
0x48e: {  	s8 =	sadd.s32 $0x0, s11  }
0x48f: {  	[tilespmem:s25+$0x12010] =	vst v2;
	v2 =	vld [tilespmem:s8+$0x6000]  }
0x490: {  	v0 =	vld.idx.msk [tilespmem:v0+s21+$0x0], $0xffff;
	_ =	sdelay $0x1  }
0x491: {  	s17 =	sshll.u32 s1, $0xA;
	[tilespmem:s0+$0x12010] =	vst v3  }
0x492: {  	s7 =	sadd.s32 $0x0, s17;
	v1 =	vld.idx.msk [tilespmem:v1+s21+$0x0], $0xffff  }
0x493: {  	v3 =	vld [tilespmem:s7+$0x6000]  }
0x494: {  	[tilespmem:s25+$0x1A010] =	vst v0  }
0x495: {  	v0 =	vld [tilespmem:s2+$0x6020]  }
0x496: {  	v4 =	vld.idx.msk [tilespmem:v2+s20+$0x0], $0xffff  }
0x497: {  	[tilespmem:s0+$0x1A010] =	vst v1  }
0x498: {  	v1 =	vld [tilespmem:s3+$0x6020]  }
0x499: {  	s22 =	simm.s32 $0x0;
	s4 =	sshll.u32 s10, $0x7  }
0x49a: {  	s26 =	sor.u32 s22, s4  }
0x49b: {  	[tilespmem:s26+$0x12000] =	vst v4;
	v4 =	vld.idx.msk [tilespmem:v3+s20+$0x0], $0xffff  }
0x49c: {  	v2 =	vld.idx.msk [tilespmem:v2+s21+$0x0], $0xffff  }
0x49d: {  	v5 =	vld.idx.msk [tilespmem:v0+s20+$0x0], $0xffff  }
0x49e: {  	s1 =	sshll.u32 s1, $0x7  }
0x49f: {  	s1 =	sor.u32 s1, s22  }
0x4a0: {  	v6 =	vld.idx.msk [tilespmem:v1+s20+$0x0], $0xffff;
	[tilespmem:s1+$0x12000] =	vst v4  }
0x4a1: {  	[tilespmem:s26+$0x1A000] =	vst v2;
	v3 =	vld.idx.msk [tilespmem:v3+s21+$0x0], $0xffff  }
0x4a2: {  	[tilespmem:s25+$0x12020] =	vst v5;
	v2 =	vld [tilespmem:s8+$0x6010]  }
0x4a3: {  	v0 =	vld.idx.msk [tilespmem:v0+s21+$0x0], $0xffff;
	_ =	sdelay $0x2  }
0x4a4: {  	[tilespmem:s1+$0x1A000] =	vst v3  }
0x4a5: {  	[tilespmem:s0+$0x12020] =	vst v6;
	v3 =	vld [tilespmem:s7+$0x6010]  }
0x4a6: {  	v1 =	vld.idx.msk [tilespmem:v1+s21+$0x0], $0xffff;
	[tilespmem:s25+$0x1A020] =	vst v0  }
0x4a7: {  	v0 =	vld [tilespmem:s2+$0x6030]  }
0x4a8: {  	v4 =	vld.idx.msk [tilespmem:v2+s20+$0x0], $0xffff;
	_ =	sdelay $0x2  }
0x4a9: {  	[tilespmem:s0+$0x1A020] =	vst v1  }
0x4aa: {  	v1 =	vld [tilespmem:s3+$0x6030]  }
0x4ab: {  	[tilespmem:s26+$0x12010] =	vst v4;
	v4 =	vld.idx.msk [tilespmem:v3+s20+$0x0], $0xffff  }
0x4ac: {  	v2 =	vld.idx.msk [tilespmem:v2+s21+$0x0], $0xffff  }
0x4ad: {  	v5 =	vld.idx.msk [tilespmem:v0+s20+$0x0], $0xffff;
	_ =	sdelay $0x2  }
0x4ae: {  	[tilespmem:s1+$0x12010] =	vst v4  }
0x4af: {  	s23 =	simm.s32 $0x4;
	[tilespmem:s26+$0x1A010] =	vst v2;
	v3 =	vld.idx.msk [tilespmem:v3+s21+$0x0], $0xffff  }
0x4b0: {  	s4 =	sand.u32 $0x6, s23;
	[tilespmem:s25+$0x12030] =	vst v5;
	v2 =	vld [tilespmem:s8+$0x6020]  }
0x4b1: {  	s24 =	sor.u32 $0x1, s4;
	v0 =	vld.idx.msk [tilespmem:v0+s21+$0x0], $0xffff  }
0x4b2: {  	s30 =	sshll.u32 s24, $0xA  }
0x4b3: {  	s28 =	sadd.s32 $0x0, s30;
	v6 =	vld.idx.msk [tilespmem:v1+s20+$0x0], $0xffff  }
0x4b4: {  	v5 =	vld [tilespmem:s28+$0x6000];
	[tilespmem:s1+$0x1A010] =	vst v3  }
0x4b5: {  	v3 =	vld [tilespmem:s7+$0x6020]  }
0x4b6: {  	[tilespmem:s25+$0x1A030] =	vst v0  }
0x4b7: {  	v0 =	vld [tilespmem:s2+$0x6040]  }
0x4b8: {  	v4 =	vld.idx.msk [tilespmem:v2+s20+$0x0], $0xffff  }
0x4b9: {  	s31 =	sshll.u32 s4, $0xA;
	[tilespmem:s0+$0x12030] =	vst v6  }
0x4ba: {  	s23 =	sadd.s32 $0x0, s31;
	v1 =	vld.idx.msk [tilespmem:v1+s21+$0x0], $0xffff  }
0x4bb: {  	v6 =	vld [tilespmem:s23+$0x6000]  }
0x4bc: {  	v45 =	vld.idx.msk [tilespmem:v5+s20+$0x0], $0xffff  }
0x4bd: {  	[tilespmem:s26+$0x12020] =	vst v4;
	v4 =	vld.idx.msk [tilespmem:v3+s20+$0x0], $0xffff  }
0x4be: {  	v2 =	vld.idx.msk [tilespmem:v2+s21+$0x0], $0xffff  }
0x4bf: {  	s9 =	simm.s32 $0x0;
	s5 =	sshll.u32 s24, $0x7;
	[tilespmem:s0+$0x1A030] =	vst v1;
	v7 =	vld.idx.msk [tilespmem:v0+s20+$0x0], $0xffff  }
0x4c0: {  	s24 =	sor.u32 s9, s5;
	v1 =	vld [tilespmem:s3+$0x6040]  }
0x4c1: {  	[tilespmem:s24+$0x12000] =	vst v45  }
0x4c2: {  	[tilespmem:s1+$0x12020] =	vst v4;
	v4 =	vld.idx.msk [tilespmem:v5+s21+$0x0], $0xffff  }
0x4c3: {  	[tilespmem:s26+$0x1A020] =	vst v2;
	v3 =	vld.idx.msk [tilespmem:v3+s21+$0x0], $0xffff  }
0x4c4: {  	[tilespmem:s25+$0x12040] =	vst v7;
	v7 =	vld.idx.msk [tilespmem:v6+s20+$0x0], $0xffff  }
0x4c5: {  	v2 =	vld [tilespmem:s8+$0x6030]  }
0x4c6: {  	v0 =	vld.idx.msk [tilespmem:v0+s21+$0x0], $0xffff  }
0x4c7: {  	s4 =	sshll.u32 s4, $0x7  }
0x4c8: {  	s22 =	sor.u32 s4, s9;
	v8 =	vld.idx.msk [tilespmem:v1+s20+$0x0], $0xffff;
	[tilespmem:s1+$0x1A020] =	vst v3  }
0x4c9: {  	[tilespmem:s22+$0x12000] =	vst v7;
	v3 =	vld [tilespmem:s7+$0x6030]  }
0x4ca: {  	[tilespmem:s24+$0x1A000] =	vst v4;
	v5 =	vld.idx.msk [tilespmem:v6+s21+$0x0], $0xffff  }
0x4cb: {  	[tilespmem:s25+$0x1A040] =	vst v0;
	v6 =	vld [tilespmem:s28+$0x6010]  }
0x4cc: {  	v0 =	vld [tilespmem:s2+$0x6050]  }
0x4cd: {  	[tilespmem:s0+$0x12040] =	vst v8;
	v4 =	vld.idx.msk [tilespmem:v2+s20+$0x0], $0xffff  }
0x4ce: {  	v1 =	vld.idx.msk [tilespmem:v1+s21+$0x0], $0xffff;
	_ =	sdelay $0x1  }
0x4cf: {  	[tilespmem:s22+$0x1A000] =	vst v5  }
0x4d0: {  	v7 =	vld [tilespmem:s23+$0x6010]  }
0x4d1: {  	[tilespmem:s26+$0x12030] =	vst v4;
	v4 =	vld.idx.msk [tilespmem:v3+s20+$0x0], $0xffff  }
0x4d2: {  	[tilespmem:s0+$0x1A040] =	vst v1;
	v1 =	vld.idx.msk [tilespmem:v2+s21+$0x0], $0xffff  }
0x4d3: {  	v8 =	vld.idx.msk [tilespmem:v6+s20+$0x0], $0xffff  }
0x4d4: {  	v5 =	vld.idx.msk [tilespmem:v0+s20+$0x0], $0xffff;
	_ =	sdelay $0x1  }
0x4d5: {  	v2 =	vld [tilespmem:s3+$0x6050];
	[tilespmem:s1+$0x12030] =	vst v4  }
0x4d6: {  	[tilespmem:s26+$0x1A030] =	vst v1;
	v3 =	vld.idx.msk [tilespmem:v3+s21+$0x0], $0xffff  }
0x4d7: {  	s10 =	simm.s32 $0x6;
	[tilespmem:s24+$0x12010] =	vst v8;
	v1 =	vld [tilespmem:s8+$0x6040]  }
0x4d8: {  	s4 =	sand.u32 $0x6, s10;
	[tilespmem:s25+$0x12050] =	vst v5;
	v5 =	vld.idx.msk [tilespmem:v7+s20+$0x0], $0xffff  }
0x4d9: {  	s10 =	sshll.u32 s4, $0xA;
	v4 =	vld.idx.msk [tilespmem:v6+s21+$0x0], $0xffff  }
0x4da: {  	s5 =	sadd.s32 $0x0, s10;
	v0 =	vld.idx.msk [tilespmem:v0+s21+$0x0], $0xffff  }
0x4db: {  	v8 =	vld [tilespmem:s5+$0x6000]  }
0x4dc: {  	[tilespmem:s1+$0x1A030] =	vst v3  }
0x4dd: {  	v6 =	vld.idx.msk [tilespmem:v2+s20+$0x0], $0xffff;
	[tilespmem:s22+$0x12010] =	vst v5  }
0x4de: {  	[tilespmem:s24+$0x1A010] =	vst v4;
	v4 =	vld [tilespmem:s7+$0x6040]  }
0x4df: {  	[tilespmem:s25+$0x1A050] =	vst v0;
	v5 =	vld.idx.msk [tilespmem:v7+s21+$0x0], $0xffff  }
0x4e0: {  	v0 =	vld [tilespmem:s2+$0x6060]  }
0x4e1: {  	v3 =	vld.idx.msk [tilespmem:v1+s20+$0x0], $0xffff  }
0x4e2: {  	[tilespmem:s0+$0x12050] =	vst v6;
	v6 =	vld [tilespmem:s28+$0x6020]  }
0x4e3: {  	s9 =	sor.u32 $0x1, s4;
	v49 =	vld.idx.msk [tilespmem:v8+s20+$0x0], $0xffff  }
0x4e4: {  	s11 =	sshll.u32 s9, $0xA;
	v2 =	vld.idx.msk [tilespmem:v2+s21+$0x0], $0xffff;
	[tilespmem:s22+$0x1A010] =	vst v5  }
0x4e5: {  	s6 =	sadd.s32 $0x0, s11;
	v7 =	vld [tilespmem:s23+$0x6020]  }
0x4e6: {  	s17 =	simm.s32 $0x0;
	s4 =	sshll.u32 s4, $0x7;
	[tilespmem:s26+$0x12040] =	vst v3;
	v3 =	vld [tilespmem:s6+$0x6000]  }
0x4e7: {  	s4 =	sor.u32 s4, s17;
	v46 =	vld.idx.msk [tilespmem:v4+s20+$0x0], $0xffff  }
0x4e8: {  	[tilespmem:s4+$0x12000] =	vst v49;
	v1 =	vld.idx.msk [tilespmem:v1+s21+$0x0], $0xffff  }
0x4e9: {  	v8 =	vld.idx.msk [tilespmem:v8+s21+$0x0], $0xffff  }
0x4ea: {  	[tilespmem:s0+$0x1A050] =	vst v2;
	v5 =	vld.idx.msk [tilespmem:v0+s20+$0x0], $0xffff  }
0x4eb: {  	v2 =	vld [tilespmem:s3+$0x6060]  }
0x4ec: {  	v47 =	vld.idx.msk [tilespmem:v6+s20+$0x0], $0xffff;
	[tilespmem:s1+$0x12040] =	vst v46  }
0x4ed: {  	[tilespmem:s26+$0x1A040] =	vst v1;
	v4 =	vld.idx.msk [tilespmem:v4+s21+$0x0], $0xffff  }
0x4ee: {  	v1 =	vld [tilespmem:s8+$0x6050]  }
0x4ef: {  	[tilespmem:s25+$0x12060] =	vst v5;
	v5 =	vld.idx.msk [tilespmem:v7+s20+$0x0], $0xffff  }
0x4f0: {  	v0 =	vld.idx.msk [tilespmem:v0+s21+$0x0], $0xffff  }
0x4f1: {  	[tilespmem:s24+$0x12020] =	vst v47;
	v48 =	vld.idx.msk [tilespmem:v3+s20+$0x0], $0xffff  }
0x4f2: {  	v6 =	vld.idx.msk [tilespmem:v6+s21+$0x0], $0xffff  }
0x4f3: {  	v50 =	vld.idx.msk [tilespmem:v2+s20+$0x0], $0xffff;
	[tilespmem:s1+$0x1A040] =	vst v4  }
0x4f4: {  	[tilespmem:s22+$0x12020] =	vst v5;
	v4 =	vld [tilespmem:s7+$0x6050]  }
0x4f5: {  	v7 =	vld.idx.msk [tilespmem:v7+s21+$0x0], $0xffff  }
0x4f6: {  	s30 =	sshll.u32 s9, $0x7;
	[tilespmem:s25+$0x1A060] =	vst v0;
	v5 =	vld.idx.msk [tilespmem:v1+s20+$0x0], $0xffff  }
0x4f7: {  	[tilespmem:s4+$0x1A000] =	vst v8;
	v0 =	vld [tilespmem:s2+$0x6070];
	s2 =	sor.u32 s17, s30  }
0x4f8: {  	[tilespmem:s2+$0x12000] =	vst v48  }
0x4f9: {  	[tilespmem:s0+$0x12060] =	vst v50;
	v3 =	vld.idx.msk [tilespmem:v3+s21+$0x0], $0xffff  }
0x4fa: {  	v2 =	vld.idx.msk [tilespmem:v2+s21+$0x0], $0xffff;
	[tilespmem:s22+$0x1A020] =	vst v7  }
0x4fb: {  	v7 =	vld [tilespmem:s5+$0x6010];
	[tilespmem:s26+$0x12050] =	vst v5  }
0x4fc: {  	[tilespmem:s24+$0x1A020] =	vst v6;
	v1 =	vld.idx.msk [tilespmem:v1+s21+$0x0], $0xffff  }
0x4fd: {  	v5 =	vld [tilespmem:s28+$0x6030]  }
0x4fe: {  	[tilespmem:s2+$0x1A000] =	vst v3;
	v3 =	vld [tilespmem:s23+$0x6030]  }
0x4ff: {  	v51 =	vld.idx.msk [tilespmem:v4+s20+$0x0], $0xffff  }
0x500: {  	[tilespmem:s0+$0x1A060] =	vst v2;
	v6 =	vld [tilespmem:s6+$0x6010]  }
0x501: {  	v2 =	vld [tilespmem:s3+$0x6070];
	[tilespmem:s26+$0x1A050] =	vst v1  }
0x502: {  	v1 =	vld [tilespmem:s8+$0x6060]  }
0x503: {  	v54 =	vld.idx.msk [tilespmem:v7+s20+$0x0], $0xffff  }
0x504: {  	v8 =	vld.idx.msk [tilespmem:v0+s20+$0x0], $0xffff  }
0x505: {  	v10 =	vld.idx.msk [tilespmem:v5+s20+$0x0], $0xffff  }
0x506: {  	[tilespmem:s1+$0x12050] =	vst v51;
	v52 =	vld.idx.msk [tilespmem:v3+s20+$0x0], $0xffff  }
0x507: {  	v4 =	vld.idx.msk [tilespmem:v4+s21+$0x0], $0xffff  }
0x508: {  	v53 =	vld.idx.msk [tilespmem:v6+s20+$0x0], $0xffff;
	[tilespmem:s4+$0x12010] =	vst v54  }
0x509: {  	v7 =	vld.idx.msk [tilespmem:v7+s21+$0x0], $0xffff  }
0x50a: {  	s29 =	simm.s32 $0x8;
	[tilespmem:s24+$0x12030] =	vst v10;
	v55 =	vld.idx.msk [tilespmem:v1+s20+$0x0], $0xffff  }
0x50b: {  	s3 =	sand.u32 $0x6, s29;
	[tilespmem:s22+$0x12030] =	vst v52;
	v5 =	vld.idx.msk [tilespmem:v5+s21+$0x0], $0xffff  }
0x50c: {  	s9 =	sor.u32 $0x1, s3;
	[tilespmem:s1+$0x1A050] =	vst v4;
	v3 =	vld.idx.msk [tilespmem:v3+s21+$0x0], $0xffff  }
0x50d: {  	s31 =	sshll.u32 s9, $0xA;
	v4 =	vld [tilespmem:s7+$0x6060];
	[tilespmem:s2+$0x12010] =	vst v53  }
0x50e: {  	s17 =	sadd.s32 $0x80, s31;
	[tilespmem:s25+$0x12070] =	vst v8;
	v6 =	vld.idx.msk [tilespmem:v6+s21+$0x0], $0xffff  }
0x50f: {  	v8 =	vld [tilespmem:s17+$0x6000];
	[tilespmem:s26+$0x12060] =	vst v55  }
0x510: {  	[tilespmem:s24+$0x1A030] =	vst v5;
	v1 =	vld.idx.msk [tilespmem:v1+s21+$0x0], $0xffff  }
0x511: {  	[tilespmem:s22+$0x1A030] =	vst v3;
	v3 =	vld [tilespmem:s28+$0x6040]  }
0x512: {  	v0 =	vld.idx.msk [tilespmem:v0+s21+$0x0], $0xffff;
	[tilespmem:s4+$0x1A010] =	vst v7  }
0x513: {  	v7 =	vld [tilespmem:s5+$0x6020];
	[tilespmem:s2+$0x1A010] =	vst v6  }
0x514: {  	v6 =	vld [tilespmem:s6+$0x6020]  }
0x515: {  	[tilespmem:s26+$0x1A060] =	vst v1;
	v1 =	vld.idx.msk [tilespmem:v4+s20+$0x0], $0xffff  }
0x516: {  	s11 =	sshll.u32 s3, $0xA;
	v5 =	vld [tilespmem:s23+$0x6040]  }
0x517: {  	v9 =	vld [tilespmem:s8+$0x6070];
	s8 =	sadd.s32 $0x80, s11  }
0x518: {  	v56 =	vld [tilespmem:s8+$0x6000]  }
0x519: {  	v57 =	vld.idx.msk [tilespmem:v3+s20+$0x0], $0xffff  }
0x51a: {  	v59 =	vld.idx.msk [tilespmem:v8+s20+$0x0], $0xffff;
	[tilespmem:s1+$0x12060] =	vst v1  }
0x51b: {  	v1 =	vld.idx.msk [tilespmem:v4+s21+$0x0], $0xffff  }
0x51c: {  	v4 =	vld.idx.msk [tilespmem:v6+s20+$0x0], $0xffff  }
0x51d: {  	v13 =	vld.idx.msk [tilespmem:v7+s20+$0x0], $0xffff  }
0x51e: {  	v58 =	vld.idx.msk [tilespmem:v5+s20+$0x0], $0xffff;
	[tilespmem:s24+$0x12040] =	vst v57  }
0x51f: {  	v3 =	vld.idx.msk [tilespmem:v3+s21+$0x0], $0xffff  }
0x520: {  	v14 =	vld.idx.msk [tilespmem:v56+s20+$0x0], $0xffff;
	[tilespmem:s1+$0x1A060] =	vst v1  }
0x521: {  	s30 =	simm.s32 $0x400;
	s31 =	sshll.u32 s9, $0x7;
	[tilespmem:s2+$0x12020] =	vst v4;
	v1 =	vld [tilespmem:s7+$0x6070]  }
0x522: {  	[tilespmem:s4+$0x12020] =	vst v13;
	v4 =	vld.idx.msk [tilespmem:v6+s21+$0x0], $0xffff;
	s7 =	sor.u32 s30, s31  }
0x523: {  	v6 =	vld.idx.msk [tilespmem:v7+s21+$0x0], $0xffff;
	[tilespmem:s7+$0x12000] =	vst v59  }
0x524: {  	s3 =	sshll.u32 s3, $0x7;
	[tilespmem:s24+$0x1A040] =	vst v3;
	v7 =	vld.idx.msk [tilespmem:v8+s21+$0x0], $0xffff  }
0x525: {  	s3 =	sor.u32 s3, s30;
	[tilespmem:s22+$0x12040] =	vst v58;
	v3 =	vld [tilespmem:s28+$0x6050]  }
0x526: {  	v5 =	vld.idx.msk [tilespmem:v5+s21+$0x0], $0xffff;
	[tilespmem:s3+$0x12000] =	vst v14  }
0x527: {  	v8 =	vld.idx.msk [tilespmem:v56+s21+$0x0], $0xffff;
	[tilespmem:s2+$0x1A020] =	vst v4  }
0x528: {  	[tilespmem:s4+$0x1A020] =	vst v6;
	v6 =	vld.idx.msk [tilespmem:v9+s20+$0x0], $0xffff  }
0x529: {  	v4 =	vld [tilespmem:s6+$0x6030]  }
0x52a: {  	[tilespmem:s7+$0x1A000] =	vst v7;
	v7 =	vld [tilespmem:s5+$0x6030]  }
0x52b: {  	[tilespmem:s22+$0x1A040] =	vst v5;
	v5 =	vld [tilespmem:s17+$0x6010]  }
0x52c: {  	v60 =	vld [tilespmem:s23+$0x6050]  }
0x52d: {  	[tilespmem:s3+$0x1A000] =	vst v8;
	v8 =	vld.idx.msk [tilespmem:v3+s20+$0x0], $0xffff  }
0x52e: {  	v61 =	vld [tilespmem:s8+$0x6010]  }
0x52f: {  	v62 =	vld.idx.msk [tilespmem:v2+s20+$0x0], $0xffff;
	[tilespmem:s26+$0x12070] =	vst v6  }
0x530: {  	v6 =	vld.idx.msk [tilespmem:v9+s21+$0x0], $0xffff  }
0x531: {  	v63 =	vld.idx.msk [tilespmem:v4+s20+$0x0], $0xffff  }
0x532: {  	[tilespmem:s25+$0x1A070] =	vst v0;
	v13 =	vld.idx.msk [tilespmem:v7+s20+$0x0], $0xffff  }
0x533: {  	[tilespmem:s24+$0x12050] =	vst v8;
	v8 =	vld.idx.msk [tilespmem:v5+s20+$0x0], $0xffff  }
0x534: {  	[tilespmem:s0+$0x12070] =	vst v62;
	v0 =	vld.idx.msk [tilespmem:v3+s21+$0x0], $0xffff  }
0x535: {  	[tilespmem:s26+$0x1A070] =	vst v6;
	v3 =	vld.idx.msk [tilespmem:v60+s20+$0x0], $0xffff  }
0x536: {  	v6 =	vld.idx.msk [tilespmem:v61+s20+$0x0], $0xffff;
	[tilespmem:s2+$0x12030] =	vst v63  }
0x537: {  	[tilespmem:s4+$0x12030] =	vst v13;
	v9 =	vld.idx.msk [tilespmem:v4+s21+$0x0], $0xffff  }
0x538: {  	[tilespmem:s7+$0x12010] =	vst v8;
	v8 =	vld.idx.msk [tilespmem:v7+s21+$0x0], $0xffff  }
0x539: {  	[tilespmem:s24+$0x1A050] =	vst v0;
	v7 =	vld.idx.msk [tilespmem:v5+s21+$0x0], $0xffff  }
0x53a: {  	[tilespmem:s22+$0x12050] =	vst v3;
	v3 =	vld [tilespmem:s28+$0x6060]  }
0x53b: {  	v2 =	vld.idx.msk [tilespmem:v2+s21+$0x0], $0xffff  }
0x53c: {  	v4 =	vld.idx.msk [tilespmem:v60+s21+$0x0], $0xffff;
	[tilespmem:s3+$0x12010] =	vst v6  }
0x53d: {  	v6 =	vld.idx.msk [tilespmem:v61+s21+$0x0], $0xffff;
	[tilespmem:s2+$0x1A030] =	vst v9  }
0x53e: {  	v0 =	vmov v1;
	[tilespmem:s4+$0x1A030] =	vst v8;
	v5 =	vld [tilespmem:s6+$0x6040]  }
.LBB2_8:
0x53f: {  	s29 =	sadd.s32 $0x2, s29;
	[tilespmem:s7+$0x1A010] =	vst v7;
	v7 =	vld [tilespmem:s5+$0x6040]  }
0x540: {  	s9 =	sand.u32 $0x6, s29;
	v8 =	vld [tilespmem:s17+$0x6020]  }
0x541: {  	s10 =	sshrl.u32 s29, $0x3;
	s11 =	sshll.u32 s9, $0xA;
	s26 =	sor.u32 $0x1, s9;
	[tilespmem:s22+$0x1A050] =	vst v4;
	v1 =	vld.idx.msk [tilespmem:v1+s20+$0x0], $0xffff  }
0x542: {  	s30 =	sshll.u32 s10, $0x7;
	s9 =	sshll.u32 s9, $0x7;
	s31 =	sshll.u32 s26, $0xA;
	[tilespmem:s3+$0x1A010] =	vst v6;
	v4 =	vld.idx.msk [tilespmem:v3+s20+$0x0], $0xffff  }
0x543: {  	p0 =	slt.u32 s29, $0x3E;
	s25 =	sadd.s32 s30, s11;
	s11 =	sadd.s32 s30, s31;
	v6 =	vld [tilespmem:s8+$0x6020];
	[tilespmem:s0+$0x1A070] =	vst v2  }
0x544: {  	s0 =	smov.u32 s1;
	s1 =	smov.u32 s22;
	s22 =	smov.u32 s4;
	v2 =	vld [tilespmem:s11+$0x6000]  }
0x545: {  	s4 =	smov.u32 s3;
	v9 =	vld [tilespmem:s25+$0x6000]  }
0x546: {  	v10 =	vld.idx.msk [tilespmem:v5+s20+$0x0], $0xffff  }
0x547: {  	v11 =	vld.idx.msk [tilespmem:v7+s20+$0x0], $0xffff;
	[tilespmem:s0+$0x12070] =	vst v1  }
0x548: {  	v1 =	vld.idx.msk [tilespmem:v8+s20+$0x0], $0xffff;
	[tilespmem:s24+$0x12060] =	vst v4  }
0x549: {  	v3 =	vld.idx.msk [tilespmem:v3+s21+$0x0], $0xffff  }
0x54a: {  	v4 =	vld [tilespmem:s23+$0x6060]  }
0x54b: {  	v12 =	vld.idx.msk [tilespmem:v6+s20+$0x0], $0xffff  }
0x54c: {  	v13 =	vld.idx.msk [tilespmem:v2+s20+$0x0], $0xffff;
	[tilespmem:s2+$0x12040] =	vst v10  }
0x54d: {  	[tilespmem:s22+$0x12040] =	vst v11;
	v5 =	vld.idx.msk [tilespmem:v5+s21+$0x0], $0xffff  }
0x54e: {  	v10 =	vld.idx.msk [tilespmem:v9+s20+$0x0], $0xffff;
	[tilespmem:s7+$0x12020] =	vst v1  }
0x54f: {  	v1 =	vld.idx.msk [tilespmem:v8+s21+$0x0], $0xffff;
	[tilespmem:s24+$0x1A060] =	vst v3  }
0x550: {  	s10 =	sshll.u32 s10, $0xA;
	s26 =	sshll.u32 s26, $0x7;
	v3 =	vld [tilespmem:s28+$0x6070];
	s28 =	smov.u32 s6  }
0x551: {  	s3 =	sor.u32 s9, s10;
	s9 =	sor.u32 s10, s26;
	s6 =	smov.u32 s17;
	[tilespmem:s4+$0x12020] =	vst v12;
	v7 =	vld.idx.msk [tilespmem:v7+s21+$0x0], $0xffff  }
0x552: {  	s17 =	smov.u32 s11;
	[tilespmem:s9+$0x12000] =	vst v13;
	v6 =	vld.idx.msk [tilespmem:v6+s21+$0x0], $0xffff  }
0x553: {  	v2 =	vld.idx.msk [tilespmem:v2+s21+$0x0], $0xffff;
	[tilespmem:s2+$0x1A040] =	vst v5  }
0x554: {  	[tilespmem:s3+$0x12000] =	vst v10;
	v5 =	vld [tilespmem:s28+$0x6050]  }
0x555: {  	v8 =	vld.idx.msk [tilespmem:v9+s21+$0x0], $0xffff  }
0x556: {  	[tilespmem:s7+$0x1A020] =	vst v1;
	v1 =	vld.idx.msk [tilespmem:v4+s20+$0x0], $0xffff  }
0x557: {  	v9 =	vld [tilespmem:s6+$0x6030];
	[tilespmem:s22+$0x1A040] =	vst v7  }
0x558: {  	[tilespmem:s4+$0x1A020] =	vst v6;
	v6 =	vld.idx.msk [tilespmem:v3+s20+$0x0], $0xffff  }
0x559: {  	[tilespmem:s9+$0x1A000] =	vst v2;
	v2 =	vld [tilespmem:s8+$0x6030]  }
0x55a: {  	v7 =	vld [tilespmem:s17+$0x6010]  }
0x55b: {  	[tilespmem:s3+$0x1A000] =	vst v8;
	v8 =	vld [tilespmem:s5+$0x6050]  }
0x55c: {  	v10 =	vld.idx.msk [tilespmem:v5+s20+$0x0], $0xffff;
	[tilespmem:s1+$0x12060] =	vst v1  }
0x55d: {  	v11 =	vld [tilespmem:s25+$0x6010]  }
0x55e: {  	v1 =	vld.idx.msk [tilespmem:v4+s21+$0x0], $0xffff;
	[tilespmem:s24+$0x12070] =	vst v6  }
0x55f: {  	v3 =	vld.idx.msk [tilespmem:v3+s21+$0x0], $0xffff  }
0x560: {  	v4 =	vld.idx.msk [tilespmem:v9+s20+$0x0], $0xffff  }
0x561: {  	v6 =	vld.idx.msk [tilespmem:v2+s20+$0x0], $0xffff  }
0x562: {  	v12 =	vld.idx.msk [tilespmem:v7+s20+$0x0], $0xffff;
	[tilespmem:s2+$0x12050] =	vst v10  }
0x563: {  	v5 =	vld.idx.msk [tilespmem:v5+s21+$0x0], $0xffff  }
0x564: {  	v10 =	vld.idx.msk [tilespmem:v8+s20+$0x0], $0xffff;
	[tilespmem:s1+$0x1A060] =	vst v1  }
0x565: {  	v13 =	vld.idx.msk [tilespmem:v11+s20+$0x0], $0xffff;
	[tilespmem:s24+$0x1A070] =	vst v3;
	s24 =	smov.u32 s2;
	s2 =	smov.u32 s7;
	s7 =	smov.u32 s9  }
0x566: {  	[tilespmem:s2+$0x12030] =	vst v4;
	v1 =	vld [tilespmem:s23+$0x6070];
	s23 =	smov.u32 s5;
	s5 =	smov.u32 s8;
	s8 =	smov.u32 s25  }
0x567: {  	[tilespmem:s4+$0x12030] =	vst v6;
	v9 =	vld.idx.msk [tilespmem:v9+s21+$0x0], $0xffff  }
0x568: {  	[tilespmem:s7+$0x12010] =	vst v12;
	v12 =	vld.idx.msk [tilespmem:v2+s21+$0x0], $0xffff  }
0x569: {  	v7 =	vld.idx.msk [tilespmem:v7+s21+$0x0], $0xffff;
	[tilespmem:s24+$0x1A050] =	vst v5  }
.Ltmp3:
0x56a: {  	[tilespmem:s22+$0x12050] =	vst v10;
	v3 =	vld [tilespmem:s28+$0x6060];
	(pc) =	sbr.rel @p0 .LBB2_8-.Ltmp3, $4  }
0x56b: {  	[tilespmem:s3+$0x12010] =	vst v13;
	v4 =	vld.idx.msk [tilespmem:v8+s21+$0x0], $0xffff  }
0x56c: {  	v6 =	vld.idx.msk [tilespmem:v11+s21+$0x0], $0xffff  }
0x56d: {  	[tilespmem:s2+$0x1A030] =	vst v9;
	v2 =	vld.idx.msk [tilespmem:v0+s21+$0x0], $0xffff;
	v0 =	vmov v1  }
0x56e: {  	[tilespmem:s4+$0x1A030] =	vst v12;
	v5 =	vld [tilespmem:s6+$0x6040]  }
0x56f: {  	_ = 	snop  }
0x570: {  	[tilespmem:s7+$0x1A010] =	vst v7  }
0x571: {  	v7 =	vld [tilespmem:s17+$0x6020];
	[tilespmem:s3+$0x1A010] =	vst v6  }
0x572: {  	v6 =	vld [tilespmem:s8+$0x6020];
	_ =	sdelay $0x6  }
0x573: {  	v8 =	vld.idx.msk [tilespmem:v7+s20+$0x0], $0xffff  }
0x574: {  	v9 =	vld.idx.msk [tilespmem:v6+s20+$0x0], $0xffff;
	_ =	sdelay $0x3  }
0x575: {  	[tilespmem:s7+$0x12020] =	vst v8  }
0x576: {  	v7 =	vld.idx.msk [tilespmem:v7+s21+$0x0], $0xffff;
	[tilespmem:s3+$0x12020] =	vst v9  }
0x577: {  	v6 =	vld.idx.msk [tilespmem:v6+s21+$0x0], $0xffff;
	_ =	sdelay $0x3  }
0x578: {  	[tilespmem:s7+$0x1A020] =	vst v7  }
0x579: {  	v7 =	vld [tilespmem:s17+$0x6030];
	[tilespmem:s3+$0x1A020] =	vst v6  }
0x57a: {  	v6 =	vld [tilespmem:s8+$0x6030];
	_ =	sdelay $0x6  }
0x57b: {  	v8 =	vld.idx.msk [tilespmem:v7+s20+$0x0], $0xffff  }
0x57c: {  	v9 =	vld.idx.msk [tilespmem:v6+s20+$0x0], $0xffff;
	_ =	sdelay $0x3  }
0x57d: {  	[tilespmem:s7+$0x12030] =	vst v8  }
0x57e: {  	v7 =	vld.idx.msk [tilespmem:v7+s21+$0x0], $0xffff;
	[tilespmem:s3+$0x12030] =	vst v9  }
0x57f: {  	v6 =	vld.idx.msk [tilespmem:v6+s21+$0x0], $0xffff;
	_ =	sdelay $0x2  }
0x580: {  	v42 =	vld [tilespmem:s5+$0x6040]  }
0x581: {  	[tilespmem:s7+$0x1A030] =	vst v7  }
0x582: {  	v7 =	vld [tilespmem:s17+$0x6040];
	[tilespmem:s3+$0x1A030] =	vst v6  }
0x583: {  	v6 =	vld [tilespmem:s8+$0x6040];
	_ =	sdelay $0x4  }
0x584: {  	v11 =	vld.idx.msk [tilespmem:v42+s20+$0x0], $0xffff  }
0x585: {  	v43 =	vld.idx.msk [tilespmem:v5+s20+$0x0], $0xffff  }
0x586: {  	v10 =	vld.idx.msk [tilespmem:v7+s20+$0x0], $0xffff  }
0x587: {  	v44 =	vld.idx.msk [tilespmem:v6+s20+$0x0], $0xffff;
	_ =	sdelay $0x1  }
0x588: {  	[tilespmem:s4+$0x12040] =	vst v11  }
0x589: {  	[tilespmem:s2+$0x12040] =	vst v43;
	v8 =	vld.idx.msk [tilespmem:v42+s21+$0x0], $0xffff  }
0x58a: {  	v45 =	vld.idx.msk [tilespmem:v5+s21+$0x0], $0xffff;
	[tilespmem:s7+$0x12040] =	vst v10  }
0x58b: {  	v7 =	vld.idx.msk [tilespmem:v7+s21+$0x0], $0xffff;
	[tilespmem:s3+$0x12040] =	vst v44  }
0x58c: {  	v46 =	vld.idx.msk [tilespmem:v6+s21+$0x0], $0xffff;
	_ =	sdelay $0x1  }
0x58d: {  	[tilespmem:s4+$0x1A040] =	vst v8  }
0x58e: {  	[tilespmem:s2+$0x1A040] =	vst v45;
	v8 =	vld [tilespmem:s5+$0x6050]  }
0x58f: {  	v47 =	vld [tilespmem:s6+$0x6050];
	[tilespmem:s7+$0x1A040] =	vst v7  }
0x590: {  	v7 =	vld [tilespmem:s17+$0x6050];
	[tilespmem:s3+$0x1A040] =	vst v46  }
0x591: {  	v5 =	vld [tilespmem:s8+$0x6050];
	_ =	sdelay $0x4  }
0x592: {  	v11 =	vld.idx.msk [tilespmem:v8+s20+$0x0], $0xffff  }
0x593: {  	v48 =	vld.idx.msk [tilespmem:v47+s20+$0x0], $0xffff  }
0x594: {  	v10 =	vld.idx.msk [tilespmem:v7+s20+$0x0], $0xffff  }
0x595: {  	v49 =	vld.idx.msk [tilespmem:v5+s20+$0x0], $0xffff;
	_ =	sdelay $0x1  }
0x596: {  	v12 =	vld.idx.msk [tilespmem:v3+s20+$0x0], $0xffff;
	[tilespmem:s4+$0x12050] =	vst v11  }
0x597: {  	[tilespmem:s2+$0x12050] =	vst v48;
	v8 =	vld.idx.msk [tilespmem:v8+s21+$0x0], $0xffff  }
0x598: {  	v6 =	vld.idx.msk [tilespmem:v47+s21+$0x0], $0xffff;
	[tilespmem:s7+$0x12050] =	vst v10  }
0x599: {  	v7 =	vld.idx.msk [tilespmem:v7+s21+$0x0], $0xffff;
	[tilespmem:s3+$0x12050] =	vst v49  }
0x59a: {  	[tilespmem:s22+$0x1A050] =	vst v4;
	v5 =	vld.idx.msk [tilespmem:v5+s21+$0x0], $0xffff  }
0x59b: {  	v4 =	vld [tilespmem:s23+$0x6060];
	[tilespmem:s24+$0x12060] =	vst v12  }
0x59c: {  	v50 =	vld.idx.msk [tilespmem:v3+s21+$0x0], $0xffff;
	[tilespmem:s4+$0x1A050] =	vst v8  }
0x59d: {  	v8 =	vld [tilespmem:s5+$0x6060];
	[tilespmem:s2+$0x1A050] =	vst v6  }
0x59e: {  	v6 =	vld [tilespmem:s6+$0x6060];
	[tilespmem:s7+$0x1A050] =	vst v7  }
0x59f: {  	v7 =	vld [tilespmem:s17+$0x6060];
	[tilespmem:s3+$0x1A050] =	vst v5  }
0x5a0: {  	v5 =	vld [tilespmem:s8+$0x6060];
	_ =	sdelay $0x2  }
0x5a1: {  	v53 =	vld.idx.msk [tilespmem:v4+s20+$0x0], $0xffff;
	[tilespmem:s24+$0x1A060] =	vst v50  }
0x5a2: {  	v52 =	vld [tilespmem:s28+$0x6070]  }
0x5a3: {  	v55 =	vld.idx.msk [tilespmem:v8+s20+$0x0], $0xffff  }
0x5a4: {  	v51 =	vld.idx.msk [tilespmem:v6+s20+$0x0], $0xffff  }
0x5a5: {  	v54 =	vld.idx.msk [tilespmem:v7+s20+$0x0], $0xffff  }
0x5a6: {  	[tilespmem:s22+$0x12060] =	vst v53;
	v56 =	vld.idx.msk [tilespmem:v5+s20+$0x0], $0xffff  }
0x5a7: {  	v4 =	vld.idx.msk [tilespmem:v4+s21+$0x0], $0xffff  }
0x5a8: {  	[tilespmem:s4+$0x12060] =	vst v55  }
0x5a9: {  	v8 =	vld.idx.msk [tilespmem:v8+s21+$0x0], $0xffff;
	[tilespmem:s2+$0x12060] =	vst v51  }
0x5aa: {  	v6 =	vld.idx.msk [tilespmem:v6+s21+$0x0], $0xffff;
	[tilespmem:s7+$0x12060] =	vst v54  }
0x5ab: {  	v7 =	vld.idx.msk [tilespmem:v7+s21+$0x0], $0xffff;
	[tilespmem:s3+$0x12060] =	vst v56  }
0x5ac: {  	[tilespmem:s22+$0x1A060] =	vst v4;
	v3 =	vld.idx.msk [tilespmem:v5+s21+$0x0], $0xffff  }
0x5ad: {  	v4 =	vld [tilespmem:s23+$0x6070]  }
0x5ae: {  	v58 =	vld.idx.msk [tilespmem:v52+s20+$0x0], $0xffff;
	[tilespmem:s4+$0x1A060] =	vst v8  }
0x5af: {  	v8 =	vld [tilespmem:s5+$0x6070];
	[tilespmem:s2+$0x1A060] =	vst v6  }
0x5b0: {  	v57 =	vld [tilespmem:s6+$0x6070];
	[tilespmem:s7+$0x1A060] =	vst v7  }
0x5b1: {  	v7 =	vld [tilespmem:s17+$0x6070];
	[tilespmem:s3+$0x1A060] =	vst v3  }
0x5b2: {  	v3 =	vld [tilespmem:s8+$0x6070];
	_ =	sdelay $0x1  }
0x5b3: {  	v1 =	vld.idx.msk [tilespmem:v1+s20+$0x0], $0xffff  }
0x5b4: {  	[tilespmem:s24+$0x12070] =	vst v58;
	v10 =	vld.idx.msk [tilespmem:v4+s20+$0x0], $0xffff  }
0x5b5: {  	v6 =	vld.idx.msk [tilespmem:v52+s21+$0x0], $0xffff  }
0x5b6: {  	v61 =	vld.idx.msk [tilespmem:v8+s20+$0x0], $0xffff  }
0x5b7: {  	[tilespmem:s0+$0x1A070] =	vst v2;
	v59 =	vld.idx.msk [tilespmem:v57+s20+$0x0], $0xffff  }
0x5b8: {  	[tilespmem:s1+$0x12070] =	vst v1;
	v60 =	vld.idx.msk [tilespmem:v7+s20+$0x0], $0xffff  }
0x5b9: {  	[tilespmem:s22+$0x12070] =	vst v10;
	v62 =	vld.idx.msk [tilespmem:v3+s20+$0x0], $0xffff  }
0x5ba: {  	v0 =	vld.idx.msk [tilespmem:v0+s21+$0x0], $0xffff;
	[tilespmem:s24+$0x1A070] =	vst v6  }
0x5bb: {  	v4 =	vld.idx.msk [tilespmem:v4+s21+$0x0], $0xffff;
	[tilespmem:s4+$0x12070] =	vst v61  }
0x5bc: {  	v6 =	vld.idx.msk [tilespmem:v8+s21+$0x0], $0xffff;
	[tilespmem:s2+$0x12070] =	vst v59  }
0x5bd: {  	v5 =	vld.idx.msk [tilespmem:v57+s21+$0x0], $0xffff;
	[tilespmem:s7+$0x12070] =	vst v60  }
0x5be: {  	v2 =	vld.idx.msk [tilespmem:v7+s21+$0x0], $0xffff;
	[tilespmem:s3+$0x12070] =	vst v62  }
0x5bf: {  	[tilespmem:s1+$0x1A070] =	vst v0;
	v63 =	vld.idx.msk [tilespmem:v3+s21+$0x0], $0xffff  }
0x5c0: {  	[tilespmem:s22+$0x1A070] =	vst v4  }
0x5c1: {  	[tilespmem:s4+$0x1A070] =	vst v6  }
0x5c2: {  	[tilespmem:s2+$0x1A070] =	vst v5  }
0x5c3: {  	[tilespmem:s7+$0x1A070] =	vst v2  }
0x5c4: {  	s9 =	simm.s32 $0x12000;
	[tilespmem:s3+$0x1A070] =	vst v63  }
0x5c5: {  	[hbm4b:s15+s18] =	stream.strided.scatter [tilespmem:s9], [sflag:$0x3], $0x400, s19, s18, $0x38;
	[tilespmem:$0x1C000] =	vst v63  }
0x5c6: {  	s10 =	sadd.s32 $0x2000, s15;
	s11 =	simm.s32 $0x12400  }
0x5c7: {  	[hbm4b:s10+s18] =	stream.strided.scatter [tilespmem:s11], [sflag:$0x3], $0x400, s19, s18, $0x38;
	[tilespmem:$0x1C000] =	vst v63  }
0x5c8: {  	s22 =	simm.s32 $0x12800;
	s17 =	sadd.s32 $0x4000, s15  }
0x5c9: {  	[hbm4b:s17+s18] =	stream.strided.scatter [tilespmem:s22], [sflag:$0x3], $0x400, s19, s18, $0x38;
	[tilespmem:$0x1C000] =	vst v63  }
0x5ca: {  	s23 =	sadd.s32 $0x6000, s15;
	s24 =	simm.s32 $0x12C00  }
0x5cb: {  	[hbm4b:s23+s18] =	stream.strided.scatter [tilespmem:s24], [sflag:$0x3], $0x400, s19, s18, $0x38;
	[tilespmem:$0x1C000] =	vst v63  }
0x5cc: {  	s25 =	sadd.s32 $0x8000, s15;
	s26 =	simm.s32 $0x13000  }
0x5cd: {  	[hbm4b:s25+s18] =	stream.strided.scatter [tilespmem:s26], [sflag:$0x3], $0x400, s19, s18, $0x38;
	[tilespmem:$0x1C000] =	vst v63  }
0x5ce: {  	s29 =	simm.s32 $0x13400;
	s28 =	sadd.s32 $0xA000, s15  }
0x5cf: {  	[hbm4b:s28+s18] =	stream.strided.scatter [tilespmem:s29], [sflag:$0x3], $0x400, s19, s18, $0x38;
	[tilespmem:$0x1C000] =	vst v63  }
0x5d0: {  	s30 =	sadd.s32 $0xC000, s15;
	s31 =	simm.s32 $0x13800  }
0x5d1: {  	[hbm4b:s30+s18] =	stream.strided.scatter [tilespmem:s31], [sflag:$0x3], $0x400, s19, s18, $0x38;
	[tilespmem:$0x1C000] =	vst v63  }
0x5d2: {  	s1 =	sadd.s32 $0xE000, s15;
	s2 =	simm.s32 $0x13C00  }
0x5d3: {  	[hbm4b:s1+s18] =	stream.strided.scatter [tilespmem:s2], [sflag:$0x3], $0x400, s19, s18, $0x38;
	[tilespmem:$0x1C000] =	vst v63  }
0x5d4: {  	s3 =	simm.s32 $0x1A000  }
0x5d5: {  	[hbm4b:s16+s18] =	stream.strided.scatter [tilespmem:s3], [sflag:$0x4], $0x400, s19, s18, $0x38;
	[tilespmem:$0x1C000] =	vst v63  }
0x5d6: {  	s5 =	simm.s32 $0x1A400;
	s4 =	sadd.s32 $0x2000, s16  }
0x5d7: {  	[hbm4b:s4+s18] =	stream.strided.scatter [tilespmem:s5], [sflag:$0x4], $0x400, s19, s18, $0x38;
	[tilespmem:$0x1C000] =	vst v63  }
0x5d8: {  	s6 =	sadd.s32 $0x4000, s16;
	s7 =	simm.s32 $0x1A800  }
0x5d9: {  	[hbm4b:s6+s18] =	stream.strided.scatter [tilespmem:s7], [sflag:$0x4], $0x400, s19, s18, $0x38;
	[tilespmem:$0x1C000] =	vst v63  }
0x5da: {  	s8 =	sadd.s32 $0x6000, s16;
	s9 =	simm.s32 $0x1AC00  }
0x5db: {  	[hbm4b:s8+s18] =	stream.strided.scatter [tilespmem:s9], [sflag:$0x4], $0x400, s19, s18, $0x38;
	[tilespmem:$0x1C000] =	vst v63  }
0x5dc: {  	s10 =	sadd.s32 $0x8000, s16;
	s11 =	simm.s32 $0x1B000  }
0x5dd: {  	[hbm4b:s10+s18] =	stream.strided.scatter [tilespmem:s11], [sflag:$0x4], $0x400, s19, s18, $0x38;
	[tilespmem:$0x1C000] =	vst v63  }
0x5de: {  	s17 =	sadd.s32 $0xA000, s16;
	s22 =	simm.s32 $0x1B400  }
0x5df: {  	[hbm4b:s17+s18] =	stream.strided.scatter [tilespmem:s22], [sflag:$0x4], $0x400, s19, s18, $0x38;
	[tilespmem:$0x1C000] =	vst v63  }
0x5e0: {  	s23 =	sadd.s32 $0xC000, s16;
	s24 =	simm.s32 $0x1B800  }
0x5e1: {  	[hbm4b:s23+s18] =	stream.strided.scatter [tilespmem:s24], [sflag:$0x4], $0x400, s19, s18, $0x38;
	[tilespmem:$0x1C000] =	vst v63  }
0x5e2: {  	s25 =	sadd.s32 $0xE000, s16;
	s26 =	simm.s32 $0x1BC00;
	s28 =	simm.s32 $0x3  }
0x5e3: {  	[hbm4b:s25+s18] =	stream.strided.scatter [tilespmem:s26], [sflag:$0x4], $0x400, s19, s18, $0x38;
	[tilespmem:$0x1C000] =	vst v63  }
0x5e4: {  	_ =	swait.ge [sflag:s28], $0x2000  }
0x5e5: {  	[sflag:s28] =	ssyncset.done $0x0  }
0x5e6: {  	s29 =	simm.s32 $0x4;
	[sflag:s28] =	ssyncadd.s32 $0xFFFFE000  }
0x5e7: {  	_ =	swait.ge [sflag:s29], $0x2000  }
0x5e8: {  	[sflag:s29] =	ssyncset.done $0x0  }
0x5e9: {  	[sflag:s29] =	ssyncadd.s32 $0xFFFFE000  }
0x5ea: {  	_ =	swait.ge [sflag:s28], $0x2000  }
0x5eb: {  	[sflag:s28] =	ssyncset.done $0x0  }
0x5ec: {  	[sflag:s28] =	ssyncadd.s32 $0xFFFFE000  }
0x5ed: {  	_ =	swait.ge [sflag:s29], $0x2000  }
0x5ee: {  	[sflag:s29] =	ssyncset.done $0x0  }
0x5ef: {  	[sflag:s29] =	ssyncadd.s32 $0xFFFFE000  }
0x5f0: {  	_ =	swait.ge [sflag:s28], $0x2000  }
0x5f1: {  	[sflag:s28] =	ssyncset.done $0x0  }
0x5f2: {  	[sflag:s28] =	ssyncadd.s32 $0xFFFFE000  }
0x5f3: {  	_ =	swait.ge [sflag:s29], $0x2000  }
0x5f4: {  	[sflag:s29] =	ssyncset.done $0x0  }
0x5f5: {  	[sflag:s29] =	ssyncadd.s32 $0xFFFFE000  }
0x5f6: {  	_ =	swait.ge [sflag:s28], $0x2000  }
0x5f7: {  	[sflag:s28] =	ssyncset.done $0x0  }
0x5f8: {  	[sflag:s28] =	ssyncadd.s32 $0xFFFFE000  }
0x5f9: {  	_ =	swait.ge [sflag:s29], $0x2000  }
0x5fa: {  	s30 =	rddreg [dreg:$0xd]  }
0x5fb: {  	s31 =	rddreg [dreg:$0xc];
	s2 =	sadd.s32 $0x1, s30  }
0x5fc: {  	p0 =	sne.s32 s2, s31  }
.Ltmp4:
0x5fd: {  	_ = 	snop;
	(pc) =	sbr.rel @p0 .LBB2_1-.Ltmp4, $3  }
0x5fe: {  	_ =	sdelay $0x1  }
0x5ff: {  	[sflag:s29] =	ssyncset.done $0x0  }
0x600: {  	[sflag:s29] =	ssyncadd.s32 $0xFFFFE000  }
0x601: {  	_ =	sfence.sel $0x180000  }
0x602: {  	[bflag:$0x0] =	sbarrier.arrive $0xFFFF  }
0x603: {  	_ =	strace $0x90000047  }
0x604: {  	s0 =	stileid.u32;
	[bflag:$0x2] =	sbarrier.arrive $0xFFFF  }
0x605: {  	p0 =	sne.s32 s0, $0x0;
	s0 =	rddreg [dreg:$0x3]  }
0x606: {  	s0 =	sadd.s32 @!p0 $0x100000, s0  }
0x607: {  	[sflag:s0] =	ssyncadd.tile.s32 @!p0 $0x1;
	_ =	shalt  }
.Lfunc_end2:
_tile_overlayer_lowered:
.L_overlay_start_2:
0x608: {  	(tag) =	ssettag $0x2  }
0x609: {  	s0 =	rddreg [dreg:$0x0];
	s2 =	stileid.u32  }
0x60a: {  	s1 =	rddreg [dreg:$0x1];
	p0 =	sne.s32 s2, $0x0  }
0x60b: {  	s3 =	rddreg [dreg:$0x2];
	[bflag:$0x3] =	sbarrier.arrive $0xFFFF;
	s2 =	simm.s32 @!p0 $0x1C05  }
0x60c: {  	[timem:s3], [sflag:s2] =	dma.local @!p0 [hbm:s0], s1  }
0x60d: {  	s0 =	simm.s32 @!p0 $0x5  }
0x60e: {  	_ =	swait.ge @!p0 [sflag:s0], s1  }
0x60f: {  	s1 =	ssub.s32 @!p0 $0x0, s1;
	[sflag:s0] =	ssyncset.done @!p0 $0x0  }
0x610: {  	[sflag:s0] =	ssyncadd.s32 @!p0 s1  }
0x611: {  	[bflag:$0x3] =	sbarrier.arrive $0xFFFF  }
0x612: {  	_ =	shalt  }

</sc_bundles>
